<compile_context>
chip_gen: v7x
topology: tpu7x:2x2x1
jax: 0.10.2.dev20260603
libtpu: 0.0.44.dev20260713+nightly
codegen_flags: <defaults>
</compile_context>

<pallas_src>
import functools

import jax
import jax.numpy as jnp
from jax import lax
from jax.experimental import pallas as pl
from jax.experimental.pallas import tpu as pltpu
from jax.experimental.pallas import tpu_sc as plsc

_CHUNK = 128
_NW = 32


def _worker_id():
    return lax.axis_index("c") * 16 + lax.axis_index("s")


def _row_split(n):
    rpt = ((n + 15) // 16 + 7) // 8 * 8
    last = n - 15 * rpt
    return rpt, last


def _tile_copy(s, n, src_fn, dst_fn):
    rpt, last = _row_split(n)
    row0 = pl.multiple_of(s * rpt, 8)

    @pl.when(s < 15)
    def _():
        pltpu.sync_copy(src_fn(row0, rpt), dst_fn(row0, rpt))

    @pl.when(s == 15)
    def _():
        pltpu.sync_copy(src_fn(15 * rpt, last), dst_fn(15 * rpt, last))


def _mesh():
    return plsc.VectorSubcoreMesh(core_axis_name="c", subcore_axis_name="s",
                                  num_cores=2, num_subcores=16)


@functools.lru_cache(maxsize=None)
def _make_degree(n, e):
    nchunks = e // _CHUNK
    base = nchunks // _NW
    extra = nchunks - base * _NW

    @functools.partial(
        pl.kernel,
        out_type=jax.ShapeDtypeStruct((2, n), jnp.float32),
        mesh=_mesh(),
        scratch_types=[
            pltpu.VMEM((base, _CHUNK), jnp.int32),
            pltpu.VMEM((_CHUNK,), jnp.int32),
            pltpu.VMEM((_CHUNK,), jnp.float32),
            pltpu.VMEM_SHARED((n,), jnp.float32),
        ],
        compiler_params=pltpu.CompilerParams(use_tc_tiling_on_sc=False),
    )
    def degree(edge3_hbm, zeros_hbm, out_hbm, didx, xidx, ones_v, deg_sh):
        c = lax.axis_index("c")
        s = lax.axis_index("s")
        wid = _worker_id()
        c0 = wid * base
        pltpu.sync_copy(edge3_hbm.at[1, pl.ds(c0, base), :], didx)
        _tile_copy(s, n,
                   lambda r0, m: zeros_hbm.at[pl.ds(r0, m)],
                   lambda r0, m: deg_sh.at[pl.ds(r0, m)])
        for i in range(_CHUNK // 16):
            ones_v[pl.ds(i * 16, 16)] = jnp.ones((16,), jnp.float32)
        plsc.subcore_barrier()

        def body(j, carry):
            pltpu.sync_copy(ones_v, deg_sh.at[didx.at[j]], add=True)
            return carry

        lax.fori_loop(0, base, body, 0)

        @pl.when(wid < extra)
        def _():
            pltpu.sync_copy(
                edge3_hbm.at[1, pl.ds(base * _NW + wid, 1), :].at[0], xidx)
            pltpu.sync_copy(ones_v, deg_sh.at[xidx], add=True)

        plsc.subcore_barrier()
        _tile_copy(s, n,
                   lambda r0, m: deg_sh.at[pl.ds(r0, m)],
                   lambda r0, m: out_hbm.at[c, pl.ds(r0, m)])

    return degree


@functools.lru_cache(maxsize=None)
def _make_agg(n, e, f):
    nchunks = e // _CHUNK
    base = nchunks // _NW
    extra = nchunks - base * _NW

    nbuf = 12
    ngroups = -(-base // nbuf)

    @functools.partial(
        pl.kernel,
        out_type=jax.ShapeDtypeStruct((2, n, f), jnp.float32),
        mesh=_mesh(),
        scratch_types=[
            pltpu.VMEM((base, _CHUNK), jnp.int32),
            pltpu.VMEM((base, _CHUNK), jnp.int32),
            pltpu.VMEM((_CHUNK,), jnp.int32),
            pltpu.VMEM((_CHUNK,), jnp.int32),
            [pltpu.VMEM((_CHUNK, f), jnp.float32)] * nbuf,
            [pltpu.SemaphoreType.DMA] * nbuf,
            [pltpu.SemaphoreType.DMA] * nbuf,
            pltpu.VMEM_SHARED((n, f), jnp.float32),
        ],
        compiler_params=pltpu.CompilerParams(use_tc_tiling_on_sc=False),
    )
    def agg(hs_hbm, edge3_hbm, out_hbm,
            sidx, didx, xsidx, xdidx, rows, gsem, ssem, s_sh):
        c = lax.axis_index("c")
        s = lax.axis_index("s")
        wid = _worker_id()
        c0 = wid * base
        pltpu.sync_copy(edge3_hbm.at[0, pl.ds(c0, base), :], sidx)
        pltpu.sync_copy(edge3_hbm.at[1, pl.ds(c0, base), :], didx)
        _tile_copy(s, n,
                   lambda r0, m: hs_hbm.at[pl.ds(r0, m), :],
                   lambda r0, m: s_sh.at[pl.ds(r0, m), :])
        plsc.subcore_barrier()

        @pl.when(wid < extra)
        def _():
            xc = base * _NW + wid
            pltpu.sync_copy(edge3_hbm.at[0, pl.ds(xc, 1), :].at[0], xsidx)
            pltpu.sync_copy(edge3_hbm.at[1, pl.ds(xc, 1), :].at[0], xdidx)
            pltpu.async_copy(hs_hbm.at[xsidx], rows[0], gsem[0]).wait()
            pltpu.sync_copy(rows[0], s_sh.at[xdidx], add=True)

        for k in range(nbuf):
            pltpu.async_copy(hs_hbm.at[sidx.at[k]], rows[k], gsem[k])

        def body(i, carry):
            j0 = i * nbuf
            for k in range(nbuf):
                jk = j0 + k

                @pl.when(jk < base)
                def _(k=k, jk=jk):
                    pltpu.make_async_copy(
                        hs_hbm.at[sidx.at[jk]], rows[k], gsem[k]).wait()
                    pltpu.async_copy(
                        rows[k], s_sh.at[didx.at[jk]], ssem[k], add=True)

            for k in range(nbuf):
                jk = j0 + k
                jn = jk + nbuf

                @pl.when(jk < base)
                def _(k=k, jk=jk):
                    pltpu.make_async_copy(
                        rows[k], s_sh.at[didx.at[jk]], ssem[k]).wait()

                @pl.when(jn < base)
                def _(k=k, jn=jn):
                    pltpu.async_copy(hs_hbm.at[sidx.at[jn]], rows[k], gsem[k])

            return carry

        lax.fori_loop(0, ngroups, body, 0)

        plsc.subcore_barrier()
        _tile_copy(s, n,
                   lambda r0, m: s_sh.at[pl.ds(r0, m), :],
                   lambda r0, m: out_hbm.at[c, pl.ds(r0, m), :])

    return agg


def _dinv_col(degp_blk):
    ones2 = jnp.ones((2, 1), jnp.float32)
    deg = lax.dot_general(degp_blk, ones2, (((0,), (0,)), ((), ())),
                          preferred_element_type=jnp.float32) + 1.0
    return lax.rsqrt(deg)


def _prep1_body(x_ref, w1_ref, degp_ref, hs_ref):
    dinv = _dinv_col(degp_ref[0])
    h = jnp.dot(x_ref[...], w1_ref[...], preferred_element_type=jnp.float32)
    hs_ref[...] = h * dinv


def _mid_body(s1_ref, hs1_ref, degp_ref, b1_ref, w2_ref, hs2_ref):
    dinv = _dinv_col(degp_ref[0])
    agg = s1_ref[0] + s1_ref[1] - hs1_ref[...]
    h = jnp.maximum(agg * dinv + b1_ref[...], 0.0)
    hs2_ref[...] = jnp.dot(h, w2_ref[...],
                           preferred_element_type=jnp.float32) * dinv


def _final_body(s2_ref, hs2_ref, degp_ref, b2_ref, out_ref):
    dinv = _dinv_col(degp_ref[0])
    o = (s2_ref[0] + s2_ref[1] - hs2_ref[...]) * dinv + b2_ref[...]
    m = jnp.max(o, axis=1, keepdims=True)
    z = o - m
    out_ref[...] = z - jnp.log(jnp.sum(jnp.exp(z), axis=1, keepdims=True))


def kernel(x, edge_index, W1, b1, W2, b2):
    n, d = x.shape
    h_dim = W1.shape[1]
    c_dim = W2.shape[1]
    e = edge_index.shape[1]
    edge3 = edge_index.reshape(2, e // _CHUNK, _CHUNK)
    f32 = jnp.float32

    zeros_n = jnp.zeros((n,), f32)
    bm = 2000
    grid = (n // bm,)
    degp = _make_degree(n, e)(edge3, zeros_n)
    degp = degp.reshape(2, n // bm, bm).swapaxes(0, 1)

    hs1 = pl.pallas_call(
        _prep1_body,
        grid=grid,
        in_specs=[
            pl.BlockSpec((bm, d), lambda i: (i, 0)),
            pl.BlockSpec((d, h_dim), lambda i: (0, 0)),
            pl.BlockSpec((1, 2, bm), lambda i: (i, 0, 0)),
        ],
        out_specs=pl.BlockSpec((bm, h_dim), lambda i: (i, 0)),
        out_shape=jax.ShapeDtypeStruct((n, h_dim), f32),
    )(x, W1, degp)

    s1 = _make_agg(n, e, h_dim)(hs1, edge3)

    hs2 = pl.pallas_call(
        _mid_body,
        grid=grid,
        in_specs=[
            pl.BlockSpec((2, bm, h_dim), lambda i: (0, i, 0)),
            pl.BlockSpec((bm, h_dim), lambda i: (i, 0)),
            pl.BlockSpec((1, 2, bm), lambda i: (i, 0, 0)),
            pl.BlockSpec((1, h_dim), lambda i: (0, 0)),
            pl.BlockSpec((h_dim, c_dim), lambda i: (0, 0)),
        ],
        out_specs=pl.BlockSpec((bm, c_dim), lambda i: (i, 0)),
        out_shape=jax.ShapeDtypeStruct((n, c_dim), f32),
    )(s1, hs1, degp, b1.reshape(1, h_dim), W2)

    s2 = _make_agg(n, e, c_dim)(hs2, edge3)

    out = pl.pallas_call(
        _final_body,
        grid=grid,
        in_specs=[
            pl.BlockSpec((2, bm, c_dim), lambda i: (0, i, 0)),
            pl.BlockSpec((bm, c_dim), lambda i: (i, 0)),
            pl.BlockSpec((1, 2, bm), lambda i: (i, 0, 0)),
            pl.BlockSpec((1, c_dim), lambda i: (0, 0)),
        ],
        out_specs=pl.BlockSpec((bm, c_dim), lambda i: (i, 0)),
        out_shape=jax.ShapeDtypeStruct((n, c_dim), f32),
    )(s2, hs2, degp, b2.reshape(1, c_dim))

    return out

# --- scband reference (transcript-rebuilt; emitter-appended) ---
"""Pipeline reference for scband-gcnnet-40175124087119 (READ-ONLY COPY).

The authoritative reference and input builder live on the scoring server;
editing this copy changes nothing except your own understanding.
"""

import jax, jax.numpy as jnp
import numpy as np

N = 10000
E = 320000
D = 128
H = 32
C = 40


def setup_inputs(seed: int = 0) -> dict:
    key = jax.random.key(seed)
    k1, k2, k3, k4 = jax.random.split(key, 4)
    x = jax.random.normal(k1, (N, D), dtype=jnp.float32)
    edge_index = jax.random.randint(k2, (2, E), 0, N, dtype=jnp.int32)
    W1 = jax.random.normal(k3, (D, H), dtype=jnp.float32) * 0.05
    b1 = jnp.zeros((H,), dtype=jnp.float32)
    W2 = jax.random.normal(k4, (H, C), dtype=jnp.float32) * 0.05
    b2 = jnp.zeros((C,), dtype=jnp.float32)
    return {"x": x, "edge_index": edge_index, "W1": W1, "b1": b1, "W2": W2, "b2": b2}


def gcn_conv(x, edge_index, W, b):
    # Faithful PyG GCNConv: add self-loops, symmetric degree normalization,
    # linear transform, scatter-add aggregation, bias.
    n = x.shape[0]
    loop = jnp.arange(n, dtype=edge_index.dtype)
    src = jnp.concatenate([edge_index[0], loop])
    dst = jnp.concatenate([edge_index[1], loop])
    h = x @ W
    ones = jnp.ones(src.shape[0], dtype=x.dtype)
    deg = jnp.zeros((n,), dtype=x.dtype).at[dst].add(ones)
    dinv = jnp.where(deg > 0, jax.lax.rsqrt(jnp.maximum(deg, 1e-12)), 0.0)
    norm = dinv[src] * dinv[dst]
    msg = h[src] * norm[:, None]
    out = jnp.zeros((n, h.shape[1]), dtype=x.dtype).at[dst].add(msg)
    return out + b


def reference(x, edge_index, W1, b1, W2, b2):
    h = jax.nn.relu(gcn_conv(x, edge_index, W1, b1))
    # dropout is identity in eval mode (training=False)
    o = gcn_conv(h, edge_index, W2, b2)
    return jax.nn.log_softmax(o, axis=1)

if __name__ == "__main__":
    import jax
    _d = setup_inputs()
    print(jax.jit(kernel)(*tuple(_d.values())))

</pallas_src>

<mosaic_0001>
#map = affine_map<(d0, d1) -> (0, 0, 0)>
#map1 = affine_map<(d0, d1) -> (0)>
#map2 = affine_map<(d0, d1) -> (0, 0)>
module attributes {stable_mosaic.version = 14 : i64} {
  func.func @degree(%arg0: i32, %arg1: i32, %arg2: memref<2x2500x128xi32, #tpu.memory_space<hbm>>, %arg3: memref<10000xf32, #tpu.memory_space<hbm>>, %arg4: memref<2x10000xf32, #tpu.memory_space<hbm>>, %arg5: memref<78x128xi32, #tpu.memory_space<vmem>>, %arg6: memref<128xi32, #tpu.memory_space<vmem>>, %arg7: memref<128xf32, #tpu.memory_space<vmem>>, %arg8: memref<10000xf32, #tpu.memory_space<vmem_shared>>) attributes {dimension_semantics = [#tpu.dimension_semantics<core_parallel>, #tpu.dimension_semantics<subcore_parallel>], iteration_bounds = array<i64: 2, 16>, scalar_prefetch = 0 : i64, scratch_operands = 4 : i64, tpu.core_type = #tpu.core_type<sc_vector_subcore>, window_params = [{transform_indices = #map}, {transform_indices = #map1}, {transform_indices = #map2}]} {
    %mul3A = arith.constant 16 : i32
    %mul3A_0 = arith.muli %arg0, %mul3A : i32
    %add3A = arith.addi %mul3A_0, %arg1 : i32
    %mul3A_1 = arith.constant 78 : i32
    %mul3A_2 = arith.muli %add3A, %mul3A_1 : i32
    %run_scoped3A = arith.constant 1 : i32
    "tpu.region"() ({
      %run_scoped3A_81 = tpu.sem_alloc : memref<!tpu.dma_semaphore, #tpu.memory_space<semaphore_mem>>
      %dma_start3A = arith.constant 0 : i32
      %dma_start3A_82 = tpu.memref_slice %arg2[%run_scoped3A, %mul3A_2, %dma_start3A] : memref<2x2500x128xi32, #tpu.memory_space<hbm>> -> memref<1x78x128xi32, #tpu.memory_space<hbm>>
      %dma_start3A_83 = tpu.memref_squeeze %dma_start3A_82 : memref<1x78x128xi32, #tpu.memory_space<hbm>> -> memref<78x128xi32, #tpu.memory_space<hbm>>
      %dma_start3A_84 = arith.constant 0 : i32
      %dma_start3A_85 = tpu.memref_slice %arg2[%run_scoped3A, %mul3A_2, %dma_start3A_84] : memref<2x2500x128xi32, #tpu.memory_space<hbm>> -> memref<1x78x128xi32, #tpu.memory_space<hbm>>
      %dma_start3A_86 = tpu.memref_squeeze %dma_start3A_85 : memref<1x78x128xi32, #tpu.memory_space<hbm>> -> memref<78x128xi32, #tpu.memory_space<hbm>>
      tpu.enqueue_dma source(%dma_start3A_86 : memref<78x128xi32, #tpu.memory_space<hbm>>) target(%arg5 : memref<78x128xi32, #tpu.memory_space<vmem>>) target_semaphore(%run_scoped3A_81 : memref<!tpu.dma_semaphore, #tpu.memory_space<semaphore_mem>>)
      %dma_wait3A = arith.constant 0 : i32
      %dma_wait3A_87 = tpu.memref_slice %arg2[%run_scoped3A, %mul3A_2, %dma_wait3A] : memref<2x2500x128xi32, #tpu.memory_space<hbm>> -> memref<1x78x128xi32, #tpu.memory_space<hbm>>
      %dma_wait3A_88 = tpu.memref_squeeze %dma_wait3A_87 : memref<1x78x128xi32, #tpu.memory_space<hbm>> -> memref<78x128xi32, #tpu.memory_space<hbm>>
      %dma_wait3A_89 = arith.constant 0 : i32
      %dma_wait3A_90 = tpu.memref_slice %arg2[%run_scoped3A, %mul3A_2, %dma_wait3A_89] : memref<2x2500x128xi32, #tpu.memory_space<hbm>> -> memref<1x78x128xi32, #tpu.memory_space<hbm>>
      %dma_wait3A_91 = tpu.memref_squeeze %dma_wait3A_90 : memref<1x78x128xi32, #tpu.memory_space<hbm>> -> memref<78x128xi32, #tpu.memory_space<hbm>>
      tpu.wait_dma2 semaphore(%run_scoped3A_81 : memref<!tpu.dma_semaphore, #tpu.memory_space<semaphore_mem>>) src(%dma_wait3A_91 : memref<78x128xi32, #tpu.memory_space<hbm>>) dst(%arg5 : memref<78x128xi32, #tpu.memory_space<vmem>>)
      tpu.yield
    }) : () -> ()
    %mul3A_3 = arith.constant 632 : i32
    %mul3A_4 = arith.muli %arg1, %mul3A_3 : i32
    %multiple_of3A = tpu.assume_multiple %mul3A_4, 8 : i32
    %lt3A = arith.constant 15 : i32
    %lt3A_5 = arith.cmpi slt, %arg1, %lt3A : i32
    %convert_element_type3A = arith.extui %lt3A_5 : i1 to i32
    %cond3A = arith.constant 0 : i32
    %cond3A_6 = arith.cmpi ne, %convert_element_type3A, %cond3A : i32
    scf.if %cond3A_6 {
      "tpu.region"() ({
        %run_scoped3A_81 = tpu.sem_alloc : memref<!tpu.dma_semaphore, #tpu.memory_space<semaphore_mem>>
        %dma_start3A = tpu.memref_slice %arg8[%multiple_of3A] : memref<10000xf32, #tpu.memory_space<vmem_shared>> -> memref<632xf32, #tpu.memory_space<vmem_shared>>
        %dma_start3A_82 = tpu.memref_slice %arg3[%multiple_of3A] : memref<10000xf32, #tpu.memory_space<hbm>> -> memref<632xf32, #tpu.memory_space<hbm>>
        tpu.enqueue_dma source(%dma_start3A_82 : memref<632xf32, #tpu.memory_space<hbm>>) target(%dma_start3A : memref<632xf32, #tpu.memory_space<vmem_shared>>) target_semaphore(%run_scoped3A_81 : memref<!tpu.dma_semaphore, #tpu.memory_space<semaphore_mem>>)
        %dma_wait3A = tpu.memref_slice %arg8[%multiple_of3A] : memref<10000xf32, #tpu.memory_space<vmem_shared>> -> memref<632xf32, #tpu.memory_space<vmem_shared>>
        %dma_wait3A_83 = tpu.memref_slice %arg3[%multiple_of3A] : memref<10000xf32, #tpu.memory_space<hbm>> -> memref<632xf32, #tpu.memory_space<hbm>>
        tpu.wait_dma2 semaphore(%run_scoped3A_81 : memref<!tpu.dma_semaphore, #tpu.memory_space<semaphore_mem>>) src(%dma_wait3A_83 : memref<632xf32, #tpu.memory_space<hbm>>) dst(%dma_wait3A : memref<632xf32, #tpu.memory_space<vmem_shared>>)
        tpu.yield
      }) : () -> ()
    } else {
    }
    %eq3A = arith.constant 15 : i32
    %eq3A_7 = arith.cmpi eq, %arg1, %eq3A : i32
    %convert_element_type3A_8 = arith.extui %eq3A_7 : i1 to i32
    %cond3A_9 = arith.constant 0 : i32
    %cond3A_10 = arith.cmpi ne, %convert_element_type3A_8, %cond3A_9 : i32
    scf.if %cond3A_10 {
      "tpu.region"() ({
        %run_scoped3A_81 = tpu.sem_alloc : memref<!tpu.dma_semaphore, #tpu.memory_space<semaphore_mem>>
        %dma_start3A = arith.constant 9480 : i32
        %dma_start3A_82 = tpu.memref_slice %arg8[%dma_start3A] : memref<10000xf32, #tpu.memory_space<vmem_shared>> -> memref<520xf32, #tpu.memory_space<vmem_shared>>
        %dma_start3A_83 = arith.constant 9480 : i32
        %dma_start3A_84 = tpu.memref_slice %arg3[%dma_start3A_83] : memref<10000xf32, #tpu.memory_space<hbm>> -> memref<520xf32, #tpu.memory_space<hbm>>
        tpu.enqueue_dma source(%dma_start3A_84 : memref<520xf32, #tpu.memory_space<hbm>>) target(%dma_start3A_82 : memref<520xf32, #tpu.memory_space<vmem_shared>>) target_semaphore(%run_scoped3A_81 : memref<!tpu.dma_semaphore, #tpu.memory_space<semaphore_mem>>)
        %dma_wait3A = arith.constant 9480 : i32
        %dma_wait3A_85 = tpu.memref_slice %arg8[%dma_wait3A] : memref<10000xf32, #tpu.memory_space<vmem_shared>> -> memref<520xf32, #tpu.memory_space<vmem_shared>>
        %dma_wait3A_86 = arith.constant 9480 : i32
        %dma_wait3A_87 = tpu.memref_slice %arg3[%dma_wait3A_86] : memref<10000xf32, #tpu.memory_space<hbm>> -> memref<520xf32, #tpu.memory_space<hbm>>
        tpu.wait_dma2 semaphore(%run_scoped3A_81 : memref<!tpu.dma_semaphore, #tpu.memory_space<semaphore_mem>>) src(%dma_wait3A_87 : memref<520xf32, #tpu.memory_space<hbm>>) dst(%dma_wait3A_85 : memref<520xf32, #tpu.memory_space<vmem_shared>>)
        tpu.yield
      }) : () -> ()
    } else {
    }
    %broadcast_in_dim3A = arith.constant 1.000000e+00 : f32
    %broadcast_in_dim3A_11 = vector.broadcast %broadcast_in_dim3A : f32 to vector<16xf32>
    %swap3A = arith.constant 0 : index
    %swap3A_12 = tpu.vector_load %arg7[%swap3A] {strides = array<i32>} : memref<128xf32, #tpu.memory_space<vmem>>, vector<16xf32>,
    %swap3A_13 = vector.shape_cast %swap3A_12 : vector<16xf32> to vector<16xf32>
    %swap3A_14 = vector.shape_cast %broadcast_in_dim3A_11 : vector<16xf32> to vector<16xf32>
    tpu.vector_store %arg7[%swap3A], %swap3A_14 {strides = array<i32>} : memref<128xf32, #tpu.memory_space<vmem>>, vector<16xf32>,
    %broadcast_in_dim3A_15 = arith.constant 1.000000e+00 : f32
    %broadcast_in_dim3A_16 = vector.broadcast %broadcast_in_dim3A_15 : f32 to vector<16xf32>
    %swap3A_17 = arith.constant 16 : index
    %swap3A_18 = tpu.vector_load %arg7[%swap3A_17] {strides = array<i32>} : memref<128xf32, #tpu.memory_space<vmem>>, vector<16xf32>,
    %swap3A_19 = vector.shape_cast %swap3A_18 : vector<16xf32> to vector<16xf32>
    %swap3A_20 = vector.shape_cast %broadcast_in_dim3A_16 : vector<16xf32> to vector<16xf32>
    tpu.vector_store %arg7[%swap3A_17], %swap3A_20 {strides = array<i32>} : memref<128xf32, #tpu.memory_space<vmem>>, vector<16xf32>,
    %broadcast_in_dim3A_21 = arith.constant 1.000000e+00 : f32
    %broadcast_in_dim3A_22 = vector.broadcast %broadcast_in_dim3A_21 : f32 to vector<16xf32>
    %swap3A_23 = arith.constant 32 : index
    %swap3A_24 = tpu.vector_load %arg7[%swap3A_23] {strides = array<i32>} : memref<128xf32, #tpu.memory_space<vmem>>, vector<16xf32>,
    %swap3A_25 = vector.shape_cast %swap3A_24 : vector<16xf32> to vector<16xf32>
    %swap3A_26 = vector.shape_cast %broadcast_in_dim3A_22 : vector<16xf32> to vector<16xf32>
    tpu.vector_store %arg7[%swap3A_23], %swap3A_26 {strides = array<i32>} : memref<128xf32, #tpu.memory_space<vmem>>, vector<16xf32>,
    %broadcast_in_dim3A_27 = arith.constant 1.000000e+00 : f32
    %broadcast_in_dim3A_28 = vector.broadcast %broadcast_in_dim3A_27 : f32 to vector<16xf32>
    %swap3A_29 = arith.constant 48 : index
    %swap3A_30 = tpu.vector_load %arg7[%swap3A_29] {strides = array<i32>} : memref<128xf32, #tpu.memory_space<vmem>>, vector<16xf32>,
    %swap3A_31 = vector.shape_cast %swap3A_30 : vector<16xf32> to vector<16xf32>
    %swap3A_32 = vector.shape_cast %broadcast_in_dim3A_28 : vector<16xf32> to vector<16xf32>
    tpu.vector_store %arg7[%swap3A_29], %swap3A_32 {strides = array<i32>} : memref<128xf32, #tpu.memory_space<vmem>>, vector<16xf32>,
    %broadcast_in_dim3A_33 = arith.constant 1.000000e+00 : f32
    %broadcast_in_dim3A_34 = vector.broadcast %broadcast_in_dim3A_33 : f32 to vector<16xf32>
    %swap3A_35 = arith.constant 64 : index
    %swap3A_36 = tpu.vector_load %arg7[%swap3A_35] {strides = array<i32>} : memref<128xf32, #tpu.memory_space<vmem>>, vector<16xf32>,
    %swap3A_37 = vector.shape_cast %swap3A_36 : vector<16xf32> to vector<16xf32>
    %swap3A_38 = vector.shape_cast %broadcast_in_dim3A_34 : vector<16xf32> to vector<16xf32>
    tpu.vector_store %arg7[%swap3A_35], %swap3A_38 {strides = array<i32>} : memref<128xf32, #tpu.memory_space<vmem>>, vector<16xf32>,
    %broadcast_in_dim3A_39 = arith.constant 1.000000e+00 : f32
    %broadcast_in_dim3A_40 = vector.broadcast %broadcast_in_dim3A_39 : f32 to vector<16xf32>
    %swap3A_41 = arith.constant 80 : index
    %swap3A_42 = tpu.vector_load %arg7[%swap3A_41] {strides = array<i32>} : memref<128xf32, #tpu.memory_space<vmem>>, vector<16xf32>,
    %swap3A_43 = vector.shape_cast %swap3A_42 : vector<16xf32> to vector<16xf32>
    %swap3A_44 = vector.shape_cast %broadcast_in_dim3A_40 : vector<16xf32> to vector<16xf32>
    tpu.vector_store %arg7[%swap3A_41], %swap3A_44 {strides = array<i32>} : memref<128xf32, #tpu.memory_space<vmem>>, vector<16xf32>,
    %broadcast_in_dim3A_45 = arith.constant 1.000000e+00 : f32
    %broadcast_in_dim3A_46 = vector.broadcast %broadcast_in_dim3A_45 : f32 to vector<16xf32>
    %swap3A_47 = arith.constant 96 : index
    %swap3A_48 = tpu.vector_load %arg7[%swap3A_47] {strides = array<i32>} : memref<128xf32, #tpu.memory_space<vmem>>, vector<16xf32>,
    %swap3A_49 = vector.shape_cast %swap3A_48 : vector<16xf32> to vector<16xf32>
    %swap3A_50 = vector.shape_cast %broadcast_in_dim3A_46 : vector<16xf32> to vector<16xf32>
    tpu.vector_store %arg7[%swap3A_47], %swap3A_50 {strides = array<i32>} : memref<128xf32, #tpu.memory_space<vmem>>, vector<16xf32>,
    %broadcast_in_dim3A_51 = arith.constant 1.000000e+00 : f32
    %broadcast_in_dim3A_52 = vector.broadcast %broadcast_in_dim3A_51 : f32 to vector<16xf32>
    %swap3A_53 = arith.constant 112 : index
    %swap3A_54 = tpu.vector_load %arg7[%swap3A_53] {strides = array<i32>} : memref<128xf32, #tpu.memory_space<vmem>>, vector<16xf32>,
    %swap3A_55 = vector.shape_cast %swap3A_54 : vector<16xf32> to vector<16xf32>
    %swap3A_56 = vector.shape_cast %broadcast_in_dim3A_52 : vector<16xf32> to vector<16xf32>
    tpu.vector_store %arg7[%swap3A_53], %swap3A_56 {strides = array<i32>} : memref<128xf32, #tpu.memory_space<vmem>>, vector<16xf32>,
    %barrier3A = arith.constant 0 : index
    tpu.barrier barrier_id(%barrier3A)
    %scan3A = arith.constant 0 : i32
    %scan3A_57 = arith.constant 0 : i32
    %scan3A_58 = arith.constant 78 : i32
    %scan3A_59 = arith.addi %scan3A_57, %scan3A_58 : i32
    %scan3A_60 = arith.constant 1 : i32
    scf.for %scan3A_81 = %scan3A_57 to %scan3A_59 step %scan3A_60  : i32 {
      "tpu.region"() ({
        %run_scoped3A_82 = tpu.sem_alloc : memref<!tpu.dma_semaphore, #tpu.memory_space<semaphore_mem>>
        %dma_start3A = arith.constant 0 : i32
        %dma_start3A_83 = tpu.memref_slice %arg5[%scan3A_81, %dma_start3A] : memref<78x128xi32, #tpu.memory_space<vmem>> -> memref<1x128xi32, #tpu.memory_space<vmem>>
        %dma_start3A_84 = tpu.memref_squeeze %dma_start3A_83 : memref<1x128xi32, #tpu.memory_space<vmem>> -> memref<128xi32, #tpu.memory_space<vmem>>
        %dma_start3A_85 = arith.constant 0 : i32
        %dma_start3A_86 = tpu.memref_slice %arg8[%dma_start3A_85] : memref<10000xf32, #tpu.memory_space<vmem_shared>> -> memref<10000xf32, #tpu.memory_space<vmem_shared>>
        tpu.enqueue_indirect_dma source(%arg7 : memref<128xf32, #tpu.memory_space<vmem>>) target(%dma_start3A_86 : memref<10000xf32, #tpu.memory_space<vmem_shared>>) offsets(%dma_start3A_84 : memref<128xi32, #tpu.memory_space<vmem>>) semaphore(%run_scoped3A_82 : memref<!tpu.dma_semaphore, #tpu.memory_space<semaphore_mem>>) {add = true}
        %dma_wait3A = arith.constant 0 : i32
        %dma_wait3A_87 = tpu.memref_slice %arg5[%scan3A_81, %dma_wait3A] : memref<78x128xi32, #tpu.memory_space<vmem>> -> memref<1x128xi32, #tpu.memory_space<vmem>>
        %dma_wait3A_88 = tpu.memref_squeeze %dma_wait3A_87 : memref<1x128xi32, #tpu.memory_space<vmem>> -> memref<128xi32, #tpu.memory_space<vmem>>
        %dma_wait3A_89 = arith.constant 0 : i32
        %dma_wait3A_90 = tpu.memref_slice %arg8[%dma_wait3A_89] : memref<10000xf32, #tpu.memory_space<vmem_shared>> -> memref<10000xf32, #tpu.memory_space<vmem_shared>>
        tpu.wait_indirect_dma semaphore(%run_scoped3A_82 : memref<!tpu.dma_semaphore, #tpu.memory_space<semaphore_mem>>) src(%arg7 : memref<128xf32, #tpu.memory_space<vmem>>) dst(%dma_wait3A_90 : memref<10000xf32, #tpu.memory_space<vmem_shared>>)
        tpu.yield
      }) : () -> ()
    }
    %scan3A_61 = arith.constant 78 : i32
    %lt3A_62 = arith.constant 4 : i32
    %lt3A_63 = arith.cmpi slt, %add3A, %lt3A_62 : i32
    %convert_element_type3A_64 = arith.extui %lt3A_63 : i1 to i32
    %cond3A_65 = arith.constant 0 : i32
    %cond3A_66 = arith.cmpi ne, %convert_element_type3A_64, %cond3A_65 : i32
    scf.if %cond3A_66 {
      %add3A_81 = arith.constant 2496 : i32
      %add3A_82 = arith.addi %add3A_81, %add3A : i32
      %run_scoped3A_83 = arith.constant 1 : i32
      %run_scoped3A_84 = arith.constant 0 : i32
      "tpu.region"() ({
        %run_scoped3A_85 = tpu.sem_alloc : memref<!tpu.dma_semaphore, #tpu.memory_space<semaphore_mem>>
        %dma_start3A = arith.constant 0 : i32
        %dma_start3A_86 = tpu.memref_slice %arg2[%run_scoped3A_83, %add3A_82, %dma_start3A] : memref<2x2500x128xi32, #tpu.memory_space<hbm>> -> memref<1x1x128xi32, #tpu.memory_space<hbm>>
        %dma_start3A_87 = tpu.memref_squeeze %dma_start3A_86 : memref<1x1x128xi32, #tpu.memory_space<hbm>> -> memref<1x128xi32, #tpu.memory_space<hbm>>
        %dma_start3A_88 = arith.constant 0 : i32
        %dma_start3A_89 = tpu.memref_slice %dma_start3A_87[%run_scoped3A_84, %dma_start3A_88] : memref<1x128xi32, #tpu.memory_space<hbm>> -> memref<1x128xi32, #tpu.memory_space<hbm>>
        %dma_start3A_90 = tpu.memref_squeeze %dma_start3A_89 : memref<1x128xi32, #tpu.memory_space<hbm>> -> memref<128xi32, #tpu.memory_space<hbm>>
        %dma_start3A_91 = arith.constant 0 : i32
        %dma_start3A_92 = tpu.memref_slice %arg2[%run_scoped3A_83, %add3A_82, %dma_start3A_91] : memref<2x2500x128xi32, #tpu.memory_space<hbm>> -> memref<1x1x128xi32, #tpu.memory_space<hbm>>
        %dma_start3A_93 = tpu.memref_squeeze %dma_start3A_92 : memref<1x1x128xi32, #tpu.memory_space<hbm>> -> memref<1x128xi32, #tpu.memory_space<hbm>>
        %dma_start3A_94 = arith.constant 0 : i32
        %dma_start3A_95 = tpu.memref_slice %dma_start3A_93[%run_scoped3A_84, %dma_start3A_94] : memref<1x128xi32, #tpu.memory_space<hbm>> -> memref<1x128xi32, #tpu.memory_space<hbm>>
        %dma_start3A_96 = tpu.memref_squeeze %dma_start3A_95 : memref<1x128xi32, #tpu.memory_space<hbm>> -> memref<128xi32, #tpu.memory_space<hbm>>
        tpu.enqueue_dma source(%dma_start3A_96 : memref<128xi32, #tpu.memory_space<hbm>>) target(%arg6 : memref<128xi32, #tpu.memory_space<vmem>>) target_semaphore(%run_scoped3A_85 : memref<!tpu.dma_semaphore, #tpu.memory_space<semaphore_mem>>)
        %dma_wait3A = arith.constant 0 : i32
        %dma_wait3A_97 = tpu.memref_slice %arg2[%run_scoped3A_83, %add3A_82, %dma_wait3A] : memref<2x2500x128xi32, #tpu.memory_space<hbm>> -> memref<1x1x128xi32, #tpu.memory_space<hbm>>
        %dma_wait3A_98 = tpu.memref_squeeze %dma_wait3A_97 : memref<1x1x128xi32, #tpu.memory_space<hbm>> -> memref<1x128xi32, #tpu.memory_space<hbm>>
        %dma_wait3A_99 = arith.constant 0 : i32
        %dma_wait3A_100 = tpu.memref_slice %dma_wait3A_98[%run_scoped3A_84, %dma_wait3A_99] : memref<1x128xi32, #tpu.memory_space<hbm>> -> memref<1x128xi32, #tpu.memory_space<hbm>>
        %dma_wait3A_101 = tpu.memref_squeeze %dma_wait3A_100 : memref<1x128xi32, #tpu.memory_space<hbm>> -> memref<128xi32, #tpu.memory_space<hbm>>
        %dma_wait3A_102 = arith.constant 0 : i32
        %dma_wait3A_103 = tpu.memref_slice %arg2[%run_scoped3A_83, %add3A_82, %dma_wait3A_102] : memref<2x2500x128xi32, #tpu.memory_space<hbm>> -> memref<1x1x128xi32, #tpu.memory_space<hbm>>
        %dma_wait3A_104 = tpu.memref_squeeze %dma_wait3A_103 : memref<1x1x128xi32, #tpu.memory_space<hbm>> -> memref<1x128xi32, #tpu.memory_space<hbm>>
        %dma_wait3A_105 = arith.constant 0 : i32
        %dma_wait3A_106 = tpu.memref_slice %dma_wait3A_104[%run_scoped3A_84, %dma_wait3A_105] : memref<1x128xi32, #tpu.memory_space<hbm>> -> memref<1x128xi32, #tpu.memory_space<hbm>>
        %dma_wait3A_107 = tpu.memref_squeeze %dma_wait3A_106 : memref<1x128xi32, #tpu.memory_space<hbm>> -> memref<128xi32, #tpu.memory_space<hbm>>
        tpu.wait_dma2 semaphore(%run_scoped3A_85 : memref<!tpu.dma_semaphore, #tpu.memory_space<semaphore_mem>>) src(%dma_wait3A_107 : memref<128xi32, #tpu.memory_space<hbm>>) dst(%arg6 : memref<128xi32, #tpu.memory_space<vmem>>)
        tpu.yield
      }) : () -> ()
      "tpu.region"() ({
        %run_scoped3A_85 = tpu.sem_alloc : memref<!tpu.dma_semaphore, #tpu.memory_space<semaphore_mem>>
        %dma_start3A = arith.constant 0 : i32
        %dma_start3A_86 = tpu.memref_slice %arg8[%dma_start3A] : memref<10000xf32, #tpu.memory_space<vmem_shared>> -> memref<10000xf32, #tpu.memory_space<vmem_shared>>
        tpu.enqueue_indirect_dma source(%arg7 : memref<128xf32, #tpu.memory_space<vmem>>) target(%dma_start3A_86 : memref<10000xf32, #tpu.memory_space<vmem_shared>>) offsets(%arg6 : memref<128xi32, #tpu.memory_space<vmem>>) semaphore(%run_scoped3A_85 : memref<!tpu.dma_semaphore, #tpu.memory_space<semaphore_mem>>) {add = true}
        %dma_wait3A = arith.constant 0 : i32
        %dma_wait3A_87 = tpu.memref_slice %arg8[%dma_wait3A] : memref<10000xf32, #tpu.memory_space<vmem_shared>> -> memref<10000xf32, #tpu.memory_space<vmem_shared>>
        tpu.wait_indirect_dma semaphore(%run_scoped3A_85 : memref<!tpu.dma_semaphore, #tpu.memory_space<semaphore_mem>>) src(%arg7 : memref<128xf32, #tpu.memory_space<vmem>>) dst(%dma_wait3A_87 : memref<10000xf32, #tpu.memory_space<vmem_shared>>)
        tpu.yield
      }) : () -> ()
    } else {
    }
    %barrier3A_67 = arith.constant 0 : index
    tpu.barrier barrier_id(%barrier3A_67)
    %mul3A_68 = arith.constant 632 : i32
    %mul3A_69 = arith.muli %arg1, %mul3A_68 : i32
    %multiple_of3A_70 = tpu.assume_multiple %mul3A_69, 8 : i32
    %lt3A_71 = arith.constant 15 : i32
    %lt3A_72 = arith.cmpi slt, %arg1, %lt3A_71 : i32
    %convert_element_type3A_73 = arith.extui %lt3A_72 : i1 to i32
    %cond3A_74 = arith.constant 0 : i32
    %cond3A_75 = arith.cmpi ne, %convert_element_type3A_73, %cond3A_74 : i32
    scf.if %cond3A_75 {
      "tpu.region"() ({
        %run_scoped3A_81 = tpu.sem_alloc : memref<!tpu.dma_semaphore, #tpu.memory_space<semaphore_mem>>
        %dma_start3A = tpu.memref_slice %arg4[%arg0, %multiple_of3A_70] : memref<2x10000xf32, #tpu.memory_space<hbm>> -> memref<1x632xf32, #tpu.memory_space<hbm>>
        %dma_start3A_82 = tpu.memref_squeeze %dma_start3A : memref<1x632xf32, #tpu.memory_space<hbm>> -> memref<632xf32, #tpu.memory_space<hbm>>
        %dma_start3A_83 = tpu.memref_slice %arg8[%multiple_of3A_70] : memref<10000xf32, #tpu.memory_space<vmem_shared>> -> memref<632xf32, #tpu.memory_space<vmem_shared>>
        tpu.enqueue_dma source(%dma_start3A_83 : memref<632xf32, #tpu.memory_space<vmem_shared>>) target(%dma_start3A_82 : memref<632xf32, #tpu.memory_space<hbm>>) target_semaphore(%run_scoped3A_81 : memref<!tpu.dma_semaphore, #tpu.memory_space<semaphore_mem>>)
        %dma_wait3A = tpu.memref_slice %arg4[%arg0, %multiple_of3A_70] : memref<2x10000xf32, #tpu.memory_space<hbm>> -> memref<1x632xf32, #tpu.memory_space<hbm>>
        %dma_wait3A_84 = tpu.memref_squeeze %dma_wait3A : memref<1x632xf32, #tpu.memory_space<hbm>> -> memref<632xf32, #tpu.memory_space<hbm>>
        %dma_wait3A_85 = tpu.memref_slice %arg8[%multiple_of3A_70] : memref<10000xf32, #tpu.memory_space<vmem_shared>> -> memref<632xf32, #tpu.memory_space<vmem_shared>>
        tpu.wait_dma2 semaphore(%run_scoped3A_81 : memref<!tpu.dma_semaphore, #tpu.memory_space<semaphore_mem>>) src(%dma_wait3A_85 : memref<632xf32, #tpu.memory_space<vmem_shared>>) dst(%dma_wait3A_84 : memref<632xf32, #tpu.memory_space<hbm>>)
        tpu.yield
      }) : () -> ()
    } else {
    }
    %eq3A_76 = arith.constant 15 : i32
    %eq3A_77 = arith.cmpi eq, %arg1, %eq3A_76 : i32
    %convert_element_type3A_78 = arith.extui %eq3A_77 : i1 to i32
    %cond3A_79 = arith.constant 0 : i32
    %cond3A_80 = arith.cmpi ne, %convert_element_type3A_78, %cond3A_79 : i32
    scf.if %cond3A_80 {
      "tpu.region"() ({
        %run_scoped3A_81 = tpu.sem_alloc : memref<!tpu.dma_semaphore, #tpu.memory_space<semaphore_mem>>
        %dma_start3A = arith.constant 9480 : i32
        %dma_start3A_82 = tpu.memref_slice %arg4[%arg0, %dma_start3A] : memref<2x10000xf32, #tpu.memory_space<hbm>> -> memref<1x520xf32, #tpu.memory_space<hbm>>
        %dma_start3A_83 = tpu.memref_squeeze %dma_start3A_82 : memref<1x520xf32, #tpu.memory_space<hbm>> -> memref<520xf32, #tpu.memory_space<hbm>>
        %dma_start3A_84 = arith.constant 9480 : i32
        %dma_start3A_85 = tpu.memref_slice %arg8[%dma_start3A_84] : memref<10000xf32, #tpu.memory_space<vmem_shared>> -> memref<520xf32, #tpu.memory_space<vmem_shared>>
        tpu.enqueue_dma source(%dma_start3A_85 : memref<520xf32, #tpu.memory_space<vmem_shared>>) target(%dma_start3A_83 : memref<520xf32, #tpu.memory_space<hbm>>) target_semaphore(%run_scoped3A_81 : memref<!tpu.dma_semaphore, #tpu.memory_space<semaphore_mem>>)
        %dma_wait3A = arith.constant 9480 : i32
        %dma_wait3A_86 = tpu.memref_slice %arg4[%arg0, %dma_wait3A] : memref<2x10000xf32, #tpu.memory_space<hbm>> -> memref<1x520xf32, #tpu.memory_space<hbm>>
        %dma_wait3A_87 = tpu.memref_squeeze %dma_wait3A_86 : memref<1x520xf32, #tpu.memory_space<hbm>> -> memref<520xf32, #tpu.memory_space<hbm>>
        %dma_wait3A_88 = arith.constant 9480 : i32
        %dma_wait3A_89 = tpu.memref_slice %arg8[%dma_wait3A_88] : memref<10000xf32, #tpu.memory_space<vmem_shared>> -> memref<520xf32, #tpu.memory_space<vmem_shared>>
        tpu.wait_dma2 semaphore(%run_scoped3A_81 : memref<!tpu.dma_semaphore, #tpu.memory_space<semaphore_mem>>) src(%dma_wait3A_89 : memref<520xf32, #tpu.memory_space<vmem_shared>>) dst(%dma_wait3A_87 : memref<520xf32, #tpu.memory_space<hbm>>)
        tpu.yield
      }) : () -> ()
    } else {
    }
    return
  }
}

#map = affine_map<(d0, d1) -> (0, 0)>
#map1 = affine_map<(d0, d1) -> (0, 0, 0)>
module attributes {stable_mosaic.version = 14 : i64} {
  func.func @agg(%arg0: i32, %arg1: i32, %arg2: memref<10000x40xf32, #tpu.memory_space<hbm>>, %arg3: memref<2x2500x128xi32, #tpu.memory_space<hbm>>, %arg4: memref<2x10000x40xf32, #tpu.memory_space<hbm>>, %arg5: memref<78x128xi32, #tpu.memory_space<vmem>>, %arg6: memref<78x128xi32, #tpu.memory_space<vmem>>, %arg7: memref<128xi32, #tpu.memory_space<vmem>>, %arg8: memref<128xi32, #tpu.memory_space<vmem>>, %arg9: memref<128x40xf32, #tpu.memory_space<vmem>>, %arg10: memref<128x40xf32, #tpu.memory_space<vmem>>, %arg11: memref<128x40xf32, #tpu.memory_space<vmem>>, %arg12: memref<128x40xf32, #tpu.memory_space<vmem>>, %arg13: memref<128x40xf32, #tpu.memory_space<vmem>>, %arg14: memref<128x40xf32, #tpu.memory_space<vmem>>, %arg15: memref<128x40xf32, #tpu.memory_space<vmem>>, %arg16: memref<128x40xf32, #tpu.memory_space<vmem>>, %arg17: memref<128x40xf32, #tpu.memory_space<vmem>>, %arg18: memref<128x40xf32, #tpu.memory_space<vmem>>, %arg19: memref<128x40xf32, #tpu.memory_space<vmem>>, %arg20: memref<128x40xf32, #tpu.memory_space<vmem>>, %arg21: memref<!tpu.dma_semaphore, #tpu.memory_space<semaphore_mem>>, %arg22: memref<!tpu.dma_semaphore, #tpu.memory_space<semaphore_mem>>, %arg23: memref<!tpu.dma_semaphore, #tpu.memory_space<semaphore_mem>>, %arg24: memref<!tpu.dma_semaphore, #tpu.memory_space<semaphore_mem>>, %arg25: memref<!tpu.dma_semaphore, #tpu.memory_space<semaphore_mem>>, %arg26: memref<!tpu.dma_semaphore, #tpu.memory_space<semaphore_mem>>, %arg27: memref<!tpu.dma_semaphore, #tpu.memory_space<semaphore_mem>>, %arg28: memref<!tpu.dma_semaphore, #tpu.memory_space<semaphore_mem>>, %arg29: memref<!tpu.dma_semaphore, #tpu.memory_space<semaphore_mem>>, %arg30: memref<!tpu.dma_semaphore, #tpu.memory_space<semaphore_mem>>, %arg31: memref<!tpu.dma_semaphore, #tpu.memory_space<semaphore_mem>>, %arg32: memref<!tpu.dma_semaphore, #tpu.memory_space<semaphore_mem>>, %arg33: memref<!tpu.dma_semaphore, #tpu.memory_space<semaphore_mem>>, %arg34: memref<!tpu.dma_semaphore, #tpu.memory_space<semaphore_mem>>, %arg35: memref<!tpu.dma_semaphore, #tpu.memory_space<semaphore_mem>>, %arg36: memref<!tpu.dma_semaphore, #tpu.memory_space<semaphore_mem>>, %arg37: memref<!tpu.dma_semaphore, #tpu.memory_space<semaphore_mem>>, %arg38: memref<!tpu.dma_semaphore, #tpu.memory_space<semaphore_mem>>, %arg39: memref<!tpu.dma_semaphore, #tpu.memory_space<semaphore_mem>>, %arg40: memref<!tpu.dma_semaphore, #tpu.memory_space<semaphore_mem>>, %arg41: memref<!tpu.dma_semaphore, #tpu.memory_space<semaphore_mem>>, %arg42: memref<!tpu.dma_semaphore, #tpu.memory_space<semaphore_mem>>, %arg43: memref<!tpu.dma_semaphore, #tpu.memory_space<semaphore_mem>>, %arg44: memref<!tpu.dma_semaphore, #tpu.memory_space<semaphore_mem>>, %arg45: memref<10000x40xf32, #tpu.memory_space<vmem_shared>>) attributes {dimension_semantics = [#tpu.dimension_semantics<core_parallel>, #tpu.dimension_semantics<subcore_parallel>], iteration_bounds = array<i64: 2, 16>, scalar_prefetch = 0 : i64, scratch_operands = 41 : i64, tpu.core_type = #tpu.core_type<sc_vector_subcore>, window_params = [{transform_indices = #map}, {transform_indices = #map1}, {transform_indices = #map1}]} {
    %mul3A = arith.constant 16 : i32
    %mul3A_0 = arith.muli %arg0, %mul3A : i32
    %add3A = arith.addi %mul3A_0, %arg1 : i32
    %mul3A_1 = arith.constant 78 : i32
    %mul3A_2 = arith.muli %add3A, %mul3A_1 : i32
    %run_scoped3A = arith.constant 0 : i32
    "tpu.region"() ({
      %run_scoped3A_119 = tpu.sem_alloc : memref<!tpu.dma_semaphore, #tpu.memory_space<semaphore_mem>>
      %dma_start3A_120 = arith.constant 0 : i32
      %dma_start3A_121 = tpu.memref_slice %arg3[%run_scoped3A, %mul3A_2, %dma_start3A_120] : memref<2x2500x128xi32, #tpu.memory_space<hbm>> -> memref<1x78x128xi32, #tpu.memory_space<hbm>>
      %dma_start3A_122 = tpu.memref_squeeze %dma_start3A_121 : memref<1x78x128xi32, #tpu.memory_space<hbm>> -> memref<78x128xi32, #tpu.memory_space<hbm>>
      %dma_start3A_123 = arith.constant 0 : i32
      %dma_start3A_124 = tpu.memref_slice %arg3[%run_scoped3A, %mul3A_2, %dma_start3A_123] : memref<2x2500x128xi32, #tpu.memory_space<hbm>> -> memref<1x78x128xi32, #tpu.memory_space<hbm>>
      %dma_start3A_125 = tpu.memref_squeeze %dma_start3A_124 : memref<1x78x128xi32, #tpu.memory_space<hbm>> -> memref<78x128xi32, #tpu.memory_space<hbm>>
      tpu.enqueue_dma source(%dma_start3A_125 : memref<78x128xi32, #tpu.memory_space<hbm>>) target(%arg5 : memref<78x128xi32, #tpu.memory_space<vmem>>) target_semaphore(%run_scoped3A_119 : memref<!tpu.dma_semaphore, #tpu.memory_space<semaphore_mem>>)
      %dma_wait3A = arith.constant 0 : i32
      %dma_wait3A_126 = tpu.memref_slice %arg3[%run_scoped3A, %mul3A_2, %dma_wait3A] : memref<2x2500x128xi32, #tpu.memory_space<hbm>> -> memref<1x78x128xi32, #tpu.memory_space<hbm>>
      %dma_wait3A_127 = tpu.memref_squeeze %dma_wait3A_126 : memref<1x78x128xi32, #tpu.memory_space<hbm>> -> memref<78x128xi32, #tpu.memory_space<hbm>>
      %dma_wait3A_128 = arith.constant 0 : i32
      %dma_wait3A_129 = tpu.memref_slice %arg3[%run_scoped3A, %mul3A_2, %dma_wait3A_128] : memref<2x2500x128xi32, #tpu.memory_space<hbm>> -> memref<1x78x128xi32, #tpu.memory_space<hbm>>
      %dma_wait3A_130 = tpu.memref_squeeze %dma_wait3A_129 : memref<1x78x128xi32, #tpu.memory_space<hbm>> -> memref<78x128xi32, #tpu.memory_space<hbm>>
      tpu.wait_dma2 semaphore(%run_scoped3A_119 : memref<!tpu.dma_semaphore, #tpu.memory_space<semaphore_mem>>) src(%dma_wait3A_130 : memref<78x128xi32, #tpu.memory_space<hbm>>) dst(%arg5 : memref<78x128xi32, #tpu.memory_space<vmem>>)
      tpu.yield
    }) : () -> ()
    %run_scoped3A_3 = arith.constant 1 : i32
    "tpu.region"() ({
      %run_scoped3A_119 = tpu.sem_alloc : memref<!tpu.dma_semaphore, #tpu.memory_space<semaphore_mem>>
      %dma_start3A_120 = arith.constant 0 : i32
      %dma_start3A_121 = tpu.memref_slice %arg3[%run_scoped3A_3, %mul3A_2, %dma_start3A_120] : memref<2x2500x128xi32, #tpu.memory_space<hbm>> -> memref<1x78x128xi32, #tpu.memory_space<hbm>>
      %dma_start3A_122 = tpu.memref_squeeze %dma_start3A_121 : memref<1x78x128xi32, #tpu.memory_space<hbm>> -> memref<78x128xi32, #tpu.memory_space<hbm>>
      %dma_start3A_123 = arith.constant 0 : i32
      %dma_start3A_124 = tpu.memref_slice %arg3[%run_scoped3A_3, %mul3A_2, %dma_start3A_123] : memref<2x2500x128xi32, #tpu.memory_space<hbm>> -> memref<1x78x128xi32, #tpu.memory_space<hbm>>
      %dma_start3A_125 = tpu.memref_squeeze %dma_start3A_124 : memref<1x78x128xi32, #tpu.memory_space<hbm>> -> memref<78x128xi32, #tpu.memory_space<hbm>>
      tpu.enqueue_dma source(%dma_start3A_125 : memref<78x128xi32, #tpu.memory_space<hbm>>) target(%arg6 : memref<78x128xi32, #tpu.memory_space<vmem>>) target_semaphore(%run_scoped3A_119 : memref<!tpu.dma_semaphore, #tpu.memory_space<semaphore_mem>>)
      %dma_wait3A = arith.constant 0 : i32
      %dma_wait3A_126 = tpu.memref_slice %arg3[%run_scoped3A_3, %mul3A_2, %dma_wait3A] : memref<2x2500x128xi32, #tpu.memory_space<hbm>> -> memref<1x78x128xi32, #tpu.memory_space<hbm>>
      %dma_wait3A_127 = tpu.memref_squeeze %dma_wait3A_126 : memref<1x78x128xi32, #tpu.memory_space<hbm>> -> memref<78x128xi32, #tpu.memory_space<hbm>>
      %dma_wait3A_128 = arith.constant 0 : i32
      %dma_wait3A_129 = tpu.memref_slice %arg3[%run_scoped3A_3, %mul3A_2, %dma_wait3A_128] : memref<2x2500x128xi32, #tpu.memory_space<hbm>> -> memref<1x78x128xi32, #tpu.memory_space<hbm>>
      %dma_wait3A_130 = tpu.memref_squeeze %dma_wait3A_129 : memref<1x78x128xi32, #tpu.memory_space<hbm>> -> memref<78x128xi32, #tpu.memory_space<hbm>>
      tpu.wait_dma2 semaphore(%run_scoped3A_119 : memref<!tpu.dma_semaphore, #tpu.memory_space<semaphore_mem>>) src(%dma_wait3A_130 : memref<78x128xi32, #tpu.memory_space<hbm>>) dst(%arg6 : memref<78x128xi32, #tpu.memory_space<vmem>>)
      tpu.yield
    }) : () -> ()
    %mul3A_4 = arith.constant 632 : i32
    %mul3A_5 = arith.muli %arg1, %mul3A_4 : i32
    %multiple_of3A = tpu.assume_multiple %mul3A_5, 8 : i32
    %lt3A = arith.constant 15 : i32
    %lt3A_6 = arith.cmpi slt, %arg1, %lt3A : i32
    %convert_element_type3A = arith.extui %lt3A_6 : i1 to i32
    %cond3A = arith.constant 0 : i32
    %cond3A_7 = arith.cmpi ne, %convert_element_type3A, %cond3A : i32
    scf.if %cond3A_7 {
      "tpu.region"() ({
        %run_scoped3A_119 = tpu.sem_alloc : memref<!tpu.dma_semaphore, #tpu.memory_space<semaphore_mem>>
        %dma_start3A_120 = arith.constant 0 : i32
        %dma_start3A_121 = tpu.memref_slice %arg45[%multiple_of3A, %dma_start3A_120] : memref<10000x40xf32, #tpu.memory_space<vmem_shared>> -> memref<632x40xf32, #tpu.memory_space<vmem_shared>>
        %dma_start3A_122 = arith.constant 0 : i32
        %dma_start3A_123 = tpu.memref_slice %arg2[%multiple_of3A, %dma_start3A_122] : memref<10000x40xf32, #tpu.memory_space<hbm>> -> memref<632x40xf32, #tpu.memory_space<hbm>>
        tpu.enqueue_dma source(%dma_start3A_123 : memref<632x40xf32, #tpu.memory_space<hbm>>) target(%dma_start3A_121 : memref<632x40xf32, #tpu.memory_space<vmem_shared>>) target_semaphore(%run_scoped3A_119 : memref<!tpu.dma_semaphore, #tpu.memory_space<semaphore_mem>>)
        %dma_wait3A = arith.constant 0 : i32
        %dma_wait3A_124 = tpu.memref_slice %arg45[%multiple_of3A, %dma_wait3A] : memref<10000x40xf32, #tpu.memory_space<vmem_shared>> -> memref<632x40xf32, #tpu.memory_space<vmem_shared>>
        %dma_wait3A_125 = arith.constant 0 : i32
        %dma_wait3A_126 = tpu.memref_slice %arg2[%multiple_of3A, %dma_wait3A_125] : memref<10000x40xf32, #tpu.memory_space<hbm>> -> memref<632x40xf32, #tpu.memory_space<hbm>>
        tpu.wait_dma2 semaphore(%run_scoped3A_119 : memref<!tpu.dma_semaphore, #tpu.memory_space<semaphore_mem>>) src(%dma_wait3A_126 : memref<632x40xf32, #tpu.memory_space<hbm>>) dst(%dma_wait3A_124 : memref<632x40xf32, #tpu.memory_space<vmem_shared>>)
        tpu.yield
      }) : () -> ()
    } else {
    }
    %eq3A = arith.constant 15 : i32
    %eq3A_8 = arith.cmpi eq, %arg1, %eq3A : i32
    %convert_element_type3A_9 = arith.extui %eq3A_8 : i1 to i32
    %cond3A_10 = arith.constant 0 : i32
    %cond3A_11 = arith.cmpi ne, %convert_element_type3A_9, %cond3A_10 : i32
    scf.if %cond3A_11 {
      "tpu.region"() ({
        %run_scoped3A_119 = tpu.sem_alloc : memref<!tpu.dma_semaphore, #tpu.memory_space<semaphore_mem>>
        %dma_start3A_120 = arith.constant 9480 : i32
        %dma_start3A_121 = arith.constant 0 : i32
        %dma_start3A_122 = tpu.memref_slice %arg45[%dma_start3A_120, %dma_start3A_121] : memref<10000x40xf32, #tpu.memory_space<vmem_shared>> -> memref<520x40xf32, #tpu.memory_space<vmem_shared>>
        %dma_start3A_123 = arith.constant 9480 : i32
        %dma_start3A_124 = arith.constant 0 : i32
        %dma_start3A_125 = tpu.memref_slice %arg2[%dma_start3A_123, %dma_start3A_124] : memref<10000x40xf32, #tpu.memory_space<hbm>> -> memref<520x40xf32, #tpu.memory_space<hbm>>
        tpu.enqueue_dma source(%dma_start3A_125 : memref<520x40xf32, #tpu.memory_space<hbm>>) target(%dma_start3A_122 : memref<520x40xf32, #tpu.memory_space<vmem_shared>>) target_semaphore(%run_scoped3A_119 : memref<!tpu.dma_semaphore, #tpu.memory_space<semaphore_mem>>)
        %dma_wait3A = arith.constant 9480 : i32
        %dma_wait3A_126 = arith.constant 0 : i32
        %dma_wait3A_127 = tpu.memref_slice %arg45[%dma_wait3A, %dma_wait3A_126] : memref<10000x40xf32, #tpu.memory_space<vmem_shared>> -> memref<520x40xf32, #tpu.memory_space<vmem_shared>>
        %dma_wait3A_128 = arith.constant 9480 : i32
        %dma_wait3A_129 = arith.constant 0 : i32
        %dma_wait3A_130 = tpu.memref_slice %arg2[%dma_wait3A_128, %dma_wait3A_129] : memref<10000x40xf32, #tpu.memory_space<hbm>> -> memref<520x40xf32, #tpu.memory_space<hbm>>
        tpu.wait_dma2 semaphore(%run_scoped3A_119 : memref<!tpu.dma_semaphore, #tpu.memory_space<semaphore_mem>>) src(%dma_wait3A_130 : memref<520x40xf32, #tpu.memory_space<hbm>>) dst(%dma_wait3A_127 : memref<520x40xf32, #tpu.memory_space<vmem_shared>>)
        tpu.yield
      }) : () -> ()
    } else {
    }
    %barrier3A = arith.constant 0 : index
    tpu.barrier barrier_id(%barrier3A)
    %lt3A_12 = arith.constant 4 : i32
    %lt3A_13 = arith.cmpi slt, %add3A, %lt3A_12 : i32
    %convert_element_type3A_14 = arith.extui %lt3A_13 : i1 to i32
    %cond3A_15 = arith.constant 0 : i32
    %cond3A_16 = arith.cmpi ne, %convert_element_type3A_14, %cond3A_15 : i32
    scf.if %cond3A_16 {
      %add3A_119 = arith.constant 2496 : i32
      %add3A_120 = arith.addi %add3A_119, %add3A : i32
      %run_scoped3A_121 = arith.constant 0 : i32
      %run_scoped3A_122 = arith.constant 0 : i32
      "tpu.region"() ({
        %run_scoped3A_130 = tpu.sem_alloc : memref<!tpu.dma_semaphore, #tpu.memory_space<semaphore_mem>>
        %dma_start3A_131 = arith.constant 0 : i32
        %dma_start3A_132 = tpu.memref_slice %arg3[%run_scoped3A_121, %add3A_120, %dma_start3A_131] : memref<2x2500x128xi32, #tpu.memory_space<hbm>> -> memref<1x1x128xi32, #tpu.memory_space<hbm>>
        %dma_start3A_133 = tpu.memref_squeeze %dma_start3A_132 : memref<1x1x128xi32, #tpu.memory_space<hbm>> -> memref<1x128xi32, #tpu.memory_space<hbm>>
        %dma_start3A_134 = arith.constant 0 : i32
        %dma_start3A_135 = tpu.memref_slice %dma_start3A_133[%run_scoped3A_122, %dma_start3A_134] : memref<1x128xi32, #tpu.memory_space<hbm>> -> memref<1x128xi32, #tpu.memory_space<hbm>>
        %dma_start3A_136 = tpu.memref_squeeze %dma_start3A_135 : memref<1x128xi32, #tpu.memory_space<hbm>> -> memref<128xi32, #tpu.memory_space<hbm>>
        %dma_start3A_137 = arith.constant 0 : i32
        %dma_start3A_138 = tpu.memref_slice %arg3[%run_scoped3A_121, %add3A_120, %dma_start3A_137] : memref<2x2500x128xi32, #tpu.memory_space<hbm>> -> memref<1x1x128xi32, #tpu.memory_space<hbm>>
        %dma_start3A_139 = tpu.memref_squeeze %dma_start3A_138 : memref<1x1x128xi32, #tpu.memory_space<hbm>> -> memref<1x128xi32, #tpu.memory_space<hbm>>
        %dma_start3A_140 = arith.constant 0 : i32
        %dma_start3A_141 = tpu.memref_slice %dma_start3A_139[%run_scoped3A_122, %dma_start3A_140] : memref<1x128xi32, #tpu.memory_space<hbm>> -> memref<1x128xi32, #tpu.memory_space<hbm>>
        %dma_start3A_142 = tpu.memref_squeeze %dma_start3A_141 : memref<1x128xi32, #tpu.memory_space<hbm>> -> memref<128xi32, #tpu.memory_space<hbm>>
        tpu.enqueue_dma source(%dma_start3A_142 : memref<128xi32, #tpu.memory_space<hbm>>) target(%arg7 : memref<128xi32, #tpu.memory_space<vmem>>) target_semaphore(%run_scoped3A_130 : memref<!tpu.dma_semaphore, #tpu.memory_space<semaphore_mem>>)
        %dma_wait3A_143 = arith.constant 0 : i32
        %dma_wait3A_144 = tpu.memref_slice %arg3[%run_scoped3A_121, %add3A_120, %dma_wait3A_143] : memref<2x2500x128xi32, #tpu.memory_space<hbm>> -> memref<1x1x128xi32, #tpu.memory_space<hbm>>
        %dma_wait3A_145 = tpu.memref_squeeze %dma_wait3A_144 : memref<1x1x128xi32, #tpu.memory_space<hbm>> -> memref<1x128xi32, #tpu.memory_space<hbm>>
        %dma_wait3A_146 = arith.constant 0 : i32
        %dma_wait3A_147 = tpu.memref_slice %dma_wait3A_145[%run_scoped3A_122, %dma_wait3A_146] : memref<1x128xi32, #tpu.memory_space<hbm>> -> memref<1x128xi32, #tpu.memory_space<hbm>>
        %dma_wait3A_148 = tpu.memref_squeeze %dma_wait3A_147 : memref<1x128xi32, #tpu.memory_space<hbm>> -> memref<128xi32, #tpu.memory_space<hbm>>
        %dma_wait3A_149 = arith.constant 0 : i32
        %dma_wait3A_150 = tpu.memref_slice %arg3[%run_scoped3A_121, %add3A_120, %dma_wait3A_149] : memref<2x2500x128xi32, #tpu.memory_space<hbm>> -> memref<1x1x128xi32, #tpu.memory_space<hbm>>
        %dma_wait3A_151 = tpu.memref_squeeze %dma_wait3A_150 : memref<1x1x128xi32, #tpu.memory_space<hbm>> -> memref<1x128xi32, #tpu.memory_space<hbm>>
        %dma_wait3A_152 = arith.constant 0 : i32
        %dma_wait3A_153 = tpu.memref_slice %dma_wait3A_151[%run_scoped3A_122, %dma_wait3A_152] : memref<1x128xi32, #tpu.memory_space<hbm>> -> memref<1x128xi32, #tpu.memory_space<hbm>>
        %dma_wait3A_154 = tpu.memref_squeeze %dma_wait3A_153 : memref<1x128xi32, #tpu.memory_space<hbm>> -> memref<128xi32, #tpu.memory_space<hbm>>
        tpu.wait_dma2 semaphore(%run_scoped3A_130 : memref<!tpu.dma_semaphore, #tpu.memory_space<semaphore_mem>>) src(%dma_wait3A_154 : memref<128xi32, #tpu.memory_space<hbm>>) dst(%arg7 : memref<128xi32, #tpu.memory_space<vmem>>)
        tpu.yield
      }) : () -> ()
      %run_scoped3A_123 = arith.constant 1 : i32
      %run_scoped3A_124 = arith.constant 0 : i32
      "tpu.region"() ({
        %run_scoped3A_130 = tpu.sem_alloc : memref<!tpu.dma_semaphore, #tpu.memory_space<semaphore_mem>>
        %dma_start3A_131 = arith.constant 0 : i32
        %dma_start3A_132 = tpu.memref_slice %arg3[%run_scoped3A_123, %add3A_120, %dma_start3A_131] : memref<2x2500x128xi32, #tpu.memory_space<hbm>> -> memref<1x1x128xi32, #tpu.memory_space<hbm>>
        %dma_start3A_133 = tpu.memref_squeeze %dma_start3A_132 : memref<1x1x128xi32, #tpu.memory_space<hbm>> -> memref<1x128xi32, #tpu.memory_space<hbm>>
        %dma_start3A_134 = arith.constant 0 : i32
        %dma_start3A_135 = tpu.memref_slice %dma_start3A_133[%run_scoped3A_124, %dma_start3A_134] : memref<1x128xi32, #tpu.memory_space<hbm>> -> memref<1x128xi32, #tpu.memory_space<hbm>>
        %dma_start3A_136 = tpu.memref_squeeze %dma_start3A_135 : memref<1x128xi32, #tpu.memory_space<hbm>> -> memref<128xi32, #tpu.memory_space<hbm>>
        %dma_start3A_137 = arith.constant 0 : i32
        %dma_start3A_138 = tpu.memref_slice %arg3[%run_scoped3A_123, %add3A_120, %dma_start3A_137] : memref<2x2500x128xi32, #tpu.memory_space<hbm>> -> memref<1x1x128xi32, #tpu.memory_space<hbm>>
        %dma_start3A_139 = tpu.memref_squeeze %dma_start3A_138 : memref<1x1x128xi32, #tpu.memory_space<hbm>> -> memref<1x128xi32, #tpu.memory_space<hbm>>
        %dma_start3A_140 = arith.constant 0 : i32
        %dma_start3A_141 = tpu.memref_slice %dma_start3A_139[%run_scoped3A_124, %dma_start3A_140] : memref<1x128xi32, #tpu.memory_space<hbm>> -> memref<1x128xi32, #tpu.memory_space<hbm>>
        %dma_start3A_142 = tpu.memref_squeeze %dma_start3A_141 : memref<1x128xi32, #tpu.memory_space<hbm>> -> memref<128xi32, #tpu.memory_space<hbm>>
        tpu.enqueue_dma source(%dma_start3A_142 : memref<128xi32, #tpu.memory_space<hbm>>) target(%arg8 : memref<128xi32, #tpu.memory_space<vmem>>) target_semaphore(%run_scoped3A_130 : memref<!tpu.dma_semaphore, #tpu.memory_space<semaphore_mem>>)
        %dma_wait3A_143 = arith.constant 0 : i32
        %dma_wait3A_144 = tpu.memref_slice %arg3[%run_scoped3A_123, %add3A_120, %dma_wait3A_143] : memref<2x2500x128xi32, #tpu.memory_space<hbm>> -> memref<1x1x128xi32, #tpu.memory_space<hbm>>
        %dma_wait3A_145 = tpu.memref_squeeze %dma_wait3A_144 : memref<1x1x128xi32, #tpu.memory_space<hbm>> -> memref<1x128xi32, #tpu.memory_space<hbm>>
        %dma_wait3A_146 = arith.constant 0 : i32
        %dma_wait3A_147 = tpu.memref_slice %dma_wait3A_145[%run_scoped3A_124, %dma_wait3A_146] : memref<1x128xi32, #tpu.memory_space<hbm>> -> memref<1x128xi32, #tpu.memory_space<hbm>>
        %dma_wait3A_148 = tpu.memref_squeeze %dma_wait3A_147 : memref<1x128xi32, #tpu.memory_space<hbm>> -> memref<128xi32, #tpu.memory_space<hbm>>
        %dma_wait3A_149 = arith.constant 0 : i32
        %dma_wait3A_150 = tpu.memref_slice %arg3[%run_scoped3A_123, %add3A_120, %dma_wait3A_149] : memref<2x2500x128xi32, #tpu.memory_space<hbm>> -> memref<1x1x128xi32, #tpu.memory_space<hbm>>
        %dma_wait3A_151 = tpu.memref_squeeze %dma_wait3A_150 : memref<1x1x128xi32, #tpu.memory_space<hbm>> -> memref<1x128xi32, #tpu.memory_space<hbm>>
        %dma_wait3A_152 = arith.constant 0 : i32
        %dma_wait3A_153 = tpu.memref_slice %dma_wait3A_151[%run_scoped3A_124, %dma_wait3A_152] : memref<1x128xi32, #tpu.memory_space<hbm>> -> memref<1x128xi32, #tpu.memory_space<hbm>>
        %dma_wait3A_154 = tpu.memref_squeeze %dma_wait3A_153 : memref<1x128xi32, #tpu.memory_space<hbm>> -> memref<128xi32, #tpu.memory_space<hbm>>
        tpu.wait_dma2 semaphore(%run_scoped3A_130 : memref<!tpu.dma_semaphore, #tpu.memory_space<semaphore_mem>>) src(%dma_wait3A_154 : memref<128xi32, #tpu.memory_space<hbm>>) dst(%arg8 : memref<128xi32, #tpu.memory_space<vmem>>)
        tpu.yield
      }) : () -> ()
      %dma_start3A_125 = arith.constant 0 : i32
      %dma_start3A_126 = arith.constant 0 : i32
      %dma_start3A_127 = tpu.memref_slice %arg2[%dma_start3A_125, %dma_start3A_126] : memref<10000x40xf32, #tpu.memory_space<hbm>> -> memref<10000x40xf32, #tpu.memory_space<hbm>>
      tpu.enqueue_indirect_dma source(%dma_start3A_127 : memref<10000x40xf32, #tpu.memory_space<hbm>>) target(%arg9 : memref<128x40xf32, #tpu.memory_space<vmem>>) offsets(%arg7 : memref<128xi32, #tpu.memory_space<vmem>>) semaphore(%arg21 : memref<!tpu.dma_semaphore, #tpu.memory_space<semaphore_mem>>)
      %dma_wait3A = arith.constant 0 : i32
      %dma_wait3A_128 = arith.constant 0 : i32
      %dma_wait3A_129 = tpu.memref_slice %arg2[%dma_wait3A, %dma_wait3A_128] : memref<10000x40xf32, #tpu.memory_space<hbm>> -> memref<10000x40xf32, #tpu.memory_space<hbm>>
      tpu.wait_indirect_dma semaphore(%arg21 : memref<!tpu.dma_semaphore, #tpu.memory_space<semaphore_mem>>) src(%dma_wait3A_129 : memref<10000x40xf32, #tpu.memory_space<hbm>>) dst(%arg9 : memref<128x40xf32, #tpu.memory_space<vmem>>)
      "tpu.region"() ({
        %run_scoped3A_130 = tpu.sem_alloc : memref<!tpu.dma_semaphore, #tpu.memory_space<semaphore_mem>>
        %dma_start3A_131 = arith.constant 0 : i32
        %dma_start3A_132 = arith.constant 0 : i32
        %dma_start3A_133 = tpu.memref_slice %arg45[%dma_start3A_131, %dma_start3A_132] : memref<10000x40xf32, #tpu.memory_space<vmem_shared>> -> memref<10000x40xf32, #tpu.memory_space<vmem_shared>>
        tpu.enqueue_indirect_dma source(%arg9 : memref<128x40xf32, #tpu.memory_space<vmem>>) target(%dma_start3A_133 : memref<10000x40xf32, #tpu.memory_space<vmem_shared>>) offsets(%arg8 : memref<128xi32, #tpu.memory_space<vmem>>) semaphore(%run_scoped3A_130 : memref<!tpu.dma_semaphore, #tpu.memory_space<semaphore_mem>>) {add = true}
        %dma_wait3A_134 = arith.constant 0 : i32
        %dma_wait3A_135 = arith.constant 0 : i32
        %dma_wait3A_136 = tpu.memref_slice %arg45[%dma_wait3A_134, %dma_wait3A_135] : memref<10000x40xf32, #tpu.memory_space<vmem_shared>> -> memref<10000x40xf32, #tpu.memory_space<vmem_shared>>
        tpu.wait_indirect_dma semaphore(%run_scoped3A_130 : memref<!tpu.dma_semaphore, #tpu.memory_space<semaphore_mem>>) src(%arg9 : memref<128x40xf32, #tpu.memory_space<vmem>>) dst(%dma_wait3A_136 : memref<10000x40xf32, #tpu.memory_space<vmem_shared>>)
        tpu.yield
      }) : () -> ()
    } else {
    }
    %dma_start3A = arith.constant 0 : i32
    %dma_start3A_17 = arith.constant 0 : i32
    %dma_start3A_18 = tpu.memref_slice %arg5[%dma_start3A, %dma_start3A_17] : memref<78x128xi32, #tpu.memory_space<vmem>> -> memref<1x128xi32, #tpu.memory_space<vmem>>
    %dma_start3A_19 = tpu.memref_squeeze %dma_start3A_18 : memref<1x128xi32, #tpu.memory_space<vmem>> -> memref<128xi32, #tpu.memory_space<vmem>>
    %dma_start3A_20 = arith.constant 0 : i32
    %dma_start3A_21 = arith.constant 0 : i32
    %dma_start3A_22 = tpu.memref_slice %arg2[%dma_start3A_20, %dma_start3A_21] : memref<10000x40xf32, #tpu.memory_space<hbm>> -> memref<10000x40xf32, #tpu.memory_space<hbm>>
    tpu.enqueue_indirect_dma source(%dma_start3A_22 : memref<10000x40xf32, #tpu.memory_space<hbm>>) target(%arg9 : memref<128x40xf32, #tpu.memory_space<vmem>>) offsets(%dma_start3A_19 : memref<128xi32, #tpu.memory_space<vmem>>) semaphore(%arg21 : memref<!tpu.dma_semaphore, #tpu.memory_space<semaphore_mem>>)
    %dma_start3A_23 = arith.constant 1 : i32
    %dma_start3A_24 = arith.constant 0 : i32
    %dma_start3A_25 = tpu.memref_slice %arg5[%dma_start3A_23, %dma_start3A_24] : memref<78x128xi32, #tpu.memory_space<vmem>> -> memref<1x128xi32, #tpu.memory_space<vmem>>
    %dma_start3A_26 = tpu.memref_squeeze %dma_start3A_25 : memref<1x128xi32, #tpu.memory_space<vmem>> -> memref<128xi32, #tpu.memory_space<vmem>>
    %dma_start3A_27 = arith.constant 0 : i32
    %dma_start3A_28 = arith.constant 0 : i32
    %dma_start3A_29 = tpu.memref_slice %arg2[%dma_start3A_27, %dma_start3A_28] : memref<10000x40xf32, #tpu.memory_space<hbm>> -> memref<10000x40xf32, #tpu.memory_space<hbm>>
    tpu.enqueue_indirect_dma source(%dma_start3A_29 : memref<10000x40xf32, #tpu.memory_space<hbm>>) target(%arg10 : memref<128x40xf32, #tpu.memory_space<vmem>>) offsets(%dma_start3A_26 : memref<128xi32, #tpu.memory_space<vmem>>) semaphore(%arg22 : memref<!tpu.dma_semaphore, #tpu.memory_space<semaphore_mem>>)
    %dma_start3A_30 = arith.constant 2 : i32
    %dma_start3A_31 = arith.constant 0 : i32
    %dma_start3A_32 = tpu.memref_slice %arg5[%dma_start3A_30, %dma_start3A_31] : memref<78x128xi32, #tpu.memory_space<vmem>> -> memref<1x128xi32, #tpu.memory_space<vmem>>
    %dma_start3A_33 = tpu.memref_squeeze %dma_start3A_32 : memref<1x128xi32, #tpu.memory_space<vmem>> -> memref<128xi32, #tpu.memory_space<vmem>>
    %dma_start3A_34 = arith.constant 0 : i32
    %dma_start3A_35 = arith.constant 0 : i32
    %dma_start3A_36 = tpu.memref_slice %arg2[%dma_start3A_34, %dma_start3A_35] : memref<10000x40xf32, #tpu.memory_space<hbm>> -> memref<10000x40xf32, #tpu.memory_space<hbm>>
    tpu.enqueue_indirect_dma source(%dma_start3A_36 : memref<10000x40xf32, #tpu.memory_space<hbm>>) target(%arg11 : memref<128x40xf32, #tpu.memory_space<vmem>>) offsets(%dma_start3A_33 : memref<128xi32, #tpu.memory_space<vmem>>) semaphore(%arg23 : memref<!tpu.dma_semaphore, #tpu.memory_space<semaphore_mem>>)
    %dma_start3A_37 = arith.constant 3 : i32
    %dma_start3A_38 = arith.constant 0 : i32
    %dma_start3A_39 = tpu.memref_slice %arg5[%dma_start3A_37, %dma_start3A_38] : memref<78x128xi32, #tpu.memory_space<vmem>> -> memref<1x128xi32, #tpu.memory_space<vmem>>
    %dma_start3A_40 = tpu.memref_squeeze %dma_start3A_39 : memref<1x128xi32, #tpu.memory_space<vmem>> -> memref<128xi32, #tpu.memory_space<vmem>>
    %dma_start3A_41 = arith.constant 0 : i32
    %dma_start3A_42 = arith.constant 0 : i32
    %dma_start3A_43 = tpu.memref_slice %arg2[%dma_start3A_41, %dma_start3A_42] : memref<10000x40xf32, #tpu.memory_space<hbm>> -> memref<10000x40xf32, #tpu.memory_space<hbm>>
    tpu.enqueue_indirect_dma source(%dma_start3A_43 : memref<10000x40xf32, #tpu.memory_space<hbm>>) target(%arg12 : memref<128x40xf32, #tpu.memory_space<vmem>>) offsets(%dma_start3A_40 : memref<128xi32, #tpu.memory_space<vmem>>) semaphore(%arg24 : memref<!tpu.dma_semaphore, #tpu.memory_space<semaphore_mem>>)
    %dma_start3A_44 = arith.constant 4 : i32
    %dma_start3A_45 = arith.constant 0 : i32
    %dma_start3A_46 = tpu.memref_slice %arg5[%dma_start3A_44, %dma_start3A_45] : memref<78x128xi32, #tpu.memory_space<vmem>> -> memref<1x128xi32, #tpu.memory_space<vmem>>
    %dma_start3A_47 = tpu.memref_squeeze %dma_start3A_46 : memref<1x128xi32, #tpu.memory_space<vmem>> -> memref<128xi32, #tpu.memory_space<vmem>>
    %dma_start3A_48 = arith.constant 0 : i32
    %dma_start3A_49 = arith.constant 0 : i32
    %dma_start3A_50 = tpu.memref_slice %arg2[%dma_start3A_48, %dma_start3A_49] : memref<10000x40xf32, #tpu.memory_space<hbm>> -> memref<10000x40xf32, #tpu.memory_space<hbm>>
    tpu.enqueue_indirect_dma source(%dma_start3A_50 : memref<10000x40xf32, #tpu.memory_space<hbm>>) target(%arg13 : memref<128x40xf32, #tpu.memory_space<vmem>>) offsets(%dma_start3A_47 : memref<128xi32, #tpu.memory_space<vmem>>) semaphore(%arg25 : memref<!tpu.dma_semaphore, #tpu.memory_space<semaphore_mem>>)
    %dma_start3A_51 = arith.constant 5 : i32
    %dma_start3A_52 = arith.constant 0 : i32
    %dma_start3A_53 = tpu.memref_slice %arg5[%dma_start3A_51, %dma_start3A_52] : memref<78x128xi32, #tpu.memory_space<vmem>> -> memref<1x128xi32, #tpu.memory_space<vmem>>
    %dma_start3A_54 = tpu.memref_squeeze %dma_start3A_53 : memref<1x128xi32, #tpu.memory_space<vmem>> -> memref<128xi32, #tpu.memory_space<vmem>>
    %dma_start3A_55 = arith.constant 0 : i32
    %dma_start3A_56 = arith.constant 0 : i32
    %dma_start3A_57 = tpu.memref_slice %arg2[%dma_start3A_55, %dma_start3A_56] : memref<10000x40xf32, #tpu.memory_space<hbm>> -> memref<10000x40xf32, #tpu.memory_space<hbm>>
    tpu.enqueue_indirect_dma source(%dma_start3A_57 : memref<10000x40xf32, #tpu.memory_space<hbm>>) target(%arg14 : memref<128x40xf32, #tpu.memory_space<vmem>>) offsets(%dma_start3A_54 : memref<128xi32, #tpu.memory_space<vmem>>) semaphore(%arg26 : memref<!tpu.dma_semaphore, #tpu.memory_space<semaphore_mem>>)
    %dma_start3A_58 = arith.constant 6 : i32
    %dma_start3A_59 = arith.constant 0 : i32
    %dma_start3A_60 = tpu.memref_slice %arg5[%dma_start3A_58, %dma_start3A_59] : memref<78x128xi32, #tpu.memory_space<vmem>> -> memref<1x128xi32, #tpu.memory_space<vmem>>
    %dma_start3A_61 = tpu.memref_squeeze %dma_start3A_60 : memref<1x128xi32, #tpu.memory_space<vmem>> -> memref<128xi32, #tpu.memory_space<vmem>>
    %dma_start3A_62 = arith.constant 0 : i32
    %dma_start3A_63 = arith.constant 0 : i32
    %dma_start3A_64 = tpu.memref_slice %arg2[%dma_start3A_62, %dma_start3A_63] : memref<10000x40xf32, #tpu.memory_space<hbm>> -> memref<10000x40xf32, #tpu.memory_space<hbm>>
    tpu.enqueue_indirect_dma source(%dma_start3A_64 : memref<10000x40xf32, #tpu.memory_space<hbm>>) target(%arg15 : memref<128x40xf32, #tpu.memory_space<vmem>>) offsets(%dma_start3A_61 : memref<128xi32, #tpu.memory_space<vmem>>) semaphore(%arg27 : memref<!tpu.dma_semaphore, #tpu.memory_space<semaphore_mem>>)
    %dma_start3A_65 = arith.constant 7 : i32
    %dma_start3A_66 = arith.constant 0 : i32
    %dma_start3A_67 = tpu.memref_slice %arg5[%dma_start3A_65, %dma_start3A_66] : memref<78x128xi32, #tpu.memory_space<vmem>> -> memref<1x128xi32, #tpu.memory_space<vmem>>
    %dma_start3A_68 = tpu.memref_squeeze %dma_start3A_67 : memref<1x128xi32, #tpu.memory_space<vmem>> -> memref<128xi32, #tpu.memory_space<vmem>>
    %dma_start3A_69 = arith.constant 0 : i32
    %dma_start3A_70 = arith.constant 0 : i32
    %dma_start3A_71 = tpu.memref_slice %arg2[%dma_start3A_69, %dma_start3A_70] : memref<10000x40xf32, #tpu.memory_space<hbm>> -> memref<10000x40xf32, #tpu.memory_space<hbm>>
    tpu.enqueue_indirect_dma source(%dma_start3A_71 : memref<10000x40xf32, #tpu.memory_space<hbm>>) target(%arg16 : memref<128x40xf32, #tpu.memory_space<vmem>>) offsets(%dma_start3A_68 : memref<128xi32, #tpu.memory_space<vmem>>) semaphore(%arg28 : memref<!tpu.dma_semaphore, #tpu.memory_space<semaphore_mem>>)
    %dma_start3A_72 = arith.constant 8 : i32
    %dma_start3A_73 = arith.constant 0 : i32
    %dma_start3A_74 = tpu.memref_slice %arg5[%dma_start3A_72, %dma_start3A_73] : memref<78x128xi32, #tpu.memory_space<vmem>> -> memref<1x128xi32, #tpu.memory_space<vmem>>
    %dma_start3A_75 = tpu.memref_squeeze %dma_start3A_74 : memref<1x128xi32, #tpu.memory_space<vmem>> -> memref<128xi32, #tpu.memory_space<vmem>>
    %dma_start3A_76 = arith.constant 0 : i32
    %dma_start3A_77 = arith.constant 0 : i32
    %dma_start3A_78 = tpu.memref_slice %arg2[%dma_start3A_76, %dma_start3A_77] : memref<10000x40xf32, #tpu.memory_space<hbm>> -> memref<10000x40xf32, #tpu.memory_space<hbm>>
    tpu.enqueue_indirect_dma source(%dma_start3A_78 : memref<10000x40xf32, #tpu.memory_space<hbm>>) target(%arg17 : memref<128x40xf32, #tpu.memory_space<vmem>>) offsets(%dma_start3A_75 : memref<128xi32, #tpu.memory_space<vmem>>) semaphore(%arg29 : memref<!tpu.dma_semaphore, #tpu.memory_space<semaphore_mem>>)
    %dma_start3A_79 = arith.constant 9 : i32
    %dma_start3A_80 = arith.constant 0 : i32
    %dma_start3A_81 = tpu.memref_slice %arg5[%dma_start3A_79, %dma_start3A_80] : memref<78x128xi32, #tpu.memory_space<vmem>> -> memref<1x128xi32, #tpu.memory_space<vmem>>
    %dma_start3A_82 = tpu.memref_squeeze %dma_start3A_81 : memref<1x128xi32, #tpu.memory_space<vmem>> -> memref<128xi32, #tpu.memory_space<vmem>>
    %dma_start3A_83 = arith.constant 0 : i32
    %dma_start3A_84 = arith.constant 0 : i32
    %dma_start3A_85 = tpu.memref_slice %arg2[%dma_start3A_83, %dma_start3A_84] : memref<10000x40xf32, #tpu.memory_space<hbm>> -> memref<10000x40xf32, #tpu.memory_space<hbm>>
    tpu.enqueue_indirect_dma source(%dma_start3A_85 : memref<10000x40xf32, #tpu.memory_space<hbm>>) target(%arg18 : memref<128x40xf32, #tpu.memory_space<vmem>>) offsets(%dma_start3A_82 : memref<128xi32, #tpu.memory_space<vmem>>) semaphore(%arg30 : memref<!tpu.dma_semaphore, #tpu.memory_space<semaphore_mem>>)
    %dma_start3A_86 = arith.constant 10 : i32
    %dma_start3A_87 = arith.constant 0 : i32
    %dma_start3A_88 = tpu.memref_slice %arg5[%dma_start3A_86, %dma_start3A_87] : memref<78x128xi32, #tpu.memory_space<vmem>> -> memref<1x128xi32, #tpu.memory_space<vmem>>
    %dma_start3A_89 = tpu.memref_squeeze %dma_start3A_88 : memref<1x128xi32, #tpu.memory_space<vmem>> -> memref<128xi32, #tpu.memory_space<vmem>>
    %dma_start3A_90 = arith.constant 0 : i32
    %dma_start3A_91 = arith.constant 0 : i32
    %dma_start3A_92 = tpu.memref_slice %arg2[%dma_start3A_90, %dma_start3A_91] : memref<10000x40xf32, #tpu.memory_space<hbm>> -> memref<10000x40xf32, #tpu.memory_space<hbm>>
    tpu.enqueue_indirect_dma source(%dma_start3A_92 : memref<10000x40xf32, #tpu.memory_space<hbm>>) target(%arg19 : memref<128x40xf32, #tpu.memory_space<vmem>>) offsets(%dma_start3A_89 : memref<128xi32, #tpu.memory_space<vmem>>) semaphore(%arg31 : memref<!tpu.dma_semaphore, #tpu.memory_space<semaphore_mem>>)
    %dma_start3A_93 = arith.constant 11 : i32
    %dma_start3A_94 = arith.constant 0 : i32
    %dma_start3A_95 = tpu.memref_slice %arg5[%dma_start3A_93, %dma_start3A_94] : memref<78x128xi32, #tpu.memory_space<vmem>> -> memref<1x128xi32, #tpu.memory_space<vmem>>
    %dma_start3A_96 = tpu.memref_squeeze %dma_start3A_95 : memref<1x128xi32, #tpu.memory_space<vmem>> -> memref<128xi32, #tpu.memory_space<vmem>>
    %dma_start3A_97 = arith.constant 0 : i32
    %dma_start3A_98 = arith.constant 0 : i32
    %dma_start3A_99 = tpu.memref_slice %arg2[%dma_start3A_97, %dma_start3A_98] : memref<10000x40xf32, #tpu.memory_space<hbm>> -> memref<10000x40xf32, #tpu.memory_space<hbm>>
    tpu.enqueue_indirect_dma source(%dma_start3A_99 : memref<10000x40xf32, #tpu.memory_space<hbm>>) target(%arg20 : memref<128x40xf32, #tpu.memory_space<vmem>>) offsets(%dma_start3A_96 : memref<128xi32, #tpu.memory_space<vmem>>) semaphore(%arg32 : memref<!tpu.dma_semaphore, #tpu.memory_space<semaphore_mem>>)
    %scan3A = arith.constant 0 : i32
    %scan3A_100 = arith.constant 0 : i32
    %scan3A_101 = arith.constant 7 : i32
    %scan3A_102 = arith.addi %scan3A_100, %scan3A_101 : i32
    %scan3A_103 = arith.constant 1 : i32
    scf.for %scan3A_119 = %scan3A_100 to %scan3A_102 step %scan3A_103  : i32 {
      %mul3A_120 = arith.constant 12 : i32
      %mul3A_121 = arith.muli %scan3A_119, %mul3A_120 : i32
      %add3A_122 = arith.constant 0 : i32
      %add3A_123 = arith.addi %mul3A_121, %add3A_122 : i32
      %lt3A_124 = arith.constant 78 : i32
      %lt3A_125 = arith.cmpi slt, %add3A_123, %lt3A_124 : i32
      %convert_element_type3A_126 = arith.extui %lt3A_125 : i1 to i32
      %cond3A_127 = arith.constant 0 : i32
      %cond3A_128 = arith.cmpi ne, %convert_element_type3A_126, %cond3A_127 : i32
      scf.if %cond3A_128 {
        %dma_wait3A = arith.constant 0 : i32
        %dma_wait3A_374 = tpu.memref_slice %arg5[%add3A_123, %dma_wait3A] : memref<78x128xi32, #tpu.memory_space<vmem>> -> memref<1x128xi32, #tpu.memory_space<vmem>>
        %dma_wait3A_375 = tpu.memref_squeeze %dma_wait3A_374 : memref<1x128xi32, #tpu.memory_space<vmem>> -> memref<128xi32, #tpu.memory_space<vmem>>
        %dma_wait3A_376 = arith.constant 0 : i32
        %dma_wait3A_377 = arith.constant 0 : i32
        %dma_wait3A_378 = tpu.memref_slice %arg2[%dma_wait3A_376, %dma_wait3A_377] : memref<10000x40xf32, #tpu.memory_space<hbm>> -> memref<10000x40xf32, #tpu.memory_space<hbm>>
        tpu.wait_indirect_dma semaphore(%arg21 : memref<!tpu.dma_semaphore, #tpu.memory_space<semaphore_mem>>) src(%dma_wait3A_378 : memref<10000x40xf32, #tpu.memory_space<hbm>>) dst(%arg9 : memref<128x40xf32, #tpu.memory_space<vmem>>)
        %dma_start3A_379 = arith.constant 0 : i32
        %dma_start3A_380 = tpu.memref_slice %arg6[%add3A_123, %dma_start3A_379] : memref<78x128xi32, #tpu.memory_space<vmem>> -> memref<1x128xi32, #tpu.memory_space<vmem>>
        %dma_start3A_381 = tpu.memref_squeeze %dma_start3A_380 : memref<1x128xi32, #tpu.memory_space<vmem>> -> memref<128xi32, #tpu.memory_space<vmem>>
        %dma_start3A_382 = arith.constant 0 : i32
        %dma_start3A_383 = arith.constant 0 : i32
        %dma_start3A_384 = tpu.memref_slice %arg45[%dma_start3A_382, %dma_start3A_383] : memref<10000x40xf32, #tpu.memory_space<vmem_shared>> -> memref<10000x40xf32, #tpu.memory_space<vmem_shared>>
        tpu.enqueue_indirect_dma source(%arg9 : memref<128x40xf32, #tpu.memory_space<vmem>>) target(%dma_start3A_384 : memref<10000x40xf32, #tpu.memory_space<vmem_shared>>) offsets(%dma_start3A_381 : memref<128xi32, #tpu.memory_space<vmem>>) semaphore(%arg33 : memref<!tpu.dma_semaphore, #tpu.memory_space<semaphore_mem>>) {add = true}
      } else {
      }
      %add3A_129 = arith.constant 1 : i32
      %add3A_130 = arith.addi %mul3A_121, %add3A_129 : i32
      %lt3A_131 = arith.constant 78 : i32
      %lt3A_132 = arith.cmpi slt, %add3A_130, %lt3A_131 : i32
      %convert_element_type3A_133 = arith.extui %lt3A_132 : i1 to i32
      %cond3A_134 = arith.constant 0 : i32
      %cond3A_135 = arith.cmpi ne, %convert_element_type3A_133, %cond3A_134 : i32
      scf.if %cond3A_135 {
        %dma_wait3A = arith.constant 0 : i32
        %dma_wait3A_374 = tpu.memref_slice %arg5[%add3A_130, %dma_wait3A] : memref<78x128xi32, #tpu.memory_space<vmem>> -> memref<1x128xi32, #tpu.memory_space<vmem>>
        %dma_wait3A_375 = tpu.memref_squeeze %dma_wait3A_374 : memref<1x128xi32, #tpu.memory_space<vmem>> -> memref<128xi32, #tpu.memory_space<vmem>>
        %dma_wait3A_376 = arith.constant 0 : i32
        %dma_wait3A_377 = arith.constant 0 : i32
        %dma_wait3A_378 = tpu.memref_slice %arg2[%dma_wait3A_376, %dma_wait3A_377] : memref<10000x40xf32, #tpu.memory_space<hbm>> -> memref<10000x40xf32, #tpu.memory_space<hbm>>
        tpu.wait_indirect_dma semaphore(%arg22 : memref<!tpu.dma_semaphore, #tpu.memory_space<semaphore_mem>>) src(%dma_wait3A_378 : memref<10000x40xf32, #tpu.memory_space<hbm>>) dst(%arg10 : memref<128x40xf32, #tpu.memory_space<vmem>>)
        %dma_start3A_379 = arith.constant 0 : i32
        %dma_start3A_380 = tpu.memref_slice %arg6[%add3A_130, %dma_start3A_379] : memref<78x128xi32, #tpu.memory_space<vmem>> -> memref<1x128xi32, #tpu.memory_space<vmem>>
        %dma_start3A_381 = tpu.memref_squeeze %dma_start3A_380 : memref<1x128xi32, #tpu.memory_space<vmem>> -> memref<128xi32, #tpu.memory_space<vmem>>
        %dma_start3A_382 = arith.constant 0 : i32
        %dma_start3A_383 = arith.constant 0 : i32
        %dma_start3A_384 = tpu.memref_slice %arg45[%dma_start3A_382, %dma_start3A_383] : memref<10000x40xf32, #tpu.memory_space<vmem_shared>> -> memref<10000x40xf32, #tpu.memory_space<vmem_shared>>
        tpu.enqueue_indirect_dma source(%arg10 : memref<128x40xf32, #tpu.memory_space<vmem>>) target(%dma_start3A_384 : memref<10000x40xf32, #tpu.memory_space<vmem_shared>>) offsets(%dma_start3A_381 : memref<128xi32, #tpu.memory_space<vmem>>) semaphore(%arg34 : memref<!tpu.dma_semaphore, #tpu.memory_space<semaphore_mem>>) {add = true}
      } else {
      }
      %add3A_136 = arith.constant 2 : i32
      %add3A_137 = arith.addi %mul3A_121, %add3A_136 : i32
      %lt3A_138 = arith.constant 78 : i32
      %lt3A_139 = arith.cmpi slt, %add3A_137, %lt3A_138 : i32
      %convert_element_type3A_140 = arith.extui %lt3A_139 : i1 to i32
      %cond3A_141 = arith.constant 0 : i32
      %cond3A_142 = arith.cmpi ne, %convert_element_type3A_140, %cond3A_141 : i32
      scf.if %cond3A_142 {
        %dma_wait3A = arith.constant 0 : i32
        %dma_wait3A_374 = tpu.memref_slice %arg5[%add3A_137, %dma_wait3A] : memref<78x128xi32, #tpu.memory_space<vmem>> -> memref<1x128xi32, #tpu.memory_space<vmem>>
        %dma_wait3A_375 = tpu.memref_squeeze %dma_wait3A_374 : memref<1x128xi32, #tpu.memory_space<vmem>> -> memref<128xi32, #tpu.memory_space<vmem>>
        %dma_wait3A_376 = arith.constant 0 : i32
        %dma_wait3A_377 = arith.constant 0 : i32
        %dma_wait3A_378 = tpu.memref_slice %arg2[%dma_wait3A_376, %dma_wait3A_377] : memref<10000x40xf32, #tpu.memory_space<hbm>> -> memref<10000x40xf32, #tpu.memory_space<hbm>>
        tpu.wait_indirect_dma semaphore(%arg23 : memref<!tpu.dma_semaphore, #tpu.memory_space<semaphore_mem>>) src(%dma_wait3A_378 : memref<10000x40xf32, #tpu.memory_space<hbm>>) dst(%arg11 : memref<128x40xf32, #tpu.memory_space<vmem>>)
        %dma_start3A_379 = arith.constant 0 : i32
        %dma_start3A_380 = tpu.memref_slice %arg6[%add3A_137, %dma_start3A_379] : memref<78x128xi32, #tpu.memory_space<vmem>> -> memref<1x128xi32, #tpu.memory_space<vmem>>
        %dma_start3A_381 = tpu.memref_squeeze %dma_start3A_380 : memref<1x128xi32, #tpu.memory_space<vmem>> -> memref<128xi32, #tpu.memory_space<vmem>>
        %dma_start3A_382 = arith.constant 0 : i32
        %dma_start3A_383 = arith.constant 0 : i32
        %dma_start3A_384 = tpu.memref_slice %arg45[%dma_start3A_382, %dma_start3A_383] : memref<10000x40xf32, #tpu.memory_space<vmem_shared>> -> memref<10000x40xf32, #tpu.memory_space<vmem_shared>>
        tpu.enqueue_indirect_dma source(%arg11 : memref<128x40xf32, #tpu.memory_space<vmem>>) target(%dma_start3A_384 : memref<10000x40xf32, #tpu.memory_space<vmem_shared>>) offsets(%dma_start3A_381 : memref<128xi32, #tpu.memory_space<vmem>>) semaphore(%arg35 : memref<!tpu.dma_semaphore, #tpu.memory_space<semaphore_mem>>) {add = true}
      } else {
      }
      %add3A_143 = arith.constant 3 : i32
      %add3A_144 = arith.addi %mul3A_121, %add3A_143 : i32
      %lt3A_145 = arith.constant 78 : i32
      %lt3A_146 = arith.cmpi slt, %add3A_144, %lt3A_145 : i32
      %convert_element_type3A_147 = arith.extui %lt3A_146 : i1 to i32
      %cond3A_148 = arith.constant 0 : i32
      %cond3A_149 = arith.cmpi ne, %convert_element_type3A_147, %cond3A_148 : i32
      scf.if %cond3A_149 {
        %dma_wait3A = arith.constant 0 : i32
        %dma_wait3A_374 = tpu.memref_slice %arg5[%add3A_144, %dma_wait3A] : memref<78x128xi32, #tpu.memory_space<vmem>> -> memref<1x128xi32, #tpu.memory_space<vmem>>
        %dma_wait3A_375 = tpu.memref_squeeze %dma_wait3A_374 : memref<1x128xi32, #tpu.memory_space<vmem>> -> memref<128xi32, #tpu.memory_space<vmem>>
        %dma_wait3A_376 = arith.constant 0 : i32
        %dma_wait3A_377 = arith.constant 0 : i32
        %dma_wait3A_378 = tpu.memref_slice %arg2[%dma_wait3A_376, %dma_wait3A_377] : memref<10000x40xf32, #tpu.memory_space<hbm>> -> memref<10000x40xf32, #tpu.memory_space<hbm>>
        tpu.wait_indirect_dma semaphore(%arg24 : memref<!tpu.dma_semaphore, #tpu.memory_space<semaphore_mem>>) src(%dma_wait3A_378 : memref<10000x40xf32, #tpu.memory_space<hbm>>) dst(%arg12 : memref<128x40xf32, #tpu.memory_space<vmem>>)
        %dma_start3A_379 = arith.constant 0 : i32
        %dma_start3A_380 = tpu.memref_slice %arg6[%add3A_144, %dma_start3A_379] : memref<78x128xi32, #tpu.memory_space<vmem>> -> memref<1x128xi32, #tpu.memory_space<vmem>>
        %dma_start3A_381 = tpu.memref_squeeze %dma_start3A_380 : memref<1x128xi32, #tpu.memory_space<vmem>> -> memref<128xi32, #tpu.memory_space<vmem>>
        %dma_start3A_382 = arith.constant 0 : i32
        %dma_start3A_383 = arith.constant 0 : i32
        %dma_start3A_384 = tpu.memref_slice %arg45[%dma_start3A_382, %dma_start3A_383] : memref<10000x40xf32, #tpu.memory_space<vmem_shared>> -> memref<10000x40xf32, #tpu.memory_space<vmem_shared>>
        tpu.enqueue_indirect_dma source(%arg12 : memref<128x40xf32, #tpu.memory_space<vmem>>) target(%dma_start3A_384 : memref<10000x40xf32, #tpu.memory_space<vmem_shared>>) offsets(%dma_start3A_381 : memref<128xi32, #tpu.memory_space<vmem>>) semaphore(%arg36 : memref<!tpu.dma_semaphore, #tpu.memory_space<semaphore_mem>>) {add = true}
      } else {
      }
      %add3A_150 = arith.constant 4 : i32
      %add3A_151 = arith.addi %mul3A_121, %add3A_150 : i32
      %lt3A_152 = arith.constant 78 : i32
      %lt3A_153 = arith.cmpi slt, %add3A_151, %lt3A_152 : i32
      %convert_element_type3A_154 = arith.extui %lt3A_153 : i1 to i32
      %cond3A_155 = arith.constant 0 : i32
      %cond3A_156 = arith.cmpi ne, %convert_element_type3A_154, %cond3A_155 : i32
      scf.if %cond3A_156 {
        %dma_wait3A = arith.constant 0 : i32
        %dma_wait3A_374 = tpu.memref_slice %arg5[%add3A_151, %dma_wait3A] : memref<78x128xi32, #tpu.memory_space<vmem>> -> memref<1x128xi32, #tpu.memory_space<vmem>>
        %dma_wait3A_375 = tpu.memref_squeeze %dma_wait3A_374 : memref<1x128xi32, #tpu.memory_space<vmem>> -> memref<128xi32, #tpu.memory_space<vmem>>
        %dma_wait3A_376 = arith.constant 0 : i32
        %dma_wait3A_377 = arith.constant 0 : i32
        %dma_wait3A_378 = tpu.memref_slice %arg2[%dma_wait3A_376, %dma_wait3A_377] : memref<10000x40xf32, #tpu.memory_space<hbm>> -> memref<10000x40xf32, #tpu.memory_space<hbm>>
        tpu.wait_indirect_dma semaphore(%arg25 : memref<!tpu.dma_semaphore, #tpu.memory_space<semaphore_mem>>) src(%dma_wait3A_378 : memref<10000x40xf32, #tpu.memory_space<hbm>>) dst(%arg13 : memref<128x40xf32, #tpu.memory_space<vmem>>)
        %dma_start3A_379 = arith.constant 0 : i32
        %dma_start3A_380 = tpu.memref_slice %arg6[%add3A_151, %dma_start3A_379] : memref<78x128xi32, #tpu.memory_space<vmem>> -> memref<1x128xi32, #tpu.memory_space<vmem>>
        %dma_start3A_381 = tpu.memref_squeeze %dma_start3A_380 : memref<1x128xi32, #tpu.memory_space<vmem>> -> memref<128xi32, #tpu.memory_space<vmem>>
        %dma_start3A_382 = arith.constant 0 : i32
        %dma_start3A_383 = arith.constant 0 : i32
        %dma_start3A_384 = tpu.memref_slice %arg45[%dma_start3A_382, %dma_start3A_383] : memref<10000x40xf32, #tpu.memory_space<vmem_shared>> -> memref<10000x40xf32, #tpu.memory_space<vmem_shared>>
        tpu.enqueue_indirect_dma source(%arg13 : memref<128x40xf32, #tpu.memory_space<vmem>>) target(%dma_start3A_384 : memref<10000x40xf32, #tpu.memory_space<vmem_shared>>) offsets(%dma_start3A_381 : memref<128xi32, #tpu.memory_space<vmem>>) semaphore(%arg37 : memref<!tpu.dma_semaphore, #tpu.memory_space<semaphore_mem>>) {add = true}
      } else {
      }
      %add3A_157 = arith.constant 5 : i32
      %add3A_158 = arith.addi %mul3A_121, %add3A_157 : i32
      %lt3A_159 = arith.constant 78 : i32
      %lt3A_160 = arith.cmpi slt, %add3A_158, %lt3A_159 : i32
      %convert_element_type3A_161 = arith.extui %lt3A_160 : i1 to i32
      %cond3A_162 = arith.constant 0 : i32
      %cond3A_163 = arith.cmpi ne, %convert_element_type3A_161, %cond3A_162 : i32
      scf.if %cond3A_163 {
        %dma_wait3A = arith.constant 0 : i32
        %dma_wait3A_374 = tpu.memref_slice %arg5[%add3A_158, %dma_wait3A] : memref<78x128xi32, #tpu.memory_space<vmem>> -> memref<1x128xi32, #tpu.memory_space<vmem>>
        %dma_wait3A_375 = tpu.memref_squeeze %dma_wait3A_374 : memref<1x128xi32, #tpu.memory_space<vmem>> -> memref<128xi32, #tpu.memory_space<vmem>>
        %dma_wait3A_376 = arith.constant 0 : i32
        %dma_wait3A_377 = arith.constant 0 : i32
        %dma_wait3A_378 = tpu.memref_slice %arg2[%dma_wait3A_376, %dma_wait3A_377] : memref<10000x40xf32, #tpu.memory_space<hbm>> -> memref<10000x40xf32, #tpu.memory_space<hbm>>
        tpu.wait_indirect_dma semaphore(%arg26 : memref<!tpu.dma_semaphore, #tpu.memory_space<semaphore_mem>>) src(%dma_wait3A_378 : memref<10000x40xf32, #tpu.memory_space<hbm>>) dst(%arg14 : memref<128x40xf32, #tpu.memory_space<vmem>>)
        %dma_start3A_379 = arith.constant 0 : i32
        %dma_start3A_380 = tpu.memref_slice %arg6[%add3A_158, %dma_start3A_379] : memref<78x128xi32, #tpu.memory_space<vmem>> -> memref<1x128xi32, #tpu.memory_space<vmem>>
        %dma_start3A_381 = tpu.memref_squeeze %dma_start3A_380 : memref<1x128xi32, #tpu.memory_space<vmem>> -> memref<128xi32, #tpu.memory_space<vmem>>
        %dma_start3A_382 = arith.constant 0 : i32
        %dma_start3A_383 = arith.constant 0 : i32
        %dma_start3A_384 = tpu.memref_slice %arg45[%dma_start3A_382, %dma_start3A_383] : memref<10000x40xf32, #tpu.memory_space<vmem_shared>> -> memref<10000x40xf32, #tpu.memory_space<vmem_shared>>
        tpu.enqueue_indirect_dma source(%arg14 : memref<128x40xf32, #tpu.memory_space<vmem>>) target(%dma_start3A_384 : memref<10000x40xf32, #tpu.memory_space<vmem_shared>>) offsets(%dma_start3A_381 : memref<128xi32, #tpu.memory_space<vmem>>) semaphore(%arg38 : memref<!tpu.dma_semaphore, #tpu.memory_space<semaphore_mem>>) {add = true}
      } else {
      }
      %add3A_164 = arith.constant 6 : i32
      %add3A_165 = arith.addi %mul3A_121, %add3A_164 : i32
      %lt3A_166 = arith.constant 78 : i32
      %lt3A_167 = arith.cmpi slt, %add3A_165, %lt3A_166 : i32
      %convert_element_type3A_168 = arith.extui %lt3A_167 : i1 to i32
      %cond3A_169 = arith.constant 0 : i32
      %cond3A_170 = arith.cmpi ne, %convert_element_type3A_168, %cond3A_169 : i32
      scf.if %cond3A_170 {
        %dma_wait3A = arith.constant 0 : i32
        %dma_wait3A_374 = tpu.memref_slice %arg5[%add3A_165, %dma_wait3A] : memref<78x128xi32, #tpu.memory_space<vmem>> -> memref<1x128xi32, #tpu.memory_space<vmem>>
        %dma_wait3A_375 = tpu.memref_squeeze %dma_wait3A_374 : memref<1x128xi32, #tpu.memory_space<vmem>> -> memref<128xi32, #tpu.memory_space<vmem>>
        %dma_wait3A_376 = arith.constant 0 : i32
        %dma_wait3A_377 = arith.constant 0 : i32
        %dma_wait3A_378 = tpu.memref_slice %arg2[%dma_wait3A_376, %dma_wait3A_377] : memref<10000x40xf32, #tpu.memory_space<hbm>> -> memref<10000x40xf32, #tpu.memory_space<hbm>>
        tpu.wait_indirect_dma semaphore(%arg27 : memref<!tpu.dma_semaphore, #tpu.memory_space<semaphore_mem>>) src(%dma_wait3A_378 : memref<10000x40xf32, #tpu.memory_space<hbm>>) dst(%arg15 : memref<128x40xf32, #tpu.memory_space<vmem>>)
        %dma_start3A_379 = arith.constant 0 : i32
        %dma_start3A_380 = tpu.memref_slice %arg6[%add3A_165, %dma_start3A_379] : memref<78x128xi32, #tpu.memory_space<vmem>> -> memref<1x128xi32, #tpu.memory_space<vmem>>
        %dma_start3A_381 = tpu.memref_squeeze %dma_start3A_380 : memref<1x128xi32, #tpu.memory_space<vmem>> -> memref<128xi32, #tpu.memory_space<vmem>>
        %dma_start3A_382 = arith.constant 0 : i32
        %dma_start3A_383 = arith.constant 0 : i32
        %dma_start3A_384 = tpu.memref_slice %arg45[%dma_start3A_382, %dma_start3A_383] : memref<10000x40xf32, #tpu.memory_space<vmem_shared>> -> memref<10000x40xf32, #tpu.memory_space<vmem_shared>>
        tpu.enqueue_indirect_dma source(%arg15 : memref<128x40xf32, #tpu.memory_space<vmem>>) target(%dma_start3A_384 : memref<10000x40xf32, #tpu.memory_space<vmem_shared>>) offsets(%dma_start3A_381 : memref<128xi32, #tpu.memory_space<vmem>>) semaphore(%arg39 : memref<!tpu.dma_semaphore, #tpu.memory_space<semaphore_mem>>) {add = true}
      } else {
      }
      %add3A_171 = arith.constant 7 : i32
      %add3A_172 = arith.addi %mul3A_121, %add3A_171 : i32
      %lt3A_173 = arith.constant 78 : i32
      %lt3A_174 = arith.cmpi slt, %add3A_172, %lt3A_173 : i32
      %convert_element_type3A_175 = arith.extui %lt3A_174 : i1 to i32
      %cond3A_176 = arith.constant 0 : i32
      %cond3A_177 = arith.cmpi ne, %convert_element_type3A_175, %cond3A_176 : i32
      scf.if %cond3A_177 {
        %dma_wait3A = arith.constant 0 : i32
        %dma_wait3A_374 = tpu.memref_slice %arg5[%add3A_172, %dma_wait3A] : memref<78x128xi32, #tpu.memory_space<vmem>> -> memref<1x128xi32, #tpu.memory_space<vmem>>
        %dma_wait3A_375 = tpu.memref_squeeze %dma_wait3A_374 : memref<1x128xi32, #tpu.memory_space<vmem>> -> memref<128xi32, #tpu.memory_space<vmem>>
        %dma_wait3A_376 = arith.constant 0 : i32
        %dma_wait3A_377 = arith.constant 0 : i32
        %dma_wait3A_378 = tpu.memref_slice %arg2[%dma_wait3A_376, %dma_wait3A_377] : memref<10000x40xf32, #tpu.memory_space<hbm>> -> memref<10000x40xf32, #tpu.memory_space<hbm>>
        tpu.wait_indirect_dma semaphore(%arg28 : memref<!tpu.dma_semaphore, #tpu.memory_space<semaphore_mem>>) src(%dma_wait3A_378 : memref<10000x40xf32, #tpu.memory_space<hbm>>) dst(%arg16 : memref<128x40xf32, #tpu.memory_space<vmem>>)
        %dma_start3A_379 = arith.constant 0 : i32
        %dma_start3A_380 = tpu.memref_slice %arg6[%add3A_172, %dma_start3A_379] : memref<78x128xi32, #tpu.memory_space<vmem>> -> memref<1x128xi32, #tpu.memory_space<vmem>>
        %dma_start3A_381 = tpu.memref_squeeze %dma_start3A_380 : memref<1x128xi32, #tpu.memory_space<vmem>> -> memref<128xi32, #tpu.memory_space<vmem>>
        %dma_start3A_382 = arith.constant 0 : i32
        %dma_start3A_383 = arith.constant 0 : i32
        %dma_start3A_384 = tpu.memref_slice %arg45[%dma_start3A_382, %dma_start3A_383] : memref<10000x40xf32, #tpu.memory_space<vmem_shared>> -> memref<10000x40xf32, #tpu.memory_space<vmem_shared>>
        tpu.enqueue_indirect_dma source(%arg16 : memref<128x40xf32, #tpu.memory_space<vmem>>) target(%dma_start3A_384 : memref<10000x40xf32, #tpu.memory_space<vmem_shared>>) offsets(%dma_start3A_381 : memref<128xi32, #tpu.memory_space<vmem>>) semaphore(%arg40 : memref<!tpu.dma_semaphore, #tpu.memory_space<semaphore_mem>>) {add = true}
      } else {
      }
      %add3A_178 = arith.constant 8 : i32
      %add3A_179 = arith.addi %mul3A_121, %add3A_178 : i32
      %lt3A_180 = arith.constant 78 : i32
      %lt3A_181 = arith.cmpi slt, %add3A_179, %lt3A_180 : i32
      %convert_element_type3A_182 = arith.extui %lt3A_181 : i1 to i32
      %cond3A_183 = arith.constant 0 : i32
      %cond3A_184 = arith.cmpi ne, %convert_element_type3A_182, %cond3A_183 : i32
      scf.if %cond3A_184 {
        %dma_wait3A = arith.constant 0 : i32
        %dma_wait3A_374 = tpu.memref_slice %arg5[%add3A_179, %dma_wait3A] : memref<78x128xi32, #tpu.memory_space<vmem>> -> memref<1x128xi32, #tpu.memory_space<vmem>>
        %dma_wait3A_375 = tpu.memref_squeeze %dma_wait3A_374 : memref<1x128xi32, #tpu.memory_space<vmem>> -> memref<128xi32, #tpu.memory_space<vmem>>
        %dma_wait3A_376 = arith.constant 0 : i32
        %dma_wait3A_377 = arith.constant 0 : i32
        %dma_wait3A_378 = tpu.memref_slice %arg2[%dma_wait3A_376, %dma_wait3A_377] : memref<10000x40xf32, #tpu.memory_space<hbm>> -> memref<10000x40xf32, #tpu.memory_space<hbm>>
        tpu.wait_indirect_dma semaphore(%arg29 : memref<!tpu.dma_semaphore, #tpu.memory_space<semaphore_mem>>) src(%dma_wait3A_378 : memref<10000x40xf32, #tpu.memory_space<hbm>>) dst(%arg17 : memref<128x40xf32, #tpu.memory_space<vmem>>)
        %dma_start3A_379 = arith.constant 0 : i32
        %dma_start3A_380 = tpu.memref_slice %arg6[%add3A_179, %dma_start3A_379] : memref<78x128xi32, #tpu.memory_space<vmem>> -> memref<1x128xi32, #tpu.memory_space<vmem>>
        %dma_start3A_381 = tpu.memref_squeeze %dma_start3A_380 : memref<1x128xi32, #tpu.memory_space<vmem>> -> memref<128xi32, #tpu.memory_space<vmem>>
        %dma_start3A_382 = arith.constant 0 : i32
        %dma_start3A_383 = arith.constant 0 : i32
        %dma_start3A_384 = tpu.memref_slice %arg45[%dma_start3A_382, %dma_start3A_383] : memref<10000x40xf32, #tpu.memory_space<vmem_shared>> -> memref<10000x40xf32, #tpu.memory_space<vmem_shared>>
        tpu.enqueue_indirect_dma source(%arg17 : memref<128x40xf32, #tpu.memory_space<vmem>>) target(%dma_start3A_384 : memref<10000x40xf32, #tpu.memory_space<vmem_shared>>) offsets(%dma_start3A_381 : memref<128xi32, #tpu.memory_space<vmem>>) semaphore(%arg41 : memref<!tpu.dma_semaphore, #tpu.memory_space<semaphore_mem>>) {add = true}
      } else {
      }
      %add3A_185 = arith.constant 9 : i32
      %add3A_186 = arith.addi %mul3A_121, %add3A_185 : i32
      %lt3A_187 = arith.constant 78 : i32
      %lt3A_188 = arith.cmpi slt, %add3A_186, %lt3A_187 : i32
      %convert_element_type3A_189 = arith.extui %lt3A_188 : i1 to i32
      %cond3A_190 = arith.constant 0 : i32
      %cond3A_191 = arith.cmpi ne, %convert_element_type3A_189, %cond3A_190 : i32
      scf.if %cond3A_191 {
        %dma_wait3A = arith.constant 0 : i32
        %dma_wait3A_374 = tpu.memref_slice %arg5[%add3A_186, %dma_wait3A] : memref<78x128xi32, #tpu.memory_space<vmem>> -> memref<1x128xi32, #tpu.memory_space<vmem>>
        %dma_wait3A_375 = tpu.memref_squeeze %dma_wait3A_374 : memref<1x128xi32, #tpu.memory_space<vmem>> -> memref<128xi32, #tpu.memory_space<vmem>>
        %dma_wait3A_376 = arith.constant 0 : i32
        %dma_wait3A_377 = arith.constant 0 : i32
        %dma_wait3A_378 = tpu.memref_slice %arg2[%dma_wait3A_376, %dma_wait3A_377] : memref<10000x40xf32, #tpu.memory_space<hbm>> -> memref<10000x40xf32, #tpu.memory_space<hbm>>
        tpu.wait_indirect_dma semaphore(%arg30 : memref<!tpu.dma_semaphore, #tpu.memory_space<semaphore_mem>>) src(%dma_wait3A_378 : memref<10000x40xf32, #tpu.memory_space<hbm>>) dst(%arg18 : memref<128x40xf32, #tpu.memory_space<vmem>>)
        %dma_start3A_379 = arith.constant 0 : i32
        %dma_start3A_380 = tpu.memref_slice %arg6[%add3A_186, %dma_start3A_379] : memref<78x128xi32, #tpu.memory_space<vmem>> -> memref<1x128xi32, #tpu.memory_space<vmem>>
        %dma_start3A_381 = tpu.memref_squeeze %dma_start3A_380 : memref<1x128xi32, #tpu.memory_space<vmem>> -> memref<128xi32, #tpu.memory_space<vmem>>
        %dma_start3A_382 = arith.constant 0 : i32
        %dma_start3A_383 = arith.constant 0 : i32
        %dma_start3A_384 = tpu.memref_slice %arg45[%dma_start3A_382, %dma_start3A_383] : memref<10000x40xf32, #tpu.memory_space<vmem_shared>> -> memref<10000x40xf32, #tpu.memory_space<vmem_shared>>
        tpu.enqueue_indirect_dma source(%arg18 : memref<128x40xf32, #tpu.memory_space<vmem>>) target(%dma_start3A_384 : memref<10000x40xf32, #tpu.memory_space<vmem_shared>>) offsets(%dma_start3A_381 : memref<128xi32, #tpu.memory_space<vmem>>) semaphore(%arg42 : memref<!tpu.dma_semaphore, #tpu.memory_space<semaphore_mem>>) {add = true}
      } else {
      }
      %add3A_192 = arith.constant 10 : i32
      %add3A_193 = arith.addi %mul3A_121, %add3A_192 : i32
      %lt3A_194 = arith.constant 78 : i32
      %lt3A_195 = arith.cmpi slt, %add3A_193, %lt3A_194 : i32
      %convert_element_type3A_196 = arith.extui %lt3A_195 : i1 to i32
      %cond3A_197 = arith.constant 0 : i32
      %cond3A_198 = arith.cmpi ne, %convert_element_type3A_196, %cond3A_197 : i32
      scf.if %cond3A_198 {
        %dma_wait3A = arith.constant 0 : i32
        %dma_wait3A_374 = tpu.memref_slice %arg5[%add3A_193, %dma_wait3A] : memref<78x128xi32, #tpu.memory_space<vmem>> -> memref<1x128xi32, #tpu.memory_space<vmem>>
        %dma_wait3A_375 = tpu.memref_squeeze %dma_wait3A_374 : memref<1x128xi32, #tpu.memory_space<vmem>> -> memref<128xi32, #tpu.memory_space<vmem>>
        %dma_wait3A_376 = arith.constant 0 : i32
        %dma_wait3A_377 = arith.constant 0 : i32
        %dma_wait3A_378 = tpu.memref_slice %arg2[%dma_wait3A_376, %dma_wait3A_377] : memref<10000x40xf32, #tpu.memory_space<hbm>> -> memref<10000x40xf32, #tpu.memory_space<hbm>>
        tpu.wait_indirect_dma semaphore(%arg31 : memref<!tpu.dma_semaphore, #tpu.memory_space<semaphore_mem>>) src(%dma_wait3A_378 : memref<10000x40xf32, #tpu.memory_space<hbm>>) dst(%arg19 : memref<128x40xf32, #tpu.memory_space<vmem>>)
        %dma_start3A_379 = arith.constant 0 : i32
        %dma_start3A_380 = tpu.memref_slice %arg6[%add3A_193, %dma_start3A_379] : memref<78x128xi32, #tpu.memory_space<vmem>> -> memref<1x128xi32, #tpu.memory_space<vmem>>
        %dma_start3A_381 = tpu.memref_squeeze %dma_start3A_380 : memref<1x128xi32, #tpu.memory_space<vmem>> -> memref<128xi32, #tpu.memory_space<vmem>>
        %dma_start3A_382 = arith.constant 0 : i32
        %dma_start3A_383 = arith.constant 0 : i32
        %dma_start3A_384 = tpu.memref_slice %arg45[%dma_start3A_382, %dma_start3A_383] : memref<10000x40xf32, #tpu.memory_space<vmem_shared>> -> memref<10000x40xf32, #tpu.memory_space<vmem_shared>>
        tpu.enqueue_indirect_dma source(%arg19 : memref<128x40xf32, #tpu.memory_space<vmem>>) target(%dma_start3A_384 : memref<10000x40xf32, #tpu.memory_space<vmem_shared>>) offsets(%dma_start3A_381 : memref<128xi32, #tpu.memory_space<vmem>>) semaphore(%arg43 : memref<!tpu.dma_semaphore, #tpu.memory_space<semaphore_mem>>) {add = true}
      } else {
      }
      %add3A_199 = arith.constant 11 : i32
      %add3A_200 = arith.addi %mul3A_121, %add3A_199 : i32
      %lt3A_201 = arith.constant 78 : i32
      %lt3A_202 = arith.cmpi slt, %add3A_200, %lt3A_201 : i32
      %convert_element_type3A_203 = arith.extui %lt3A_202 : i1 to i32
      %cond3A_204 = arith.constant 0 : i32
      %cond3A_205 = arith.cmpi ne, %convert_element_type3A_203, %cond3A_204 : i32
      scf.if %cond3A_205 {
        %dma_wait3A = arith.constant 0 : i32
        %dma_wait3A_374 = tpu.memref_slice %arg5[%add3A_200, %dma_wait3A] : memref<78x128xi32, #tpu.memory_space<vmem>> -> memref<1x128xi32, #tpu.memory_space<vmem>>
        %dma_wait3A_375 = tpu.memref_squeeze %dma_wait3A_374 : memref<1x128xi32, #tpu.memory_space<vmem>> -> memref<128xi32, #tpu.memory_space<vmem>>
        %dma_wait3A_376 = arith.constant 0 : i32
        %dma_wait3A_377 = arith.constant 0 : i32
        %dma_wait3A_378 = tpu.memref_slice %arg2[%dma_wait3A_376, %dma_wait3A_377] : memref<10000x40xf32, #tpu.memory_space<hbm>> -> memref<10000x40xf32, #tpu.memory_space<hbm>>
        tpu.wait_indirect_dma semaphore(%arg32 : memref<!tpu.dma_semaphore, #tpu.memory_space<semaphore_mem>>) src(%dma_wait3A_378 : memref<10000x40xf32, #tpu.memory_space<hbm>>) dst(%arg20 : memref<128x40xf32, #tpu.memory_space<vmem>>)
        %dma_start3A_379 = arith.constant 0 : i32
        %dma_start3A_380 = tpu.memref_slice %arg6[%add3A_200, %dma_start3A_379] : memref<78x128xi32, #tpu.memory_space<vmem>> -> memref<1x128xi32, #tpu.memory_space<vmem>>
        %dma_start3A_381 = tpu.memref_squeeze %dma_start3A_380 : memref<1x128xi32, #tpu.memory_space<vmem>> -> memref<128xi32, #tpu.memory_space<vmem>>
        %dma_start3A_382 = arith.constant 0 : i32
        %dma_start3A_383 = arith.constant 0 : i32
        %dma_start3A_384 = tpu.memref_slice %arg45[%dma_start3A_382, %dma_start3A_383] : memref<10000x40xf32, #tpu.memory_space<vmem_shared>> -> memref<10000x40xf32, #tpu.memory_space<vmem_shared>>
        tpu.enqueue_indirect_dma source(%arg20 : memref<128x40xf32, #tpu.memory_space<vmem>>) target(%dma_start3A_384 : memref<10000x40xf32, #tpu.memory_space<vmem_shared>>) offsets(%dma_start3A_381 : memref<128xi32, #tpu.memory_space<vmem>>) semaphore(%arg44 : memref<!tpu.dma_semaphore, #tpu.memory_space<semaphore_mem>>) {add = true}
      } else {
      }
      %add3A_206 = arith.constant 0 : i32
      %add3A_207 = arith.addi %mul3A_121, %add3A_206 : i32
      %add3A_208 = arith.constant 12 : i32
      %add3A_209 = arith.addi %add3A_207, %add3A_208 : i32
      %lt3A_210 = arith.constant 78 : i32
      %lt3A_211 = arith.cmpi slt, %add3A_207, %lt3A_210 : i32
      %convert_element_type3A_212 = arith.extui %lt3A_211 : i1 to i32
      %cond3A_213 = arith.constant 0 : i32
      %cond3A_214 = arith.cmpi ne, %convert_element_type3A_212, %cond3A_213 : i32
      scf.if %cond3A_214 {
        %dma_wait3A = arith.constant 0 : i32
        %dma_wait3A_374 = tpu.memref_slice %arg6[%add3A_207, %dma_wait3A] : memref<78x128xi32, #tpu.memory_space<vmem>> -> memref<1x128xi32, #tpu.memory_space<vmem>>
        %dma_wait3A_375 = tpu.memref_squeeze %dma_wait3A_374 : memref<1x128xi32, #tpu.memory_space<vmem>> -> memref<128xi32, #tpu.memory_space<vmem>>
        %dma_wait3A_376 = arith.constant 0 : i32
        %dma_wait3A_377 = arith.constant 0 : i32
        %dma_wait3A_378 = tpu.memref_slice %arg45[%dma_wait3A_376, %dma_wait3A_377] : memref<10000x40xf32, #tpu.memory_space<vmem_shared>> -> memref<10000x40xf32, #tpu.memory_space<vmem_shared>>
        tpu.wait_indirect_dma semaphore(%arg33 : memref<!tpu.dma_semaphore, #tpu.memory_space<semaphore_mem>>) src(%arg9 : memref<128x40xf32, #tpu.memory_space<vmem>>) dst(%dma_wait3A_378 : memref<10000x40xf32, #tpu.memory_space<vmem_shared>>)
      } else {
      }
      %lt3A_215 = arith.constant 78 : i32
      %lt3A_216 = arith.cmpi slt, %add3A_209, %lt3A_215 : i32
      %convert_element_type3A_217 = arith.extui %lt3A_216 : i1 to i32
      %cond3A_218 = arith.constant 0 : i32
      %cond3A_219 = arith.cmpi ne, %convert_element_type3A_217, %cond3A_218 : i32
      scf.if %cond3A_219 {
        %dma_start3A_374 = arith.constant 0 : i32
        %dma_start3A_375 = tpu.memref_slice %arg5[%add3A_209, %dma_start3A_374] : memref<78x128xi32, #tpu.memory_space<vmem>> -> memref<1x128xi32, #tpu.memory_space<vmem>>
        %dma_start3A_376 = tpu.memref_squeeze %dma_start3A_375 : memref<1x128xi32, #tpu.memory_space<vmem>> -> memref<128xi32, #tpu.memory_space<vmem>>
        %dma_start3A_377 = arith.constant 0 : i32
        %dma_start3A_378 = arith.constant 0 : i32
        %dma_start3A_379 = tpu.memref_slice %arg2[%dma_start3A_377, %dma_start3A_378] : memref<10000x40xf32, #tpu.memory_space<hbm>> -> memref<10000x40xf32, #tpu.memory_space<hbm>>
        tpu.enqueue_indirect_dma source(%dma_start3A_379 : memref<10000x40xf32, #tpu.memory_space<hbm>>) target(%arg9 : memref<128x40xf32, #tpu.memory_space<vmem>>) offsets(%dma_start3A_376 : memref<128xi32, #tpu.memory_space<vmem>>) semaphore(%arg21 : memref<!tpu.dma_semaphore, #tpu.memory_space<semaphore_mem>>)
      } else {
      }
      %add3A_220 = arith.constant 1 : i32
      %add3A_221 = arith.addi %mul3A_121, %add3A_220 : i32
      %add3A_222 = arith.constant 12 : i32
      %add3A_223 = arith.addi %add3A_221, %add3A_222 : i32
      %lt3A_224 = arith.constant 78 : i32
      %lt3A_225 = arith.cmpi slt, %add3A_221, %lt3A_224 : i32
      %convert_element_type3A_226 = arith.extui %lt3A_225 : i1 to i32
      %cond3A_227 = arith.constant 0 : i32
      %cond3A_228 = arith.cmpi ne, %convert_element_type3A_226, %cond3A_227 : i32
      scf.if %cond3A_228 {
        %dma_wait3A = arith.constant 0 : i32
        %dma_wait3A_374 = tpu.memref_slice %arg6[%add3A_221, %dma_wait3A] : memref<78x128xi32, #tpu.memory_space<vmem>> -> memref<1x128xi32, #tpu.memory_space<vmem>>
        %dma_wait3A_375 = tpu.memref_squeeze %dma_wait3A_374 : memref<1x128xi32, #tpu.memory_space<vmem>> -> memref<128xi32, #tpu.memory_space<vmem>>
        %dma_wait3A_376 = arith.constant 0 : i32
        %dma_wait3A_377 = arith.constant 0 : i32
        %dma_wait3A_378 = tpu.memref_slice %arg45[%dma_wait3A_376, %dma_wait3A_377] : memref<10000x40xf32, #tpu.memory_space<vmem_shared>> -> memref<10000x40xf32, #tpu.memory_space<vmem_shared>>
        tpu.wait_indirect_dma semaphore(%arg34 : memref<!tpu.dma_semaphore, #tpu.memory_space<semaphore_mem>>) src(%arg10 : memref<128x40xf32, #tpu.memory_space<vmem>>) dst(%dma_wait3A_378 : memref<10000x40xf32, #tpu.memory_space<vmem_shared>>)
      } else {
      }
      %lt3A_229 = arith.constant 78 : i32
      %lt3A_230 = arith.cmpi slt, %add3A_223, %lt3A_229 : i32
      %convert_element_type3A_231 = arith.extui %lt3A_230 : i1 to i32
      %cond3A_232 = arith.constant 0 : i32
      %cond3A_233 = arith.cmpi ne, %convert_element_type3A_231, %cond3A_232 : i32
      scf.if %cond3A_233 {
        %dma_start3A_374 = arith.constant 0 : i32
        %dma_start3A_375 = tpu.memref_slice %arg5[%add3A_223, %dma_start3A_374] : memref<78x128xi32, #tpu.memory_space<vmem>> -> memref<1x128xi32, #tpu.memory_space<vmem>>
        %dma_start3A_376 = tpu.memref_squeeze %dma_start3A_375 : memref<1x128xi32, #tpu.memory_space<vmem>> -> memref<128xi32, #tpu.memory_space<vmem>>
        %dma_start3A_377 = arith.constant 0 : i32
        %dma_start3A_378 = arith.constant 0 : i32
        %dma_start3A_379 = tpu.memref_slice %arg2[%dma_start3A_377, %dma_start3A_378] : memref<10000x40xf32, #tpu.memory_space<hbm>> -> memref<10000x40xf32, #tpu.memory_space<hbm>>
        tpu.enqueue_indirect_dma source(%dma_start3A_379 : memref<10000x40xf32, #tpu.memory_space<hbm>>) target(%arg10 : memref<128x40xf32, #tpu.memory_space<vmem>>) offsets(%dma_start3A_376 : memref<128xi32, #tpu.memory_space<vmem>>) semaphore(%arg22 : memref<!tpu.dma_semaphore, #tpu.memory_space<semaphore_mem>>)
      } else {
      }
      %add3A_234 = arith.constant 2 : i32
      %add3A_235 = arith.addi %mul3A_121, %add3A_234 : i32
      %add3A_236 = arith.constant 12 : i32
      %add3A_237 = arith.addi %add3A_235, %add3A_236 : i32
      %lt3A_238 = arith.constant 78 : i32
      %lt3A_239 = arith.cmpi slt, %add3A_235, %lt3A_238 : i32
      %convert_element_type3A_240 = arith.extui %lt3A_239 : i1 to i32
      %cond3A_241 = arith.constant 0 : i32
      %cond3A_242 = arith.cmpi ne, %convert_element_type3A_240, %cond3A_241 : i32
      scf.if %cond3A_242 {
        %dma_wait3A = arith.constant 0 : i32
        %dma_wait3A_374 = tpu.memref_slice %arg6[%add3A_235, %dma_wait3A] : memref<78x128xi32, #tpu.memory_space<vmem>> -> memref<1x128xi32, #tpu.memory_space<vmem>>
        %dma_wait3A_375 = tpu.memref_squeeze %dma_wait3A_374 : memref<1x128xi32, #tpu.memory_space<vmem>> -> memref<128xi32, #tpu.memory_space<vmem>>
        %dma_wait3A_376 = arith.constant 0 : i32
        %dma_wait3A_377 = arith.constant 0 : i32
        %dma_wait3A_378 = tpu.memref_slice %arg45[%dma_wait3A_376, %dma_wait3A_377] : memref<10000x40xf32, #tpu.memory_space<vmem_shared>> -> memref<10000x40xf32, #tpu.memory_space<vmem_shared>>
        tpu.wait_indirect_dma semaphore(%arg35 : memref<!tpu.dma_semaphore, #tpu.memory_space<semaphore_mem>>) src(%arg11 : memref<128x40xf32, #tpu.memory_space<vmem>>) dst(%dma_wait3A_378 : memref<10000x40xf32, #tpu.memory_space<vmem_shared>>)
      } else {
      }
      %lt3A_243 = arith.constant 78 : i32
      %lt3A_244 = arith.cmpi slt, %add3A_237, %lt3A_243 : i32
      %convert_element_type3A_245 = arith.extui %lt3A_244 : i1 to i32
      %cond3A_246 = arith.constant 0 : i32
      %cond3A_247 = arith.cmpi ne, %convert_element_type3A_245, %cond3A_246 : i32
      scf.if %cond3A_247 {
        %dma_start3A_374 = arith.constant 0 : i32
        %dma_start3A_375 = tpu.memref_slice %arg5[%add3A_237, %dma_start3A_374] : memref<78x128xi32, #tpu.memory_space<vmem>> -> memref<1x128xi32, #tpu.memory_space<vmem>>
        %dma_start3A_376 = tpu.memref_squeeze %dma_start3A_375 : memref<1x128xi32, #tpu.memory_space<vmem>> -> memref<128xi32, #tpu.memory_space<vmem>>
        %dma_start3A_377 = arith.constant 0 : i32
        %dma_start3A_378 = arith.constant 0 : i32
        %dma_start3A_379 = tpu.memref_slice %arg2[%dma_start3A_377, %dma_start3A_378] : memref<10000x40xf32, #tpu.memory_space<hbm>> -> memref<10000x40xf32, #tpu.memory_space<hbm>>
        tpu.enqueue_indirect_dma source(%dma_start3A_379 : memref<10000x40xf32, #tpu.memory_space<hbm>>) target(%arg11 : memref<128x40xf32, #tpu.memory_space<vmem>>) offsets(%dma_start3A_376 : memref<128xi32, #tpu.memory_space<vmem>>) semaphore(%arg23 : memref<!tpu.dma_semaphore, #tpu.memory_space<semaphore_mem>>)
      } else {
      }
      %add3A_248 = arith.constant 3 : i32
      %add3A_249 = arith.addi %mul3A_121, %add3A_248 : i32
      %add3A_250 = arith.constant 12 : i32
      %add3A_251 = arith.addi %add3A_249, %add3A_250 : i32
      %lt3A_252 = arith.constant 78 : i32
      %lt3A_253 = arith.cmpi slt, %add3A_249, %lt3A_252 : i32
      %convert_element_type3A_254 = arith.extui %lt3A_253 : i1 to i32
      %cond3A_255 = arith.constant 0 : i32
      %cond3A_256 = arith.cmpi ne, %convert_element_type3A_254, %cond3A_255 : i32
      scf.if %cond3A_256 {
        %dma_wait3A = arith.constant 0 : i32
        %dma_wait3A_374 = tpu.memref_slice %arg6[%add3A_249, %dma_wait3A] : memref<78x128xi32, #tpu.memory_space<vmem>> -> memref<1x128xi32, #tpu.memory_space<vmem>>
        %dma_wait3A_375 = tpu.memref_squeeze %dma_wait3A_374 : memref<1x128xi32, #tpu.memory_space<vmem>> -> memref<128xi32, #tpu.memory_space<vmem>>
        %dma_wait3A_376 = arith.constant 0 : i32
        %dma_wait3A_377 = arith.constant 0 : i32
        %dma_wait3A_378 = tpu.memref_slice %arg45[%dma_wait3A_376, %dma_wait3A_377] : memref<10000x40xf32, #tpu.memory_space<vmem_shared>> -> memref<10000x40xf32, #tpu.memory_space<vmem_shared>>
        tpu.wait_indirect_dma semaphore(%arg36 : memref<!tpu.dma_semaphore, #tpu.memory_space<semaphore_mem>>) src(%arg12 : memref<128x40xf32, #tpu.memory_space<vmem>>) dst(%dma_wait3A_378 : memref<10000x40xf32, #tpu.memory_space<vmem_shared>>)
      } else {
      }
      %lt3A_257 = arith.constant 78 : i32
      %lt3A_258 = arith.cmpi slt, %add3A_251, %lt3A_257 : i32
      %convert_element_type3A_259 = arith.extui %lt3A_258 : i1 to i32
      %cond3A_260 = arith.constant 0 : i32
      %cond3A_261 = arith.cmpi ne, %convert_element_type3A_259, %cond3A_260 : i32
      scf.if %cond3A_261 {
        %dma_start3A_374 = arith.constant 0 : i32
        %dma_start3A_375 = tpu.memref_slice %arg5[%add3A_251, %dma_start3A_374] : memref<78x128xi32, #tpu.memory_space<vmem>> -> memref<1x128xi32, #tpu.memory_space<vmem>>
        %dma_start3A_376 = tpu.memref_squeeze %dma_start3A_375 : memref<1x128xi32, #tpu.memory_space<vmem>> -> memref<128xi32, #tpu.memory_space<vmem>>
        %dma_start3A_377 = arith.constant 0 : i32
        %dma_start3A_378 = arith.constant 0 : i32
        %dma_start3A_379 = tpu.memref_slice %arg2[%dma_start3A_377, %dma_start3A_378] : memref<10000x40xf32, #tpu.memory_space<hbm>> -> memref<10000x40xf32, #tpu.memory_space<hbm>>
        tpu.enqueue_indirect_dma source(%dma_start3A_379 : memref<10000x40xf32, #tpu.memory_space<hbm>>) target(%arg12 : memref<128x40xf32, #tpu.memory_space<vmem>>) offsets(%dma_start3A_376 : memref<128xi32, #tpu.memory_space<vmem>>) semaphore(%arg24 : memref<!tpu.dma_semaphore, #tpu.memory_space<semaphore_mem>>)
      } else {
      }
      %add3A_262 = arith.constant 4 : i32
      %add3A_263 = arith.addi %mul3A_121, %add3A_262 : i32
      %add3A_264 = arith.constant 12 : i32
      %add3A_265 = arith.addi %add3A_263, %add3A_264 : i32
      %lt3A_266 = arith.constant 78 : i32
      %lt3A_267 = arith.cmpi slt, %add3A_263, %lt3A_266 : i32
      %convert_element_type3A_268 = arith.extui %lt3A_267 : i1 to i32
      %cond3A_269 = arith.constant 0 : i32
      %cond3A_270 = arith.cmpi ne, %convert_element_type3A_268, %cond3A_269 : i32
      scf.if %cond3A_270 {
        %dma_wait3A = arith.constant 0 : i32
        %dma_wait3A_374 = tpu.memref_slice %arg6[%add3A_263, %dma_wait3A] : memref<78x128xi32, #tpu.memory_space<vmem>> -> memref<1x128xi32, #tpu.memory_space<vmem>>
        %dma_wait3A_375 = tpu.memref_squeeze %dma_wait3A_374 : memref<1x128xi32, #tpu.memory_space<vmem>> -> memref<128xi32, #tpu.memory_space<vmem>>
        %dma_wait3A_376 = arith.constant 0 : i32
        %dma_wait3A_377 = arith.constant 0 : i32
        %dma_wait3A_378 = tpu.memref_slice %arg45[%dma_wait3A_376, %dma_wait3A_377] : memref<10000x40xf32, #tpu.memory_space<vmem_shared>> -> memref<10000x40xf32, #tpu.memory_space<vmem_shared>>
        tpu.wait_indirect_dma semaphore(%arg37 : memref<!tpu.dma_semaphore, #tpu.memory_space<semaphore_mem>>) src(%arg13 : memref<128x40xf32, #tpu.memory_space<vmem>>) dst(%dma_wait3A_378 : memref<10000x40xf32, #tpu.memory_space<vmem_shared>>)
      } else {
      }
      %lt3A_271 = arith.constant 78 : i32
      %lt3A_272 = arith.cmpi slt, %add3A_265, %lt3A_271 : i32
      %convert_element_type3A_273 = arith.extui %lt3A_272 : i1 to i32
      %cond3A_274 = arith.constant 0 : i32
      %cond3A_275 = arith.cmpi ne, %convert_element_type3A_273, %cond3A_274 : i32
      scf.if %cond3A_275 {
        %dma_start3A_374 = arith.constant 0 : i32
        %dma_start3A_375 = tpu.memref_slice %arg5[%add3A_265, %dma_start3A_374] : memref<78x128xi32, #tpu.memory_space<vmem>> -> memref<1x128xi32, #tpu.memory_space<vmem>>
        %dma_start3A_376 = tpu.memref_squeeze %dma_start3A_375 : memref<1x128xi32, #tpu.memory_space<vmem>> -> memref<128xi32, #tpu.memory_space<vmem>>
        %dma_start3A_377 = arith.constant 0 : i32
        %dma_start3A_378 = arith.constant 0 : i32
        %dma_start3A_379 = tpu.memref_slice %arg2[%dma_start3A_377, %dma_start3A_378] : memref<10000x40xf32, #tpu.memory_space<hbm>> -> memref<10000x40xf32, #tpu.memory_space<hbm>>
        tpu.enqueue_indirect_dma source(%dma_start3A_379 : memref<10000x40xf32, #tpu.memory_space<hbm>>) target(%arg13 : memref<128x40xf32, #tpu.memory_space<vmem>>) offsets(%dma_start3A_376 : memref<128xi32, #tpu.memory_space<vmem>>) semaphore(%arg25 : memref<!tpu.dma_semaphore, #tpu.memory_space<semaphore_mem>>)
      } else {
      }
      %add3A_276 = arith.constant 5 : i32
      %add3A_277 = arith.addi %mul3A_121, %add3A_276 : i32
      %add3A_278 = arith.constant 12 : i32
      %add3A_279 = arith.addi %add3A_277, %add3A_278 : i32
      %lt3A_280 = arith.constant 78 : i32
      %lt3A_281 = arith.cmpi slt, %add3A_277, %lt3A_280 : i32
      %convert_element_type3A_282 = arith.extui %lt3A_281 : i1 to i32
      %cond3A_283 = arith.constant 0 : i32
      %cond3A_284 = arith.cmpi ne, %convert_element_type3A_282, %cond3A_283 : i32
      scf.if %cond3A_284 {
        %dma_wait3A = arith.constant 0 : i32
        %dma_wait3A_374 = tpu.memref_slice %arg6[%add3A_277, %dma_wait3A] : memref<78x128xi32, #tpu.memory_space<vmem>> -> memref<1x128xi32, #tpu.memory_space<vmem>>
        %dma_wait3A_375 = tpu.memref_squeeze %dma_wait3A_374 : memref<1x128xi32, #tpu.memory_space<vmem>> -> memref<128xi32, #tpu.memory_space<vmem>>
        %dma_wait3A_376 = arith.constant 0 : i32
        %dma_wait3A_377 = arith.constant 0 : i32
        %dma_wait3A_378 = tpu.memref_slice %arg45[%dma_wait3A_376, %dma_wait3A_377] : memref<10000x40xf32, #tpu.memory_space<vmem_shared>> -> memref<10000x40xf32, #tpu.memory_space<vmem_shared>>
        tpu.wait_indirect_dma semaphore(%arg38 : memref<!tpu.dma_semaphore, #tpu.memory_space<semaphore_mem>>) src(%arg14 : memref<128x40xf32, #tpu.memory_space<vmem>>) dst(%dma_wait3A_378 : memref<10000x40xf32, #tpu.memory_space<vmem_shared>>)
      } else {
      }
      %lt3A_285 = arith.constant 78 : i32
      %lt3A_286 = arith.cmpi slt, %add3A_279, %lt3A_285 : i32
      %convert_element_type3A_287 = arith.extui %lt3A_286 : i1 to i32
      %cond3A_288 = arith.constant 0 : i32
      %cond3A_289 = arith.cmpi ne, %convert_element_type3A_287, %cond3A_288 : i32
      scf.if %cond3A_289 {
        %dma_start3A_374 = arith.constant 0 : i32
        %dma_start3A_375 = tpu.memref_slice %arg5[%add3A_279, %dma_start3A_374] : memref<78x128xi32, #tpu.memory_space<vmem>> -> memref<1x128xi32, #tpu.memory_space<vmem>>
        %dma_start3A_376 = tpu.memref_squeeze %dma_start3A_375 : memref<1x128xi32, #tpu.memory_space<vmem>> -> memref<128xi32, #tpu.memory_space<vmem>>
        %dma_start3A_377 = arith.constant 0 : i32
        %dma_start3A_378 = arith.constant 0 : i32
        %dma_start3A_379 = tpu.memref_slice %arg2[%dma_start3A_377, %dma_start3A_378] : memref<10000x40xf32, #tpu.memory_space<hbm>> -> memref<10000x40xf32, #tpu.memory_space<hbm>>
        tpu.enqueue_indirect_dma source(%dma_start3A_379 : memref<10000x40xf32, #tpu.memory_space<hbm>>) target(%arg14 : memref<128x40xf32, #tpu.memory_space<vmem>>) offsets(%dma_start3A_376 : memref<128xi32, #tpu.memory_space<vmem>>) semaphore(%arg26 : memref<!tpu.dma_semaphore, #tpu.memory_space<semaphore_mem>>)
      } else {
      }
      %add3A_290 = arith.constant 6 : i32
      %add3A_291 = arith.addi %mul3A_121, %add3A_290 : i32
      %add3A_292 = arith.constant 12 : i32
      %add3A_293 = arith.addi %add3A_291, %add3A_292 : i32
      %lt3A_294 = arith.constant 78 : i32
      %lt3A_295 = arith.cmpi slt, %add3A_291, %lt3A_294 : i32
      %convert_element_type3A_296 = arith.extui %lt3A_295 : i1 to i32
      %cond3A_297 = arith.constant 0 : i32
      %cond3A_298 = arith.cmpi ne, %convert_element_type3A_296, %cond3A_297 : i32
      scf.if %cond3A_298 {
        %dma_wait3A = arith.constant 0 : i32
        %dma_wait3A_374 = tpu.memref_slice %arg6[%add3A_291, %dma_wait3A] : memref<78x128xi32, #tpu.memory_space<vmem>> -> memref<1x128xi32, #tpu.memory_space<vmem>>
        %dma_wait3A_375 = tpu.memref_squeeze %dma_wait3A_374 : memref<1x128xi32, #tpu.memory_space<vmem>> -> memref<128xi32, #tpu.memory_space<vmem>>
        %dma_wait3A_376 = arith.constant 0 : i32
        %dma_wait3A_377 = arith.constant 0 : i32
        %dma_wait3A_378 = tpu.memref_slice %arg45[%dma_wait3A_376, %dma_wait3A_377] : memref<10000x40xf32, #tpu.memory_space<vmem_shared>> -> memref<10000x40xf32, #tpu.memory_space<vmem_shared>>
        tpu.wait_indirect_dma semaphore(%arg39 : memref<!tpu.dma_semaphore, #tpu.memory_space<semaphore_mem>>) src(%arg15 : memref<128x40xf32, #tpu.memory_space<vmem>>) dst(%dma_wait3A_378 : memref<10000x40xf32, #tpu.memory_space<vmem_shared>>)
      } else {
      }
      %lt3A_299 = arith.constant 78 : i32
      %lt3A_300 = arith.cmpi slt, %add3A_293, %lt3A_299 : i32
      %convert_element_type3A_301 = arith.extui %lt3A_300 : i1 to i32
      %cond3A_302 = arith.constant 0 : i32
      %cond3A_303 = arith.cmpi ne, %convert_element_type3A_301, %cond3A_302 : i32
      scf.if %cond3A_303 {
        %dma_start3A_374 = arith.constant 0 : i32
        %dma_start3A_375 = tpu.memref_slice %arg5[%add3A_293, %dma_start3A_374] : memref<78x128xi32, #tpu.memory_space<vmem>> -> memref<1x128xi32, #tpu.memory_space<vmem>>
        %dma_start3A_376 = tpu.memref_squeeze %dma_start3A_375 : memref<1x128xi32, #tpu.memory_space<vmem>> -> memref<128xi32, #tpu.memory_space<vmem>>
        %dma_start3A_377 = arith.constant 0 : i32
        %dma_start3A_378 = arith.constant 0 : i32
        %dma_start3A_379 = tpu.memref_slice %arg2[%dma_start3A_377, %dma_start3A_378] : memref<10000x40xf32, #tpu.memory_space<hbm>> -> memref<10000x40xf32, #tpu.memory_space<hbm>>
        tpu.enqueue_indirect_dma source(%dma_start3A_379 : memref<10000x40xf32, #tpu.memory_space<hbm>>) target(%arg15 : memref<128x40xf32, #tpu.memory_space<vmem>>) offsets(%dma_start3A_376 : memref<128xi32, #tpu.memory_space<vmem>>) semaphore(%arg27 : memref<!tpu.dma_semaphore, #tpu.memory_space<semaphore_mem>>)
      } else {
      }
      %add3A_304 = arith.constant 7 : i32
      %add3A_305 = arith.addi %mul3A_121, %add3A_304 : i32
      %add3A_306 = arith.constant 12 : i32
      %add3A_307 = arith.addi %add3A_305, %add3A_306 : i32
      %lt3A_308 = arith.constant 78 : i32
      %lt3A_309 = arith.cmpi slt, %add3A_305, %lt3A_308 : i32
      %convert_element_type3A_310 = arith.extui %lt3A_309 : i1 to i32
      %cond3A_311 = arith.constant 0 : i32
      %cond3A_312 = arith.cmpi ne, %convert_element_type3A_310, %cond3A_311 : i32
      scf.if %cond3A_312 {
        %dma_wait3A = arith.constant 0 : i32
        %dma_wait3A_374 = tpu.memref_slice %arg6[%add3A_305, %dma_wait3A] : memref<78x128xi32, #tpu.memory_space<vmem>> -> memref<1x128xi32, #tpu.memory_space<vmem>>
        %dma_wait3A_375 = tpu.memref_squeeze %dma_wait3A_374 : memref<1x128xi32, #tpu.memory_space<vmem>> -> memref<128xi32, #tpu.memory_space<vmem>>
        %dma_wait3A_376 = arith.constant 0 : i32
        %dma_wait3A_377 = arith.constant 0 : i32
        %dma_wait3A_378 = tpu.memref_slice %arg45[%dma_wait3A_376, %dma_wait3A_377] : memref<10000x40xf32, #tpu.memory_space<vmem_shared>> -> memref<10000x40xf32, #tpu.memory_space<vmem_shared>>
        tpu.wait_indirect_dma semaphore(%arg40 : memref<!tpu.dma_semaphore, #tpu.memory_space<semaphore_mem>>) src(%arg16 : memref<128x40xf32, #tpu.memory_space<vmem>>) dst(%dma_wait3A_378 : memref<10000x40xf32, #tpu.memory_space<vmem_shared>>)
      } else {
      }
      %lt3A_313 = arith.constant 78 : i32
      %lt3A_314 = arith.cmpi slt, %add3A_307, %lt3A_313 : i32
      %convert_element_type3A_315 = arith.extui %lt3A_314 : i1 to i32
      %cond3A_316 = arith.constant 0 : i32
      %cond3A_317 = arith.cmpi ne, %convert_element_type3A_315, %cond3A_316 : i32
      scf.if %cond3A_317 {
        %dma_start3A_374 = arith.constant 0 : i32
        %dma_start3A_375 = tpu.memref_slice %arg5[%add3A_307, %dma_start3A_374] : memref<78x128xi32, #tpu.memory_space<vmem>> -> memref<1x128xi32, #tpu.memory_space<vmem>>
        %dma_start3A_376 = tpu.memref_squeeze %dma_start3A_375 : memref<1x128xi32, #tpu.memory_space<vmem>> -> memref<128xi32, #tpu.memory_space<vmem>>
        %dma_start3A_377 = arith.constant 0 : i32
        %dma_start3A_378 = arith.constant 0 : i32
        %dma_start3A_379 = tpu.memref_slice %arg2[%dma_start3A_377, %dma_start3A_378] : memref<10000x40xf32, #tpu.memory_space<hbm>> -> memref<10000x40xf32, #tpu.memory_space<hbm>>
        tpu.enqueue_indirect_dma source(%dma_start3A_379 : memref<10000x40xf32, #tpu.memory_space<hbm>>) target(%arg16 : memref<128x40xf32, #tpu.memory_space<vmem>>) offsets(%dma_start3A_376 : memref<128xi32, #tpu.memory_space<vmem>>) semaphore(%arg28 : memref<!tpu.dma_semaphore, #tpu.memory_space<semaphore_mem>>)
      } else {
      }
      %add3A_318 = arith.constant 8 : i32
      %add3A_319 = arith.addi %mul3A_121, %add3A_318 : i32
      %add3A_320 = arith.constant 12 : i32
      %add3A_321 = arith.addi %add3A_319, %add3A_320 : i32
      %lt3A_322 = arith.constant 78 : i32
      %lt3A_323 = arith.cmpi slt, %add3A_319, %lt3A_322 : i32
      %convert_element_type3A_324 = arith.extui %lt3A_323 : i1 to i32
      %cond3A_325 = arith.constant 0 : i32
      %cond3A_326 = arith.cmpi ne, %convert_element_type3A_324, %cond3A_325 : i32
      scf.if %cond3A_326 {
        %dma_wait3A = arith.constant 0 : i32
        %dma_wait3A_374 = tpu.memref_slice %arg6[%add3A_319, %dma_wait3A] : memref<78x128xi32, #tpu.memory_space<vmem>> -> memref<1x128xi32, #tpu.memory_space<vmem>>
        %dma_wait3A_375 = tpu.memref_squeeze %dma_wait3A_374 : memref<1x128xi32, #tpu.memory_space<vmem>> -> memref<128xi32, #tpu.memory_space<vmem>>
        %dma_wait3A_376 = arith.constant 0 : i32
        %dma_wait3A_377 = arith.constant 0 : i32
        %dma_wait3A_378 = tpu.memref_slice %arg45[%dma_wait3A_376, %dma_wait3A_377] : memref<10000x40xf32, #tpu.memory_space<vmem_shared>> -> memref<10000x40xf32, #tpu.memory_space<vmem_shared>>
        tpu.wait_indirect_dma semaphore(%arg41 : memref<!tpu.dma_semaphore, #tpu.memory_space<semaphore_mem>>) src(%arg17 : memref<128x40xf32, #tpu.memory_space<vmem>>) dst(%dma_wait3A_378 : memref<10000x40xf32, #tpu.memory_space<vmem_shared>>)
      } else {
      }
      %lt3A_327 = arith.constant 78 : i32
      %lt3A_328 = arith.cmpi slt, %add3A_321, %lt3A_327 : i32
      %convert_element_type3A_329 = arith.extui %lt3A_328 : i1 to i32
      %cond3A_330 = arith.constant 0 : i32
      %cond3A_331 = arith.cmpi ne, %convert_element_type3A_329, %cond3A_330 : i32
      scf.if %cond3A_331 {
        %dma_start3A_374 = arith.constant 0 : i32
        %dma_start3A_375 = tpu.memref_slice %arg5[%add3A_321, %dma_start3A_374] : memref<78x128xi32, #tpu.memory_space<vmem>> -> memref<1x128xi32, #tpu.memory_space<vmem>>
        %dma_start3A_376 = tpu.memref_squeeze %dma_start3A_375 : memref<1x128xi32, #tpu.memory_space<vmem>> -> memref<128xi32, #tpu.memory_space<vmem>>
        %dma_start3A_377 = arith.constant 0 : i32
        %dma_start3A_378 = arith.constant 0 : i32
        %dma_start3A_379 = tpu.memref_slice %arg2[%dma_start3A_377, %dma_start3A_378] : memref<10000x40xf32, #tpu.memory_space<hbm>> -> memref<10000x40xf32, #tpu.memory_space<hbm>>
        tpu.enqueue_indirect_dma source(%dma_start3A_379 : memref<10000x40xf32, #tpu.memory_space<hbm>>) target(%arg17 : memref<128x40xf32, #tpu.memory_space<vmem>>) offsets(%dma_start3A_376 : memref<128xi32, #tpu.memory_space<vmem>>) semaphore(%arg29 : memref<!tpu.dma_semaphore, #tpu.memory_space<semaphore_mem>>)
      } else {
      }
      %add3A_332 = arith.constant 9 : i32
      %add3A_333 = arith.addi %mul3A_121, %add3A_332 : i32
      %add3A_334 = arith.constant 12 : i32
      %add3A_335 = arith.addi %add3A_333, %add3A_334 : i32
      %lt3A_336 = arith.constant 78 : i32
      %lt3A_337 = arith.cmpi slt, %add3A_333, %lt3A_336 : i32
      %convert_element_type3A_338 = arith.extui %lt3A_337 : i1 to i32
      %cond3A_339 = arith.constant 0 : i32
      %cond3A_340 = arith.cmpi ne, %convert_element_type3A_338, %cond3A_339 : i32
      scf.if %cond3A_340 {
        %dma_wait3A = arith.constant 0 : i32
        %dma_wait3A_374 = tpu.memref_slice %arg6[%add3A_333, %dma_wait3A] : memref<78x128xi32, #tpu.memory_space<vmem>> -> memref<1x128xi32, #tpu.memory_space<vmem>>
        %dma_wait3A_375 = tpu.memref_squeeze %dma_wait3A_374 : memref<1x128xi32, #tpu.memory_space<vmem>> -> memref<128xi32, #tpu.memory_space<vmem>>
        %dma_wait3A_376 = arith.constant 0 : i32
        %dma_wait3A_377 = arith.constant 0 : i32
        %dma_wait3A_378 = tpu.memref_slice %arg45[%dma_wait3A_376, %dma_wait3A_377] : memref<10000x40xf32, #tpu.memory_space<vmem_shared>> -> memref<10000x40xf32, #tpu.memory_space<vmem_shared>>
        tpu.wait_indirect_dma semaphore(%arg42 : memref<!tpu.dma_semaphore, #tpu.memory_space<semaphore_mem>>) src(%arg18 : memref<128x40xf32, #tpu.memory_space<vmem>>) dst(%dma_wait3A_378 : memref<10000x40xf32, #tpu.memory_space<vmem_shared>>)
      } else {
      }
      %lt3A_341 = arith.constant 78 : i32
      %lt3A_342 = arith.cmpi slt, %add3A_335, %lt3A_341 : i32
      %convert_element_type3A_343 = arith.extui %lt3A_342 : i1 to i32
      %cond3A_344 = arith.constant 0 : i32
      %cond3A_345 = arith.cmpi ne, %convert_element_type3A_343, %cond3A_344 : i32
      scf.if %cond3A_345 {
        %dma_start3A_374 = arith.constant 0 : i32
        %dma_start3A_375 = tpu.memref_slice %arg5[%add3A_335, %dma_start3A_374] : memref<78x128xi32, #tpu.memory_space<vmem>> -> memref<1x128xi32, #tpu.memory_space<vmem>>
        %dma_start3A_376 = tpu.memref_squeeze %dma_start3A_375 : memref<1x128xi32, #tpu.memory_space<vmem>> -> memref<128xi32, #tpu.memory_space<vmem>>
        %dma_start3A_377 = arith.constant 0 : i32
        %dma_start3A_378 = arith.constant 0 : i32
        %dma_start3A_379 = tpu.memref_slice %arg2[%dma_start3A_377, %dma_start3A_378] : memref<10000x40xf32, #tpu.memory_space<hbm>> -> memref<10000x40xf32, #tpu.memory_space<hbm>>
        tpu.enqueue_indirect_dma source(%dma_start3A_379 : memref<10000x40xf32, #tpu.memory_space<hbm>>) target(%arg18 : memref<128x40xf32, #tpu.memory_space<vmem>>) offsets(%dma_start3A_376 : memref<128xi32, #tpu.memory_space<vmem>>) semaphore(%arg30 : memref<!tpu.dma_semaphore, #tpu.memory_space<semaphore_mem>>)
      } else {
      }
      %add3A_346 = arith.constant 10 : i32
      %add3A_347 = arith.addi %mul3A_121, %add3A_346 : i32
      %add3A_348 = arith.constant 12 : i32
      %add3A_349 = arith.addi %add3A_347, %add3A_348 : i32
      %lt3A_350 = arith.constant 78 : i32
      %lt3A_351 = arith.cmpi slt, %add3A_347, %lt3A_350 : i32
      %convert_element_type3A_352 = arith.extui %lt3A_351 : i1 to i32
      %cond3A_353 = arith.constant 0 : i32
      %cond3A_354 = arith.cmpi ne, %convert_element_type3A_352, %cond3A_353 : i32
      scf.if %cond3A_354 {
        %dma_wait3A = arith.constant 0 : i32
        %dma_wait3A_374 = tpu.memref_slice %arg6[%add3A_347, %dma_wait3A] : memref<78x128xi32, #tpu.memory_space<vmem>> -> memref<1x128xi32, #tpu.memory_space<vmem>>
        %dma_wait3A_375 = tpu.memref_squeeze %dma_wait3A_374 : memref<1x128xi32, #tpu.memory_space<vmem>> -> memref<128xi32, #tpu.memory_space<vmem>>
        %dma_wait3A_376 = arith.constant 0 : i32
        %dma_wait3A_377 = arith.constant 0 : i32
        %dma_wait3A_378 = tpu.memref_slice %arg45[%dma_wait3A_376, %dma_wait3A_377] : memref<10000x40xf32, #tpu.memory_space<vmem_shared>> -> memref<10000x40xf32, #tpu.memory_space<vmem_shared>>
        tpu.wait_indirect_dma semaphore(%arg43 : memref<!tpu.dma_semaphore, #tpu.memory_space<semaphore_mem>>) src(%arg19 : memref<128x40xf32, #tpu.memory_space<vmem>>) dst(%dma_wait3A_378 : memref<10000x40xf32, #tpu.memory_space<vmem_shared>>)
      } else {
      }
      %lt3A_355 = arith.constant 78 : i32
      %lt3A_356 = arith.cmpi slt, %add3A_349, %lt3A_355 : i32
      %convert_element_type3A_357 = arith.extui %lt3A_356 : i1 to i32
      %cond3A_358 = arith.constant 0 : i32
      %cond3A_359 = arith.cmpi ne, %convert_element_type3A_357, %cond3A_358 : i32
      scf.if %cond3A_359 {
        %dma_start3A_374 = arith.constant 0 : i32
        %dma_start3A_375 = tpu.memref_slice %arg5[%add3A_349, %dma_start3A_374] : memref<78x128xi32, #tpu.memory_space<vmem>> -> memref<1x128xi32, #tpu.memory_space<vmem>>
        %dma_start3A_376 = tpu.memref_squeeze %dma_start3A_375 : memref<1x128xi32, #tpu.memory_space<vmem>> -> memref<128xi32, #tpu.memory_space<vmem>>
        %dma_start3A_377 = arith.constant 0 : i32
        %dma_start3A_378 = arith.constant 0 : i32
        %dma_start3A_379 = tpu.memref_slice %arg2[%dma_start3A_377, %dma_start3A_378] : memref<10000x40xf32, #tpu.memory_space<hbm>> -> memref<10000x40xf32, #tpu.memory_space<hbm>>
        tpu.enqueue_indirect_dma source(%dma_start3A_379 : memref<10000x40xf32, #tpu.memory_space<hbm>>) target(%arg19 : memref<128x40xf32, #tpu.memory_space<vmem>>) offsets(%dma_start3A_376 : memref<128xi32, #tpu.memory_space<vmem>>) semaphore(%arg31 : memref<!tpu.dma_semaphore, #tpu.memory_space<semaphore_mem>>)
      } else {
      }
      %add3A_360 = arith.constant 11 : i32
      %add3A_361 = arith.addi %mul3A_121, %add3A_360 : i32
      %add3A_362 = arith.constant 12 : i32
      %add3A_363 = arith.addi %add3A_361, %add3A_362 : i32
      %lt3A_364 = arith.constant 78 : i32
      %lt3A_365 = arith.cmpi slt, %add3A_361, %lt3A_364 : i32
      %convert_element_type3A_366 = arith.extui %lt3A_365 : i1 to i32
      %cond3A_367 = arith.constant 0 : i32
      %cond3A_368 = arith.cmpi ne, %convert_element_type3A_366, %cond3A_367 : i32
      scf.if %cond3A_368 {
        %dma_wait3A = arith.constant 0 : i32
        %dma_wait3A_374 = tpu.memref_slice %arg6[%add3A_361, %dma_wait3A] : memref<78x128xi32, #tpu.memory_space<vmem>> -> memref<1x128xi32, #tpu.memory_space<vmem>>
        %dma_wait3A_375 = tpu.memref_squeeze %dma_wait3A_374 : memref<1x128xi32, #tpu.memory_space<vmem>> -> memref<128xi32, #tpu.memory_space<vmem>>
        %dma_wait3A_376 = arith.constant 0 : i32
        %dma_wait3A_377 = arith.constant 0 : i32
        %dma_wait3A_378 = tpu.memref_slice %arg45[%dma_wait3A_376, %dma_wait3A_377] : memref<10000x40xf32, #tpu.memory_space<vmem_shared>> -> memref<10000x40xf32, #tpu.memory_space<vmem_shared>>
        tpu.wait_indirect_dma semaphore(%arg44 : memref<!tpu.dma_semaphore, #tpu.memory_space<semaphore_mem>>) src(%arg20 : memref<128x40xf32, #tpu.memory_space<vmem>>) dst(%dma_wait3A_378 : memref<10000x40xf32, #tpu.memory_space<vmem_shared>>)
      } else {
      }
      %lt3A_369 = arith.constant 78 : i32
      %lt3A_370 = arith.cmpi slt, %add3A_363, %lt3A_369 : i32
      %convert_element_type3A_371 = arith.extui %lt3A_370 : i1 to i32
      %cond3A_372 = arith.constant 0 : i32
      %cond3A_373 = arith.cmpi ne, %convert_element_type3A_371, %cond3A_372 : i32
      scf.if %cond3A_373 {
        %dma_start3A_374 = arith.constant 0 : i32
        %dma_start3A_375 = tpu.memref_slice %arg5[%add3A_363, %dma_start3A_374] : memref<78x128xi32, #tpu.memory_space<vmem>> -> memref<1x128xi32, #tpu.memory_space<vmem>>
        %dma_start3A_376 = tpu.memref_squeeze %dma_start3A_375 : memref<1x128xi32, #tpu.memory_space<vmem>> -> memref<128xi32, #tpu.memory_space<vmem>>
        %dma_start3A_377 = arith.constant 0 : i32
        %dma_start3A_378 = arith.constant 0 : i32
        %dma_start3A_379 = tpu.memref_slice %arg2[%dma_start3A_377, %dma_start3A_378] : memref<10000x40xf32, #tpu.memory_space<hbm>> -> memref<10000x40xf32, #tpu.memory_space<hbm>>
        tpu.enqueue_indirect_dma source(%dma_start3A_379 : memref<10000x40xf32, #tpu.memory_space<hbm>>) target(%arg20 : memref<128x40xf32, #tpu.memory_space<vmem>>) offsets(%dma_start3A_376 : memref<128xi32, #tpu.memory_space<vmem>>) semaphore(%arg32 : memref<!tpu.dma_semaphore, #tpu.memory_space<semaphore_mem>>)
      } else {
      }
    }
    %scan3A_104 = arith.constant 7 : i32
    %barrier3A_105 = arith.constant 0 : index
    tpu.barrier barrier_id(%barrier3A_105)
    %mul3A_106 = arith.constant 632 : i32
    %mul3A_107 = arith.muli %arg1, %mul3A_106 : i32
    %multiple_of3A_108 = tpu.assume_multiple %mul3A_107, 8 : i32
    %lt3A_109 = arith.constant 15 : i32
    %lt3A_110 = arith.cmpi slt, %arg1, %lt3A_109 : i32
    %convert_element_type3A_111 = arith.extui %lt3A_110 : i1 to i32
    %cond3A_112 = arith.constant 0 : i32
    %cond3A_113 = arith.cmpi ne, %convert_element_type3A_111, %cond3A_112 : i32
    scf.if %cond3A_113 {
      "tpu.region"() ({
        %run_scoped3A_119 = tpu.sem_alloc : memref<!tpu.dma_semaphore, #tpu.memory_space<semaphore_mem>>
        %dma_start3A_120 = arith.constant 0 : i32
        %dma_start3A_121 = tpu.memref_slice %arg4[%arg0, %multiple_of3A_108, %dma_start3A_120] : memref<2x10000x40xf32, #tpu.memory_space<hbm>> -> memref<1x632x40xf32, #tpu.memory_space<hbm>>
        %dma_start3A_122 = tpu.memref_squeeze %dma_start3A_121 : memref<1x632x40xf32, #tpu.memory_space<hbm>> -> memref<632x40xf32, #tpu.memory_space<hbm>>
        %dma_start3A_123 = arith.constant 0 : i32
        %dma_start3A_124 = tpu.memref_slice %arg45[%multiple_of3A_108, %dma_start3A_123] : memref<10000x40xf32, #tpu.memory_space<vmem_shared>> -> memref<632x40xf32, #tpu.memory_space<vmem_shared>>
        tpu.enqueue_dma source(%dma_start3A_124 : memref<632x40xf32, #tpu.memory_space<vmem_shared>>) target(%dma_start3A_122 : memref<632x40xf32, #tpu.memory_space<hbm>>) target_semaphore(%run_scoped3A_119 : memref<!tpu.dma_semaphore, #tpu.memory_space<semaphore_mem>>)
        %dma_wait3A = arith.constant 0 : i32
        %dma_wait3A_125 = tpu.memref_slice %arg4[%arg0, %multiple_of3A_108, %dma_wait3A] : memref<2x10000x40xf32, #tpu.memory_space<hbm>> -> memref<1x632x40xf32, #tpu.memory_space<hbm>>
        %dma_wait3A_126 = tpu.memref_squeeze %dma_wait3A_125 : memref<1x632x40xf32, #tpu.memory_space<hbm>> -> memref<632x40xf32, #tpu.memory_space<hbm>>
        %dma_wait3A_127 = arith.constant 0 : i32
        %dma_wait3A_128 = tpu.memref_slice %arg45[%multiple_of3A_108, %dma_wait3A_127] : memref<10000x40xf32, #tpu.memory_space<vmem_shared>> -> memref<632x40xf32, #tpu.memory_space<vmem_shared>>
        tpu.wait_dma2 semaphore(%run_scoped3A_119 : memref<!tpu.dma_semaphore, #tpu.memory_space<semaphore_mem>>) src(%dma_wait3A_128 : memref<632x40xf32, #tpu.memory_space<vmem_shared>>) dst(%dma_wait3A_126 : memref<632x40xf32, #tpu.memory_space<hbm>>)
        tpu.yield
      }) : () -> ()
    } else {
    }
    %eq3A_114 = arith.constant 15 : i32
    %eq3A_115 = arith.cmpi eq, %arg1, %eq3A_114 : i32
    %convert_element_type3A_116 = arith.extui %eq3A_115 : i1 to i32
    %cond3A_117 = arith.constant 0 : i32
    %cond3A_118 = arith.cmpi ne, %convert_element_type3A_116, %cond3A_117 : i32
    scf.if %cond3A_118 {
      "tpu.region"() ({
        %run_scoped3A_119 = tpu.sem_alloc : memref<!tpu.dma_semaphore, #tpu.memory_space<semaphore_mem>>
        %dma_start3A_120 = arith.constant 9480 : i32
        %dma_start3A_121 = arith.constant 0 : i32
        %dma_start3A_122 = tpu.memref_slice %arg4[%arg0, %dma_start3A_120, %dma_start3A_121] : memref<2x10000x40xf32, #tpu.memory_space<hbm>> -> memref<1x520x40xf32, #tpu.memory_space<hbm>>
        %dma_start3A_123 = tpu.memref_squeeze %dma_start3A_122 : memref<1x520x40xf32, #tpu.memory_space<hbm>> -> memref<520x40xf32, #tpu.memory_space<hbm>>
        %dma_start3A_124 = arith.constant 9480 : i32
        %dma_start3A_125 = arith.constant 0 : i32
        %dma_start3A_126 = tpu.memref_slice %arg45[%dma_start3A_124, %dma_start3A_125] : memref<10000x40xf32, #tpu.memory_space<vmem_shared>> -> memref<520x40xf32, #tpu.memory_space<vmem_shared>>
        tpu.enqueue_dma source(%dma_start3A_126 : memref<520x40xf32, #tpu.memory_space<vmem_shared>>) target(%dma_start3A_123 : memref<520x40xf32, #tpu.memory_space<hbm>>) target_semaphore(%run_scoped3A_119 : memref<!tpu.dma_semaphore, #tpu.memory_space<semaphore_mem>>)
        %dma_wait3A = arith.constant 9480 : i32
        %dma_wait3A_127 = arith.constant 0 : i32
        %dma_wait3A_128 = tpu.memref_slice %arg4[%arg0, %dma_wait3A, %dma_wait3A_127] : memref<2x10000x40xf32, #tpu.memory_space<hbm>> -> memref<1x520x40xf32, #tpu.memory_space<hbm>>
        %dma_wait3A_129 = tpu.memref_squeeze %dma_wait3A_128 : memref<1x520x40xf32, #tpu.memory_space<hbm>> -> memref<520x40xf32, #tpu.memory_space<hbm>>
        %dma_wait3A_130 = arith.constant 9480 : i32
        %dma_wait3A_131 = arith.constant 0 : i32
        %dma_wait3A_132 = tpu.memref_slice %arg45[%dma_wait3A_130, %dma_wait3A_131] : memref<10000x40xf32, #tpu.memory_space<vmem_shared>> -> memref<520x40xf32, #tpu.memory_space<vmem_shared>>
        tpu.wait_dma2 semaphore(%run_scoped3A_119 : memref<!tpu.dma_semaphore, #tpu.memory_space<semaphore_mem>>) src(%dma_wait3A_132 : memref<520x40xf32, #tpu.memory_space<vmem_shared>>) dst(%dma_wait3A_129 : memref<520x40xf32, #tpu.memory_space<hbm>>)
        tpu.yield
      }) : () -> ()
    } else {
    }
    return
  }
}

#map = affine_map<(d0, d1) -> (0, 0)>
#map1 = affine_map<(d0, d1) -> (0, 0, 0)>
module attributes {stable_mosaic.version = 14 : i64} {
  func.func @agg(%arg0: i32, %arg1: i32, %arg2: memref<10000x32xf32, #tpu.memory_space<hbm>>, %arg3: memref<2x2500x128xi32, #tpu.memory_space<hbm>>, %arg4: memref<2x10000x32xf32, #tpu.memory_space<hbm>>, %arg5: memref<78x128xi32, #tpu.memory_space<vmem>>, %arg6: memref<78x128xi32, #tpu.memory_space<vmem>>, %arg7: memref<128xi32, #tpu.memory_space<vmem>>, %arg8: memref<128xi32, #tpu.memory_space<vmem>>, %arg9: memref<128x32xf32, #tpu.memory_space<vmem>>, %arg10: memref<128x32xf32, #tpu.memory_space<vmem>>, %arg11: memref<128x32xf32, #tpu.memory_space<vmem>>, %arg12: memref<128x32xf32, #tpu.memory_space<vmem>>, %arg13: memref<128x32xf32, #tpu.memory_space<vmem>>, %arg14: memref<128x32xf32, #tpu.memory_space<vmem>>, %arg15: memref<128x32xf32, #tpu.memory_space<vmem>>, %arg16: memref<128x32xf32, #tpu.memory_space<vmem>>, %arg17: memref<128x32xf32, #tpu.memory_space<vmem>>, %arg18: memref<128x32xf32, #tpu.memory_space<vmem>>, %arg19: memref<128x32xf32, #tpu.memory_space<vmem>>, %arg20: memref<128x32xf32, #tpu.memory_space<vmem>>, %arg21: memref<!tpu.dma_semaphore, #tpu.memory_space<semaphore_mem>>, %arg22: memref<!tpu.dma_semaphore, #tpu.memory_space<semaphore_mem>>, %arg23: memref<!tpu.dma_semaphore, #tpu.memory_space<semaphore_mem>>, %arg24: memref<!tpu.dma_semaphore, #tpu.memory_space<semaphore_mem>>, %arg25: memref<!tpu.dma_semaphore, #tpu.memory_space<semaphore_mem>>, %arg26: memref<!tpu.dma_semaphore, #tpu.memory_space<semaphore_mem>>, %arg27: memref<!tpu.dma_semaphore, #tpu.memory_space<semaphore_mem>>, %arg28: memref<!tpu.dma_semaphore, #tpu.memory_space<semaphore_mem>>, %arg29: memref<!tpu.dma_semaphore, #tpu.memory_space<semaphore_mem>>, %arg30: memref<!tpu.dma_semaphore, #tpu.memory_space<semaphore_mem>>, %arg31: memref<!tpu.dma_semaphore, #tpu.memory_space<semaphore_mem>>, %arg32: memref<!tpu.dma_semaphore, #tpu.memory_space<semaphore_mem>>, %arg33: memref<!tpu.dma_semaphore, #tpu.memory_space<semaphore_mem>>, %arg34: memref<!tpu.dma_semaphore, #tpu.memory_space<semaphore_mem>>, %arg35: memref<!tpu.dma_semaphore, #tpu.memory_space<semaphore_mem>>, %arg36: memref<!tpu.dma_semaphore, #tpu.memory_space<semaphore_mem>>, %arg37: memref<!tpu.dma_semaphore, #tpu.memory_space<semaphore_mem>>, %arg38: memref<!tpu.dma_semaphore, #tpu.memory_space<semaphore_mem>>, %arg39: memref<!tpu.dma_semaphore, #tpu.memory_space<semaphore_mem>>, %arg40: memref<!tpu.dma_semaphore, #tpu.memory_space<semaphore_mem>>, %arg41: memref<!tpu.dma_semaphore, #tpu.memory_space<semaphore_mem>>, %arg42: memref<!tpu.dma_semaphore, #tpu.memory_space<semaphore_mem>>, %arg43: memref<!tpu.dma_semaphore, #tpu.memory_space<semaphore_mem>>, %arg44: memref<!tpu.dma_semaphore, #tpu.memory_space<semaphore_mem>>, %arg45: memref<10000x32xf32, #tpu.memory_space<vmem_shared>>) attributes {dimension_semantics = [#tpu.dimension_semantics<core_parallel>, #tpu.dimension_semantics<subcore_parallel>], iteration_bounds = array<i64: 2, 16>, scalar_prefetch = 0 : i64, scratch_operands = 41 : i64, tpu.core_type = #tpu.core_type<sc_vector_subcore>, window_params = [{transform_indices = #map}, {transform_indices = #map1}, {transform_indices = #map1}]} {
    %mul3A = arith.constant 16 : i32
    %mul3A_0 = arith.muli %arg0, %mul3A : i32
    %add3A = arith.addi %mul3A_0, %arg1 : i32
    %mul3A_1 = arith.constant 78 : i32
    %mul3A_2 = arith.muli %add3A, %mul3A_1 : i32
    %run_scoped3A = arith.constant 0 : i32
    "tpu.region"() ({
      %run_scoped3A_119 = tpu.sem_alloc : memref<!tpu.dma_semaphore, #tpu.memory_space<semaphore_mem>>
      %dma_start3A_120 = arith.constant 0 : i32
      %dma_start3A_121 = tpu.memref_slice %arg3[%run_scoped3A, %mul3A_2, %dma_start3A_120] : memref<2x2500x128xi32, #tpu.memory_space<hbm>> -> memref<1x78x128xi32, #tpu.memory_space<hbm>>
      %dma_start3A_122 = tpu.memref_squeeze %dma_start3A_121 : memref<1x78x128xi32, #tpu.memory_space<hbm>> -> memref<78x128xi32, #tpu.memory_space<hbm>>
      %dma_start3A_123 = arith.constant 0 : i32
      %dma_start3A_124 = tpu.memref_slice %arg3[%run_scoped3A, %mul3A_2, %dma_start3A_123] : memref<2x2500x128xi32, #tpu.memory_space<hbm>> -> memref<1x78x128xi32, #tpu.memory_space<hbm>>
      %dma_start3A_125 = tpu.memref_squeeze %dma_start3A_124 : memref<1x78x128xi32, #tpu.memory_space<hbm>> -> memref<78x128xi32, #tpu.memory_space<hbm>>
      tpu.enqueue_dma source(%dma_start3A_125 : memref<78x128xi32, #tpu.memory_space<hbm>>) target(%arg5 : memref<78x128xi32, #tpu.memory_space<vmem>>) target_semaphore(%run_scoped3A_119 : memref<!tpu.dma_semaphore, #tpu.memory_space<semaphore_mem>>)
      %dma_wait3A = arith.constant 0 : i32
      %dma_wait3A_126 = tpu.memref_slice %arg3[%run_scoped3A, %mul3A_2, %dma_wait3A] : memref<2x2500x128xi32, #tpu.memory_space<hbm>> -> memref<1x78x128xi32, #tpu.memory_space<hbm>>
      %dma_wait3A_127 = tpu.memref_squeeze %dma_wait3A_126 : memref<1x78x128xi32, #tpu.memory_space<hbm>> -> memref<78x128xi32, #tpu.memory_space<hbm>>
      %dma_wait3A_128 = arith.constant 0 : i32
      %dma_wait3A_129 = tpu.memref_slice %arg3[%run_scoped3A, %mul3A_2, %dma_wait3A_128] : memref<2x2500x128xi32, #tpu.memory_space<hbm>> -> memref<1x78x128xi32, #tpu.memory_space<hbm>>
      %dma_wait3A_130 = tpu.memref_squeeze %dma_wait3A_129 : memref<1x78x128xi32, #tpu.memory_space<hbm>> -> memref<78x128xi32, #tpu.memory_space<hbm>>
      tpu.wait_dma2 semaphore(%run_scoped3A_119 : memref<!tpu.dma_semaphore, #tpu.memory_space<semaphore_mem>>) src(%dma_wait3A_130 : memref<78x128xi32, #tpu.memory_space<hbm>>) dst(%arg5 : memref<78x128xi32, #tpu.memory_space<vmem>>)
      tpu.yield
    }) : () -> ()
    %run_scoped3A_3 = arith.constant 1 : i32
    "tpu.region"() ({
      %run_scoped3A_119 = tpu.sem_alloc : memref<!tpu.dma_semaphore, #tpu.memory_space<semaphore_mem>>
      %dma_start3A_120 = arith.constant 0 : i32
      %dma_start3A_121 = tpu.memref_slice %arg3[%run_scoped3A_3, %mul3A_2, %dma_start3A_120] : memref<2x2500x128xi32, #tpu.memory_space<hbm>> -> memref<1x78x128xi32, #tpu.memory_space<hbm>>
      %dma_start3A_122 = tpu.memref_squeeze %dma_start3A_121 : memref<1x78x128xi32, #tpu.memory_space<hbm>> -> memref<78x128xi32, #tpu.memory_space<hbm>>
      %dma_start3A_123 = arith.constant 0 : i32
      %dma_start3A_124 = tpu.memref_slice %arg3[%run_scoped3A_3, %mul3A_2, %dma_start3A_123] : memref<2x2500x128xi32, #tpu.memory_space<hbm>> -> memref<1x78x128xi32, #tpu.memory_space<hbm>>
      %dma_start3A_125 = tpu.memref_squeeze %dma_start3A_124 : memref<1x78x128xi32, #tpu.memory_space<hbm>> -> memref<78x128xi32, #tpu.memory_space<hbm>>
      tpu.enqueue_dma source(%dma_start3A_125 : memref<78x128xi32, #tpu.memory_space<hbm>>) target(%arg6 : memref<78x128xi32, #tpu.memory_space<vmem>>) target_semaphore(%run_scoped3A_119 : memref<!tpu.dma_semaphore, #tpu.memory_space<semaphore_mem>>)
      %dma_wait3A = arith.constant 0 : i32
      %dma_wait3A_126 = tpu.memref_slice %arg3[%run_scoped3A_3, %mul3A_2, %dma_wait3A] : memref<2x2500x128xi32, #tpu.memory_space<hbm>> -> memref<1x78x128xi32, #tpu.memory_space<hbm>>
      %dma_wait3A_127 = tpu.memref_squeeze %dma_wait3A_126 : memref<1x78x128xi32, #tpu.memory_space<hbm>> -> memref<78x128xi32, #tpu.memory_space<hbm>>
      %dma_wait3A_128 = arith.constant 0 : i32
      %dma_wait3A_129 = tpu.memref_slice %arg3[%run_scoped3A_3, %mul3A_2, %dma_wait3A_128] : memref<2x2500x128xi32, #tpu.memory_space<hbm>> -> memref<1x78x128xi32, #tpu.memory_space<hbm>>
      %dma_wait3A_130 = tpu.memref_squeeze %dma_wait3A_129 : memref<1x78x128xi32, #tpu.memory_space<hbm>> -> memref<78x128xi32, #tpu.memory_space<hbm>>
      tpu.wait_dma2 semaphore(%run_scoped3A_119 : memref<!tpu.dma_semaphore, #tpu.memory_space<semaphore_mem>>) src(%dma_wait3A_130 : memref<78x128xi32, #tpu.memory_space<hbm>>) dst(%arg6 : memref<78x128xi32, #tpu.memory_space<vmem>>)
      tpu.yield
    }) : () -> ()
    %mul3A_4 = arith.constant 632 : i32
    %mul3A_5 = arith.muli %arg1, %mul3A_4 : i32
    %multiple_of3A = tpu.assume_multiple %mul3A_5, 8 : i32
    %lt3A = arith.constant 15 : i32
    %lt3A_6 = arith.cmpi slt, %arg1, %lt3A : i32
    %convert_element_type3A = arith.extui %lt3A_6 : i1 to i32
    %cond3A = arith.constant 0 : i32
    %cond3A_7 = arith.cmpi ne, %convert_element_type3A, %cond3A : i32
    scf.if %cond3A_7 {
      "tpu.region"() ({
        %run_scoped3A_119 = tpu.sem_alloc : memref<!tpu.dma_semaphore, #tpu.memory_space<semaphore_mem>>
        %dma_start3A_120 = arith.constant 0 : i32
        %dma_start3A_121 = tpu.memref_slice %arg45[%multiple_of3A, %dma_start3A_120] : memref<10000x32xf32, #tpu.memory_space<vmem_shared>> -> memref<632x32xf32, #tpu.memory_space<vmem_shared>>
        %dma_start3A_122 = arith.constant 0 : i32
        %dma_start3A_123 = tpu.memref_slice %arg2[%multiple_of3A, %dma_start3A_122] : memref<10000x32xf32, #tpu.memory_space<hbm>> -> memref<632x32xf32, #tpu.memory_space<hbm>>
        tpu.enqueue_dma source(%dma_start3A_123 : memref<632x32xf32, #tpu.memory_space<hbm>>) target(%dma_start3A_121 : memref<632x32xf32, #tpu.memory_space<vmem_shared>>) target_semaphore(%run_scoped3A_119 : memref<!tpu.dma_semaphore, #tpu.memory_space<semaphore_mem>>)
        %dma_wait3A = arith.constant 0 : i32
        %dma_wait3A_124 = tpu.memref_slice %arg45[%multiple_of3A, %dma_wait3A] : memref<10000x32xf32, #tpu.memory_space<vmem_shared>> -> memref<632x32xf32, #tpu.memory_space<vmem_shared>>
        %dma_wait3A_125 = arith.constant 0 : i32
        %dma_wait3A_126 = tpu.memref_slice %arg2[%multiple_of3A, %dma_wait3A_125] : memref<10000x32xf32, #tpu.memory_space<hbm>> -> memref<632x32xf32, #tpu.memory_space<hbm>>
        tpu.wait_dma2 semaphore(%run_scoped3A_119 : memref<!tpu.dma_semaphore, #tpu.memory_space<semaphore_mem>>) src(%dma_wait3A_126 : memref<632x32xf32, #tpu.memory_space<hbm>>) dst(%dma_wait3A_124 : memref<632x32xf32, #tpu.memory_space<vmem_shared>>)
        tpu.yield
      }) : () -> ()
    } else {
    }
    %eq3A = arith.constant 15 : i32
    %eq3A_8 = arith.cmpi eq, %arg1, %eq3A : i32
    %convert_element_type3A_9 = arith.extui %eq3A_8 : i1 to i32
    %cond3A_10 = arith.constant 0 : i32
    %cond3A_11 = arith.cmpi ne, %convert_element_type3A_9, %cond3A_10 : i32
    scf.if %cond3A_11 {
      "tpu.region"() ({
        %run_scoped3A_119 = tpu.sem_alloc : memref<!tpu.dma_semaphore, #tpu.memory_space<semaphore_mem>>
        %dma_start3A_120 = arith.constant 9480 : i32
        %dma_start3A_121 = arith.constant 0 : i32
        %dma_start3A_122 = tpu.memref_slice %arg45[%dma_start3A_120, %dma_start3A_121] : memref<10000x32xf32, #tpu.memory_space<vmem_shared>> -> memref<520x32xf32, #tpu.memory_space<vmem_shared>>
        %dma_start3A_123 = arith.constant 9480 : i32
        %dma_start3A_124 = arith.constant 0 : i32
        %dma_start3A_125 = tpu.memref_slice %arg2[%dma_start3A_123, %dma_start3A_124] : memref<10000x32xf32, #tpu.memory_space<hbm>> -> memref<520x32xf32, #tpu.memory_space<hbm>>
        tpu.enqueue_dma source(%dma_start3A_125 : memref<520x32xf32, #tpu.memory_space<hbm>>) target(%dma_start3A_122 : memref<520x32xf32, #tpu.memory_space<vmem_shared>>) target_semaphore(%run_scoped3A_119 : memref<!tpu.dma_semaphore, #tpu.memory_space<semaphore_mem>>)
        %dma_wait3A = arith.constant 9480 : i32
        %dma_wait3A_126 = arith.constant 0 : i32
        %dma_wait3A_127 = tpu.memref_slice %arg45[%dma_wait3A, %dma_wait3A_126] : memref<10000x32xf32, #tpu.memory_space<vmem_shared>> -> memref<520x32xf32, #tpu.memory_space<vmem_shared>>
        %dma_wait3A_128 = arith.constant 9480 : i32
        %dma_wait3A_129 = arith.constant 0 : i32
        %dma_wait3A_130 = tpu.memref_slice %arg2[%dma_wait3A_128, %dma_wait3A_129] : memref<10000x32xf32, #tpu.memory_space<hbm>> -> memref<520x32xf32, #tpu.memory_space<hbm>>
        tpu.wait_dma2 semaphore(%run_scoped3A_119 : memref<!tpu.dma_semaphore, #tpu.memory_space<semaphore_mem>>) src(%dma_wait3A_130 : memref<520x32xf32, #tpu.memory_space<hbm>>) dst(%dma_wait3A_127 : memref<520x32xf32, #tpu.memory_space<vmem_shared>>)
        tpu.yield
      }) : () -> ()
    } else {
    }
    %barrier3A = arith.constant 0 : index
    tpu.barrier barrier_id(%barrier3A)
    %lt3A_12 = arith.constant 4 : i32
    %lt3A_13 = arith.cmpi slt, %add3A, %lt3A_12 : i32
    %convert_element_type3A_14 = arith.extui %lt3A_13 : i1 to i32
    %cond3A_15 = arith.constant 0 : i32
    %cond3A_16 = arith.cmpi ne, %convert_element_type3A_14, %cond3A_15 : i32
    scf.if %cond3A_16 {
      %add3A_119 = arith.constant 2496 : i32
      %add3A_120 = arith.addi %add3A_119, %add3A : i32
      %run_scoped3A_121 = arith.constant 0 : i32
      %run_scoped3A_122 = arith.constant 0 : i32
      "tpu.region"() ({
        %run_scoped3A_130 = tpu.sem_alloc : memref<!tpu.dma_semaphore, #tpu.memory_space<semaphore_mem>>
        %dma_start3A_131 = arith.constant 0 : i32
        %dma_start3A_132 = tpu.memref_slice %arg3[%run_scoped3A_121, %add3A_120, %dma_start3A_131] : memref<2x2500x128xi32, #tpu.memory_space<hbm>> -> memref<1x1x128xi32, #tpu.memory_space<hbm>>
        %dma_start3A_133 = tpu.memref_squeeze %dma_start3A_132 : memref<1x1x128xi32, #tpu.memory_space<hbm>> -> memref<1x128xi32, #tpu.memory_space<hbm>>
        %dma_start3A_134 = arith.constant 0 : i32
        %dma_start3A_135 = tpu.memref_slice %dma_start3A_133[%run_scoped3A_122, %dma_start3A_134] : memref<1x128xi32, #tpu.memory_space<hbm>> -> memref<1x128xi32, #tpu.memory_space<hbm>>
        %dma_start3A_136 = tpu.memref_squeeze %dma_start3A_135 : memref<1x128xi32, #tpu.memory_space<hbm>> -> memref<128xi32, #tpu.memory_space<hbm>>
        %dma_start3A_137 = arith.constant 0 : i32
        %dma_start3A_138 = tpu.memref_slice %arg3[%run_scoped3A_121, %add3A_120, %dma_start3A_137] : memref<2x2500x128xi32, #tpu.memory_space<hbm>> -> memref<1x1x128xi32, #tpu.memory_space<hbm>>
        %dma_start3A_139 = tpu.memref_squeeze %dma_start3A_138 : memref<1x1x128xi32, #tpu.memory_space<hbm>> -> memref<1x128xi32, #tpu.memory_space<hbm>>
        %dma_start3A_140 = arith.constant 0 : i32
        %dma_start3A_141 = tpu.memref_slice %dma_start3A_139[%run_scoped3A_122, %dma_start3A_140] : memref<1x128xi32, #tpu.memory_space<hbm>> -> memref<1x128xi32, #tpu.memory_space<hbm>>
        %dma_start3A_142 = tpu.memref_squeeze %dma_start3A_141 : memref<1x128xi32, #tpu.memory_space<hbm>> -> memref<128xi32, #tpu.memory_space<hbm>>
        tpu.enqueue_dma source(%dma_start3A_142 : memref<128xi32, #tpu.memory_space<hbm>>) target(%arg7 : memref<128xi32, #tpu.memory_space<vmem>>) target_semaphore(%run_scoped3A_130 : memref<!tpu.dma_semaphore, #tpu.memory_space<semaphore_mem>>)
        %dma_wait3A_143 = arith.constant 0 : i32
        %dma_wait3A_144 = tpu.memref_slice %arg3[%run_scoped3A_121, %add3A_120, %dma_wait3A_143] : memref<2x2500x128xi32, #tpu.memory_space<hbm>> -> memref<1x1x128xi32, #tpu.memory_space<hbm>>
        %dma_wait3A_145 = tpu.memref_squeeze %dma_wait3A_144 : memref<1x1x128xi32, #tpu.memory_space<hbm>> -> memref<1x128xi32, #tpu.memory_space<hbm>>
        %dma_wait3A_146 = arith.constant 0 : i32
        %dma_wait3A_147 = tpu.memref_slice %dma_wait3A_145[%run_scoped3A_122, %dma_wait3A_146] : memref<1x128xi32, #tpu.memory_space<hbm>> -> memref<1x128xi32, #tpu.memory_space<hbm>>
        %dma_wait3A_148 = tpu.memref_squeeze %dma_wait3A_147 : memref<1x128xi32, #tpu.memory_space<hbm>> -> memref<128xi32, #tpu.memory_space<hbm>>
        %dma_wait3A_149 = arith.constant 0 : i32
        %dma_wait3A_150 = tpu.memref_slice %arg3[%run_scoped3A_121, %add3A_120, %dma_wait3A_149] : memref<2x2500x128xi32, #tpu.memory_space<hbm>> -> memref<1x1x128xi32, #tpu.memory_space<hbm>>
        %dma_wait3A_151 = tpu.memref_squeeze %dma_wait3A_150 : memref<1x1x128xi32, #tpu.memory_space<hbm>> -> memref<1x128xi32, #tpu.memory_space<hbm>>
        %dma_wait3A_152 = arith.constant 0 : i32
        %dma_wait3A_153 = tpu.memref_slice %dma_wait3A_151[%run_scoped3A_122, %dma_wait3A_152] : memref<1x128xi32, #tpu.memory_space<hbm>> -> memref<1x128xi32, #tpu.memory_space<hbm>>
        %dma_wait3A_154 = tpu.memref_squeeze %dma_wait3A_153 : memref<1x128xi32, #tpu.memory_space<hbm>> -> memref<128xi32, #tpu.memory_space<hbm>>
        tpu.wait_dma2 semaphore(%run_scoped3A_130 : memref<!tpu.dma_semaphore, #tpu.memory_space<semaphore_mem>>) src(%dma_wait3A_154 : memref<128xi32, #tpu.memory_space<hbm>>) dst(%arg7 : memref<128xi32, #tpu.memory_space<vmem>>)
        tpu.yield
      }) : () -> ()
      %run_scoped3A_123 = arith.constant 1 : i32
      %run_scoped3A_124 = arith.constant 0 : i32
      "tpu.region"() ({
        %run_scoped3A_130 = tpu.sem_alloc : memref<!tpu.dma_semaphore, #tpu.memory_space<semaphore_mem>>
        %dma_start3A_131 = arith.constant 0 : i32
        %dma_start3A_132 = tpu.memref_slice %arg3[%run_scoped3A_123, %add3A_120, %dma_start3A_131] : memref<2x2500x128xi32, #tpu.memory_space<hbm>> -> memref<1x1x128xi32, #tpu.memory_space<hbm>>
        %dma_start3A_133 = tpu.memref_squeeze %dma_start3A_132 : memref<1x1x128xi32, #tpu.memory_space<hbm>> -> memref<1x128xi32, #tpu.memory_space<hbm>>
        %dma_start3A_134 = arith.constant 0 : i32
        %dma_start3A_135 = tpu.memref_slice %dma_start3A_133[%run_scoped3A_124, %dma_start3A_134] : memref<1x128xi32, #tpu.memory_space<hbm>> -> memref<1x128xi32, #tpu.memory_space<hbm>>
        %dma_start3A_136 = tpu.memref_squeeze %dma_start3A_135 : memref<1x128xi32, #tpu.memory_space<hbm>> -> memref<128xi32, #tpu.memory_space<hbm>>
        %dma_start3A_137 = arith.constant 0 : i32
        %dma_start3A_138 = tpu.memref_slice %arg3[%run_scoped3A_123, %add3A_120, %dma_start3A_137] : memref<2x2500x128xi32, #tpu.memory_space<hbm>> -> memref<1x1x128xi32, #tpu.memory_space<hbm>>
        %dma_start3A_139 = tpu.memref_squeeze %dma_start3A_138 : memref<1x1x128xi32, #tpu.memory_space<hbm>> -> memref<1x128xi32, #tpu.memory_space<hbm>>
        %dma_start3A_140 = arith.constant 0 : i32
        %dma_start3A_141 = tpu.memref_slice %dma_start3A_139[%run_scoped3A_124, %dma_start3A_140] : memref<1x128xi32, #tpu.memory_space<hbm>> -> memref<1x128xi32, #tpu.memory_space<hbm>>
        %dma_start3A_142 = tpu.memref_squeeze %dma_start3A_141 : memref<1x128xi32, #tpu.memory_space<hbm>> -> memref<128xi32, #tpu.memory_space<hbm>>
        tpu.enqueue_dma source(%dma_start3A_142 : memref<128xi32, #tpu.memory_space<hbm>>) target(%arg8 : memref<128xi32, #tpu.memory_space<vmem>>) target_semaphore(%run_scoped3A_130 : memref<!tpu.dma_semaphore, #tpu.memory_space<semaphore_mem>>)
        %dma_wait3A_143 = arith.constant 0 : i32
        %dma_wait3A_144 = tpu.memref_slice %arg3[%run_scoped3A_123, %add3A_120, %dma_wait3A_143] : memref<2x2500x128xi32, #tpu.memory_space<hbm>> -> memref<1x1x128xi32, #tpu.memory_space<hbm>>
        %dma_wait3A_145 = tpu.memref_squeeze %dma_wait3A_144 : memref<1x1x128xi32, #tpu.memory_space<hbm>> -> memref<1x128xi32, #tpu.memory_space<hbm>>
        %dma_wait3A_146 = arith.constant 0 : i32
        %dma_wait3A_147 = tpu.memref_slice %dma_wait3A_145[%run_scoped3A_124, %dma_wait3A_146] : memref<1x128xi32, #tpu.memory_space<hbm>> -> memref<1x128xi32, #tpu.memory_space<hbm>>
        %dma_wait3A_148 = tpu.memref_squeeze %dma_wait3A_147 : memref<1x128xi32, #tpu.memory_space<hbm>> -> memref<128xi32, #tpu.memory_space<hbm>>
        %dma_wait3A_149 = arith.constant 0 : i32
        %dma_wait3A_150 = tpu.memref_slice %arg3[%run_scoped3A_123, %add3A_120, %dma_wait3A_149] : memref<2x2500x128xi32, #tpu.memory_space<hbm>> -> memref<1x1x128xi32, #tpu.memory_space<hbm>>
        %dma_wait3A_151 = tpu.memref_squeeze %dma_wait3A_150 : memref<1x1x128xi32, #tpu.memory_space<hbm>> -> memref<1x128xi32, #tpu.memory_space<hbm>>
        %dma_wait3A_152 = arith.constant 0 : i32
        %dma_wait3A_153 = tpu.memref_slice %dma_wait3A_151[%run_scoped3A_124, %dma_wait3A_152] : memref<1x128xi32, #tpu.memory_space<hbm>> -> memref<1x128xi32, #tpu.memory_space<hbm>>
        %dma_wait3A_154 = tpu.memref_squeeze %dma_wait3A_153 : memref<1x128xi32, #tpu.memory_space<hbm>> -> memref<128xi32, #tpu.memory_space<hbm>>
        tpu.wait_dma2 semaphore(%run_scoped3A_130 : memref<!tpu.dma_semaphore, #tpu.memory_space<semaphore_mem>>) src(%dma_wait3A_154 : memref<128xi32, #tpu.memory_space<hbm>>) dst(%arg8 : memref<128xi32, #tpu.memory_space<vmem>>)
        tpu.yield
      }) : () -> ()
      %dma_start3A_125 = arith.constant 0 : i32
      %dma_start3A_126 = arith.constant 0 : i32
      %dma_start3A_127 = tpu.memref_slice %arg2[%dma_start3A_125, %dma_start3A_126] : memref<10000x32xf32, #tpu.memory_space<hbm>> -> memref<10000x32xf32, #tpu.memory_space<hbm>>
      tpu.enqueue_indirect_dma source(%dma_start3A_127 : memref<10000x32xf32, #tpu.memory_space<hbm>>) target(%arg9 : memref<128x32xf32, #tpu.memory_space<vmem>>) offsets(%arg7 : memref<128xi32, #tpu.memory_space<vmem>>) semaphore(%arg21 : memref<!tpu.dma_semaphore, #tpu.memory_space<semaphore_mem>>)
      %dma_wait3A = arith.constant 0 : i32
      %dma_wait3A_128 = arith.constant 0 : i32
      %dma_wait3A_129 = tpu.memref_slice %arg2[%dma_wait3A, %dma_wait3A_128] : memref<10000x32xf32, #tpu.memory_space<hbm>> -> memref<10000x32xf32, #tpu.memory_space<hbm>>
      tpu.wait_indirect_dma semaphore(%arg21 : memref<!tpu.dma_semaphore, #tpu.memory_space<semaphore_mem>>) src(%dma_wait3A_129 : memref<10000x32xf32, #tpu.memory_space<hbm>>) dst(%arg9 : memref<128x32xf32, #tpu.memory_space<vmem>>)
      "tpu.region"() ({
        %run_scoped3A_130 = tpu.sem_alloc : memref<!tpu.dma_semaphore, #tpu.memory_space<semaphore_mem>>
        %dma_start3A_131 = arith.constant 0 : i32
        %dma_start3A_132 = arith.constant 0 : i32
        %dma_start3A_133 = tpu.memref_slice %arg45[%dma_start3A_131, %dma_start3A_132] : memref<10000x32xf32, #tpu.memory_space<vmem_shared>> -> memref<10000x32xf32, #tpu.memory_space<vmem_shared>>
        tpu.enqueue_indirect_dma source(%arg9 : memref<128x32xf32, #tpu.memory_space<vmem>>) target(%dma_start3A_133 : memref<10000x32xf32, #tpu.memory_space<vmem_shared>>) offsets(%arg8 : memref<128xi32, #tpu.memory_space<vmem>>) semaphore(%run_scoped3A_130 : memref<!tpu.dma_semaphore, #tpu.memory_space<semaphore_mem>>) {add = true}
        %dma_wait3A_134 = arith.constant 0 : i32
        %dma_wait3A_135 = arith.constant 0 : i32
        %dma_wait3A_136 = tpu.memref_slice %arg45[%dma_wait3A_134, %dma_wait3A_135] : memref<10000x32xf32, #tpu.memory_space<vmem_shared>> -> memref<10000x32xf32, #tpu.memory_space<vmem_shared>>
        tpu.wait_indirect_dma semaphore(%run_scoped3A_130 : memref<!tpu.dma_semaphore, #tpu.memory_space<semaphore_mem>>) src(%arg9 : memref<128x32xf32, #tpu.memory_space<vmem>>) dst(%dma_wait3A_136 : memref<10000x32xf32, #tpu.memory_space<vmem_shared>>)
        tpu.yield
      }) : () -> ()
    } else {
    }
    %dma_start3A = arith.constant 0 : i32
    %dma_start3A_17 = arith.constant 0 : i32
    %dma_start3A_18 = tpu.memref_slice %arg5[%dma_start3A, %dma_start3A_17] : memref<78x128xi32, #tpu.memory_space<vmem>> -> memref<1x128xi32, #tpu.memory_space<vmem>>
    %dma_start3A_19 = tpu.memref_squeeze %dma_start3A_18 : memref<1x128xi32, #tpu.memory_space<vmem>> -> memref<128xi32, #tpu.memory_space<vmem>>
    %dma_start3A_20 = arith.constant 0 : i32
    %dma_start3A_21 = arith.constant 0 : i32
    %dma_start3A_22 = tpu.memref_slice %arg2[%dma_start3A_20, %dma_start3A_21] : memref<10000x32xf32, #tpu.memory_space<hbm>> -> memref<10000x32xf32, #tpu.memory_space<hbm>>
    tpu.enqueue_indirect_dma source(%dma_start3A_22 : memref<10000x32xf32, #tpu.memory_space<hbm>>) target(%arg9 : memref<128x32xf32, #tpu.memory_space<vmem>>) offsets(%dma_start3A_19 : memref<128xi32, #tpu.memory_space<vmem>>) semaphore(%arg21 : memref<!tpu.dma_semaphore, #tpu.memory_space<semaphore_mem>>)
    %dma_start3A_23 = arith.constant 1 : i32
    %dma_start3A_24 = arith.constant 0 : i32
    %dma_start3A_25 = tpu.memref_slice %arg5[%dma_start3A_23, %dma_start3A_24] : memref<78x128xi32, #tpu.memory_space<vmem>> -> memref<1x128xi32, #tpu.memory_space<vmem>>
    %dma_start3A_26 = tpu.memref_squeeze %dma_start3A_25 : memref<1x128xi32, #tpu.memory_space<vmem>> -> memref<128xi32, #tpu.memory_space<vmem>>
    %dma_start3A_27 = arith.constant 0 : i32
    %dma_start3A_28 = arith.constant 0 : i32
    %dma_start3A_29 = tpu.memref_slice %arg2[%dma_start3A_27, %dma_start3A_28] : memref<10000x32xf32, #tpu.memory_space<hbm>> -> memref<10000x32xf32, #tpu.memory_space<hbm>>
    tpu.enqueue_indirect_dma source(%dma_start3A_29 : memref<10000x32xf32, #tpu.memory_space<hbm>>) target(%arg10 : memref<128x32xf32, #tpu.memory_space<vmem>>) offsets(%dma_start3A_26 : memref<128xi32, #tpu.memory_space<vmem>>) semaphore(%arg22 : memref<!tpu.dma_semaphore, #tpu.memory_space<semaphore_mem>>)
    %dma_start3A_30 = arith.constant 2 : i32
    %dma_start3A_31 = arith.constant 0 : i32
    %dma_start3A_32 = tpu.memref_slice %arg5[%dma_start3A_30, %dma_start3A_31] : memref<78x128xi32, #tpu.memory_space<vmem>> -> memref<1x128xi32, #tpu.memory_space<vmem>>
    %dma_start3A_33 = tpu.memref_squeeze %dma_start3A_32 : memref<1x128xi32, #tpu.memory_space<vmem>> -> memref<128xi32, #tpu.memory_space<vmem>>
    %dma_start3A_34 = arith.constant 0 : i32
    %dma_start3A_35 = arith.constant 0 : i32
    %dma_start3A_36 = tpu.memref_slice %arg2[%dma_start3A_34, %dma_start3A_35] : memref<10000x32xf32, #tpu.memory_space<hbm>> -> memref<10000x32xf32, #tpu.memory_space<hbm>>
    tpu.enqueue_indirect_dma source(%dma_start3A_36 : memref<10000x32xf32, #tpu.memory_space<hbm>>) target(%arg11 : memref<128x32xf32, #tpu.memory_space<vmem>>) offsets(%dma_start3A_33 : memref<128xi32, #tpu.memory_space<vmem>>) semaphore(%arg23 : memref<!tpu.dma_semaphore, #tpu.memory_space<semaphore_mem>>)
    %dma_start3A_37 = arith.constant 3 : i32
    %dma_start3A_38 = arith.constant 0 : i32
    %dma_start3A_39 = tpu.memref_slice %arg5[%dma_start3A_37, %dma_start3A_38] : memref<78x128xi32, #tpu.memory_space<vmem>> -> memref<1x128xi32, #tpu.memory_space<vmem>>
    %dma_start3A_40 = tpu.memref_squeeze %dma_start3A_39 : memref<1x128xi32, #tpu.memory_space<vmem>> -> memref<128xi32, #tpu.memory_space<vmem>>
    %dma_start3A_41 = arith.constant 0 : i32
    %dma_start3A_42 = arith.constant 0 : i32
    %dma_start3A_43 = tpu.memref_slice %arg2[%dma_start3A_41, %dma_start3A_42] : memref<10000x32xf32, #tpu.memory_space<hbm>> -> memref<10000x32xf32, #tpu.memory_space<hbm>>
    tpu.enqueue_indirect_dma source(%dma_start3A_43 : memref<10000x32xf32, #tpu.memory_space<hbm>>) target(%arg12 : memref<128x32xf32, #tpu.memory_space<vmem>>) offsets(%dma_start3A_40 : memref<128xi32, #tpu.memory_space<vmem>>) semaphore(%arg24 : memref<!tpu.dma_semaphore, #tpu.memory_space<semaphore_mem>>)
    %dma_start3A_44 = arith.constant 4 : i32
    %dma_start3A_45 = arith.constant 0 : i32
    %dma_start3A_46 = tpu.memref_slice %arg5[%dma_start3A_44, %dma_start3A_45] : memref<78x128xi32, #tpu.memory_space<vmem>> -> memref<1x128xi32, #tpu.memory_space<vmem>>
    %dma_start3A_47 = tpu.memref_squeeze %dma_start3A_46 : memref<1x128xi32, #tpu.memory_space<vmem>> -> memref<128xi32, #tpu.memory_space<vmem>>
    %dma_start3A_48 = arith.constant 0 : i32
    %dma_start3A_49 = arith.constant 0 : i32
    %dma_start3A_50 = tpu.memref_slice %arg2[%dma_start3A_48, %dma_start3A_49] : memref<10000x32xf32, #tpu.memory_space<hbm>> -> memref<10000x32xf32, #tpu.memory_space<hbm>>
    tpu.enqueue_indirect_dma source(%dma_start3A_50 : memref<10000x32xf32, #tpu.memory_space<hbm>>) target(%arg13 : memref<128x32xf32, #tpu.memory_space<vmem>>) offsets(%dma_start3A_47 : memref<128xi32, #tpu.memory_space<vmem>>) semaphore(%arg25 : memref<!tpu.dma_semaphore, #tpu.memory_space<semaphore_mem>>)
    %dma_start3A_51 = arith.constant 5 : i32
    %dma_start3A_52 = arith.constant 0 : i32
    %dma_start3A_53 = tpu.memref_slice %arg5[%dma_start3A_51, %dma_start3A_52] : memref<78x128xi32, #tpu.memory_space<vmem>> -> memref<1x128xi32, #tpu.memory_space<vmem>>
    %dma_start3A_54 = tpu.memref_squeeze %dma_start3A_53 : memref<1x128xi32, #tpu.memory_space<vmem>> -> memref<128xi32, #tpu.memory_space<vmem>>
    %dma_start3A_55 = arith.constant 0 : i32
    %dma_start3A_56 = arith.constant 0 : i32
    %dma_start3A_57 = tpu.memref_slice %arg2[%dma_start3A_55, %dma_start3A_56] : memref<10000x32xf32, #tpu.memory_space<hbm>> -> memref<10000x32xf32, #tpu.memory_space<hbm>>
    tpu.enqueue_indirect_dma source(%dma_start3A_57 : memref<10000x32xf32, #tpu.memory_space<hbm>>) target(%arg14 : memref<128x32xf32, #tpu.memory_space<vmem>>) offsets(%dma_start3A_54 : memref<128xi32, #tpu.memory_space<vmem>>) semaphore(%arg26 : memref<!tpu.dma_semaphore, #tpu.memory_space<semaphore_mem>>)
    %dma_start3A_58 = arith.constant 6 : i32
    %dma_start3A_59 = arith.constant 0 : i32
    %dma_start3A_60 = tpu.memref_slice %arg5[%dma_start3A_58, %dma_start3A_59] : memref<78x128xi32, #tpu.memory_space<vmem>> -> memref<1x128xi32, #tpu.memory_space<vmem>>
    %dma_start3A_61 = tpu.memref_squeeze %dma_start3A_60 : memref<1x128xi32, #tpu.memory_space<vmem>> -> memref<128xi32, #tpu.memory_space<vmem>>
    %dma_start3A_62 = arith.constant 0 : i32
    %dma_start3A_63 = arith.constant 0 : i32
    %dma_start3A_64 = tpu.memref_slice %arg2[%dma_start3A_62, %dma_start3A_63] : memref<10000x32xf32, #tpu.memory_space<hbm>> -> memref<10000x32xf32, #tpu.memory_space<hbm>>
    tpu.enqueue_indirect_dma source(%dma_start3A_64 : memref<10000x32xf32, #tpu.memory_space<hbm>>) target(%arg15 : memref<128x32xf32, #tpu.memory_space<vmem>>) offsets(%dma_start3A_61 : memref<128xi32, #tpu.memory_space<vmem>>) semaphore(%arg27 : memref<!tpu.dma_semaphore, #tpu.memory_space<semaphore_mem>>)
    %dma_start3A_65 = arith.constant 7 : i32
    %dma_start3A_66 = arith.constant 0 : i32
    %dma_start3A_67 = tpu.memref_slice %arg5[%dma_start3A_65, %dma_start3A_66] : memref<78x128xi32, #tpu.memory_space<vmem>> -> memref<1x128xi32, #tpu.memory_space<vmem>>
    %dma_start3A_68 = tpu.memref_squeeze %dma_start3A_67 : memref<1x128xi32, #tpu.memory_space<vmem>> -> memref<128xi32, #tpu.memory_space<vmem>>
    %dma_start3A_69 = arith.constant 0 : i32
    %dma_start3A_70 = arith.constant 0 : i32
    %dma_start3A_71 = tpu.memref_slice %arg2[%dma_start3A_69, %dma_start3A_70] : memref<10000x32xf32, #tpu.memory_space<hbm>> -> memref<10000x32xf32, #tpu.memory_space<hbm>>
    tpu.enqueue_indirect_dma source(%dma_start3A_71 : memref<10000x32xf32, #tpu.memory_space<hbm>>) target(%arg16 : memref<128x32xf32, #tpu.memory_space<vmem>>) offsets(%dma_start3A_68 : memref<128xi32, #tpu.memory_space<vmem>>) semaphore(%arg28 : memref<!tpu.dma_semaphore, #tpu.memory_space<semaphore_mem>>)
    %dma_start3A_72 = arith.constant 8 : i32
    %dma_start3A_73 = arith.constant 0 : i32
    %dma_start3A_74 = tpu.memref_slice %arg5[%dma_start3A_72, %dma_start3A_73] : memref<78x128xi32, #tpu.memory_space<vmem>> -> memref<1x128xi32, #tpu.memory_space<vmem>>
    %dma_start3A_75 = tpu.memref_squeeze %dma_start3A_74 : memref<1x128xi32, #tpu.memory_space<vmem>> -> memref<128xi32, #tpu.memory_space<vmem>>
    %dma_start3A_76 = arith.constant 0 : i32
    %dma_start3A_77 = arith.constant 0 : i32
    %dma_start3A_78 = tpu.memref_slice %arg2[%dma_start3A_76, %dma_start3A_77] : memref<10000x32xf32, #tpu.memory_space<hbm>> -> memref<10000x32xf32, #tpu.memory_space<hbm>>
    tpu.enqueue_indirect_dma source(%dma_start3A_78 : memref<10000x32xf32, #tpu.memory_space<hbm>>) target(%arg17 : memref<128x32xf32, #tpu.memory_space<vmem>>) offsets(%dma_start3A_75 : memref<128xi32, #tpu.memory_space<vmem>>) semaphore(%arg29 : memref<!tpu.dma_semaphore, #tpu.memory_space<semaphore_mem>>)
    %dma_start3A_79 = arith.constant 9 : i32
    %dma_start3A_80 = arith.constant 0 : i32
    %dma_start3A_81 = tpu.memref_slice %arg5[%dma_start3A_79, %dma_start3A_80] : memref<78x128xi32, #tpu.memory_space<vmem>> -> memref<1x128xi32, #tpu.memory_space<vmem>>
    %dma_start3A_82 = tpu.memref_squeeze %dma_start3A_81 : memref<1x128xi32, #tpu.memory_space<vmem>> -> memref<128xi32, #tpu.memory_space<vmem>>
    %dma_start3A_83 = arith.constant 0 : i32
    %dma_start3A_84 = arith.constant 0 : i32
    %dma_start3A_85 = tpu.memref_slice %arg2[%dma_start3A_83, %dma_start3A_84] : memref<10000x32xf32, #tpu.memory_space<hbm>> -> memref<10000x32xf32, #tpu.memory_space<hbm>>
    tpu.enqueue_indirect_dma source(%dma_start3A_85 : memref<10000x32xf32, #tpu.memory_space<hbm>>) target(%arg18 : memref<128x32xf32, #tpu.memory_space<vmem>>) offsets(%dma_start3A_82 : memref<128xi32, #tpu.memory_space<vmem>>) semaphore(%arg30 : memref<!tpu.dma_semaphore, #tpu.memory_space<semaphore_mem>>)
    %dma_start3A_86 = arith.constant 10 : i32
    %dma_start3A_87 = arith.constant 0 : i32
    %dma_start3A_88 = tpu.memref_slice %arg5[%dma_start3A_86, %dma_start3A_87] : memref<78x128xi32, #tpu.memory_space<vmem>> -> memref<1x128xi32, #tpu.memory_space<vmem>>
    %dma_start3A_89 = tpu.memref_squeeze %dma_start3A_88 : memref<1x128xi32, #tpu.memory_space<vmem>> -> memref<128xi32, #tpu.memory_space<vmem>>
    %dma_start3A_90 = arith.constant 0 : i32
    %dma_start3A_91 = arith.constant 0 : i32
    %dma_start3A_92 = tpu.memref_slice %arg2[%dma_start3A_90, %dma_start3A_91] : memref<10000x32xf32, #tpu.memory_space<hbm>> -> memref<10000x32xf32, #tpu.memory_space<hbm>>
    tpu.enqueue_indirect_dma source(%dma_start3A_92 : memref<10000x32xf32, #tpu.memory_space<hbm>>) target(%arg19 : memref<128x32xf32, #tpu.memory_space<vmem>>) offsets(%dma_start3A_89 : memref<128xi32, #tpu.memory_space<vmem>>) semaphore(%arg31 : memref<!tpu.dma_semaphore, #tpu.memory_space<semaphore_mem>>)
    %dma_start3A_93 = arith.constant 11 : i32
    %dma_start3A_94 = arith.constant 0 : i32
    %dma_start3A_95 = tpu.memref_slice %arg5[%dma_start3A_93, %dma_start3A_94] : memref<78x128xi32, #tpu.memory_space<vmem>> -> memref<1x128xi32, #tpu.memory_space<vmem>>
    %dma_start3A_96 = tpu.memref_squeeze %dma_start3A_95 : memref<1x128xi32, #tpu.memory_space<vmem>> -> memref<128xi32, #tpu.memory_space<vmem>>
    %dma_start3A_97 = arith.constant 0 : i32
    %dma_start3A_98 = arith.constant 0 : i32
    %dma_start3A_99 = tpu.memref_slice %arg2[%dma_start3A_97, %dma_start3A_98] : memref<10000x32xf32, #tpu.memory_space<hbm>> -> memref<10000x32xf32, #tpu.memory_space<hbm>>
    tpu.enqueue_indirect_dma source(%dma_start3A_99 : memref<10000x32xf32, #tpu.memory_space<hbm>>) target(%arg20 : memref<128x32xf32, #tpu.memory_space<vmem>>) offsets(%dma_start3A_96 : memref<128xi32, #tpu.memory_space<vmem>>) semaphore(%arg32 : memref<!tpu.dma_semaphore, #tpu.memory_space<semaphore_mem>>)
    %scan3A = arith.constant 0 : i32
    %scan3A_100 = arith.constant 0 : i32
    %scan3A_101 = arith.constant 7 : i32
    %scan3A_102 = arith.addi %scan3A_100, %scan3A_101 : i32
    %scan3A_103 = arith.constant 1 : i32
    scf.for %scan3A_119 = %scan3A_100 to %scan3A_102 step %scan3A_103  : i32 {
      %mul3A_120 = arith.constant 12 : i32
      %mul3A_121 = arith.muli %scan3A_119, %mul3A_120 : i32
      %add3A_122 = arith.constant 0 : i32
      %add3A_123 = arith.addi %mul3A_121, %add3A_122 : i32
      %lt3A_124 = arith.constant 78 : i32
      %lt3A_125 = arith.cmpi slt, %add3A_123, %lt3A_124 : i32
      %convert_element_type3A_126 = arith.extui %lt3A_125 : i1 to i32
      %cond3A_127 = arith.constant 0 : i32
      %cond3A_128 = arith.cmpi ne, %convert_element_type3A_126, %cond3A_127 : i32
      scf.if %cond3A_128 {
        %dma_wait3A = arith.constant 0 : i32
        %dma_wait3A_374 = tpu.memref_slice %arg5[%add3A_123, %dma_wait3A] : memref<78x128xi32, #tpu.memory_space<vmem>> -> memref<1x128xi32, #tpu.memory_space<vmem>>
        %dma_wait3A_375 = tpu.memref_squeeze %dma_wait3A_374 : memref<1x128xi32, #tpu.memory_space<vmem>> -> memref<128xi32, #tpu.memory_space<vmem>>
        %dma_wait3A_376 = arith.constant 0 : i32
        %dma_wait3A_377 = arith.constant 0 : i32
        %dma_wait3A_378 = tpu.memref_slice %arg2[%dma_wait3A_376, %dma_wait3A_377] : memref<10000x32xf32, #tpu.memory_space<hbm>> -> memref<10000x32xf32, #tpu.memory_space<hbm>>
        tpu.wait_indirect_dma semaphore(%arg21 : memref<!tpu.dma_semaphore, #tpu.memory_space<semaphore_mem>>) src(%dma_wait3A_378 : memref<10000x32xf32, #tpu.memory_space<hbm>>) dst(%arg9 : memref<128x32xf32, #tpu.memory_space<vmem>>)
        %dma_start3A_379 = arith.constant 0 : i32
        %dma_start3A_380 = tpu.memref_slice %arg6[%add3A_123, %dma_start3A_379] : memref<78x128xi32, #tpu.memory_space<vmem>> -> memref<1x128xi32, #tpu.memory_space<vmem>>
        %dma_start3A_381 = tpu.memref_squeeze %dma_start3A_380 : memref<1x128xi32, #tpu.memory_space<vmem>> -> memref<128xi32, #tpu.memory_space<vmem>>
        %dma_start3A_382 = arith.constant 0 : i32
        %dma_start3A_383 = arith.constant 0 : i32
        %dma_start3A_384 = tpu.memref_slice %arg45[%dma_start3A_382, %dma_start3A_383] : memref<10000x32xf32, #tpu.memory_space<vmem_shared>> -> memref<10000x32xf32, #tpu.memory_space<vmem_shared>>
        tpu.enqueue_indirect_dma source(%arg9 : memref<128x32xf32, #tpu.memory_space<vmem>>) target(%dma_start3A_384 : memref<10000x32xf32, #tpu.memory_space<vmem_shared>>) offsets(%dma_start3A_381 : memref<128xi32, #tpu.memory_space<vmem>>) semaphore(%arg33 : memref<!tpu.dma_semaphore, #tpu.memory_space<semaphore_mem>>) {add = true}
      } else {
      }
      %add3A_129 = arith.constant 1 : i32
      %add3A_130 = arith.addi %mul3A_121, %add3A_129 : i32
      %lt3A_131 = arith.constant 78 : i32
      %lt3A_132 = arith.cmpi slt, %add3A_130, %lt3A_131 : i32
      %convert_element_type3A_133 = arith.extui %lt3A_132 : i1 to i32
      %cond3A_134 = arith.constant 0 : i32
      %cond3A_135 = arith.cmpi ne, %convert_element_type3A_133, %cond3A_134 : i32
      scf.if %cond3A_135 {
        %dma_wait3A = arith.constant 0 : i32
        %dma_wait3A_374 = tpu.memref_slice %arg5[%add3A_130, %dma_wait3A] : memref<78x128xi32, #tpu.memory_space<vmem>> -> memref<1x128xi32, #tpu.memory_space<vmem>>
        %dma_wait3A_375 = tpu.memref_squeeze %dma_wait3A_374 : memref<1x128xi32, #tpu.memory_space<vmem>> -> memref<128xi32, #tpu.memory_space<vmem>>
        %dma_wait3A_376 = arith.constant 0 : i32
        %dma_wait3A_377 = arith.constant 0 : i32
        %dma_wait3A_378 = tpu.memref_slice %arg2[%dma_wait3A_376, %dma_wait3A_377] : memref<10000x32xf32, #tpu.memory_space<hbm>> -> memref<10000x32xf32, #tpu.memory_space<hbm>>
        tpu.wait_indirect_dma semaphore(%arg22 : memref<!tpu.dma_semaphore, #tpu.memory_space<semaphore_mem>>) src(%dma_wait3A_378 : memref<10000x32xf32, #tpu.memory_space<hbm>>) dst(%arg10 : memref<128x32xf32, #tpu.memory_space<vmem>>)
        %dma_start3A_379 = arith.constant 0 : i32
        %dma_start3A_380 = tpu.memref_slice %arg6[%add3A_130, %dma_start3A_379] : memref<78x128xi32, #tpu.memory_space<vmem>> -> memref<1x128xi32, #tpu.memory_space<vmem>>
        %dma_start3A_381 = tpu.memref_squeeze %dma_start3A_380 : memref<1x128xi32, #tpu.memory_space<vmem>> -> memref<128xi32, #tpu.memory_space<vmem>>
        %dma_start3A_382 = arith.constant 0 : i32
        %dma_start3A_383 = arith.constant 0 : i32
        %dma_start3A_384 = tpu.memref_slice %arg45[%dma_start3A_382, %dma_start3A_383] : memref<10000x32xf32, #tpu.memory_space<vmem_shared>> -> memref<10000x32xf32, #tpu.memory_space<vmem_shared>>
        tpu.enqueue_indirect_dma source(%arg10 : memref<128x32xf32, #tpu.memory_space<vmem>>) target(%dma_start3A_384 : memref<10000x32xf32, #tpu.memory_space<vmem_shared>>) offsets(%dma_start3A_381 : memref<128xi32, #tpu.memory_space<vmem>>) semaphore(%arg34 : memref<!tpu.dma_semaphore, #tpu.memory_space<semaphore_mem>>) {add = true}
      } else {
      }
      %add3A_136 = arith.constant 2 : i32
      %add3A_137 = arith.addi %mul3A_121, %add3A_136 : i32
      %lt3A_138 = arith.constant 78 : i32
      %lt3A_139 = arith.cmpi slt, %add3A_137, %lt3A_138 : i32
      %convert_element_type3A_140 = arith.extui %lt3A_139 : i1 to i32
      %cond3A_141 = arith.constant 0 : i32
      %cond3A_142 = arith.cmpi ne, %convert_element_type3A_140, %cond3A_141 : i32
      scf.if %cond3A_142 {
        %dma_wait3A = arith.constant 0 : i32
        %dma_wait3A_374 = tpu.memref_slice %arg5[%add3A_137, %dma_wait3A] : memref<78x128xi32, #tpu.memory_space<vmem>> -> memref<1x128xi32, #tpu.memory_space<vmem>>
        %dma_wait3A_375 = tpu.memref_squeeze %dma_wait3A_374 : memref<1x128xi32, #tpu.memory_space<vmem>> -> memref<128xi32, #tpu.memory_space<vmem>>
        %dma_wait3A_376 = arith.constant 0 : i32
        %dma_wait3A_377 = arith.constant 0 : i32
        %dma_wait3A_378 = tpu.memref_slice %arg2[%dma_wait3A_376, %dma_wait3A_377] : memref<10000x32xf32, #tpu.memory_space<hbm>> -> memref<10000x32xf32, #tpu.memory_space<hbm>>
        tpu.wait_indirect_dma semaphore(%arg23 : memref<!tpu.dma_semaphore, #tpu.memory_space<semaphore_mem>>) src(%dma_wait3A_378 : memref<10000x32xf32, #tpu.memory_space<hbm>>) dst(%arg11 : memref<128x32xf32, #tpu.memory_space<vmem>>)
        %dma_start3A_379 = arith.constant 0 : i32
        %dma_start3A_380 = tpu.memref_slice %arg6[%add3A_137, %dma_start3A_379] : memref<78x128xi32, #tpu.memory_space<vmem>> -> memref<1x128xi32, #tpu.memory_space<vmem>>
        %dma_start3A_381 = tpu.memref_squeeze %dma_start3A_380 : memref<1x128xi32, #tpu.memory_space<vmem>> -> memref<128xi32, #tpu.memory_space<vmem>>
        %dma_start3A_382 = arith.constant 0 : i32
        %dma_start3A_383 = arith.constant 0 : i32
        %dma_start3A_384 = tpu.memref_slice %arg45[%dma_start3A_382, %dma_start3A_383] : memref<10000x32xf32, #tpu.memory_space<vmem_shared>> -> memref<10000x32xf32, #tpu.memory_space<vmem_shared>>
        tpu.enqueue_indirect_dma source(%arg11 : memref<128x32xf32, #tpu.memory_space<vmem>>) target(%dma_start3A_384 : memref<10000x32xf32, #tpu.memory_space<vmem_shared>>) offsets(%dma_start3A_381 : memref<128xi32, #tpu.memory_space<vmem>>) semaphore(%arg35 : memref<!tpu.dma_semaphore, #tpu.memory_space<semaphore_mem>>) {add = true}
      } else {
      }
      %add3A_143 = arith.constant 3 : i32
      %add3A_144 = arith.addi %mul3A_121, %add3A_143 : i32
      %lt3A_145 = arith.constant 78 : i32
      %lt3A_146 = arith.cmpi slt, %add3A_144, %lt3A_145 : i32
      %convert_element_type3A_147 = arith.extui %lt3A_146 : i1 to i32
      %cond3A_148 = arith.constant 0 : i32
      %cond3A_149 = arith.cmpi ne, %convert_element_type3A_147, %cond3A_148 : i32
      scf.if %cond3A_149 {
        %dma_wait3A = arith.constant 0 : i32
        %dma_wait3A_374 = tpu.memref_slice %arg5[%add3A_144, %dma_wait3A] : memref<78x128xi32, #tpu.memory_space<vmem>> -> memref<1x128xi32, #tpu.memory_space<vmem>>
        %dma_wait3A_375 = tpu.memref_squeeze %dma_wait3A_374 : memref<1x128xi32, #tpu.memory_space<vmem>> -> memref<128xi32, #tpu.memory_space<vmem>>
        %dma_wait3A_376 = arith.constant 0 : i32
        %dma_wait3A_377 = arith.constant 0 : i32
        %dma_wait3A_378 = tpu.memref_slice %arg2[%dma_wait3A_376, %dma_wait3A_377] : memref<10000x32xf32, #tpu.memory_space<hbm>> -> memref<10000x32xf32, #tpu.memory_space<hbm>>
        tpu.wait_indirect_dma semaphore(%arg24 : memref<!tpu.dma_semaphore, #tpu.memory_space<semaphore_mem>>) src(%dma_wait3A_378 : memref<10000x32xf32, #tpu.memory_space<hbm>>) dst(%arg12 : memref<128x32xf32, #tpu.memory_space<vmem>>)
        %dma_start3A_379 = arith.constant 0 : i32
        %dma_start3A_380 = tpu.memref_slice %arg6[%add3A_144, %dma_start3A_379] : memref<78x128xi32, #tpu.memory_space<vmem>> -> memref<1x128xi32, #tpu.memory_space<vmem>>
        %dma_start3A_381 = tpu.memref_squeeze %dma_start3A_380 : memref<1x128xi32, #tpu.memory_space<vmem>> -> memref<128xi32, #tpu.memory_space<vmem>>
        %dma_start3A_382 = arith.constant 0 : i32
        %dma_start3A_383 = arith.constant 0 : i32
        %dma_start3A_384 = tpu.memref_slice %arg45[%dma_start3A_382, %dma_start3A_383] : memref<10000x32xf32, #tpu.memory_space<vmem_shared>> -> memref<10000x32xf32, #tpu.memory_space<vmem_shared>>
        tpu.enqueue_indirect_dma source(%arg12 : memref<128x32xf32, #tpu.memory_space<vmem>>) target(%dma_start3A_384 : memref<10000x32xf32, #tpu.memory_space<vmem_shared>>) offsets(%dma_start3A_381 : memref<128xi32, #tpu.memory_space<vmem>>) semaphore(%arg36 : memref<!tpu.dma_semaphore, #tpu.memory_space<semaphore_mem>>) {add = true}
      } else {
      }
      %add3A_150 = arith.constant 4 : i32
      %add3A_151 = arith.addi %mul3A_121, %add3A_150 : i32
      %lt3A_152 = arith.constant 78 : i32
      %lt3A_153 = arith.cmpi slt, %add3A_151, %lt3A_152 : i32
      %convert_element_type3A_154 = arith.extui %lt3A_153 : i1 to i32
      %cond3A_155 = arith.constant 0 : i32
      %cond3A_156 = arith.cmpi ne, %convert_element_type3A_154, %cond3A_155 : i32
      scf.if %cond3A_156 {
        %dma_wait3A = arith.constant 0 : i32
        %dma_wait3A_374 = tpu.memref_slice %arg5[%add3A_151, %dma_wait3A] : memref<78x128xi32, #tpu.memory_space<vmem>> -> memref<1x128xi32, #tpu.memory_space<vmem>>
        %dma_wait3A_375 = tpu.memref_squeeze %dma_wait3A_374 : memref<1x128xi32, #tpu.memory_space<vmem>> -> memref<128xi32, #tpu.memory_space<vmem>>
        %dma_wait3A_376 = arith.constant 0 : i32
        %dma_wait3A_377 = arith.constant 0 : i32
        %dma_wait3A_378 = tpu.memref_slice %arg2[%dma_wait3A_376, %dma_wait3A_377] : memref<10000x32xf32, #tpu.memory_space<hbm>> -> memref<10000x32xf32, #tpu.memory_space<hbm>>
        tpu.wait_indirect_dma semaphore(%arg25 : memref<!tpu.dma_semaphore, #tpu.memory_space<semaphore_mem>>) src(%dma_wait3A_378 : memref<10000x32xf32, #tpu.memory_space<hbm>>) dst(%arg13 : memref<128x32xf32, #tpu.memory_space<vmem>>)
        %dma_start3A_379 = arith.constant 0 : i32
        %dma_start3A_380 = tpu.memref_slice %arg6[%add3A_151, %dma_start3A_379] : memref<78x128xi32, #tpu.memory_space<vmem>> -> memref<1x128xi32, #tpu.memory_space<vmem>>
        %dma_start3A_381 = tpu.memref_squeeze %dma_start3A_380 : memref<1x128xi32, #tpu.memory_space<vmem>> -> memref<128xi32, #tpu.memory_space<vmem>>
        %dma_start3A_382 = arith.constant 0 : i32
        %dma_start3A_383 = arith.constant 0 : i32
        %dma_start3A_384 = tpu.memref_slice %arg45[%dma_start3A_382, %dma_start3A_383] : memref<10000x32xf32, #tpu.memory_space<vmem_shared>> -> memref<10000x32xf32, #tpu.memory_space<vmem_shared>>
        tpu.enqueue_indirect_dma source(%arg13 : memref<128x32xf32, #tpu.memory_space<vmem>>) target(%dma_start3A_384 : memref<10000x32xf32, #tpu.memory_space<vmem_shared>>) offsets(%dma_start3A_381 : memref<128xi32, #tpu.memory_space<vmem>>) semaphore(%arg37 : memref<!tpu.dma_semaphore, #tpu.memory_space<semaphore_mem>>) {add = true}
      } else {
      }
      %add3A_157 = arith.constant 5 : i32
      %add3A_158 = arith.addi %mul3A_121, %add3A_157 : i32
      %lt3A_159 = arith.constant 78 : i32
      %lt3A_160 = arith.cmpi slt, %add3A_158, %lt3A_159 : i32
      %convert_element_type3A_161 = arith.extui %lt3A_160 : i1 to i32
      %cond3A_162 = arith.constant 0 : i32
      %cond3A_163 = arith.cmpi ne, %convert_element_type3A_161, %cond3A_162 : i32
      scf.if %cond3A_163 {
        %dma_wait3A = arith.constant 0 : i32
        %dma_wait3A_374 = tpu.memref_slice %arg5[%add3A_158, %dma_wait3A] : memref<78x128xi32, #tpu.memory_space<vmem>> -> memref<1x128xi32, #tpu.memory_space<vmem>>
        %dma_wait3A_375 = tpu.memref_squeeze %dma_wait3A_374 : memref<1x128xi32, #tpu.memory_space<vmem>> -> memref<128xi32, #tpu.memory_space<vmem>>
        %dma_wait3A_376 = arith.constant 0 : i32
        %dma_wait3A_377 = arith.constant 0 : i32
        %dma_wait3A_378 = tpu.memref_slice %arg2[%dma_wait3A_376, %dma_wait3A_377] : memref<10000x32xf32, #tpu.memory_space<hbm>> -> memref<10000x32xf32, #tpu.memory_space<hbm>>
        tpu.wait_indirect_dma semaphore(%arg26 : memref<!tpu.dma_semaphore, #tpu.memory_space<semaphore_mem>>) src(%dma_wait3A_378 : memref<10000x32xf32, #tpu.memory_space<hbm>>) dst(%arg14 : memref<128x32xf32, #tpu.memory_space<vmem>>)
        %dma_start3A_379 = arith.constant 0 : i32
        %dma_start3A_380 = tpu.memref_slice %arg6[%add3A_158, %dma_start3A_379] : memref<78x128xi32, #tpu.memory_space<vmem>> -> memref<1x128xi32, #tpu.memory_space<vmem>>
        %dma_start3A_381 = tpu.memref_squeeze %dma_start3A_380 : memref<1x128xi32, #tpu.memory_space<vmem>> -> memref<128xi32, #tpu.memory_space<vmem>>
        %dma_start3A_382 = arith.constant 0 : i32
        %dma_start3A_383 = arith.constant 0 : i32
        %dma_start3A_384 = tpu.memref_slice %arg45[%dma_start3A_382, %dma_start3A_383] : memref<10000x32xf32, #tpu.memory_space<vmem_shared>> -> memref<10000x32xf32, #tpu.memory_space<vmem_shared>>
        tpu.enqueue_indirect_dma source(%arg14 : memref<128x32xf32, #tpu.memory_space<vmem>>) target(%dma_start3A_384 : memref<10000x32xf32, #tpu.memory_space<vmem_shared>>) offsets(%dma_start3A_381 : memref<128xi32, #tpu.memory_space<vmem>>) semaphore(%arg38 : memref<!tpu.dma_semaphore, #tpu.memory_space<semaphore_mem>>) {add = true}
      } else {
      }
      %add3A_164 = arith.constant 6 : i32
      %add3A_165 = arith.addi %mul3A_121, %add3A_164 : i32
      %lt3A_166 = arith.constant 78 : i32
      %lt3A_167 = arith.cmpi slt, %add3A_165, %lt3A_166 : i32
      %convert_element_type3A_168 = arith.extui %lt3A_167 : i1 to i32
      %cond3A_169 = arith.constant 0 : i32
      %cond3A_170 = arith.cmpi ne, %convert_element_type3A_168, %cond3A_169 : i32
      scf.if %cond3A_170 {
        %dma_wait3A = arith.constant 0 : i32
        %dma_wait3A_374 = tpu.memref_slice %arg5[%add3A_165, %dma_wait3A] : memref<78x128xi32, #tpu.memory_space<vmem>> -> memref<1x128xi32, #tpu.memory_space<vmem>>
        %dma_wait3A_375 = tpu.memref_squeeze %dma_wait3A_374 : memref<1x128xi32, #tpu.memory_space<vmem>> -> memref<128xi32, #tpu.memory_space<vmem>>
        %dma_wait3A_376 = arith.constant 0 : i32
        %dma_wait3A_377 = arith.constant 0 : i32
        %dma_wait3A_378 = tpu.memref_slice %arg2[%dma_wait3A_376, %dma_wait3A_377] : memref<10000x32xf32, #tpu.memory_space<hbm>> -> memref<10000x32xf32, #tpu.memory_space<hbm>>
        tpu.wait_indirect_dma semaphore(%arg27 : memref<!tpu.dma_semaphore, #tpu.memory_space<semaphore_mem>>) src(%dma_wait3A_378 : memref<10000x32xf32, #tpu.memory_space<hbm>>) dst(%arg15 : memref<128x32xf32, #tpu.memory_space<vmem>>)
        %dma_start3A_379 = arith.constant 0 : i32
        %dma_start3A_380 = tpu.memref_slice %arg6[%add3A_165, %dma_start3A_379] : memref<78x128xi32, #tpu.memory_space<vmem>> -> memref<1x128xi32, #tpu.memory_space<vmem>>
        %dma_start3A_381 = tpu.memref_squeeze %dma_start3A_380 : memref<1x128xi32, #tpu.memory_space<vmem>> -> memref<128xi32, #tpu.memory_space<vmem>>
        %dma_start3A_382 = arith.constant 0 : i32
        %dma_start3A_383 = arith.constant 0 : i32
        %dma_start3A_384 = tpu.memref_slice %arg45[%dma_start3A_382, %dma_start3A_383] : memref<10000x32xf32, #tpu.memory_space<vmem_shared>> -> memref<10000x32xf32, #tpu.memory_space<vmem_shared>>
        tpu.enqueue_indirect_dma source(%arg15 : memref<128x32xf32, #tpu.memory_space<vmem>>) target(%dma_start3A_384 : memref<10000x32xf32, #tpu.memory_space<vmem_shared>>) offsets(%dma_start3A_381 : memref<128xi32, #tpu.memory_space<vmem>>) semaphore(%arg39 : memref<!tpu.dma_semaphore, #tpu.memory_space<semaphore_mem>>) {add = true}
      } else {
      }
      %add3A_171 = arith.constant 7 : i32
      %add3A_172 = arith.addi %mul3A_121, %add3A_171 : i32
      %lt3A_173 = arith.constant 78 : i32
      %lt3A_174 = arith.cmpi slt, %add3A_172, %lt3A_173 : i32
      %convert_element_type3A_175 = arith.extui %lt3A_174 : i1 to i32
      %cond3A_176 = arith.constant 0 : i32
      %cond3A_177 = arith.cmpi ne, %convert_element_type3A_175, %cond3A_176 : i32
      scf.if %cond3A_177 {
        %dma_wait3A = arith.constant 0 : i32
        %dma_wait3A_374 = tpu.memref_slice %arg5[%add3A_172, %dma_wait3A] : memref<78x128xi32, #tpu.memory_space<vmem>> -> memref<1x128xi32, #tpu.memory_space<vmem>>
        %dma_wait3A_375 = tpu.memref_squeeze %dma_wait3A_374 : memref<1x128xi32, #tpu.memory_space<vmem>> -> memref<128xi32, #tpu.memory_space<vmem>>
        %dma_wait3A_376 = arith.constant 0 : i32
        %dma_wait3A_377 = arith.constant 0 : i32
        %dma_wait3A_378 = tpu.memref_slice %arg2[%dma_wait3A_376, %dma_wait3A_377] : memref<10000x32xf32, #tpu.memory_space<hbm>> -> memref<10000x32xf32, #tpu.memory_space<hbm>>
        tpu.wait_indirect_dma semaphore(%arg28 : memref<!tpu.dma_semaphore, #tpu.memory_space<semaphore_mem>>) src(%dma_wait3A_378 : memref<10000x32xf32, #tpu.memory_space<hbm>>) dst(%arg16 : memref<128x32xf32, #tpu.memory_space<vmem>>)
        %dma_start3A_379 = arith.constant 0 : i32
        %dma_start3A_380 = tpu.memref_slice %arg6[%add3A_172, %dma_start3A_379] : memref<78x128xi32, #tpu.memory_space<vmem>> -> memref<1x128xi32, #tpu.memory_space<vmem>>
        %dma_start3A_381 = tpu.memref_squeeze %dma_start3A_380 : memref<1x128xi32, #tpu.memory_space<vmem>> -> memref<128xi32, #tpu.memory_space<vmem>>
        %dma_start3A_382 = arith.constant 0 : i32
        %dma_start3A_383 = arith.constant 0 : i32
        %dma_start3A_384 = tpu.memref_slice %arg45[%dma_start3A_382, %dma_start3A_383] : memref<10000x32xf32, #tpu.memory_space<vmem_shared>> -> memref<10000x32xf32, #tpu.memory_space<vmem_shared>>
        tpu.enqueue_indirect_dma source(%arg16 : memref<128x32xf32, #tpu.memory_space<vmem>>) target(%dma_start3A_384 : memref<10000x32xf32, #tpu.memory_space<vmem_shared>>) offsets(%dma_start3A_381 : memref<128xi32, #tpu.memory_space<vmem>>) semaphore(%arg40 : memref<!tpu.dma_semaphore, #tpu.memory_space<semaphore_mem>>) {add = true}
      } else {
      }
      %add3A_178 = arith.constant 8 : i32
      %add3A_179 = arith.addi %mul3A_121, %add3A_178 : i32
      %lt3A_180 = arith.constant 78 : i32
      %lt3A_181 = arith.cmpi slt, %add3A_179, %lt3A_180 : i32
      %convert_element_type3A_182 = arith.extui %lt3A_181 : i1 to i32
      %cond3A_183 = arith.constant 0 : i32
      %cond3A_184 = arith.cmpi ne, %convert_element_type3A_182, %cond3A_183 : i32
      scf.if %cond3A_184 {
        %dma_wait3A = arith.constant 0 : i32
        %dma_wait3A_374 = tpu.memref_slice %arg5[%add3A_179, %dma_wait3A] : memref<78x128xi32, #tpu.memory_space<vmem>> -> memref<1x128xi32, #tpu.memory_space<vmem>>
        %dma_wait3A_375 = tpu.memref_squeeze %dma_wait3A_374 : memref<1x128xi32, #tpu.memory_space<vmem>> -> memref<128xi32, #tpu.memory_space<vmem>>
        %dma_wait3A_376 = arith.constant 0 : i32
        %dma_wait3A_377 = arith.constant 0 : i32
        %dma_wait3A_378 = tpu.memref_slice %arg2[%dma_wait3A_376, %dma_wait3A_377] : memref<10000x32xf32, #tpu.memory_space<hbm>> -> memref<10000x32xf32, #tpu.memory_space<hbm>>
        tpu.wait_indirect_dma semaphore(%arg29 : memref<!tpu.dma_semaphore, #tpu.memory_space<semaphore_mem>>) src(%dma_wait3A_378 : memref<10000x32xf32, #tpu.memory_space<hbm>>) dst(%arg17 : memref<128x32xf32, #tpu.memory_space<vmem>>)
        %dma_start3A_379 = arith.constant 0 : i32
        %dma_start3A_380 = tpu.memref_slice %arg6[%add3A_179, %dma_start3A_379] : memref<78x128xi32, #tpu.memory_space<vmem>> -> memref<1x128xi32, #tpu.memory_space<vmem>>
        %dma_start3A_381 = tpu.memref_squeeze %dma_start3A_380 : memref<1x128xi32, #tpu.memory_space<vmem>> -> memref<128xi32, #tpu.memory_space<vmem>>
        %dma_start3A_382 = arith.constant 0 : i32
        %dma_start3A_383 = arith.constant 0 : i32
        %dma_start3A_384 = tpu.memref_slice %arg45[%dma_start3A_382, %dma_start3A_383] : memref<10000x32xf32, #tpu.memory_space<vmem_shared>> -> memref<10000x32xf32, #tpu.memory_space<vmem_shared>>
        tpu.enqueue_indirect_dma source(%arg17 : memref<128x32xf32, #tpu.memory_space<vmem>>) target(%dma_start3A_384 : memref<10000x32xf32, #tpu.memory_space<vmem_shared>>) offsets(%dma_start3A_381 : memref<128xi32, #tpu.memory_space<vmem>>) semaphore(%arg41 : memref<!tpu.dma_semaphore, #tpu.memory_space<semaphore_mem>>) {add = true}
      } else {
      }
      %add3A_185 = arith.constant 9 : i32
      %add3A_186 = arith.addi %mul3A_121, %add3A_185 : i32
      %lt3A_187 = arith.constant 78 : i32
      %lt3A_188 = arith.cmpi slt, %add3A_186, %lt3A_187 : i32
      %convert_element_type3A_189 = arith.extui %lt3A_188 : i1 to i32
      %cond3A_190 = arith.constant 0 : i32
      %cond3A_191 = arith.cmpi ne, %convert_element_type3A_189, %cond3A_190 : i32
      scf.if %cond3A_191 {
        %dma_wait3A = arith.constant 0 : i32
        %dma_wait3A_374 = tpu.memref_slice %arg5[%add3A_186, %dma_wait3A] : memref<78x128xi32, #tpu.memory_space<vmem>> -> memref<1x128xi32, #tpu.memory_space<vmem>>
        %dma_wait3A_375 = tpu.memref_squeeze %dma_wait3A_374 : memref<1x128xi32, #tpu.memory_space<vmem>> -> memref<128xi32, #tpu.memory_space<vmem>>
        %dma_wait3A_376 = arith.constant 0 : i32
        %dma_wait3A_377 = arith.constant 0 : i32
        %dma_wait3A_378 = tpu.memref_slice %arg2[%dma_wait3A_376, %dma_wait3A_377] : memref<10000x32xf32, #tpu.memory_space<hbm>> -> memref<10000x32xf32, #tpu.memory_space<hbm>>
        tpu.wait_indirect_dma semaphore(%arg30 : memref<!tpu.dma_semaphore, #tpu.memory_space<semaphore_mem>>) src(%dma_wait3A_378 : memref<10000x32xf32, #tpu.memory_space<hbm>>) dst(%arg18 : memref<128x32xf32, #tpu.memory_space<vmem>>)
        %dma_start3A_379 = arith.constant 0 : i32
        %dma_start3A_380 = tpu.memref_slice %arg6[%add3A_186, %dma_start3A_379] : memref<78x128xi32, #tpu.memory_space<vmem>> -> memref<1x128xi32, #tpu.memory_space<vmem>>
        %dma_start3A_381 = tpu.memref_squeeze %dma_start3A_380 : memref<1x128xi32, #tpu.memory_space<vmem>> -> memref<128xi32, #tpu.memory_space<vmem>>
        %dma_start3A_382 = arith.constant 0 : i32
        %dma_start3A_383 = arith.constant 0 : i32
        %dma_start3A_384 = tpu.memref_slice %arg45[%dma_start3A_382, %dma_start3A_383] : memref<10000x32xf32, #tpu.memory_space<vmem_shared>> -> memref<10000x32xf32, #tpu.memory_space<vmem_shared>>
        tpu.enqueue_indirect_dma source(%arg18 : memref<128x32xf32, #tpu.memory_space<vmem>>) target(%dma_start3A_384 : memref<10000x32xf32, #tpu.memory_space<vmem_shared>>) offsets(%dma_start3A_381 : memref<128xi32, #tpu.memory_space<vmem>>) semaphore(%arg42 : memref<!tpu.dma_semaphore, #tpu.memory_space<semaphore_mem>>) {add = true}
      } else {
      }
      %add3A_192 = arith.constant 10 : i32
      %add3A_193 = arith.addi %mul3A_121, %add3A_192 : i32
      %lt3A_194 = arith.constant 78 : i32
      %lt3A_195 = arith.cmpi slt, %add3A_193, %lt3A_194 : i32
      %convert_element_type3A_196 = arith.extui %lt3A_195 : i1 to i32
      %cond3A_197 = arith.constant 0 : i32
      %cond3A_198 = arith.cmpi ne, %convert_element_type3A_196, %cond3A_197 : i32
      scf.if %cond3A_198 {
        %dma_wait3A = arith.constant 0 : i32
        %dma_wait3A_374 = tpu.memref_slice %arg5[%add3A_193, %dma_wait3A] : memref<78x128xi32, #tpu.memory_space<vmem>> -> memref<1x128xi32, #tpu.memory_space<vmem>>
        %dma_wait3A_375 = tpu.memref_squeeze %dma_wait3A_374 : memref<1x128xi32, #tpu.memory_space<vmem>> -> memref<128xi32, #tpu.memory_space<vmem>>
        %dma_wait3A_376 = arith.constant 0 : i32
        %dma_wait3A_377 = arith.constant 0 : i32
        %dma_wait3A_378 = tpu.memref_slice %arg2[%dma_wait3A_376, %dma_wait3A_377] : memref<10000x32xf32, #tpu.memory_space<hbm>> -> memref<10000x32xf32, #tpu.memory_space<hbm>>
        tpu.wait_indirect_dma semaphore(%arg31 : memref<!tpu.dma_semaphore, #tpu.memory_space<semaphore_mem>>) src(%dma_wait3A_378 : memref<10000x32xf32, #tpu.memory_space<hbm>>) dst(%arg19 : memref<128x32xf32, #tpu.memory_space<vmem>>)
        %dma_start3A_379 = arith.constant 0 : i32
        %dma_start3A_380 = tpu.memref_slice %arg6[%add3A_193, %dma_start3A_379] : memref<78x128xi32, #tpu.memory_space<vmem>> -> memref<1x128xi32, #tpu.memory_space<vmem>>
        %dma_start3A_381 = tpu.memref_squeeze %dma_start3A_380 : memref<1x128xi32, #tpu.memory_space<vmem>> -> memref<128xi32, #tpu.memory_space<vmem>>
        %dma_start3A_382 = arith.constant 0 : i32
        %dma_start3A_383 = arith.constant 0 : i32
        %dma_start3A_384 = tpu.memref_slice %arg45[%dma_start3A_382, %dma_start3A_383] : memref<10000x32xf32, #tpu.memory_space<vmem_shared>> -> memref<10000x32xf32, #tpu.memory_space<vmem_shared>>
        tpu.enqueue_indirect_dma source(%arg19 : memref<128x32xf32, #tpu.memory_space<vmem>>) target(%dma_start3A_384 : memref<10000x32xf32, #tpu.memory_space<vmem_shared>>) offsets(%dma_start3A_381 : memref<128xi32, #tpu.memory_space<vmem>>) semaphore(%arg43 : memref<!tpu.dma_semaphore, #tpu.memory_space<semaphore_mem>>) {add = true}
      } else {
      }
      %add3A_199 = arith.constant 11 : i32
      %add3A_200 = arith.addi %mul3A_121, %add3A_199 : i32
      %lt3A_201 = arith.constant 78 : i32
      %lt3A_202 = arith.cmpi slt, %add3A_200, %lt3A_201 : i32
      %convert_element_type3A_203 = arith.extui %lt3A_202 : i1 to i32
      %cond3A_204 = arith.constant 0 : i32
      %cond3A_205 = arith.cmpi ne, %convert_element_type3A_203, %cond3A_204 : i32
      scf.if %cond3A_205 {
        %dma_wait3A = arith.constant 0 : i32
        %dma_wait3A_374 = tpu.memref_slice %arg5[%add3A_200, %dma_wait3A] : memref<78x128xi32, #tpu.memory_space<vmem>> -> memref<1x128xi32, #tpu.memory_space<vmem>>
        %dma_wait3A_375 = tpu.memref_squeeze %dma_wait3A_374 : memref<1x128xi32, #tpu.memory_space<vmem>> -> memref<128xi32, #tpu.memory_space<vmem>>
        %dma_wait3A_376 = arith.constant 0 : i32
        %dma_wait3A_377 = arith.constant 0 : i32
        %dma_wait3A_378 = tpu.memref_slice %arg2[%dma_wait3A_376, %dma_wait3A_377] : memref<10000x32xf32, #tpu.memory_space<hbm>> -> memref<10000x32xf32, #tpu.memory_space<hbm>>
        tpu.wait_indirect_dma semaphore(%arg32 : memref<!tpu.dma_semaphore, #tpu.memory_space<semaphore_mem>>) src(%dma_wait3A_378 : memref<10000x32xf32, #tpu.memory_space<hbm>>) dst(%arg20 : memref<128x32xf32, #tpu.memory_space<vmem>>)
        %dma_start3A_379 = arith.constant 0 : i32
        %dma_start3A_380 = tpu.memref_slice %arg6[%add3A_200, %dma_start3A_379] : memref<78x128xi32, #tpu.memory_space<vmem>> -> memref<1x128xi32, #tpu.memory_space<vmem>>
        %dma_start3A_381 = tpu.memref_squeeze %dma_start3A_380 : memref<1x128xi32, #tpu.memory_space<vmem>> -> memref<128xi32, #tpu.memory_space<vmem>>
        %dma_start3A_382 = arith.constant 0 : i32
        %dma_start3A_383 = arith.constant 0 : i32
        %dma_start3A_384 = tpu.memref_slice %arg45[%dma_start3A_382, %dma_start3A_383] : memref<10000x32xf32, #tpu.memory_space<vmem_shared>> -> memref<10000x32xf32, #tpu.memory_space<vmem_shared>>
        tpu.enqueue_indirect_dma source(%arg20 : memref<128x32xf32, #tpu.memory_space<vmem>>) target(%dma_start3A_384 : memref<10000x32xf32, #tpu.memory_space<vmem_shared>>) offsets(%dma_start3A_381 : memref<128xi32, #tpu.memory_space<vmem>>) semaphore(%arg44 : memref<!tpu.dma_semaphore, #tpu.memory_space<semaphore_mem>>) {add = true}
      } else {
      }
      %add3A_206 = arith.constant 0 : i32
      %add3A_207 = arith.addi %mul3A_121, %add3A_206 : i32
      %add3A_208 = arith.constant 12 : i32
      %add3A_209 = arith.addi %add3A_207, %add3A_208 : i32
      %lt3A_210 = arith.constant 78 : i32
      %lt3A_211 = arith.cmpi slt, %add3A_207, %lt3A_210 : i32
      %convert_element_type3A_212 = arith.extui %lt3A_211 : i1 to i32
      %cond3A_213 = arith.constant 0 : i32
      %cond3A_214 = arith.cmpi ne, %convert_element_type3A_212, %cond3A_213 : i32
      scf.if %cond3A_214 {
        %dma_wait3A = arith.constant 0 : i32
        %dma_wait3A_374 = tpu.memref_slice %arg6[%add3A_207, %dma_wait3A] : memref<78x128xi32, #tpu.memory_space<vmem>> -> memref<1x128xi32, #tpu.memory_space<vmem>>
        %dma_wait3A_375 = tpu.memref_squeeze %dma_wait3A_374 : memref<1x128xi32, #tpu.memory_space<vmem>> -> memref<128xi32, #tpu.memory_space<vmem>>
        %dma_wait3A_376 = arith.constant 0 : i32
        %dma_wait3A_377 = arith.constant 0 : i32
        %dma_wait3A_378 = tpu.memref_slice %arg45[%dma_wait3A_376, %dma_wait3A_377] : memref<10000x32xf32, #tpu.memory_space<vmem_shared>> -> memref<10000x32xf32, #tpu.memory_space<vmem_shared>>
        tpu.wait_indirect_dma semaphore(%arg33 : memref<!tpu.dma_semaphore, #tpu.memory_space<semaphore_mem>>) src(%arg9 : memref<128x32xf32, #tpu.memory_space<vmem>>) dst(%dma_wait3A_378 : memref<10000x32xf32, #tpu.memory_space<vmem_shared>>)
      } else {
      }
      %lt3A_215 = arith.constant 78 : i32
      %lt3A_216 = arith.cmpi slt, %add3A_209, %lt3A_215 : i32
      %convert_element_type3A_217 = arith.extui %lt3A_216 : i1 to i32
      %cond3A_218 = arith.constant 0 : i32
      %cond3A_219 = arith.cmpi ne, %convert_element_type3A_217, %cond3A_218 : i32
      scf.if %cond3A_219 {
        %dma_start3A_374 = arith.constant 0 : i32
        %dma_start3A_375 = tpu.memref_slice %arg5[%add3A_209, %dma_start3A_374] : memref<78x128xi32, #tpu.memory_space<vmem>> -> memref<1x128xi32, #tpu.memory_space<vmem>>
        %dma_start3A_376 = tpu.memref_squeeze %dma_start3A_375 : memref<1x128xi32, #tpu.memory_space<vmem>> -> memref<128xi32, #tpu.memory_space<vmem>>
        %dma_start3A_377 = arith.constant 0 : i32
        %dma_start3A_378 = arith.constant 0 : i32
        %dma_start3A_379 = tpu.memref_slice %arg2[%dma_start3A_377, %dma_start3A_378] : memref<10000x32xf32, #tpu.memory_space<hbm>> -> memref<10000x32xf32, #tpu.memory_space<hbm>>
        tpu.enqueue_indirect_dma source(%dma_start3A_379 : memref<10000x32xf32, #tpu.memory_space<hbm>>) target(%arg9 : memref<128x32xf32, #tpu.memory_space<vmem>>) offsets(%dma_start3A_376 : memref<128xi32, #tpu.memory_space<vmem>>) semaphore(%arg21 : memref<!tpu.dma_semaphore, #tpu.memory_space<semaphore_mem>>)
      } else {
      }
      %add3A_220 = arith.constant 1 : i32
      %add3A_221 = arith.addi %mul3A_121, %add3A_220 : i32
      %add3A_222 = arith.constant 12 : i32
      %add3A_223 = arith.addi %add3A_221, %add3A_222 : i32
      %lt3A_224 = arith.constant 78 : i32
      %lt3A_225 = arith.cmpi slt, %add3A_221, %lt3A_224 : i32
      %convert_element_type3A_226 = arith.extui %lt3A_225 : i1 to i32
      %cond3A_227 = arith.constant 0 : i32
      %cond3A_228 = arith.cmpi ne, %convert_element_type3A_226, %cond3A_227 : i32
      scf.if %cond3A_228 {
        %dma_wait3A = arith.constant 0 : i32
        %dma_wait3A_374 = tpu.memref_slice %arg6[%add3A_221, %dma_wait3A] : memref<78x128xi32, #tpu.memory_space<vmem>> -> memref<1x128xi32, #tpu.memory_space<vmem>>
        %dma_wait3A_375 = tpu.memref_squeeze %dma_wait3A_374 : memref<1x128xi32, #tpu.memory_space<vmem>> -> memref<128xi32, #tpu.memory_space<vmem>>
        %dma_wait3A_376 = arith.constant 0 : i32
        %dma_wait3A_377 = arith.constant 0 : i32
        %dma_wait3A_378 = tpu.memref_slice %arg45[%dma_wait3A_376, %dma_wait3A_377] : memref<10000x32xf32, #tpu.memory_space<vmem_shared>> -> memref<10000x32xf32, #tpu.memory_space<vmem_shared>>
        tpu.wait_indirect_dma semaphore(%arg34 : memref<!tpu.dma_semaphore, #tpu.memory_space<semaphore_mem>>) src(%arg10 : memref<128x32xf32, #tpu.memory_space<vmem>>) dst(%dma_wait3A_378 : memref<10000x32xf32, #tpu.memory_space<vmem_shared>>)
      } else {
      }
      %lt3A_229 = arith.constant 78 : i32
      %lt3A_230 = arith.cmpi slt, %add3A_223, %lt3A_229 : i32
      %convert_element_type3A_231 = arith.extui %lt3A_230 : i1 to i32
      %cond3A_232 = arith.constant 0 : i32
      %cond3A_233 = arith.cmpi ne, %convert_element_type3A_231, %cond3A_232 : i32
      scf.if %cond3A_233 {
        %dma_start3A_374 = arith.constant 0 : i32
        %dma_start3A_375 = tpu.memref_slice %arg5[%add3A_223, %dma_start3A_374] : memref<78x128xi32, #tpu.memory_space<vmem>> -> memref<1x128xi32, #tpu.memory_space<vmem>>
        %dma_start3A_376 = tpu.memref_squeeze %dma_start3A_375 : memref<1x128xi32, #tpu.memory_space<vmem>> -> memref<128xi32, #tpu.memory_space<vmem>>
        %dma_start3A_377 = arith.constant 0 : i32
        %dma_start3A_378 = arith.constant 0 : i32
        %dma_start3A_379 = tpu.memref_slice %arg2[%dma_start3A_377, %dma_start3A_378] : memref<10000x32xf32, #tpu.memory_space<hbm>> -> memref<10000x32xf32, #tpu.memory_space<hbm>>
        tpu.enqueue_indirect_dma source(%dma_start3A_379 : memref<10000x32xf32, #tpu.memory_space<hbm>>) target(%arg10 : memref<128x32xf32, #tpu.memory_space<vmem>>) offsets(%dma_start3A_376 : memref<128xi32, #tpu.memory_space<vmem>>) semaphore(%arg22 : memref<!tpu.dma_semaphore, #tpu.memory_space<semaphore_mem>>)
      } else {
      }
      %add3A_234 = arith.constant 2 : i32
      %add3A_235 = arith.addi %mul3A_121, %add3A_234 : i32
      %add3A_236 = arith.constant 12 : i32
      %add3A_237 = arith.addi %add3A_235, %add3A_236 : i32
      %lt3A_238 = arith.constant 78 : i32
      %lt3A_239 = arith.cmpi slt, %add3A_235, %lt3A_238 : i32
      %convert_element_type3A_240 = arith.extui %lt3A_239 : i1 to i32
      %cond3A_241 = arith.constant 0 : i32
      %cond3A_242 = arith.cmpi ne, %convert_element_type3A_240, %cond3A_241 : i32
      scf.if %cond3A_242 {
        %dma_wait3A = arith.constant 0 : i32
        %dma_wait3A_374 = tpu.memref_slice %arg6[%add3A_235, %dma_wait3A] : memref<78x128xi32, #tpu.memory_space<vmem>> -> memref<1x128xi32, #tpu.memory_space<vmem>>
        %dma_wait3A_375 = tpu.memref_squeeze %dma_wait3A_374 : memref<1x128xi32, #tpu.memory_space<vmem>> -> memref<128xi32, #tpu.memory_space<vmem>>
        %dma_wait3A_376 = arith.constant 0 : i32
        %dma_wait3A_377 = arith.constant 0 : i32
        %dma_wait3A_378 = tpu.memref_slice %arg45[%dma_wait3A_376, %dma_wait3A_377] : memref<10000x32xf32, #tpu.memory_space<vmem_shared>> -> memref<10000x32xf32, #tpu.memory_space<vmem_shared>>
        tpu.wait_indirect_dma semaphore(%arg35 : memref<!tpu.dma_semaphore, #tpu.memory_space<semaphore_mem>>) src(%arg11 : memref<128x32xf32, #tpu.memory_space<vmem>>) dst(%dma_wait3A_378 : memref<10000x32xf32, #tpu.memory_space<vmem_shared>>)
      } else {
      }
      %lt3A_243 = arith.constant 78 : i32
      %lt3A_244 = arith.cmpi slt, %add3A_237, %lt3A_243 : i32
      %convert_element_type3A_245 = arith.extui %lt3A_244 : i1 to i32
      %cond3A_246 = arith.constant 0 : i32
      %cond3A_247 = arith.cmpi ne, %convert_element_type3A_245, %cond3A_246 : i32
      scf.if %cond3A_247 {
        %dma_start3A_374 = arith.constant 0 : i32
        %dma_start3A_375 = tpu.memref_slice %arg5[%add3A_237, %dma_start3A_374] : memref<78x128xi32, #tpu.memory_space<vmem>> -> memref<1x128xi32, #tpu.memory_space<vmem>>
        %dma_start3A_376 = tpu.memref_squeeze %dma_start3A_375 : memref<1x128xi32, #tpu.memory_space<vmem>> -> memref<128xi32, #tpu.memory_space<vmem>>
        %dma_start3A_377 = arith.constant 0 : i32
        %dma_start3A_378 = arith.constant 0 : i32
        %dma_start3A_379 = tpu.memref_slice %arg2[%dma_start3A_377, %dma_start3A_378] : memref<10000x32xf32, #tpu.memory_space<hbm>> -> memref<10000x32xf32, #tpu.memory_space<hbm>>
        tpu.enqueue_indirect_dma source(%dma_start3A_379 : memref<10000x32xf32, #tpu.memory_space<hbm>>) target(%arg11 : memref<128x32xf32, #tpu.memory_space<vmem>>) offsets(%dma_start3A_376 : memref<128xi32, #tpu.memory_space<vmem>>) semaphore(%arg23 : memref<!tpu.dma_semaphore, #tpu.memory_space<semaphore_mem>>)
      } else {
      }
      %add3A_248 = arith.constant 3 : i32
      %add3A_249 = arith.addi %mul3A_121, %add3A_248 : i32
      %add3A_250 = arith.constant 12 : i32
      %add3A_251 = arith.addi %add3A_249, %add3A_250 : i32
      %lt3A_252 = arith.constant 78 : i32
      %lt3A_253 = arith.cmpi slt, %add3A_249, %lt3A_252 : i32
      %convert_element_type3A_254 = arith.extui %lt3A_253 : i1 to i32
      %cond3A_255 = arith.constant 0 : i32
      %cond3A_256 = arith.cmpi ne, %convert_element_type3A_254, %cond3A_255 : i32
      scf.if %cond3A_256 {
        %dma_wait3A = arith.constant 0 : i32
        %dma_wait3A_374 = tpu.memref_slice %arg6[%add3A_249, %dma_wait3A] : memref<78x128xi32, #tpu.memory_space<vmem>> -> memref<1x128xi32, #tpu.memory_space<vmem>>
        %dma_wait3A_375 = tpu.memref_squeeze %dma_wait3A_374 : memref<1x128xi32, #tpu.memory_space<vmem>> -> memref<128xi32, #tpu.memory_space<vmem>>
        %dma_wait3A_376 = arith.constant 0 : i32
        %dma_wait3A_377 = arith.constant 0 : i32
        %dma_wait3A_378 = tpu.memref_slice %arg45[%dma_wait3A_376, %dma_wait3A_377] : memref<10000x32xf32, #tpu.memory_space<vmem_shared>> -> memref<10000x32xf32, #tpu.memory_space<vmem_shared>>
        tpu.wait_indirect_dma semaphore(%arg36 : memref<!tpu.dma_semaphore, #tpu.memory_space<semaphore_mem>>) src(%arg12 : memref<128x32xf32, #tpu.memory_space<vmem>>) dst(%dma_wait3A_378 : memref<10000x32xf32, #tpu.memory_space<vmem_shared>>)
      } else {
      }
      %lt3A_257 = arith.constant 78 : i32
      %lt3A_258 = arith.cmpi slt, %add3A_251, %lt3A_257 : i32
      %convert_element_type3A_259 = arith.extui %lt3A_258 : i1 to i32
      %cond3A_260 = arith.constant 0 : i32
      %cond3A_261 = arith.cmpi ne, %convert_element_type3A_259, %cond3A_260 : i32
      scf.if %cond3A_261 {
        %dma_start3A_374 = arith.constant 0 : i32
        %dma_start3A_375 = tpu.memref_slice %arg5[%add3A_251, %dma_start3A_374] : memref<78x128xi32, #tpu.memory_space<vmem>> -> memref<1x128xi32, #tpu.memory_space<vmem>>
        %dma_start3A_376 = tpu.memref_squeeze %dma_start3A_375 : memref<1x128xi32, #tpu.memory_space<vmem>> -> memref<128xi32, #tpu.memory_space<vmem>>
        %dma_start3A_377 = arith.constant 0 : i32
        %dma_start3A_378 = arith.constant 0 : i32
        %dma_start3A_379 = tpu.memref_slice %arg2[%dma_start3A_377, %dma_start3A_378] : memref<10000x32xf32, #tpu.memory_space<hbm>> -> memref<10000x32xf32, #tpu.memory_space<hbm>>
        tpu.enqueue_indirect_dma source(%dma_start3A_379 : memref<10000x32xf32, #tpu.memory_space<hbm>>) target(%arg12 : memref<128x32xf32, #tpu.memory_space<vmem>>) offsets(%dma_start3A_376 : memref<128xi32, #tpu.memory_space<vmem>>) semaphore(%arg24 : memref<!tpu.dma_semaphore, #tpu.memory_space<semaphore_mem>>)
      } else {
      }
      %add3A_262 = arith.constant 4 : i32
      %add3A_263 = arith.addi %mul3A_121, %add3A_262 : i32
      %add3A_264 = arith.constant 12 : i32
      %add3A_265 = arith.addi %add3A_263, %add3A_264 : i32
      %lt3A_266 = arith.constant 78 : i32
      %lt3A_267 = arith.cmpi slt, %add3A_263, %lt3A_266 : i32
      %convert_element_type3A_268 = arith.extui %lt3A_267 : i1 to i32
      %cond3A_269 = arith.constant 0 : i32
      %cond3A_270 = arith.cmpi ne, %convert_element_type3A_268, %cond3A_269 : i32
      scf.if %cond3A_270 {
        %dma_wait3A = arith.constant 0 : i32
        %dma_wait3A_374 = tpu.memref_slice %arg6[%add3A_263, %dma_wait3A] : memref<78x128xi32, #tpu.memory_space<vmem>> -> memref<1x128xi32, #tpu.memory_space<vmem>>
        %dma_wait3A_375 = tpu.memref_squeeze %dma_wait3A_374 : memref<1x128xi32, #tpu.memory_space<vmem>> -> memref<128xi32, #tpu.memory_space<vmem>>
        %dma_wait3A_376 = arith.constant 0 : i32
        %dma_wait3A_377 = arith.constant 0 : i32
        %dma_wait3A_378 = tpu.memref_slice %arg45[%dma_wait3A_376, %dma_wait3A_377] : memref<10000x32xf32, #tpu.memory_space<vmem_shared>> -> memref<10000x32xf32, #tpu.memory_space<vmem_shared>>
        tpu.wait_indirect_dma semaphore(%arg37 : memref<!tpu.dma_semaphore, #tpu.memory_space<semaphore_mem>>) src(%arg13 : memref<128x32xf32, #tpu.memory_space<vmem>>) dst(%dma_wait3A_378 : memref<10000x32xf32, #tpu.memory_space<vmem_shared>>)
      } else {
      }
      %lt3A_271 = arith.constant 78 : i32
      %lt3A_272 = arith.cmpi slt, %add3A_265, %lt3A_271 : i32
      %convert_element_type3A_273 = arith.extui %lt3A_272 : i1 to i32
      %cond3A_274 = arith.constant 0 : i32
      %cond3A_275 = arith.cmpi ne, %convert_element_type3A_273, %cond3A_274 : i32
      scf.if %cond3A_275 {
        %dma_start3A_374 = arith.constant 0 : i32
        %dma_start3A_375 = tpu.memref_slice %arg5[%add3A_265, %dma_start3A_374] : memref<78x128xi32, #tpu.memory_space<vmem>> -> memref<1x128xi32, #tpu.memory_space<vmem>>
        %dma_start3A_376 = tpu.memref_squeeze %dma_start3A_375 : memref<1x128xi32, #tpu.memory_space<vmem>> -> memref<128xi32, #tpu.memory_space<vmem>>
        %dma_start3A_377 = arith.constant 0 : i32
        %dma_start3A_378 = arith.constant 0 : i32
        %dma_start3A_379 = tpu.memref_slice %arg2[%dma_start3A_377, %dma_start3A_378] : memref<10000x32xf32, #tpu.memory_space<hbm>> -> memref<10000x32xf32, #tpu.memory_space<hbm>>
        tpu.enqueue_indirect_dma source(%dma_start3A_379 : memref<10000x32xf32, #tpu.memory_space<hbm>>) target(%arg13 : memref<128x32xf32, #tpu.memory_space<vmem>>) offsets(%dma_start3A_376 : memref<128xi32, #tpu.memory_space<vmem>>) semaphore(%arg25 : memref<!tpu.dma_semaphore, #tpu.memory_space<semaphore_mem>>)
      } else {
      }
      %add3A_276 = arith.constant 5 : i32
      %add3A_277 = arith.addi %mul3A_121, %add3A_276 : i32
      %add3A_278 = arith.constant 12 : i32
      %add3A_279 = arith.addi %add3A_277, %add3A_278 : i32
      %lt3A_280 = arith.constant 78 : i32
      %lt3A_281 = arith.cmpi slt, %add3A_277, %lt3A_280 : i32
      %convert_element_type3A_282 = arith.extui %lt3A_281 : i1 to i32
      %cond3A_283 = arith.constant 0 : i32
      %cond3A_284 = arith.cmpi ne, %convert_element_type3A_282, %cond3A_283 : i32
      scf.if %cond3A_284 {
        %dma_wait3A = arith.constant 0 : i32
        %dma_wait3A_374 = tpu.memref_slice %arg6[%add3A_277, %dma_wait3A] : memref<78x128xi32, #tpu.memory_space<vmem>> -> memref<1x128xi32, #tpu.memory_space<vmem>>
        %dma_wait3A_375 = tpu.memref_squeeze %dma_wait3A_374 : memref<1x128xi32, #tpu.memory_space<vmem>> -> memref<128xi32, #tpu.memory_space<vmem>>
        %dma_wait3A_376 = arith.constant 0 : i32
        %dma_wait3A_377 = arith.constant 0 : i32
        %dma_wait3A_378 = tpu.memref_slice %arg45[%dma_wait3A_376, %dma_wait3A_377] : memref<10000x32xf32, #tpu.memory_space<vmem_shared>> -> memref<10000x32xf32, #tpu.memory_space<vmem_shared>>
        tpu.wait_indirect_dma semaphore(%arg38 : memref<!tpu.dma_semaphore, #tpu.memory_space<semaphore_mem>>) src(%arg14 : memref<128x32xf32, #tpu.memory_space<vmem>>) dst(%dma_wait3A_378 : memref<10000x32xf32, #tpu.memory_space<vmem_shared>>)
      } else {
      }
      %lt3A_285 = arith.constant 78 : i32
      %lt3A_286 = arith.cmpi slt, %add3A_279, %lt3A_285 : i32
      %convert_element_type3A_287 = arith.extui %lt3A_286 : i1 to i32
      %cond3A_288 = arith.constant 0 : i32
      %cond3A_289 = arith.cmpi ne, %convert_element_type3A_287, %cond3A_288 : i32
      scf.if %cond3A_289 {
        %dma_start3A_374 = arith.constant 0 : i32
        %dma_start3A_375 = tpu.memref_slice %arg5[%add3A_279, %dma_start3A_374] : memref<78x128xi32, #tpu.memory_space<vmem>> -> memref<1x128xi32, #tpu.memory_space<vmem>>
        %dma_start3A_376 = tpu.memref_squeeze %dma_start3A_375 : memref<1x128xi32, #tpu.memory_space<vmem>> -> memref<128xi32, #tpu.memory_space<vmem>>
        %dma_start3A_377 = arith.constant 0 : i32
        %dma_start3A_378 = arith.constant 0 : i32
        %dma_start3A_379 = tpu.memref_slice %arg2[%dma_start3A_377, %dma_start3A_378] : memref<10000x32xf32, #tpu.memory_space<hbm>> -> memref<10000x32xf32, #tpu.memory_space<hbm>>
        tpu.enqueue_indirect_dma source(%dma_start3A_379 : memref<10000x32xf32, #tpu.memory_space<hbm>>) target(%arg14 : memref<128x32xf32, #tpu.memory_space<vmem>>) offsets(%dma_start3A_376 : memref<128xi32, #tpu.memory_space<vmem>>) semaphore(%arg26 : memref<!tpu.dma_semaphore, #tpu.memory_space<semaphore_mem>>)
      } else {
      }
      %add3A_290 = arith.constant 6 : i32
      %add3A_291 = arith.addi %mul3A_121, %add3A_290 : i32
      %add3A_292 = arith.constant 12 : i32
      %add3A_293 = arith.addi %add3A_291, %add3A_292 : i32
      %lt3A_294 = arith.constant 78 : i32
      %lt3A_295 = arith.cmpi slt, %add3A_291, %lt3A_294 : i32
      %convert_element_type3A_296 = arith.extui %lt3A_295 : i1 to i32
      %cond3A_297 = arith.constant 0 : i32
      %cond3A_298 = arith.cmpi ne, %convert_element_type3A_296, %cond3A_297 : i32
      scf.if %cond3A_298 {
        %dma_wait3A = arith.constant 0 : i32
        %dma_wait3A_374 = tpu.memref_slice %arg6[%add3A_291, %dma_wait3A] : memref<78x128xi32, #tpu.memory_space<vmem>> -> memref<1x128xi32, #tpu.memory_space<vmem>>
        %dma_wait3A_375 = tpu.memref_squeeze %dma_wait3A_374 : memref<1x128xi32, #tpu.memory_space<vmem>> -> memref<128xi32, #tpu.memory_space<vmem>>
        %dma_wait3A_376 = arith.constant 0 : i32
        %dma_wait3A_377 = arith.constant 0 : i32
        %dma_wait3A_378 = tpu.memref_slice %arg45[%dma_wait3A_376, %dma_wait3A_377] : memref<10000x32xf32, #tpu.memory_space<vmem_shared>> -> memref<10000x32xf32, #tpu.memory_space<vmem_shared>>
        tpu.wait_indirect_dma semaphore(%arg39 : memref<!tpu.dma_semaphore, #tpu.memory_space<semaphore_mem>>) src(%arg15 : memref<128x32xf32, #tpu.memory_space<vmem>>) dst(%dma_wait3A_378 : memref<10000x32xf32, #tpu.memory_space<vmem_shared>>)
      } else {
      }
      %lt3A_299 = arith.constant 78 : i32
      %lt3A_300 = arith.cmpi slt, %add3A_293, %lt3A_299 : i32
      %convert_element_type3A_301 = arith.extui %lt3A_300 : i1 to i32
      %cond3A_302 = arith.constant 0 : i32
      %cond3A_303 = arith.cmpi ne, %convert_element_type3A_301, %cond3A_302 : i32
      scf.if %cond3A_303 {
        %dma_start3A_374 = arith.constant 0 : i32
        %dma_start3A_375 = tpu.memref_slice %arg5[%add3A_293, %dma_start3A_374] : memref<78x128xi32, #tpu.memory_space<vmem>> -> memref<1x128xi32, #tpu.memory_space<vmem>>
        %dma_start3A_376 = tpu.memref_squeeze %dma_start3A_375 : memref<1x128xi32, #tpu.memory_space<vmem>> -> memref<128xi32, #tpu.memory_space<vmem>>
        %dma_start3A_377 = arith.constant 0 : i32
        %dma_start3A_378 = arith.constant 0 : i32
        %dma_start3A_379 = tpu.memref_slice %arg2[%dma_start3A_377, %dma_start3A_378] : memref<10000x32xf32, #tpu.memory_space<hbm>> -> memref<10000x32xf32, #tpu.memory_space<hbm>>
        tpu.enqueue_indirect_dma source(%dma_start3A_379 : memref<10000x32xf32, #tpu.memory_space<hbm>>) target(%arg15 : memref<128x32xf32, #tpu.memory_space<vmem>>) offsets(%dma_start3A_376 : memref<128xi32, #tpu.memory_space<vmem>>) semaphore(%arg27 : memref<!tpu.dma_semaphore, #tpu.memory_space<semaphore_mem>>)
      } else {
      }
      %add3A_304 = arith.constant 7 : i32
      %add3A_305 = arith.addi %mul3A_121, %add3A_304 : i32
      %add3A_306 = arith.constant 12 : i32
      %add3A_307 = arith.addi %add3A_305, %add3A_306 : i32
      %lt3A_308 = arith.constant 78 : i32
      %lt3A_309 = arith.cmpi slt, %add3A_305, %lt3A_308 : i32
      %convert_element_type3A_310 = arith.extui %lt3A_309 : i1 to i32
      %cond3A_311 = arith.constant 0 : i32
      %cond3A_312 = arith.cmpi ne, %convert_element_type3A_310, %cond3A_311 : i32
      scf.if %cond3A_312 {
        %dma_wait3A = arith.constant 0 : i32
        %dma_wait3A_374 = tpu.memref_slice %arg6[%add3A_305, %dma_wait3A] : memref<78x128xi32, #tpu.memory_space<vmem>> -> memref<1x128xi32, #tpu.memory_space<vmem>>
        %dma_wait3A_375 = tpu.memref_squeeze %dma_wait3A_374 : memref<1x128xi32, #tpu.memory_space<vmem>> -> memref<128xi32, #tpu.memory_space<vmem>>
        %dma_wait3A_376 = arith.constant 0 : i32
        %dma_wait3A_377 = arith.constant 0 : i32
        %dma_wait3A_378 = tpu.memref_slice %arg45[%dma_wait3A_376, %dma_wait3A_377] : memref<10000x32xf32, #tpu.memory_space<vmem_shared>> -> memref<10000x32xf32, #tpu.memory_space<vmem_shared>>
        tpu.wait_indirect_dma semaphore(%arg40 : memref<!tpu.dma_semaphore, #tpu.memory_space<semaphore_mem>>) src(%arg16 : memref<128x32xf32, #tpu.memory_space<vmem>>) dst(%dma_wait3A_378 : memref<10000x32xf32, #tpu.memory_space<vmem_shared>>)
      } else {
      }
      %lt3A_313 = arith.constant 78 : i32
      %lt3A_314 = arith.cmpi slt, %add3A_307, %lt3A_313 : i32
      %convert_element_type3A_315 = arith.extui %lt3A_314 : i1 to i32
      %cond3A_316 = arith.constant 0 : i32
      %cond3A_317 = arith.cmpi ne, %convert_element_type3A_315, %cond3A_316 : i32
      scf.if %cond3A_317 {
        %dma_start3A_374 = arith.constant 0 : i32
        %dma_start3A_375 = tpu.memref_slice %arg5[%add3A_307, %dma_start3A_374] : memref<78x128xi32, #tpu.memory_space<vmem>> -> memref<1x128xi32, #tpu.memory_space<vmem>>
        %dma_start3A_376 = tpu.memref_squeeze %dma_start3A_375 : memref<1x128xi32, #tpu.memory_space<vmem>> -> memref<128xi32, #tpu.memory_space<vmem>>
        %dma_start3A_377 = arith.constant 0 : i32
        %dma_start3A_378 = arith.constant 0 : i32
        %dma_start3A_379 = tpu.memref_slice %arg2[%dma_start3A_377, %dma_start3A_378] : memref<10000x32xf32, #tpu.memory_space<hbm>> -> memref<10000x32xf32, #tpu.memory_space<hbm>>
        tpu.enqueue_indirect_dma source(%dma_start3A_379 : memref<10000x32xf32, #tpu.memory_space<hbm>>) target(%arg16 : memref<128x32xf32, #tpu.memory_space<vmem>>) offsets(%dma_start3A_376 : memref<128xi32, #tpu.memory_space<vmem>>) semaphore(%arg28 : memref<!tpu.dma_semaphore, #tpu.memory_space<semaphore_mem>>)
      } else {
      }
      %add3A_318 = arith.constant 8 : i32
      %add3A_319 = arith.addi %mul3A_121, %add3A_318 : i32
      %add3A_320 = arith.constant 12 : i32
      %add3A_321 = arith.addi %add3A_319, %add3A_320 : i32
      %lt3A_322 = arith.constant 78 : i32
      %lt3A_323 = arith.cmpi slt, %add3A_319, %lt3A_322 : i32
      %convert_element_type3A_324 = arith.extui %lt3A_323 : i1 to i32
      %cond3A_325 = arith.constant 0 : i32
      %cond3A_326 = arith.cmpi ne, %convert_element_type3A_324, %cond3A_325 : i32
      scf.if %cond3A_326 {
        %dma_wait3A = arith.constant 0 : i32
        %dma_wait3A_374 = tpu.memref_slice %arg6[%add3A_319, %dma_wait3A] : memref<78x128xi32, #tpu.memory_space<vmem>> -> memref<1x128xi32, #tpu.memory_space<vmem>>
        %dma_wait3A_375 = tpu.memref_squeeze %dma_wait3A_374 : memref<1x128xi32, #tpu.memory_space<vmem>> -> memref<128xi32, #tpu.memory_space<vmem>>
        %dma_wait3A_376 = arith.constant 0 : i32
        %dma_wait3A_377 = arith.constant 0 : i32
        %dma_wait3A_378 = tpu.memref_slice %arg45[%dma_wait3A_376, %dma_wait3A_377] : memref<10000x32xf32, #tpu.memory_space<vmem_shared>> -> memref<10000x32xf32, #tpu.memory_space<vmem_shared>>
        tpu.wait_indirect_dma semaphore(%arg41 : memref<!tpu.dma_semaphore, #tpu.memory_space<semaphore_mem>>) src(%arg17 : memref<128x32xf32, #tpu.memory_space<vmem>>) dst(%dma_wait3A_378 : memref<10000x32xf32, #tpu.memory_space<vmem_shared>>)
      } else {
      }
      %lt3A_327 = arith.constant 78 : i32
      %lt3A_328 = arith.cmpi slt, %add3A_321, %lt3A_327 : i32
      %convert_element_type3A_329 = arith.extui %lt3A_328 : i1 to i32
      %cond3A_330 = arith.constant 0 : i32
      %cond3A_331 = arith.cmpi ne, %convert_element_type3A_329, %cond3A_330 : i32
      scf.if %cond3A_331 {
        %dma_start3A_374 = arith.constant 0 : i32
        %dma_start3A_375 = tpu.memref_slice %arg5[%add3A_321, %dma_start3A_374] : memref<78x128xi32, #tpu.memory_space<vmem>> -> memref<1x128xi32, #tpu.memory_space<vmem>>
        %dma_start3A_376 = tpu.memref_squeeze %dma_start3A_375 : memref<1x128xi32, #tpu.memory_space<vmem>> -> memref<128xi32, #tpu.memory_space<vmem>>
        %dma_start3A_377 = arith.constant 0 : i32
        %dma_start3A_378 = arith.constant 0 : i32
        %dma_start3A_379 = tpu.memref_slice %arg2[%dma_start3A_377, %dma_start3A_378] : memref<10000x32xf32, #tpu.memory_space<hbm>> -> memref<10000x32xf32, #tpu.memory_space<hbm>>
        tpu.enqueue_indirect_dma source(%dma_start3A_379 : memref<10000x32xf32, #tpu.memory_space<hbm>>) target(%arg17 : memref<128x32xf32, #tpu.memory_space<vmem>>) offsets(%dma_start3A_376 : memref<128xi32, #tpu.memory_space<vmem>>) semaphore(%arg29 : memref<!tpu.dma_semaphore, #tpu.memory_space<semaphore_mem>>)
      } else {
      }
      %add3A_332 = arith.constant 9 : i32
      %add3A_333 = arith.addi %mul3A_121, %add3A_332 : i32
      %add3A_334 = arith.constant 12 : i32
      %add3A_335 = arith.addi %add3A_333, %add3A_334 : i32
      %lt3A_336 = arith.constant 78 : i32
      %lt3A_337 = arith.cmpi slt, %add3A_333, %lt3A_336 : i32
      %convert_element_type3A_338 = arith.extui %lt3A_337 : i1 to i32
      %cond3A_339 = arith.constant 0 : i32
      %cond3A_340 = arith.cmpi ne, %convert_element_type3A_338, %cond3A_339 : i32
      scf.if %cond3A_340 {
        %dma_wait3A = arith.constant 0 : i32
        %dma_wait3A_374 = tpu.memref_slice %arg6[%add3A_333, %dma_wait3A] : memref<78x128xi32, #tpu.memory_space<vmem>> -> memref<1x128xi32, #tpu.memory_space<vmem>>
        %dma_wait3A_375 = tpu.memref_squeeze %dma_wait3A_374 : memref<1x128xi32, #tpu.memory_space<vmem>> -> memref<128xi32, #tpu.memory_space<vmem>>
        %dma_wait3A_376 = arith.constant 0 : i32
        %dma_wait3A_377 = arith.constant 0 : i32
        %dma_wait3A_378 = tpu.memref_slice %arg45[%dma_wait3A_376, %dma_wait3A_377] : memref<10000x32xf32, #tpu.memory_space<vmem_shared>> -> memref<10000x32xf32, #tpu.memory_space<vmem_shared>>
        tpu.wait_indirect_dma semaphore(%arg42 : memref<!tpu.dma_semaphore, #tpu.memory_space<semaphore_mem>>) src(%arg18 : memref<128x32xf32, #tpu.memory_space<vmem>>) dst(%dma_wait3A_378 : memref<10000x32xf32, #tpu.memory_space<vmem_shared>>)
      } else {
      }
      %lt3A_341 = arith.constant 78 : i32
      %lt3A_342 = arith.cmpi slt, %add3A_335, %lt3A_341 : i32
      %convert_element_type3A_343 = arith.extui %lt3A_342 : i1 to i32
      %cond3A_344 = arith.constant 0 : i32
      %cond3A_345 = arith.cmpi ne, %convert_element_type3A_343, %cond3A_344 : i32
      scf.if %cond3A_345 {
        %dma_start3A_374 = arith.constant 0 : i32
        %dma_start3A_375 = tpu.memref_slice %arg5[%add3A_335, %dma_start3A_374] : memref<78x128xi32, #tpu.memory_space<vmem>> -> memref<1x128xi32, #tpu.memory_space<vmem>>
        %dma_start3A_376 = tpu.memref_squeeze %dma_start3A_375 : memref<1x128xi32, #tpu.memory_space<vmem>> -> memref<128xi32, #tpu.memory_space<vmem>>
        %dma_start3A_377 = arith.constant 0 : i32
        %dma_start3A_378 = arith.constant 0 : i32
        %dma_start3A_379 = tpu.memref_slice %arg2[%dma_start3A_377, %dma_start3A_378] : memref<10000x32xf32, #tpu.memory_space<hbm>> -> memref<10000x32xf32, #tpu.memory_space<hbm>>
        tpu.enqueue_indirect_dma source(%dma_start3A_379 : memref<10000x32xf32, #tpu.memory_space<hbm>>) target(%arg18 : memref<128x32xf32, #tpu.memory_space<vmem>>) offsets(%dma_start3A_376 : memref<128xi32, #tpu.memory_space<vmem>>) semaphore(%arg30 : memref<!tpu.dma_semaphore, #tpu.memory_space<semaphore_mem>>)
      } else {
      }
      %add3A_346 = arith.constant 10 : i32
      %add3A_347 = arith.addi %mul3A_121, %add3A_346 : i32
      %add3A_348 = arith.constant 12 : i32
      %add3A_349 = arith.addi %add3A_347, %add3A_348 : i32
      %lt3A_350 = arith.constant 78 : i32
      %lt3A_351 = arith.cmpi slt, %add3A_347, %lt3A_350 : i32
      %convert_element_type3A_352 = arith.extui %lt3A_351 : i1 to i32
      %cond3A_353 = arith.constant 0 : i32
      %cond3A_354 = arith.cmpi ne, %convert_element_type3A_352, %cond3A_353 : i32
      scf.if %cond3A_354 {
        %dma_wait3A = arith.constant 0 : i32
        %dma_wait3A_374 = tpu.memref_slice %arg6[%add3A_347, %dma_wait3A] : memref<78x128xi32, #tpu.memory_space<vmem>> -> memref<1x128xi32, #tpu.memory_space<vmem>>
        %dma_wait3A_375 = tpu.memref_squeeze %dma_wait3A_374 : memref<1x128xi32, #tpu.memory_space<vmem>> -> memref<128xi32, #tpu.memory_space<vmem>>
        %dma_wait3A_376 = arith.constant 0 : i32
        %dma_wait3A_377 = arith.constant 0 : i32
        %dma_wait3A_378 = tpu.memref_slice %arg45[%dma_wait3A_376, %dma_wait3A_377] : memref<10000x32xf32, #tpu.memory_space<vmem_shared>> -> memref<10000x32xf32, #tpu.memory_space<vmem_shared>>
        tpu.wait_indirect_dma semaphore(%arg43 : memref<!tpu.dma_semaphore, #tpu.memory_space<semaphore_mem>>) src(%arg19 : memref<128x32xf32, #tpu.memory_space<vmem>>) dst(%dma_wait3A_378 : memref<10000x32xf32, #tpu.memory_space<vmem_shared>>)
      } else {
      }
      %lt3A_355 = arith.constant 78 : i32
      %lt3A_356 = arith.cmpi slt, %add3A_349, %lt3A_355 : i32
      %convert_element_type3A_357 = arith.extui %lt3A_356 : i1 to i32
      %cond3A_358 = arith.constant 0 : i32
      %cond3A_359 = arith.cmpi ne, %convert_element_type3A_357, %cond3A_358 : i32
      scf.if %cond3A_359 {
        %dma_start3A_374 = arith.constant 0 : i32
        %dma_start3A_375 = tpu.memref_slice %arg5[%add3A_349, %dma_start3A_374] : memref<78x128xi32, #tpu.memory_space<vmem>> -> memref<1x128xi32, #tpu.memory_space<vmem>>
        %dma_start3A_376 = tpu.memref_squeeze %dma_start3A_375 : memref<1x128xi32, #tpu.memory_space<vmem>> -> memref<128xi32, #tpu.memory_space<vmem>>
        %dma_start3A_377 = arith.constant 0 : i32
        %dma_start3A_378 = arith.constant 0 : i32
        %dma_start3A_379 = tpu.memref_slice %arg2[%dma_start3A_377, %dma_start3A_378] : memref<10000x32xf32, #tpu.memory_space<hbm>> -> memref<10000x32xf32, #tpu.memory_space<hbm>>
        tpu.enqueue_indirect_dma source(%dma_start3A_379 : memref<10000x32xf32, #tpu.memory_space<hbm>>) target(%arg19 : memref<128x32xf32, #tpu.memory_space<vmem>>) offsets(%dma_start3A_376 : memref<128xi32, #tpu.memory_space<vmem>>) semaphore(%arg31 : memref<!tpu.dma_semaphore, #tpu.memory_space<semaphore_mem>>)
      } else {
      }
      %add3A_360 = arith.constant 11 : i32
      %add3A_361 = arith.addi %mul3A_121, %add3A_360 : i32
      %add3A_362 = arith.constant 12 : i32
      %add3A_363 = arith.addi %add3A_361, %add3A_362 : i32
      %lt3A_364 = arith.constant 78 : i32
      %lt3A_365 = arith.cmpi slt, %add3A_361, %lt3A_364 : i32
      %convert_element_type3A_366 = arith.extui %lt3A_365 : i1 to i32
      %cond3A_367 = arith.constant 0 : i32
      %cond3A_368 = arith.cmpi ne, %convert_element_type3A_366, %cond3A_367 : i32
      scf.if %cond3A_368 {
        %dma_wait3A = arith.constant 0 : i32
        %dma_wait3A_374 = tpu.memref_slice %arg6[%add3A_361, %dma_wait3A] : memref<78x128xi32, #tpu.memory_space<vmem>> -> memref<1x128xi32, #tpu.memory_space<vmem>>
        %dma_wait3A_375 = tpu.memref_squeeze %dma_wait3A_374 : memref<1x128xi32, #tpu.memory_space<vmem>> -> memref<128xi32, #tpu.memory_space<vmem>>
        %dma_wait3A_376 = arith.constant 0 : i32
        %dma_wait3A_377 = arith.constant 0 : i32
        %dma_wait3A_378 = tpu.memref_slice %arg45[%dma_wait3A_376, %dma_wait3A_377] : memref<10000x32xf32, #tpu.memory_space<vmem_shared>> -> memref<10000x32xf32, #tpu.memory_space<vmem_shared>>
        tpu.wait_indirect_dma semaphore(%arg44 : memref<!tpu.dma_semaphore, #tpu.memory_space<semaphore_mem>>) src(%arg20 : memref<128x32xf32, #tpu.memory_space<vmem>>) dst(%dma_wait3A_378 : memref<10000x32xf32, #tpu.memory_space<vmem_shared>>)
      } else {
      }
      %lt3A_369 = arith.constant 78 : i32
      %lt3A_370 = arith.cmpi slt, %add3A_363, %lt3A_369 : i32
      %convert_element_type3A_371 = arith.extui %lt3A_370 : i1 to i32
      %cond3A_372 = arith.constant 0 : i32
      %cond3A_373 = arith.cmpi ne, %convert_element_type3A_371, %cond3A_372 : i32
      scf.if %cond3A_373 {
        %dma_start3A_374 = arith.constant 0 : i32
        %dma_start3A_375 = tpu.memref_slice %arg5[%add3A_363, %dma_start3A_374] : memref<78x128xi32, #tpu.memory_space<vmem>> -> memref<1x128xi32, #tpu.memory_space<vmem>>
        %dma_start3A_376 = tpu.memref_squeeze %dma_start3A_375 : memref<1x128xi32, #tpu.memory_space<vmem>> -> memref<128xi32, #tpu.memory_space<vmem>>
        %dma_start3A_377 = arith.constant 0 : i32
        %dma_start3A_378 = arith.constant 0 : i32
        %dma_start3A_379 = tpu.memref_slice %arg2[%dma_start3A_377, %dma_start3A_378] : memref<10000x32xf32, #tpu.memory_space<hbm>> -> memref<10000x32xf32, #tpu.memory_space<hbm>>
        tpu.enqueue_indirect_dma source(%dma_start3A_379 : memref<10000x32xf32, #tpu.memory_space<hbm>>) target(%arg20 : memref<128x32xf32, #tpu.memory_space<vmem>>) offsets(%dma_start3A_376 : memref<128xi32, #tpu.memory_space<vmem>>) semaphore(%arg32 : memref<!tpu.dma_semaphore, #tpu.memory_space<semaphore_mem>>)
      } else {
      }
    }
    %scan3A_104 = arith.constant 7 : i32
    %barrier3A_105 = arith.constant 0 : index
    tpu.barrier barrier_id(%barrier3A_105)
    %mul3A_106 = arith.constant 632 : i32
    %mul3A_107 = arith.muli %arg1, %mul3A_106 : i32
    %multiple_of3A_108 = tpu.assume_multiple %mul3A_107, 8 : i32
    %lt3A_109 = arith.constant 15 : i32
    %lt3A_110 = arith.cmpi slt, %arg1, %lt3A_109 : i32
    %convert_element_type3A_111 = arith.extui %lt3A_110 : i1 to i32
    %cond3A_112 = arith.constant 0 : i32
    %cond3A_113 = arith.cmpi ne, %convert_element_type3A_111, %cond3A_112 : i32
    scf.if %cond3A_113 {
      "tpu.region"() ({
        %run_scoped3A_119 = tpu.sem_alloc : memref<!tpu.dma_semaphore, #tpu.memory_space<semaphore_mem>>
        %dma_start3A_120 = arith.constant 0 : i32
        %dma_start3A_121 = tpu.memref_slice %arg4[%arg0, %multiple_of3A_108, %dma_start3A_120] : memref<2x10000x32xf32, #tpu.memory_space<hbm>> -> memref<1x632x32xf32, #tpu.memory_space<hbm>>
        %dma_start3A_122 = tpu.memref_squeeze %dma_start3A_121 : memref<1x632x32xf32, #tpu.memory_space<hbm>> -> memref<632x32xf32, #tpu.memory_space<hbm>>
        %dma_start3A_123 = arith.constant 0 : i32
        %dma_start3A_124 = tpu.memref_slice %arg45[%multiple_of3A_108, %dma_start3A_123] : memref<10000x32xf32, #tpu.memory_space<vmem_shared>> -> memref<632x32xf32, #tpu.memory_space<vmem_shared>>
        tpu.enqueue_dma source(%dma_start3A_124 : memref<632x32xf32, #tpu.memory_space<vmem_shared>>) target(%dma_start3A_122 : memref<632x32xf32, #tpu.memory_space<hbm>>) target_semaphore(%run_scoped3A_119 : memref<!tpu.dma_semaphore, #tpu.memory_space<semaphore_mem>>)
        %dma_wait3A = arith.constant 0 : i32
        %dma_wait3A_125 = tpu.memref_slice %arg4[%arg0, %multiple_of3A_108, %dma_wait3A] : memref<2x10000x32xf32, #tpu.memory_space<hbm>> -> memref<1x632x32xf32, #tpu.memory_space<hbm>>
        %dma_wait3A_126 = tpu.memref_squeeze %dma_wait3A_125 : memref<1x632x32xf32, #tpu.memory_space<hbm>> -> memref<632x32xf32, #tpu.memory_space<hbm>>
        %dma_wait3A_127 = arith.constant 0 : i32
        %dma_wait3A_128 = tpu.memref_slice %arg45[%multiple_of3A_108, %dma_wait3A_127] : memref<10000x32xf32, #tpu.memory_space<vmem_shared>> -> memref<632x32xf32, #tpu.memory_space<vmem_shared>>
        tpu.wait_dma2 semaphore(%run_scoped3A_119 : memref<!tpu.dma_semaphore, #tpu.memory_space<semaphore_mem>>) src(%dma_wait3A_128 : memref<632x32xf32, #tpu.memory_space<vmem_shared>>) dst(%dma_wait3A_126 : memref<632x32xf32, #tpu.memory_space<hbm>>)
        tpu.yield
      }) : () -> ()
    } else {
    }
    %eq3A_114 = arith.constant 15 : i32
    %eq3A_115 = arith.cmpi eq, %arg1, %eq3A_114 : i32
    %convert_element_type3A_116 = arith.extui %eq3A_115 : i1 to i32
    %cond3A_117 = arith.constant 0 : i32
    %cond3A_118 = arith.cmpi ne, %convert_element_type3A_116, %cond3A_117 : i32
    scf.if %cond3A_118 {
      "tpu.region"() ({
        %run_scoped3A_119 = tpu.sem_alloc : memref<!tpu.dma_semaphore, #tpu.memory_space<semaphore_mem>>
        %dma_start3A_120 = arith.constant 9480 : i32
        %dma_start3A_121 = arith.constant 0 : i32
        %dma_start3A_122 = tpu.memref_slice %arg4[%arg0, %dma_start3A_120, %dma_start3A_121] : memref<2x10000x32xf32, #tpu.memory_space<hbm>> -> memref<1x520x32xf32, #tpu.memory_space<hbm>>
        %dma_start3A_123 = tpu.memref_squeeze %dma_start3A_122 : memref<1x520x32xf32, #tpu.memory_space<hbm>> -> memref<520x32xf32, #tpu.memory_space<hbm>>
        %dma_start3A_124 = arith.constant 9480 : i32
        %dma_start3A_125 = arith.constant 0 : i32
        %dma_start3A_126 = tpu.memref_slice %arg45[%dma_start3A_124, %dma_start3A_125] : memref<10000x32xf32, #tpu.memory_space<vmem_shared>> -> memref<520x32xf32, #tpu.memory_space<vmem_shared>>
        tpu.enqueue_dma source(%dma_start3A_126 : memref<520x32xf32, #tpu.memory_space<vmem_shared>>) target(%dma_start3A_123 : memref<520x32xf32, #tpu.memory_space<hbm>>) target_semaphore(%run_scoped3A_119 : memref<!tpu.dma_semaphore, #tpu.memory_space<semaphore_mem>>)
        %dma_wait3A = arith.constant 9480 : i32
        %dma_wait3A_127 = arith.constant 0 : i32
        %dma_wait3A_128 = tpu.memref_slice %arg4[%arg0, %dma_wait3A, %dma_wait3A_127] : memref<2x10000x32xf32, #tpu.memory_space<hbm>> -> memref<1x520x32xf32, #tpu.memory_space<hbm>>
        %dma_wait3A_129 = tpu.memref_squeeze %dma_wait3A_128 : memref<1x520x32xf32, #tpu.memory_space<hbm>> -> memref<520x32xf32, #tpu.memory_space<hbm>>
        %dma_wait3A_130 = arith.constant 9480 : i32
        %dma_wait3A_131 = arith.constant 0 : i32
        %dma_wait3A_132 = tpu.memref_slice %arg45[%dma_wait3A_130, %dma_wait3A_131] : memref<10000x32xf32, #tpu.memory_space<vmem_shared>> -> memref<520x32xf32, #tpu.memory_space<vmem_shared>>
        tpu.wait_dma2 semaphore(%run_scoped3A_119 : memref<!tpu.dma_semaphore, #tpu.memory_space<semaphore_mem>>) src(%dma_wait3A_132 : memref<520x32xf32, #tpu.memory_space<vmem_shared>>) dst(%dma_wait3A_129 : memref<520x32xf32, #tpu.memory_space<hbm>>)
        tpu.yield
      }) : () -> ()
    } else {
    }
    return
  }
}

module attributes {stable_mosaic.version = 14 : i64} {
  func.func @_prep1_body(%arg0: i32, %arg1: memref<2000x128xf32, #tpu.memory_space<vmem>>, %arg2: memref<128x32xf32, #tpu.memory_space<vmem>>, %arg3: memref<1x2x2000xf32, #tpu.memory_space<vmem>>, %arg4: memref<2000x32xf32, #tpu.memory_space<vmem>>) attributes {dimension_semantics = [#tpu.dimension_semantics<arbitrary>], iteration_bounds = array<i64: 5>, scalar_prefetch = 0 : i64, scratch_operands = 0 : i64, tpu.core_type = #tpu.core_type<tc>, window_params = [{transform_indices = @transform_0, window_bounds = array<i64: 2000, 128>}, {pipeline_mode = #tpu.pipeline_mode<synchronous>, transform_indices = @transform_1, window_bounds = array<i64: 128, 32>}, {transform_indices = @transform_2, window_bounds = array<i64: 1, 2, 2000>}, {transform_indices = @transform_3, window_bounds = array<i64: 2000, 32>}]} {
    %get3A = arith.constant 0 : index
    %get3A_0 = arith.constant 0 : index
    %get3A_1 = arith.constant 0 : index
    %get3A_2 = vector.load %arg3[%get3A, %get3A_0, %get3A_1] : memref<1x2x2000xf32, #tpu.memory_space<vmem>>, vector<1x2x2000xf32>
    %get3A_3 = vector.shape_cast %get3A_2 : vector<1x2x2000xf32> to vector<2x2000xf32>
    %broadcast_in_dim3A = arith.constant 1.000000e+00 : f32
    %broadcast_in_dim3A_4 = vector.broadcast %broadcast_in_dim3A : f32 to vector<2x1xf32>
    %dot_general3A = arith.constant dense<0.000000e+00> : vector<2000x1xf32>
    %dot_general3A_5 = tpu.matmul %get3A_3, %broadcast_in_dim3A_4, %dot_general3A {dimension_numbers = #tpu.dot_dimension_numbers<[0], [0], [1], [1], [0, 1, 1, 1], [], []>, transpose_lhs_hint = false} : vector<2x2000xf32>, vector<2x1xf32>, vector<2000x1xf32> -> vector<2000x1xf32>
    %add3A = arith.constant 1.000000e+00 : f32
    %add3A_6 = vector.broadcast %add3A : f32 to vector<2000x1xf32>
    %add3A_7 = arith.addf %dot_general3A_5, %add3A_6 : vector<2000x1xf32>
    %rsqrt3A = math.rsqrt %add3A_7 : vector<2000x1xf32>
    %get3A_8 = arith.constant 0 : index
    %get3A_9 = arith.constant 0 : index
    %get3A_10 = vector.load %arg1[%get3A_8, %get3A_9] : memref<2000x128xf32, #tpu.memory_space<vmem>>, vector<2000x128xf32>
    %get3A_11 = arith.constant 0 : index
    %get3A_12 = arith.constant 0 : index
    %get3A_13 = vector.load %arg2[%get3A_11, %get3A_12] : memref<128x32xf32, #tpu.memory_space<vmem>>, vector<128x32xf32>
    %dot_general3A_14 = arith.constant dense<0.000000e+00> : vector<2000x32xf32>
    %dot_general3A_15 = tpu.matmul %get3A_10, %get3A_13, %dot_general3A_14 {dimension_numbers = #tpu.dot_dimension_numbers<[1], [0], [0], [1], [0, 0, 1, 1], [], []>, transpose_lhs_hint = false} : vector<2000x128xf32>, vector<128x32xf32>, vector<2000x32xf32> -> vector<2000x32xf32>
    %mul3A = vector.broadcast %rsqrt3A : vector<2000x1xf32> to vector<2000x32xf32>
    %mul3A_16 = arith.mulf %dot_general3A_15, %mul3A : vector<2000x32xf32>
    %swap3A = arith.constant 0 : index
    %swap3A_17 = arith.constant 0 : index
    %swap3A_18 = vector.load %arg4[%swap3A, %swap3A_17] : memref<2000x32xf32, #tpu.memory_space<vmem>>, vector<2000x32xf32>
    tpu.vector_store %arg4[%swap3A, %swap3A_17], %mul3A_16 {strides = array<i32>} : memref<2000x32xf32, #tpu.memory_space<vmem>>, vector<2000x32xf32>,
    return
  }
  func.func @transform_0(%arg0: i32) -> (i32, i32) {
    %c0_i32 = arith.constant 0 : i32
    %c0_i32_0 = arith.constant 0 : i32
    return %arg0, %c0_i32 : i32, i32
  }
  func.func @transform_1(%arg0: i32) -> (i32, i32) {
    %c0_i32 = arith.constant 0 : i32
    %c0_i32_0 = arith.constant 0 : i32
    %c0_i32_1 = arith.constant 0 : i32
    return %c0_i32, %c0_i32_0 : i32, i32
  }
  func.func @transform_2(%arg0: i32) -> (i32, i32, i32) {
    %c0_i32 = arith.constant 0 : i32
    %c0_i32_0 = arith.constant 0 : i32
    %c0_i32_1 = arith.constant 0 : i32
    return %arg0, %c0_i32, %c0_i32_0 : i32, i32, i32
  }
  func.func @transform_3(%arg0: i32) -> (i32, i32) {
    %c0_i32 = arith.constant 0 : i32
    %c0_i32_0 = arith.constant 0 : i32
    return %arg0, %c0_i32 : i32, i32
  }
}

module attributes {stable_mosaic.version = 14 : i64} {
  func.func @_mid_body(%arg0: i32, %arg1: memref<2x2000x32xf32, #tpu.memory_space<vmem>>, %arg2: memref<2000x32xf32, #tpu.memory_space<vmem>>, %arg3: memref<1x2x2000xf32, #tpu.memory_space<vmem>>, %arg4: memref<1x32xf32, #tpu.memory_space<vmem>>, %arg5: memref<32x40xf32, #tpu.memory_space<vmem>>, %arg6: memref<2000x40xf32, #tpu.memory_space<vmem>>) attributes {dimension_semantics = [#tpu.dimension_semantics<arbitrary>], iteration_bounds = array<i64: 5>, scalar_prefetch = 0 : i64, scratch_operands = 0 : i64, tpu.core_type = #tpu.core_type<tc>, window_params = [{transform_indices = @transform_0, window_bounds = array<i64: 2, 2000, 32>}, {transform_indices = @transform_1, window_bounds = array<i64: 2000, 32>}, {transform_indices = @transform_2, window_bounds = array<i64: 1, 2, 2000>}, {pipeline_mode = #tpu.pipeline_mode<synchronous>, transform_indices = @transform_3, window_bounds = array<i64: 1, 32>}, {pipeline_mode = #tpu.pipeline_mode<synchronous>, transform_indices = @transform_4, window_bounds = array<i64: 32, 40>}, {transform_indices = @transform_5, window_bounds = array<i64: 2000, 40>}]} {
    %get3A = arith.constant 0 : index
    %get3A_0 = arith.constant 0 : index
    %get3A_1 = arith.constant 0 : index
    %get3A_2 = vector.load %arg3[%get3A, %get3A_0, %get3A_1] : memref<1x2x2000xf32, #tpu.memory_space<vmem>>, vector<1x2x2000xf32>
    %get3A_3 = vector.shape_cast %get3A_2 : vector<1x2x2000xf32> to vector<2x2000xf32>
    %broadcast_in_dim3A = arith.constant 1.000000e+00 : f32
    %broadcast_in_dim3A_4 = vector.broadcast %broadcast_in_dim3A : f32 to vector<2x1xf32>
    %dot_general3A = arith.constant dense<0.000000e+00> : vector<2000x1xf32>
    %dot_general3A_5 = tpu.matmul %get3A_3, %broadcast_in_dim3A_4, %dot_general3A {dimension_numbers = #tpu.dot_dimension_numbers<[0], [0], [1], [1], [0, 1, 1, 1], [], []>, transpose_lhs_hint = false} : vector<2x2000xf32>, vector<2x1xf32>, vector<2000x1xf32> -> vector<2000x1xf32>
    %add3A = arith.constant 1.000000e+00 : f32
    %add3A_6 = vector.broadcast %add3A : f32 to vector<2000x1xf32>
    %add3A_7 = arith.addf %dot_general3A_5, %add3A_6 : vector<2000x1xf32>
    %rsqrt3A = math.rsqrt %add3A_7 : vector<2000x1xf32>
    %get3A_8 = arith.constant 0 : index
    %get3A_9 = arith.constant 0 : index
    %get3A_10 = arith.constant 0 : index
    %get3A_11 = vector.load %arg1[%get3A_8, %get3A_9, %get3A_10] : memref<2x2000x32xf32, #tpu.memory_space<vmem>>, vector<1x2000x32xf32>
    %get3A_12 = vector.shape_cast %get3A_11 : vector<1x2000x32xf32> to vector<2000x32xf32>
    %get3A_13 = arith.constant 1 : index
    %get3A_14 = arith.constant 0 : index
    %get3A_15 = arith.constant 0 : index
    %get3A_16 = vector.load %arg1[%get3A_13, %get3A_14, %get3A_15] : memref<2x2000x32xf32, #tpu.memory_space<vmem>>, vector<1x2000x32xf32>
    %get3A_17 = vector.shape_cast %get3A_16 : vector<1x2000x32xf32> to vector<2000x32xf32>
    %add3A_18 = arith.addf %get3A_12, %get3A_17 : vector<2000x32xf32>
    %get3A_19 = arith.constant 0 : index
    %get3A_20 = arith.constant 0 : index
    %get3A_21 = vector.load %arg2[%get3A_19, %get3A_20] : memref<2000x32xf32, #tpu.memory_space<vmem>>, vector<2000x32xf32>
    %sub3A = arith.subf %add3A_18, %get3A_21 : vector<2000x32xf32>
    %mul3A = vector.broadcast %rsqrt3A : vector<2000x1xf32> to vector<2000x32xf32>
    %mul3A_22 = arith.mulf %sub3A, %mul3A : vector<2000x32xf32>
    %get3A_23 = arith.constant 0 : index
    %get3A_24 = arith.constant 0 : index
    %get3A_25 = vector.load %arg4[%get3A_23, %get3A_24] : memref<1x32xf32, #tpu.memory_space<vmem>>, vector<1x32xf32>
    %add3A_26 = vector.broadcast %get3A_25 : vector<1x32xf32> to vector<2000x32xf32>
    %add3A_27 = arith.addf %mul3A_22, %add3A_26 : vector<2000x32xf32>
    %max3A = arith.constant 0.000000e+00 : f32
    %max3A_28 = vector.broadcast %max3A : f32 to vector<2000x32xf32>
    %max3A_29 = arith.maximumf %add3A_27, %max3A_28 : vector<2000x32xf32>
    %get3A_30 = arith.constant 0 : index
    %get3A_31 = arith.constant 0 : index
    %get3A_32 = vector.load %arg5[%get3A_30, %get3A_31] : memref<32x40xf32, #tpu.memory_space<vmem>>, vector<32x40xf32>
    %dot_general3A_33 = arith.constant dense<0.000000e+00> : vector<2000x40xf32>
    %dot_general3A_34 = tpu.matmul %max3A_29, %get3A_32, %dot_general3A_33 {dimension_numbers = #tpu.dot_dimension_numbers<[1], [0], [0], [1], [0, 0, 1, 1], [], []>, transpose_lhs_hint = false} : vector<2000x32xf32>, vector<32x40xf32>, vector<2000x40xf32> -> vector<2000x40xf32>
    %mul3A_35 = vector.broadcast %rsqrt3A : vector<2000x1xf32> to vector<2000x40xf32>
    %mul3A_36 = arith.mulf %dot_general3A_34, %mul3A_35 : vector<2000x40xf32>
    %swap3A = arith.constant 0 : index
    %swap3A_37 = arith.constant 0 : index
    %swap3A_38 = vector.load %arg6[%swap3A, %swap3A_37] : memref<2000x40xf32, #tpu.memory_space<vmem>>, vector<2000x40xf32>
    tpu.vector_store %arg6[%swap3A, %swap3A_37], %mul3A_36 {strides = array<i32>} : memref<2000x40xf32, #tpu.memory_space<vmem>>, vector<2000x40xf32>,
    return
  }
  func.func @transform_0(%arg0: i32) -> (i32, i32, i32) {
    %c0_i32 = arith.constant 0 : i32
    %c0_i32_0 = arith.constant 0 : i32
    %c0_i32_1 = arith.constant 0 : i32
    return %c0_i32, %arg0, %c0_i32_0 : i32, i32, i32
  }
  func.func @transform_1(%arg0: i32) -> (i32, i32) {
    %c0_i32 = arith.constant 0 : i32
    %c0_i32_0 = arith.constant 0 : i32
    return %arg0, %c0_i32 : i32, i32
  }
  func.func @transform_2(%arg0: i32) -> (i32, i32, i32) {
    %c0_i32 = arith.constant 0 : i32
    %c0_i32_0 = arith.constant 0 : i32
    %c0_i32_1 = arith.constant 0 : i32
    return %arg0, %c0_i32, %c0_i32_0 : i32, i32, i32
  }
  func.func @transform_3(%arg0: i32) -> (i32, i32) {
    %c0_i32 = arith.constant 0 : i32
    %c0_i32_0 = arith.constant 0 : i32
    %c0_i32_1 = arith.constant 0 : i32
    return %c0_i32, %c0_i32_0 : i32, i32
  }
  func.func @transform_4(%arg0: i32) -> (i32, i32) {
    %c0_i32 = arith.constant 0 : i32
    %c0_i32_0 = arith.constant 0 : i32
    %c0_i32_1 = arith.constant 0 : i32
    return %c0_i32, %c0_i32_0 : i32, i32
  }
  func.func @transform_5(%arg0: i32) -> (i32, i32) {
    %c0_i32 = arith.constant 0 : i32
    %c0_i32_0 = arith.constant 0 : i32
    return %arg0, %c0_i32 : i32, i32
  }
}

module attributes {stable_mosaic.version = 14 : i64} {
  func.func @_final_body(%arg0: i32, %arg1: memref<2x2000x40xf32, #tpu.memory_space<vmem>>, %arg2: memref<2000x40xf32, #tpu.memory_space<vmem>>, %arg3: memref<1x2x2000xf32, #tpu.memory_space<vmem>>, %arg4: memref<1x40xf32, #tpu.memory_space<vmem>>, %arg5: memref<2000x40xf32, #tpu.memory_space<vmem>>) attributes {dimension_semantics = [#tpu.dimension_semantics<arbitrary>], iteration_bounds = array<i64: 5>, scalar_prefetch = 0 : i64, scratch_operands = 0 : i64, tpu.core_type = #tpu.core_type<tc>, window_params = [{transform_indices = @transform_0, window_bounds = array<i64: 2, 2000, 40>}, {transform_indices = @transform_1, window_bounds = array<i64: 2000, 40>}, {transform_indices = @transform_2, window_bounds = array<i64: 1, 2, 2000>}, {pipeline_mode = #tpu.pipeline_mode<synchronous>, transform_indices = @transform_3, window_bounds = array<i64: 1, 40>}, {transform_indices = @transform_4, window_bounds = array<i64: 2000, 40>}]} {
    %get3A = arith.constant 0 : index
    %get3A_0 = arith.constant 0 : index
    %get3A_1 = arith.constant 0 : index
    %get3A_2 = vector.load %arg3[%get3A, %get3A_0, %get3A_1] : memref<1x2x2000xf32, #tpu.memory_space<vmem>>, vector<1x2x2000xf32>
    %get3A_3 = vector.shape_cast %get3A_2 : vector<1x2x2000xf32> to vector<2x2000xf32>
    %broadcast_in_dim3A = arith.constant 1.000000e+00 : f32
    %broadcast_in_dim3A_4 = vector.broadcast %broadcast_in_dim3A : f32 to vector<2x1xf32>
    %dot_general3A = arith.constant dense<0.000000e+00> : vector<2000x1xf32>
    %dot_general3A_5 = tpu.matmul %get3A_3, %broadcast_in_dim3A_4, %dot_general3A {dimension_numbers = #tpu.dot_dimension_numbers<[0], [0], [1], [1], [0, 1, 1, 1], [], []>, transpose_lhs_hint = false} : vector<2x2000xf32>, vector<2x1xf32>, vector<2000x1xf32> -> vector<2000x1xf32>
    %add3A = arith.constant 1.000000e+00 : f32
    %add3A_6 = vector.broadcast %add3A : f32 to vector<2000x1xf32>
    %add3A_7 = arith.addf %dot_general3A_5, %add3A_6 : vector<2000x1xf32>
    %rsqrt3A = math.rsqrt %add3A_7 : vector<2000x1xf32>
    %get3A_8 = arith.constant 0 : index
    %get3A_9 = arith.constant 0 : index
    %get3A_10 = arith.constant 0 : index
    %get3A_11 = vector.load %arg1[%get3A_8, %get3A_9, %get3A_10] : memref<2x2000x40xf32, #tpu.memory_space<vmem>>, vector<1x2000x40xf32>
    %get3A_12 = vector.shape_cast %get3A_11 : vector<1x2000x40xf32> to vector<2000x40xf32>
    %get3A_13 = arith.constant 1 : index
    %get3A_14 = arith.constant 0 : index
    %get3A_15 = arith.constant 0 : index
    %get3A_16 = vector.load %arg1[%get3A_13, %get3A_14, %get3A_15] : memref<2x2000x40xf32, #tpu.memory_space<vmem>>, vector<1x2000x40xf32>
    %get3A_17 = vector.shape_cast %get3A_16 : vector<1x2000x40xf32> to vector<2000x40xf32>
    %add3A_18 = arith.addf %get3A_12, %get3A_17 : vector<2000x40xf32>
    %get3A_19 = arith.constant 0 : index
    %get3A_20 = arith.constant 0 : index
    %get3A_21 = vector.load %arg2[%get3A_19, %get3A_20] : memref<2000x40xf32, #tpu.memory_space<vmem>>, vector<2000x40xf32>
    %sub3A = arith.subf %add3A_18, %get3A_21 : vector<2000x40xf32>
    %mul3A = vector.broadcast %rsqrt3A : vector<2000x1xf32> to vector<2000x40xf32>
    %mul3A_22 = arith.mulf %sub3A, %mul3A : vector<2000x40xf32>
    %get3A_23 = arith.constant 0 : index
    %get3A_24 = arith.constant 0 : index
    %get3A_25 = vector.load %arg4[%get3A_23, %get3A_24] : memref<1x40xf32, #tpu.memory_space<vmem>>, vector<1x40xf32>
    %add3A_26 = vector.broadcast %get3A_25 : vector<1x40xf32> to vector<2000x40xf32>
    %add3A_27 = arith.addf %mul3A_22, %add3A_26 : vector<2000x40xf32>
    %reduce_max3A = arith.constant dense<0xFF800000> : vector<2000xf32>
    %reduce_max3A_28 = vector.multi_reduction <maximumf>, %add3A_27, %reduce_max3A [1] : vector<2000x40xf32> to vector<2000xf32>
    %broadcast_in_dim3A_29 = vector.shape_cast %reduce_max3A_28 : vector<2000xf32> to vector<2000x1xf32>
    %sub3A_30 = vector.broadcast %broadcast_in_dim3A_29 : vector<2000x1xf32> to vector<2000x40xf32>
    %sub3A_31 = arith.subf %add3A_27, %sub3A_30 : vector<2000x40xf32>
    %exp3A = math.exp %sub3A_31 : vector<2000x40xf32>
    %reduce_sum3A = arith.constant dense<0.000000e+00> : vector<2000xf32>
    %reduce_sum3A_32 = vector.multi_reduction <add>, %exp3A, %reduce_sum3A [1] : vector<2000x40xf32> to vector<2000xf32>
    %broadcast_in_dim3A_33 = vector.shape_cast %reduce_sum3A_32 : vector<2000xf32> to vector<2000x1xf32>
    %log3A = math.log %broadcast_in_dim3A_33 : vector<2000x1xf32>
    %sub3A_34 = vector.broadcast %log3A : vector<2000x1xf32> to vector<2000x40xf32>
    %sub3A_35 = arith.subf %sub3A_31, %sub3A_34 : vector<2000x40xf32>
    %swap3A = arith.constant 0 : index
    %swap3A_36 = arith.constant 0 : index
    %swap3A_37 = vector.load %arg5[%swap3A, %swap3A_36] : memref<2000x40xf32, #tpu.memory_space<vmem>>, vector<2000x40xf32>
    tpu.vector_store %arg5[%swap3A, %swap3A_36], %sub3A_35 {strides = array<i32>} : memref<2000x40xf32, #tpu.memory_space<vmem>>, vector<2000x40xf32>,
    return
  }
  func.func @transform_0(%arg0: i32) -> (i32, i32, i32) {
    %c0_i32 = arith.constant 0 : i32
    %c0_i32_0 = arith.constant 0 : i32
    %c0_i32_1 = arith.constant 0 : i32
    return %c0_i32, %arg0, %c0_i32_0 : i32, i32, i32
  }
  func.func @transform_1(%arg0: i32) -> (i32, i32) {
    %c0_i32 = arith.constant 0 : i32
    %c0_i32_0 = arith.constant 0 : i32
    return %arg0, %c0_i32 : i32, i32
  }
  func.func @transform_2(%arg0: i32) -> (i32, i32, i32) {
    %c0_i32 = arith.constant 0 : i32
    %c0_i32_0 = arith.constant 0 : i32
    %c0_i32_1 = arith.constant 0 : i32
    return %arg0, %c0_i32, %c0_i32_0 : i32, i32, i32
  }
  func.func @transform_3(%arg0: i32) -> (i32, i32) {
    %c0_i32 = arith.constant 0 : i32
    %c0_i32_0 = arith.constant 0 : i32
    %c0_i32_1 = arith.constant 0 : i32
    return %c0_i32, %c0_i32_0 : i32, i32
  }
  func.func @transform_4(%arg0: i32) -> (i32, i32) {
    %c0_i32 = arith.constant 0 : i32
    %c0_i32_0 = arith.constant 0 : i32
    return %arg0, %c0_i32 : i32, i32
  }
}

</mosaic_0001>

<sc_bundles>
// kernel: kernel.11.cloned.1.call-start
scs
__scs_entry_jumppad:
0x0: {  	(pc) =	sbr.rel $0x88, $3  }
0x1: {  	(tag) =	ssettag $0x0;
	lr =	simm.s32 $0x1  }
0x2: {  	[smem:$0x3F9B] =	sst lr;
	_ =	strace $0xD0000000  }
0x3: {  	_ = 	snop  }
0x4: {  	_ = 	snop  }
0x5: {  	_ = 	snop  }
0x6: {  	_ = 	snop  }
0x7: {  	_ = 	snop  }
__scs_overlays_trampoline_lowered:
0x8: {  	[smem:$0x3FAA] =	sst s0  }
0x9: {  	[smem:$0x3FAB] =	sst s1  }
0xa: {  	[smem:$0x3FAC] =	sst s2  }
0xb: {  	[smem:$0x3FAD] =	sst s3  }
0xc: {  	[smem:$0x3FAE] =	sst s4  }
0xd: {  	[smem:$0x3FAF] =	sst s5  }
0xe: {  	[smem:$0x3FB0] =	sst s6  }
0xf: {  	[smem:$0x3FB1] =	sst s7  }
0x10: {  	[smem:$0x3FB2] =	sst s8  }
0x11: {  	[smem:$0x3FB3] =	sst s9;
	s0 =	simm.s32 @!p0 $0x0  }
0x12: {  	s1 =	sld [smem:$0x3F99];
	s0 =	simm.s32 @p0 $0x1  }
0x13: {  	[smem:$0x3FB4] =	sst s0;
	s0 =	simm.s32 @!p1 $0x0  }
0x14: {  	s2 =	sld [smem:$0x3F98];
	s0 =	simm.s32 @p1 $0x1  }
0x15: {  	[smem:$0x3FB5] =	sst s0;
	s0 =	simm.s32 @!p2 $0x0  }
0x16: {  	s3 =	sld [smem:$0x3FDB];
	s0 =	simm.s32 @p2 $0x1  }
0x17: {  	s4 =	simm.s32 $0x1BF5;
	[smem:$0x3FB7] =	sst s0  }
0x18: {  	s0 =	sld [smem:$0x3F9A];
	_ =	swait.ge [sflag:s4], $0x0  }
0x19: {  	s7 =	sld [smem:$0x3F9B]  }
0x1a: {  	s8 =	sadd.s32 $0xFFFFE003, lr  }
0x1b: {  	s9 =	sadd.s32 $0xFFFFFEF7, lr;
	s5 =	simm.s32 $0xFFFFFFFF;
	p2 =	slt.u32 s8, $0xFFFFF086  }
0x1c: {  	p1 =	slt.u32 s9, $0xF7A;
	s5 =	simm.s32 @!p2 $0x0  }
0x1d: {  	s5 =	simm.s32 @p1 $0x1;
	p0 =	seq.s32 s7, s2  }
0x1e: {  	s7 =	smul.u32 @!p0 $0xF7A, s2;
	p2 =	seq.s32 @!p0 s5, $0x0  }
0x1f: {  	s9 =	smul.u32 $0xF7A, s1;
	s8 =	simm.s32 @!p0 $0x1BF5;
	p2 =	por !p2, p0  }
0x20: {  	[sflag:s8] =	ssyncset.s32 @!p0 $0xFFFFF086;
	s6 =	sadd.s32 @!p0 s3, s7;
	s7 =	simm.s32 @!p0 $0x108  }
0x21: {  	s3 =	sadd.s32 s3, s9;
	s6 =	sadd.s32 @!p0 $0x88, s6;
	s7 =	simm.s32 @p2 $0x1082  }
0x22: {  	[simem:s7], [sflag:s8] =	dma.local @!p0 [hbm:s6], $0xF7A  }
0x23: {  	s9 =	sor.u32 $0xD0000000, s2;
	s6 =	simm.s32 $0x108;
	_ =	swait.ge @!p0 [sflag:s8], $0x0  }
0x24: {  	s3 =	sadd.s32 $0x88, s3;
	s6 =	simm.s32 @!p1 $0x1082;
	[sflag:s4] =	ssyncset.s32 $0xFFFFF086  }
0x25: {  	[simem:s6], [sflag:s4] =	dma.local [hbm:s3], $0xF7A  }
0x26: {  	[smem:$0x3F9B] =	sst s1;
	(tag) =	ssettag s2;
	_ =	strace s9  }
0x27: {  	s1 =	sld [smem:$0x3FAB]  }
0x28: {  	s2 =	sld [smem:$0x3FAC]  }
0x29: {  	s4 =	sld [smem:$0x3FAE]  }
0x2a: {  	p0 =	seq.s32 s5, $0x0;
	s5 =	sld [smem:$0x3FAF]  }
0x2b: {  	s6 =	sld [smem:$0x3FB0]  }
0x2c: {  	s7 =	sld [smem:$0x3FB1]  }
0x2d: {  	s3 =	simm.s32 $0x108;
	s8 =	sld [smem:$0x3FB2]  }
0x2e: {  	s3 =	simm.s32 @!p0 $0x1082;
	s9 =	sld [smem:$0x3FB3]  }
0x2f: {  	lr =	sadd.s32 s0, s3;
	s0 =	sld [smem:$0x3FAA]  }
0x30: {  	s3 =	sld [smem:$0x3FAD]  }
0x31: {  	[smem:$0x3FB6] =	sst s10  }
0x32: {  	s10 =	sld [smem:$0x3FB4];
	_ =	sdelay $0x3  }
0x33: {  	p0 =	seq.s32 s10, $0x1;
	s10 =	sld [smem:$0x3FB6];
	_ =	sdelay $0x3  }
0x34: {  	[smem:$0x3FB6] =	sst s10  }
0x35: {  	s10 =	sld [smem:$0x3FB5];
	_ =	sdelay $0x3  }
0x36: {  	p1 =	seq.s32 s10, $0x1;
	s10 =	sld [smem:$0x3FB6];
	_ =	sdelay $0x3  }
0x37: {  	[smem:$0x3FB6] =	sst s10  }
0x38: {  	s10 =	sld [smem:$0x3FB7]  }
0x39: {  	_ = 	snop;
	(pc) =	sbr.ind lr, $3  }
0x3a: {  	_ = 	snop  }
0x3b: {  	_ = 	snop  }
0x3c: {  	p2 =	seq.s32 s10, $0x1;
	s10 =	sld [smem:$0x3FB6]  }
0x3d: {  	_ =	shalt  }
0x3e: {  	_ =	shalt  }
0x3f: {  	_ =	shalt  }
0x40: {  	_ =	shalt  }
0x41: {  	_ =	shalt  }
0x42: {  	_ =	shalt  }
0x43: {  	_ =	shalt  }
0x44: {  	_ =	shalt  }
0x45: {  	_ =	shalt  }
0x46: {  	_ =	shalt  }
0x47: {  	_ =	shalt  }
0x48: {  	_ =	shalt  }
0x49: {  	_ =	shalt  }
0x4a: {  	_ =	shalt  }
0x4b: {  	_ =	shalt  }
0x4c: {  	_ =	shalt  }
0x4d: {  	_ =	shalt  }
0x4e: {  	_ =	shalt  }
0x4f: {  	_ =	shalt  }
0x50: {  	_ =	shalt  }
0x51: {  	_ =	shalt  }
0x52: {  	_ =	shalt  }
0x53: {  	_ =	shalt  }
0x54: {  	_ =	shalt  }
0x55: {  	_ =	shalt  }
0x56: {  	_ =	shalt  }
0x57: {  	_ =	shalt  }
0x58: {  	_ =	shalt  }
0x59: {  	_ =	shalt  }
0x5a: {  	_ =	shalt  }
0x5b: {  	_ =	shalt  }
0x5c: {  	_ =	shalt  }
0x5d: {  	_ =	shalt  }
0x5e: {  	_ =	shalt  }
0x5f: {  	_ =	shalt  }
0x60: {  	_ =	shalt  }
0x61: {  	_ =	shalt  }
0x62: {  	_ =	shalt  }
0x63: {  	_ =	shalt  }
0x64: {  	_ =	shalt  }
0x65: {  	_ =	shalt  }
0x66: {  	_ =	shalt  }
0x67: {  	_ =	shalt  }
0x68: {  	_ =	shalt  }
0x69: {  	_ =	shalt  }
0x6a: {  	_ =	shalt  }
0x6b: {  	_ =	shalt  }
0x6c: {  	_ =	shalt  }
0x6d: {  	_ =	shalt  }
0x6e: {  	_ =	shalt  }
0x6f: {  	_ =	shalt  }
0x70: {  	_ =	shalt  }
0x71: {  	_ =	shalt  }
0x72: {  	_ =	shalt  }
0x73: {  	_ =	shalt  }
0x74: {  	_ =	shalt  }
0x75: {  	_ =	shalt  }
0x76: {  	_ =	shalt  }
0x77: {  	_ =	shalt  }
0x78: {  	_ =	shalt  }
0x79: {  	_ =	shalt  }
0x7a: {  	_ =	shalt  }
0x7b: {  	_ =	shalt  }
0x7c: {  	_ =	shalt  }
0x7d: {  	_ =	shalt  }
0x7e: {  	_ =	shalt  }
0x7f: {  	_ =	shalt  }
0x80: {  	_ =	shalt  }
0x81: {  	_ =	shalt  }
0x82: {  	_ =	shalt  }
0x83: {  	_ =	shalt  }
0x84: {  	_ =	shalt  }
0x85: {  	_ =	shalt  }
0x86: {  	_ =	shalt  }
0x87: {  	_ =	shalt  }
.Lfunc_end0:
.L_simem_size_0:
called_computation.1_lowered:
.L_overlay_start_0:
0x88: {  	s2 =	sld [smem:$0x3FD9]  }
0x89: {  	s3 =	sld [smem:$0x3FFE];
	_ =	sdelay $0x1  }
0x8a: {  	s1 =	srdreg.scid  }
0x8b: {  	s0 =	sand.u32 $0x1, s1  }
0x8c: {  	s17 =	sshll.u32 s0, $0xA;
	s2 =	sadd.s32 s3, s2  }
0x8d: {  	s2 =	sadd.s32 s2, s17  }
0x8e: {  	[smem:$0x3FC2] =	sst s2  }
0x8f: {  	_ = 	snop  }
0x90: {  	s2 =	sld [smem:$0x3FD0];
	(tm) =	ssettm $0x1  }
0x91: {  	s18 =	sld [smem:$0x3FFB];
	_ =	sdelay $0x3  }
0x92: {  	_ =	strace s18  }
0x93: {  	s3 =	sld [smem:$0x3FFC];
	_ =	sdelay $0x3  }
0x94: {  	_ =	strace s3  }
0x95: {  	s3 =	sld [smem:$0x3FFD];
	_ =	sdelay $0x3  }
0x96: {  	_ =	strace s3  }
0x97: {  	_ =	strace $0x8FFFFFFF  }
0x98: {  	s19 =	sld [smem:$0x3FDB];
	_ =	sdelay $0x1  }
0x99: {  	s4 =	simm.s32 $_scs_section_size  }
0x9a: {  	s5 =	simm.s32 $_size__tile_overlayer_lowered;
	s6 =	simm.s32 $_tile_overlayer_lowered  }
0x9b: {  	s22 =	simm.s32 $0x1BFF;
	s21 =	sshll.u32 s6, $0x1;
	s3 =	sadd.s32 s4, s19  }
0x9c: {  	s7 =	simm.s32 $0x0;
	s20 =	sshll.u32 s5, $0x1;
	s5 =	sadd.s32 s21, s3  }
0x9d: {  	[timem:s7], [sflag:s22] =	dma.local [hbm:s5], s20  }
0x9e: {  	_ =	swait.ge [sflag:s22], s20  }
0x9f: {  	s4 =	ssub.s32 $0x0, s20;
	[sflag:s22] =	ssyncset.done $0x0  }
0xa0: {  	[sflag:s22] =	ssyncadd.s32 s4;
	_ =	sdelay $0x1  }
0xa1: {  	s23 =	simm.s32 $0x1B8B  }
0xa2: {  	_ =	swait.ge [sflag:s23], $0x1  }
0xa3: {  	[sflag:s23] =	ssyncset.done $0x0  }
0xa4: {  	s25 =	simm.s32 $0x1B8E;
	s24 =	sld [smem:$0x3FFE];
	[sflag:s23] =	ssyncadd.s32 $0xFFFFFFFF  }
0xa5: {  	s26 =	simm.s32 $execute0_lowered;
	[smem:$0x3FD2] =	sst s25  }
0xa6: {  	s5 =	sshll.u32 s26, $0x1;
	_ =	strace $0x80000049;
	[dreg:$0x1] =	wrdreg $0xFFFFFFFF  }
0xa7: {  	s28 =	simm.s32 $_size_execute0_lowered;
	s3 =	sadd.s32 s3, s5;
	[dreg:$0x0] =	wrdreg $0x0  }
0xa8: {  	s5 =	sshll.u32 s28, $0x1;
	[dreg:$0x2] =	wrdreg s3  }
0xa9: {  	[dreg:$0x3] =	wrdreg s5  }
0xaa: {  	[dreg:$0x4] =	wrdreg $0xC0  }
0xab: {  	_ =	task [dreg:s7], $0x5FFFF  }
0xac: {  	[dreg:$0x1] =	wrdreg $0xFFFFFFFF  }
0xad: {  	[dreg:$0x0] =	wrdreg $0x60  }
0xae: {  	[dreg:$0x2] =	wrdreg s2  }
0xaf: {  	[dreg:$0x3] =	wrdreg s24  }
0xb0: {  	[dreg:$0x4] =	wrdreg $0x10F000  }
0xb1: {  	[dreg:$0x5] =	wrdreg $0x9  }
0xb2: {  	_ =	task.clear_ibuf [dreg:s7], $0x6FFFF;
	_ =	strace $0x90000049  }
0xb3: {  	s29 =	simm.s32 $0x9;
	_ =	strace $0x8000004B  }
0xb4: {  	_ =	swait.ge [sflag:s29], $0x1  }
0xb5: {  	[sflag:s29] =	ssyncadd.s32 $0xFFFFFFFF  }
0xb6: {  	_ =	strace $0x9000004B  }
0xb7: {  	_ =	sfence  }
0xb8: {  	s30 =	sld [smem:$0x0];
	_ =	sdelay $0x2  }
0xb9: {  	s31 =	sshll.u32 s1, $0xD;
	s1 =	sshrl.u32 s1, $0x2  }
0xba: {  	s3 =	sand.u32 $0x4000, s31;
	s1 =	sadd.s32 s1, s30  }
0xbb: {  	s0 =	sor.u32 s3, s0;
	s1 =	sshll.u32 s1, $0x11  }
0xbc: {  	s0 =	sor.u32 s1, s0  }
0xbd: {  	s0 =	sadd.s32 $0x8F2B, s0  }
0xbe: {  	[sflag:s0] =	ssyncadd.remote.s32 $0x1  }
0xbf: {  	_ =	sfence.sel $0xFFFF  }
0xc0: {  	[dreg:$0x0] =	wrdreg $0xFFFFFFFF;
	(pc) =	sbr.abs _section_cstart, $3  }
0xc1: {  	[dreg:$0x1] =	wrdreg $0xFFFFFFFF  }
0xc2: {  	_ =	task.clear_ibuf [dreg:s7], $0x2FFFF;
	_ =	strace $0x9FFFFFFF  }
0xc3: {  	(tm) =	ssettm $0x7FFFFFFF  }
tec
execute0_lowered:
.L_overlay_start_1:
0x0: {  	(tag) =	ssettag $0x1  }
0x1: {  	s0 =	rddreg [dreg:$0x0]  }
0x2: {  	s2 =	rddreg [dreg:$0x1]  }
0x3: {  	s1 =	srdreg.scid;
	s3 =	rddreg [dreg:$0x2]  }
0x4: {  	s11 =	stileid.u32;
	s5 =	simm.s32 $0x0;
	s19 =	simm.s32 $0x80  }
0x5: {  	s28 =	simm.s32 $0x7F00;
	s30 =	simm.s32 $0x8F00;
	s13 =	simm.s32 $0x11  }
0x6: {  	s16 =	simm.s32 $0x7;
	s17 =	simm.s32 $0x8;
	s18 =	simm.s32 $0x9  }
0x7: {  	s14 =	simm.s32 $0xA;
	s15 =	simm.s32 $0xC;
	s1 =	sand.u32 $0x1, s1  }
0x8: {  	[smem:$0x7FF] =	sst s5;
	s6 =	sadd.s32 $0x1C00, s2;
	s9 =	smul.u32 $0x4F00, s11  }
0x9: {  	s2 =	sadd.s32 $0x15600, s2;
	s24 =	sshll.u32 s11, $0x4;
	s10 =	sadd.s32 $0x4A100, s3  }
0xa: {  	s12 =	sadd.s32 $0x9420, s0;
	p0 =	seq.s32 s11, $0xF;
	s4 =	sshll.u32 s1, $0x4  }
0xb: {  	_ =	strace $0x8000004A;
	s7 =	ssub.s32 $0x2, s1;
	s1 =	smul.u32 $0x4E200, s1  }
0xc: {  	[dreg:$0x7] =	wrdreg s12;
	s12 =	simm.s32 $0x10;
	s4 =	sor.u32 s11, s4  }
0xd: {  	s8 =	sshrl.u32 s7, $0x1;
	s23 =	sshrl.u32 s9, $0x3;
	s22 =	smul.u32 $0x2700, s4  }
0xe: {  	s7 =	ssub.s32 s7, s8;
	s8 =	sadd.s32 s0, s23;
	s25 =	sadd.s32 s9, s1  }
0xf: {  	s1 =	sshrl.u32 s1, $0x3;
	p1 =	sgt.u32 s4, $0x3;
	s4 =	simm.s32 $0x12  }
0x10: {  	[dreg:$0x6] =	wrdreg s8;
	s26 =	sshrl.u32 s25, $0x3;
	s1 =	sadd.s32 s2, s1  }
0x11: {  	s31 =	smax.u32 s7, $0x1;
	s25 =	simm.s32 $0x9F00;
	s7 =	simm.s32 $0x4  }
0x12: {  	s5 =	sshrl.u32 s22, $0x3;
	s2 =	sadd.s32 s2, s26;
	s1 =	sadd.s32 $0x9420, s1  }
0x13: {  	[dreg:$0xc] =	wrdreg s31;
	s26 =	sshrl.u32 @p0 s10, $0x3;
	s10 =	simm.s32 $0xE  }
0x14: {  	s22 =	simm.s32 $0x0;
	s5 =	sadd.s32 s6, s5;
	[dreg:$0xa] =	wrdreg s2  }
0x15: {  	s6 =	sadd.s32 s24, s6;
	[dreg:$0xb] =	wrdreg s1;
	s1 =	sshll.u32 @!p0 s11, $0x6  }
0x16: {  	s11 =	simm.s32 $0xF;
	s24 =	simm.s32 $0x13;
	[dreg:$0xd] =	wrdreg s26  }
0x17: {  	[dreg:$0x4] =	wrdreg s5;
	s5 =	sadd.s32 $0x9C40, s5;
	s8 =	sadd.s32 $0x9C00, s6  }
.Ltmp0:
0x18: {  	s6 =	sadd.s32 $0x13840, s6;
	[dreg:$0x5] =	wrdreg s5;
	(pc) =	sbr.rel .LBB2_1-.Ltmp0, $4  }
0x19: {  	s29 =	sor.u32 @!p0 $0x1C19, s1;
	s1 =	simm.s32 $0xB;
	[dreg:$0x8] =	wrdreg s8  }
0x1a: {  	s5 =	sadd.s32 s9, s3;
	[dreg:$0x9] =	wrdreg s6;
	s6 =	simm.s32 $0x3  }
0x1b: {  	s8 =	simm.s32 $0x5;
	[dreg:$0xe] =	wrdreg s29;
	s21 =	sshrl.u32 @!p0 s5, $0x3  }
0x1c: {  	s9 =	simm.s32 $0x6;
	s5 =	simm.s32 $0xD;
	[dreg:$0xf] =	wrdreg s21  }
.LBB2_6:
0x1d: {  	_ =	swait.ge [sflag:s5], $0x1000  }
0x1e: {  	[sflag:s5] =	ssyncset.done $0x0  }
0x1f: {  	[sflag:s5] =	ssyncadd.s32 $0xFFFFF000  }
0x20: {  	_ =	swait.ge [sflag:s10], $0x1000  }
0x21: {  	[sflag:s10] =	ssyncset.done $0x0  }
0x22: {  	[sflag:s10] =	ssyncadd.s32 $0xFFFFF000  }
0x23: {  	_ =	swait.ge [sflag:s11], $0x1000  }
0x24: {  	[sflag:s11] =	ssyncset.done $0x0  }
0x25: {  	[sflag:s11] =	ssyncadd.s32 $0xFFFFF000  }
0x26: {  	_ =	swait.ge [sflag:s12], $0x1000  }
0x27: {  	[sflag:s12] =	ssyncset.done $0x0  }
0x28: {  	[sflag:s12] =	ssyncadd.s32 $0xFFFFF000  }
0x29: {  	_ =	swait.ge [sflag:s13], $0x1000  }
0x2a: {  	[sflag:s13] =	ssyncset.done $0x0  }
0x2b: {  	[sflag:s13] =	ssyncadd.s32 $0xFFFFF000  }
0x2c: {  	_ =	swait.ge [sflag:s4], $0x1000  }
0x2d: {  	[sflag:s4] =	ssyncset.done $0x0  }
0x2e: {  	[sflag:s4] =	ssyncadd.s32 $0xFFFFF000  }
.LBB2_4:
0x2f: {  	[bflag:$0x0] =	sbarrier.arrive $0xFFFF  }
0x30: {  	s20 =	rddreg [dreg:$0xb]  }
0x31: {  	s2 =	simm.s32 @p0 $0x1FD9;
	s26 =	rddreg [dreg:$0xd]  }
0x32: {  	[hbm:s20], [sflag:s2] =	dma.local @p0 [spmem:s26], $0x820  }
0x33: {  	s2 =	simm.s32 @p0 $0x19  }
0x34: {  	_ =	swait.ge @p0 [sflag:s2], $0x820  }
0x35: {  	s29 =	rddreg [dreg:$0xe]  }
0x36: {  	[sflag:s2] =	ssyncset.done @p0 $0x0;
	s21 =	rddreg [dreg:$0xf]  }
0x37: {  	[sflag:s2] =	ssyncadd.s32 @p0 $0xFFFFF7E0;
	s2 =	rddreg [dreg:$0xa]  }
0x38: {  	[hbm:s2], [sflag:s29] =	dma.local @!p0 [spmem:s21], $0x9E0  }
0x39: {  	s2 =	simm.s32 @!p0 $0x19  }
0x3a: {  	_ =	swait.ge @!p0 [sflag:s2], $0x9E0  }
0x3b: {  	s22 =	rddreg [dreg:$0x10]  }
0x3c: {  	s31 =	rddreg [dreg:$0xc];
	s22 =	sadd.s32 $0x1, s22  }
0x3d: {  	p2 =	sne.s32 s22, s31  }
.Ltmp1:
0x3e: {  	_ = 	snop;
	(pc) =	sbr.rel @!p2 .LBB2_5-.Ltmp1, $3  }
0x3f: {  	_ =	sdelay $0x1  }
0x40: {  	s28 =	simm.s32 $0x7F00;
	[sflag:s2] =	ssyncset.done @!p0 $0x0  }
0x41: {  	s30 =	simm.s32 $0x8F00;
	s25 =	simm.s32 $0x9F00;
	[sflag:s2] =	ssyncadd.s32 @!p0 $0xFFFFF620  }
.LBB2_1:
0x42: {  	[dreg:$0x10] =	wrdreg s22;
	s22 =	simm.s32 $0x0  }
0x43: {  	s2 =	rddreg [dreg:$0x4];
	s20 =	smov.u32 s21;
	s21 =	simm.s32 $0x19  }
0x44: {  	[tilespmem:s22], [sflag:$0x19] =	stream.linear.gather [hbm4b:s2+s22], $0x2700, $0x38;
	[tilespmem:$0x15D20] =	vst v63  }
0x45: {  	_ =	swait.ge [sflag:s21], $0x2700  }
0x46: {  	[sflag:s21] =	ssyncset.done $0x0  }
0x47: {  	s23 =	simm.s32 $0x2700;
	s31 =	rddreg [dreg:$0x5];
	[sflag:s21] =	ssyncadd.s32 $0xFFFFD900  }
0x48: {  	[tilespmem:s23], [sflag:$0x19] =	stream.linear.gather [hbm4b:s31+s22], $0x2700, $0x38;
	[tilespmem:$0x15D20] =	vst v63  }
0x49: {  	_ =	swait.ge [sflag:s21], $0x2700  }
0x4a: {  	[sflag:s21] =	ssyncset.done $0x0  }
0x4b: {  	s2 =	simm.s32 @p0 $0x1FD9;
	[sflag:s21] =	ssyncadd.s32 $0xFFFFD900;
	s21 =	rddreg [dreg:$0x7]  }
0x4c: {  	[spmem:s26], [sflag:s2] =	dma.local @p0 [hbm:s21], $0x820  }
0x4d: {  	s2 =	simm.s32 @p0 $0x19  }
0x4e: {  	_ =	swait.ge @p0 [sflag:s2], $0x820  }
0x4f: {  	[sflag:s2] =	ssyncset.done @p0 $0x0  }
0x50: {  	[sflag:s2] =	ssyncadd.s32 @p0 $0xFFFFF7E0;
	s2 =	rddreg [dreg:$0x6]  }
0x51: {  	[spmem:s20], [sflag:s29] =	dma.local @!p0 [hbm:s2], $0x9E0  }
0x52: {  	s2 =	simm.s32 @!p0 $0x19  }
0x53: {  	_ =	swait.ge @!p0 [sflag:s2], $0x9E0  }
0x54: {  	[sflag:s2] =	ssyncset.done @!p0 $0x0  }
0x55: {  	[sflag:s2] =	ssyncadd.s32 @!p0 $0xFFFFF620  }
0x56: {  	s20 =	simm.s32 @!p1 $0x4E00;
	[bflag:$0x0] =	sbarrier.arrive $0xFFFF  }
0x57: {  	s29 =	simm.s32 @!p1 $0x19;
	s2 =	simm.s32 @!p1 $0x0;
	s21 =	rddreg [dreg:$0x8]  }
0x58: {  	[tilespmem:s20], [sflag:$0x19] =	stream.linear.gather @!p1 [hbm4b:s21+s2], $0x80, $0x38;
	[tilespmem:$0x15D20] =	vst v63  }
0x59: {  	_ =	swait.ge @!p1 [sflag:s29], $0x80  }
0x5a: {  	[sflag:s29] =	ssyncset.done @!p1 $0x0  }
0x5b: {  	s31 =	simm.s32 @!p1 $0x4E80;
	s21 =	rddreg [dreg:$0x9];
	[sflag:s29] =	ssyncadd.s32 @!p1 $0xFFFFFF80  }
0x5c: {  	[tilespmem:s31], [sflag:$0x19] =	stream.linear.gather @!p1 [hbm4b:s21+s2], $0x80, $0x38;
	[tilespmem:$0x15D20] =	vst v63  }
0x5d: {  	_ =	swait.ge @!p1 [sflag:s29], $0x80  }
0x5e: {  	s26 =	simm.s32 @!p1 $0x4F00;
	[sflag:s29] =	ssyncset.done @!p1 $0x0  }
0x5f: {  	s21 =	simm.s32 @!p1 $0x80;
	s2 =	simm.s32 @!p1 $0x1;
	[sflag:s29] =	ssyncadd.s32 @!p1 $0xFFFFFF80  }
0x60: {  	[tilespmem:s26], [sflag:$0x1] =	stream.indirect.gather @!p1 [hbm4b:s0+s21], $0x20, s20, s21, $0xb8;
	[tilespmem:$0x15D20] =	vst v63  }
0x61: {  	_ =	swait.ge @!p1 [sflag:s2], $0x1000  }
0x62: {  	[sflag:s2] =	ssyncset.done @!p1 $0x0  }
0x63: {  	[sflag:s2] =	ssyncadd.s32 @!p1 $0xFFFFF000  }
0x64: {  	[spmem:s3] =	stream.indirect.scatter.add.f32 @!p1 [tilespmem:s26], [sflag:$0x19], $0x20, s31, s21, $0xb8;
	[tilespmem:$0x15D20] =	vst v63  }
0x65: {  	_ =	swait.ge @!p1 [sflag:s29], $0x1000  }
0x66: {  	[sflag:s29] =	ssyncset.done @!p1 $0x0  }
0x67: {  	s23 =	simm.s32 $0x4F00;
	[sflag:s29] =	ssyncadd.s32 @!p1 $0xFFFFF000  }
0x68: {  	[tilespmem:s23], [sflag:$0x1] =	stream.indirect.gather [hbm4b:s0+s19], $0x20, s22, s19, $0xb8;
	[tilespmem:$0x15D20] =	vst v63  }
0x69: {  	s21 =	simm.s32 $0x5F00  }
0x6a: {  	[tilespmem:s21], [sflag:$0x2] =	stream.indirect.gather [hbm4b:s0+s19], $0x20, s19, s19, $0xb8;
	[tilespmem:$0x15D20] =	vst v63  }
0x6b: {  	s20 =	simm.s32 $0x100;
	s22 =	simm.s32 $0x6F00  }
0x6c: {  	[tilespmem:s22], [sflag:$0x3] =	stream.indirect.gather [hbm4b:s0+s19], $0x20, s20, s19, $0xb8;
	[tilespmem:$0x15D20] =	vst v63  }
0x6d: {  	s26 =	simm.s32 $0x180  }
0x6e: {  	[tilespmem:s28], [sflag:$0x4] =	stream.indirect.gather [hbm4b:s0+s19], $0x20, s26, s19, $0xb8;
	[tilespmem:$0x15D20] =	vst v63  }
0x6f: {  	s31 =	simm.s32 $0x200  }
0x70: {  	[tilespmem:s30], [sflag:$0x5] =	stream.indirect.gather [hbm4b:s0+s19], $0x20, s31, s19, $0xb8;
	[tilespmem:$0x15D20] =	vst v63  }
0x71: {  	s20 =	simm.s32 $0x280  }
0x72: {  	[tilespmem:s25], [sflag:$0x6] =	stream.indirect.gather [hbm4b:s0+s19], $0x20, s20, s19, $0xb8;
	[tilespmem:$0x15D20] =	vst v63  }
0x73: {  	s22 =	simm.s32 $0x300;
	s25 =	simm.s32 $0xAF00  }
0x74: {  	[tilespmem:s25], [sflag:$0x7] =	stream.indirect.gather [hbm4b:s0+s19], $0x20, s22, s19, $0xb8;
	[tilespmem:$0x15D20] =	vst v63  }
0x75: {  	s26 =	simm.s32 $0x380;
	s28 =	simm.s32 $0xBF00  }
0x76: {  	[tilespmem:s28], [sflag:$0x8] =	stream.indirect.gather [hbm4b:s0+s19], $0x20, s26, s19, $0xb8;
	[tilespmem:$0x15D20] =	vst v63  }
0x77: {  	s30 =	simm.s32 $0x400;
	s31 =	simm.s32 $0xCF00  }
0x78: {  	[tilespmem:s31], [sflag:$0x9] =	stream.indirect.gather [hbm4b:s0+s19], $0x20, s30, s19, $0xb8;
	[tilespmem:$0x15D20] =	vst v63  }
0x79: {  	s22 =	simm.s32 $0x480;
	s25 =	simm.s32 $0xDF00  }
0x7a: {  	[tilespmem:s25], [sflag:$0xA] =	stream.indirect.gather [hbm4b:s0+s19], $0x20, s22, s19, $0xb8;
	[tilespmem:$0x15D20] =	vst v63  }
0x7b: {  	s2 =	simm.s32 $0x0;
	s26 =	simm.s32 $0x500;
	s28 =	simm.s32 $0xEF00  }
0x7c: {  	[tilespmem:s28], [sflag:$0xB] =	stream.indirect.gather [hbm4b:s0+s19], $0x20, s26, s19, $0xb8;
	[tilespmem:$0x15D20] =	vst v63  }
0x7d: {  	s29 =	simm.s32 $0x0;
	s30 =	simm.s32 $0x580;
	s31 =	simm.s32 $0xFF00  }
0x7e: {  	[tilespmem:s31], [sflag:$0xC] =	stream.indirect.gather [hbm4b:s0+s19], $0x20, s30, s19, $0xb8;
	[tilespmem:$0x15D20] =	vst v63  }
.LBB2_2:
0x7f: {  	s20 =	simm.s32 $0x1  }
0x80: {  	_ =	swait.ge [sflag:s20], $0x1000  }
0x81: {  	s26 =	sshra.s32 s29, $0x2;
	[sflag:s20] =	ssyncset.done $0x0  }
0x82: {  	s22 =	simm.s32 $0x2;
	s25 =	sadd.s32 $0x2700, s26;
	[sflag:s20] =	ssyncadd.s32 $0xFFFFF000  }
0x83: {  	[spmem:s3] =	stream.indirect.scatter.add.f32 [tilespmem:s23], [sflag:$0xD], $0x20, s25, s19, $0xb8;
	[tilespmem:$0x15D20] =	vst v63  }
0x84: {  	_ =	swait.ge [sflag:s22], $0x1000  }
0x85: {  	[sflag:s22] =	ssyncset.done $0x0  }
0x86: {  	s25 =	sadd.s32 $0x2780, s26;
	[sflag:s22] =	ssyncadd.s32 $0xFFFFF000  }
0x87: {  	[spmem:s3] =	stream.indirect.scatter.add.f32 [tilespmem:s21], [sflag:$0xE], $0x20, s25, s19, $0xb8;
	[tilespmem:$0x15D20] =	vst v63  }
0x88: {  	_ =	swait.ge [sflag:s6], $0x1000  }
0x89: {  	[sflag:s6] =	ssyncset.done $0x0  }
0x8a: {  	s28 =	simm.s32 $0x6F00;
	s22 =	sadd.s32 $0x2800, s26;
	[sflag:s6] =	ssyncadd.s32 $0xFFFFF000  }
0x8b: {  	[spmem:s3] =	stream.indirect.scatter.add.f32 [tilespmem:s28], [sflag:$0xF], $0x20, s22, s19, $0xb8;
	[tilespmem:$0x15D20] =	vst v63  }
0x8c: {  	_ =	swait.ge [sflag:s7], $0x1000  }
0x8d: {  	[sflag:s7] =	ssyncset.done $0x0  }
0x8e: {  	s30 =	simm.s32 $0x7F00;
	s25 =	sadd.s32 $0x2880, s26;
	[sflag:s7] =	ssyncadd.s32 $0xFFFFF000  }
0x8f: {  	[spmem:s3] =	stream.indirect.scatter.add.f32 [tilespmem:s30], [sflag:$0x10], $0x20, s25, s19, $0xb8;
	[tilespmem:$0x15D20] =	vst v63  }
0x90: {  	_ =	swait.ge [sflag:s8], $0x1000  }
0x91: {  	p2 =	seq.s32 s29, $0x9000;
	[sflag:s8] =	ssyncset.done $0x0  }
0x92: {  	s22 =	sadd.s32 $0x2900, s26;
	s25 =	simm.s32 $0x8F00;
	[sflag:s8] =	ssyncadd.s32 $0xFFFFF000  }
0x93: {  	[spmem:s3] =	stream.indirect.scatter.add.f32 [tilespmem:s25], [sflag:$0x11], $0x20, s22, s19, $0xb8;
	[tilespmem:$0x15D20] =	vst v63  }
.Ltmp2:
0x94: {  	_ = 	snop;
	(pc) =	sbr.rel @p2 .LBB2_6-.Ltmp2, $4  }
0x95: {  	_ =	swait.ge [sflag:s9], $0x1000  }
0x96: {  	[sflag:s9] =	ssyncset.done $0x0  }
0x97: {  	s31 =	simm.s32 $0x9F00;
	s22 =	sadd.s32 $0x2980, s26;
	[sflag:s9] =	ssyncadd.s32 $0xFFFFF000  }
0x98: {  	[spmem:s3] =	stream.indirect.scatter.add.f32 [tilespmem:s31], [sflag:$0x12], $0x20, s22, s19, $0xb8;
	[tilespmem:$0x15D20] =	vst v63  }
0x99: {  	_ =	swait.ge [sflag:s16], $0x1000  }
0x9a: {  	[sflag:s16] =	ssyncset.done $0x0  }
0x9b: {  	s20 =	sadd.s32 $0x2A00, s26;
	s22 =	simm.s32 $0xAF00;
	[sflag:s16] =	ssyncadd.s32 $0xFFFFF000  }
0x9c: {  	[spmem:s3] =	stream.indirect.scatter.add.f32 [tilespmem:s22], [sflag:$0x13], $0x20, s20, s19, $0xb8;
	[tilespmem:$0x15D20] =	vst v63  }
0x9d: {  	_ =	swait.ge [sflag:s17], $0x1000  }
0x9e: {  	[sflag:s17] =	ssyncset.done $0x0  }
0x9f: {  	s20 =	sadd.s32 $0x2A80, s26;
	s22 =	simm.s32 $0xBF00;
	[sflag:s17] =	ssyncadd.s32 $0xFFFFF000  }
0xa0: {  	[spmem:s3] =	stream.indirect.scatter.add.f32 [tilespmem:s22], [sflag:$0x14], $0x20, s20, s19, $0xb8;
	[tilespmem:$0x15D20] =	vst v63  }
0xa1: {  	_ =	swait.ge [sflag:s18], $0x1000  }
0xa2: {  	[sflag:s18] =	ssyncset.done $0x0  }
0xa3: {  	s20 =	sadd.s32 $0x2B00, s26;
	s22 =	simm.s32 $0xCF00;
	[sflag:s18] =	ssyncadd.s32 $0xFFFFF000  }
0xa4: {  	[spmem:s3] =	stream.indirect.scatter.add.f32 [tilespmem:s22], [sflag:$0x15], $0x20, s20, s19, $0xb8;
	[tilespmem:$0x15D20] =	vst v63  }
0xa5: {  	_ =	swait.ge [sflag:s14], $0x1000  }
0xa6: {  	[sflag:s14] =	ssyncset.done $0x0  }
0xa7: {  	s20 =	sadd.s32 $0x2B80, s26;
	s22 =	simm.s32 $0xDF00;
	[sflag:s14] =	ssyncadd.s32 $0xFFFFF000  }
0xa8: {  	[spmem:s3] =	stream.indirect.scatter.add.f32 [tilespmem:s22], [sflag:$0x16], $0x20, s20, s19, $0xb8;
	[tilespmem:$0x15D20] =	vst v63  }
0xa9: {  	_ =	swait.ge [sflag:s1], $0x1000  }
0xaa: {  	[sflag:s1] =	ssyncset.done $0x0  }
0xab: {  	s20 =	sadd.s32 $0x2C00, s26;
	s22 =	simm.s32 $0xEF00;
	[sflag:s1] =	ssyncadd.s32 $0xFFFFF000  }
0xac: {  	[spmem:s3] =	stream.indirect.scatter.add.f32 [tilespmem:s22], [sflag:$0x17], $0x20, s20, s19, $0xb8;
	[tilespmem:$0x15D20] =	vst v63  }
0xad: {  	_ =	swait.ge [sflag:s15], $0x1000  }
0xae: {  	[sflag:s15] =	ssyncset.done $0x0  }
0xaf: {  	s20 =	sadd.s32 $0x2C80, s26;
	s22 =	simm.s32 $0xFF00;
	[sflag:s15] =	ssyncadd.s32 $0xFFFFF000  }
0xb0: {  	[spmem:s3] =	stream.indirect.scatter.add.f32 [tilespmem:s22], [sflag:$0x18], $0x20, s20, s19, $0xb8;
	[tilespmem:$0x15D20] =	vst v63  }
0xb1: {  	_ =	swait.ge [sflag:s5], $0x1000  }
0xb2: {  	[sflag:s5] =	ssyncset.done $0x0  }
0xb3: {  	s22 =	sadd.s32 $0x600, s26;
	[sflag:s5] =	ssyncadd.s32 $0xFFFFF000  }
0xb4: {  	[tilespmem:s23], [sflag:$0x1] =	stream.indirect.gather [hbm4b:s0+s19], $0x20, s22, s19, $0xb8;
	[tilespmem:$0x15D20] =	vst v63  }
0xb5: {  	_ =	swait.ge [sflag:s10], $0x1000  }
0xb6: {  	[sflag:s10] =	ssyncset.done $0x0  }
0xb7: {  	s23 =	sadd.s32 $0x680, s26;
	[sflag:s10] =	ssyncadd.s32 $0xFFFFF000  }
0xb8: {  	[tilespmem:s21], [sflag:$0x2] =	stream.indirect.gather [hbm4b:s0+s19], $0x20, s23, s19, $0xb8;
	[tilespmem:$0x15D20] =	vst v63  }
0xb9: {  	_ =	swait.ge [sflag:s11], $0x1000  }
0xba: {  	[sflag:s11] =	ssyncset.done $0x0  }
0xbb: {  	s22 =	sadd.s32 $0x700, s26;
	[sflag:s11] =	ssyncadd.s32 $0xFFFFF000  }
0xbc: {  	[tilespmem:s28], [sflag:$0x3] =	stream.indirect.gather [hbm4b:s0+s19], $0x20, s22, s19, $0xb8;
	[tilespmem:$0x15D20] =	vst v63  }
0xbd: {  	_ =	swait.ge [sflag:s12], $0x1000  }
0xbe: {  	[sflag:s12] =	ssyncset.done $0x0  }
0xbf: {  	s23 =	sadd.s32 $0x780, s26;
	[sflag:s12] =	ssyncadd.s32 $0xFFFFF000  }
0xc0: {  	[tilespmem:s30], [sflag:$0x4] =	stream.indirect.gather [hbm4b:s0+s19], $0x20, s23, s19, $0xb8;
	[tilespmem:$0x15D20] =	vst v63  }
0xc1: {  	_ =	swait.ge [sflag:s13], $0x1000  }
0xc2: {  	[sflag:s13] =	ssyncset.done $0x0  }
0xc3: {  	s28 =	sadd.s32 $0x800, s26;
	[sflag:s13] =	ssyncadd.s32 $0xFFFFF000  }
0xc4: {  	[tilespmem:s25], [sflag:$0x5] =	stream.indirect.gather [hbm4b:s0+s19], $0x20, s28, s19, $0xb8;
	[tilespmem:$0x15D20] =	vst v63  }
0xc5: {  	_ =	swait.ge [sflag:s4], $0x1000  }
0xc6: {  	[sflag:s4] =	ssyncset.done $0x0  }
0xc7: {  	s30 =	sadd.s32 $0x880, s26;
	[sflag:s4] =	ssyncadd.s32 $0xFFFFF000  }
0xc8: {  	[tilespmem:s31], [sflag:$0x6] =	stream.indirect.gather [hbm4b:s0+s19], $0x20, s30, s19, $0xb8;
	[tilespmem:$0x15D20] =	vst v63  }
0xc9: {  	p2 =	slt.u32 s2, $0x5;
	_ =	swait.ge [sflag:s24], $0x1000  }
0xca: {  	s20 =	sshra.s32 @p2 s29, $0x2;
	s21 =	simm.s32 @p2 $0x80;
	[sflag:s24] =	ssyncset.done $0x0  }
0xcb: {  	s26 =	sadd.s32 @p2 $0x900, s20;
	s23 =	simm.s32 @p2 $0xAF00;
	[sflag:s24] =	ssyncadd.s32 $0xFFFFF000  }
0xcc: {  	[tilespmem:s23], [sflag:$0x7] =	stream.indirect.gather @p2 [hbm4b:s0+s21], $0x20, s26, s21, $0xb8;
	[tilespmem:$0x15D20] =	vst v63  }
0xcd: {  	s23 =	simm.s32 @p2 $0x14  }
0xce: {  	_ =	swait.ge @p2 [sflag:s23], $0x1000  }
0xcf: {  	[sflag:s23] =	ssyncset.done @p2 $0x0  }
0xd0: {  	s26 =	simm.s32 @p2 $0xBF00;
	[sflag:s23] =	ssyncadd.s32 @p2 $0xFFFFF000;
	s23 =	sadd.s32 @p2 $0x980, s20  }
0xd1: {  	[tilespmem:s26], [sflag:$0x8] =	stream.indirect.gather @p2 [hbm4b:s0+s21], $0x20, s23, s21, $0xb8;
	[tilespmem:$0x15D20] =	vst v63  }
0xd2: {  	s23 =	simm.s32 @p2 $0x15  }
0xd3: {  	_ =	swait.ge @p2 [sflag:s23], $0x1000  }
0xd4: {  	[sflag:s23] =	ssyncset.done @p2 $0x0  }
0xd5: {  	s26 =	simm.s32 @p2 $0xCF00;
	[sflag:s23] =	ssyncadd.s32 @p2 $0xFFFFF000;
	s23 =	sadd.s32 @p2 $0xA00, s20  }
0xd6: {  	[tilespmem:s26], [sflag:$0x9] =	stream.indirect.gather @p2 [hbm4b:s0+s21], $0x20, s23, s21, $0xb8;
	[tilespmem:$0x15D20] =	vst v63  }
0xd7: {  	s23 =	simm.s32 @p2 $0x16  }
0xd8: {  	_ =	swait.ge @p2 [sflag:s23], $0x1000  }
0xd9: {  	[sflag:s23] =	ssyncset.done @p2 $0x0  }
0xda: {  	s26 =	simm.s32 @p2 $0xDF00;
	[sflag:s23] =	ssyncadd.s32 @p2 $0xFFFFF000;
	s23 =	sadd.s32 @p2 $0xA80, s20  }
0xdb: {  	[tilespmem:s26], [sflag:$0xA] =	stream.indirect.gather @p2 [hbm4b:s0+s21], $0x20, s23, s21, $0xb8;
	[tilespmem:$0x15D20] =	vst v63  }
0xdc: {  	s23 =	simm.s32 @p2 $0x17  }
0xdd: {  	_ =	swait.ge @p2 [sflag:s23], $0x1000  }
0xde: {  	[sflag:s23] =	ssyncset.done @p2 $0x0  }
0xdf: {  	s26 =	simm.s32 @p2 $0xEF00;
	[sflag:s23] =	ssyncadd.s32 @p2 $0xFFFFF000;
	s23 =	sadd.s32 @p2 $0xB00, s20  }
0xe0: {  	[tilespmem:s26], [sflag:$0xB] =	stream.indirect.gather @p2 [hbm4b:s0+s21], $0x20, s23, s21, $0xb8;
	[tilespmem:$0x15D20] =	vst v63  }
0xe1: {  	s23 =	simm.s32 @p2 $0x18  }
0xe2: {  	_ =	swait.ge @p2 [sflag:s23], $0x1000  }
0xe3: {  	[sflag:s23] =	ssyncset.done @p2 $0x0  }
0xe4: {  	s20 =	sadd.s32 @p2 $0xB80, s20;
	[sflag:s23] =	ssyncadd.s32 @p2 $0xFFFFF000;
	s23 =	simm.s32 @p2 $0xFF00  }
0xe5: {  	[tilespmem:s23], [sflag:$0xC] =	stream.indirect.gather @p2 [hbm4b:s0+s21], $0x20, s20, s21, $0xb8;
	[tilespmem:$0x15D20] =	vst v63  }
0xe6: {  	s20 =	simm.s32 @!p2 $0x14  }
0xe7: {  	_ =	swait.ge @!p2 [sflag:s20], $0x1000  }
0xe8: {  	[sflag:s20] =	ssyncset.done @!p2 $0x0  }
0xe9: {  	[sflag:s20] =	ssyncadd.s32 @!p2 $0xFFFFF000;
	s20 =	simm.s32 @!p2 $0x15  }
0xea: {  	_ =	swait.ge @!p2 [sflag:s20], $0x1000  }
0xeb: {  	[sflag:s20] =	ssyncset.done @!p2 $0x0  }
0xec: {  	[sflag:s20] =	ssyncadd.s32 @!p2 $0xFFFFF000;
	s20 =	simm.s32 @!p2 $0x16  }
0xed: {  	_ =	swait.ge @!p2 [sflag:s20], $0x1000  }
0xee: {  	[sflag:s20] =	ssyncset.done @!p2 $0x0  }
0xef: {  	[sflag:s20] =	ssyncadd.s32 @!p2 $0xFFFFF000;
	s20 =	simm.s32 @!p2 $0x17  }
0xf0: {  	_ =	swait.ge @!p2 [sflag:s20], $0x1000  }
0xf1: {  	[sflag:s20] =	ssyncset.done @!p2 $0x0  }
0xf2: {  	[sflag:s20] =	ssyncadd.s32 @!p2 $0xFFFFF000;
	s20 =	simm.s32 @!p2 $0x18  }
0xf3: {  	_ =	swait.ge @!p2 [sflag:s20], $0x1000  }
0xf4: {  	s29 =	sadd.s32 $0x1800, s29;
	[sflag:s20] =	ssyncset.done @!p2 $0x0  }
0xf5: {  	[sflag:s20] =	ssyncadd.s32 @!p2 $0xFFFFF000;
	p2 =	sne.s32 s29, $0xA800  }
.Ltmp3:
0xf6: {  	_ = 	snop;
	(pc) =	sbr.rel @p2 .LBB2_2-.Ltmp3, $4  }
.Ltmp4:
0xf7: {  	_ = 	snop;
	(pc) =	sbr.rel @!p2 .LBB2_4-.Ltmp4, $4  }
0xf8: {  	_ = 	snop  }
0xf9: {  	_ = 	snop  }
0xfa: {  	s2 =	sadd.s32 $0x1, s2;
	s23 =	simm.s32 $0x4F00;
	s21 =	simm.s32 $0x5F00  }
0xfb: {  	_ = 	snop  }
.LBB2_5:
0xfc: {  	_ =	sfence.sel $0x180000  }
0xfd: {  	[bflag:$0x0] =	sbarrier.arrive $0xFFFF  }
0xfe: {  	_ =	strace $0x9000004A  }
0xff: {  	s0 =	stileid.u32;
	[bflag:$0x2] =	sbarrier.arrive $0xFFFF  }
0x100: {  	p0 =	sne.s32 s0, $0x0;
	s0 =	rddreg [dreg:$0x3]  }
0x101: {  	s0 =	sadd.s32 @!p0 $0x100000, s0  }
0x102: {  	[sflag:s0] =	ssyncadd.tile.s32 @!p0 $0x1;
	_ =	shalt  }
.Lfunc_end2:
_tile_overlayer_lowered:
.L_overlay_start_2:
0x103: {  	(tag) =	ssettag $0x2  }
0x104: {  	s0 =	rddreg [dreg:$0x0];
	s2 =	stileid.u32  }
0x105: {  	s1 =	rddreg [dreg:$0x1];
	p0 =	sne.s32 s2, $0x0  }
0x106: {  	s3 =	rddreg [dreg:$0x2];
	[bflag:$0x3] =	sbarrier.arrive $0xFFFF;
	s2 =	simm.s32 @!p0 $0x1C19  }
0x107: {  	[timem:s3], [sflag:s2] =	dma.local @!p0 [hbm:s0], s1  }
0x108: {  	s0 =	simm.s32 @!p0 $0x19  }
0x109: {  	_ =	swait.ge @!p0 [sflag:s0], s1  }
0x10a: {  	s1 =	ssub.s32 @!p0 $0x0, s1;
	[sflag:s0] =	ssyncset.done @!p0 $0x0  }
0x10b: {  	[sflag:s0] =	ssyncadd.s32 @!p0 s1  }
0x10c: {  	[bflag:$0x3] =	sbarrier.arrive $0xFFFF  }
0x10d: {  	_ =	shalt  }

// kernel: kernel.14.cloned.1.call-start
scs
__scs_entry_jumppad:
0x0: {  	(pc) =	sbr.rel $0x88, $3  }
0x1: {  	(tag) =	ssettag $0x0;
	lr =	simm.s32 $0x1  }
0x2: {  	[smem:$0x3F9B] =	sst lr;
	_ =	strace $0xD0000000  }
0x3: {  	_ = 	snop  }
0x4: {  	_ = 	snop  }
0x5: {  	_ = 	snop  }
0x6: {  	_ = 	snop  }
0x7: {  	_ = 	snop  }
__scs_overlays_trampoline_lowered:
0x8: {  	[smem:$0x3FAA] =	sst s0  }
0x9: {  	[smem:$0x3FAB] =	sst s1  }
0xa: {  	[smem:$0x3FAC] =	sst s2  }
0xb: {  	[smem:$0x3FAD] =	sst s3  }
0xc: {  	[smem:$0x3FAE] =	sst s4  }
0xd: {  	[smem:$0x3FAF] =	sst s5  }
0xe: {  	[smem:$0x3FB0] =	sst s6  }
0xf: {  	[smem:$0x3FB1] =	sst s7  }
0x10: {  	[smem:$0x3FB2] =	sst s8  }
0x11: {  	[smem:$0x3FB3] =	sst s9;
	s0 =	simm.s32 @!p0 $0x0  }
0x12: {  	s1 =	sld [smem:$0x3F99];
	s0 =	simm.s32 @p0 $0x1  }
0x13: {  	[smem:$0x3FB4] =	sst s0;
	s0 =	simm.s32 @!p1 $0x0  }
0x14: {  	s2 =	sld [smem:$0x3F98];
	s0 =	simm.s32 @p1 $0x1  }
0x15: {  	[smem:$0x3FB5] =	sst s0;
	s0 =	simm.s32 @!p2 $0x0  }
0x16: {  	s3 =	sld [smem:$0x3FDB];
	s0 =	simm.s32 @p2 $0x1  }
0x17: {  	s4 =	simm.s32 $0x1BF5;
	[smem:$0x3FB7] =	sst s0  }
0x18: {  	s0 =	sld [smem:$0x3F9A];
	_ =	swait.ge [sflag:s4], $0x0  }
0x19: {  	s7 =	sld [smem:$0x3F9B]  }
0x1a: {  	s8 =	sadd.s32 $0xFFFFE003, lr  }
0x1b: {  	s9 =	sadd.s32 $0xFFFFFEF7, lr;
	s5 =	simm.s32 $0xFFFFFFFF;
	p2 =	slt.u32 s8, $0xFFFFF086  }
0x1c: {  	p1 =	slt.u32 s9, $0xF7A;
	s5 =	simm.s32 @!p2 $0x0  }
0x1d: {  	s5 =	simm.s32 @p1 $0x1;
	p0 =	seq.s32 s7, s2  }
0x1e: {  	s7 =	smul.u32 @!p0 $0xF7A, s2;
	p2 =	seq.s32 @!p0 s5, $0x0  }
0x1f: {  	s9 =	smul.u32 $0xF7A, s1;
	s8 =	simm.s32 @!p0 $0x1BF5;
	p2 =	por !p2, p0  }
0x20: {  	[sflag:s8] =	ssyncset.s32 @!p0 $0xFFFFF086;
	s6 =	sadd.s32 @!p0 s3, s7;
	s7 =	simm.s32 @!p0 $0x108  }
0x21: {  	s3 =	sadd.s32 s3, s9;
	s6 =	sadd.s32 @!p0 $0x88, s6;
	s7 =	simm.s32 @p2 $0x1082  }
0x22: {  	[simem:s7], [sflag:s8] =	dma.local @!p0 [hbm:s6], $0xF7A  }
0x23: {  	s9 =	sor.u32 $0xD0000000, s2;
	s6 =	simm.s32 $0x108;
	_ =	swait.ge @!p0 [sflag:s8], $0x0  }
0x24: {  	s3 =	sadd.s32 $0x88, s3;
	s6 =	simm.s32 @!p1 $0x1082;
	[sflag:s4] =	ssyncset.s32 $0xFFFFF086  }
0x25: {  	[simem:s6], [sflag:s4] =	dma.local [hbm:s3], $0xF7A  }
0x26: {  	[smem:$0x3F9B] =	sst s1;
	(tag) =	ssettag s2;
	_ =	strace s9  }
0x27: {  	s1 =	sld [smem:$0x3FAB]  }
0x28: {  	s2 =	sld [smem:$0x3FAC]  }
0x29: {  	s4 =	sld [smem:$0x3FAE]  }
0x2a: {  	p0 =	seq.s32 s5, $0x0;
	s5 =	sld [smem:$0x3FAF]  }
0x2b: {  	s6 =	sld [smem:$0x3FB0]  }
0x2c: {  	s7 =	sld [smem:$0x3FB1]  }
0x2d: {  	s3 =	simm.s32 $0x108;
	s8 =	sld [smem:$0x3FB2]  }
0x2e: {  	s3 =	simm.s32 @!p0 $0x1082;
	s9 =	sld [smem:$0x3FB3]  }
0x2f: {  	lr =	sadd.s32 s0, s3;
	s0 =	sld [smem:$0x3FAA]  }
0x30: {  	s3 =	sld [smem:$0x3FAD]  }
0x31: {  	[smem:$0x3FB6] =	sst s10  }
0x32: {  	s10 =	sld [smem:$0x3FB4];
	_ =	sdelay $0x3  }
0x33: {  	p0 =	seq.s32 s10, $0x1;
	s10 =	sld [smem:$0x3FB6];
	_ =	sdelay $0x3  }
0x34: {  	[smem:$0x3FB6] =	sst s10  }
0x35: {  	s10 =	sld [smem:$0x3FB5];
	_ =	sdelay $0x3  }
0x36: {  	p1 =	seq.s32 s10, $0x1;
	s10 =	sld [smem:$0x3FB6];
	_ =	sdelay $0x3  }
0x37: {  	[smem:$0x3FB6] =	sst s10  }
0x38: {  	s10 =	sld [smem:$0x3FB7]  }
0x39: {  	_ = 	snop;
	(pc) =	sbr.ind lr, $3  }
0x3a: {  	_ = 	snop  }
0x3b: {  	_ = 	snop  }
0x3c: {  	p2 =	seq.s32 s10, $0x1;
	s10 =	sld [smem:$0x3FB6]  }
0x3d: {  	_ =	shalt  }
0x3e: {  	_ =	shalt  }
0x3f: {  	_ =	shalt  }
0x40: {  	_ =	shalt  }
0x41: {  	_ =	shalt  }
0x42: {  	_ =	shalt  }
0x43: {  	_ =	shalt  }
0x44: {  	_ =	shalt  }
0x45: {  	_ =	shalt  }
0x46: {  	_ =	shalt  }
0x47: {  	_ =	shalt  }
0x48: {  	_ =	shalt  }
0x49: {  	_ =	shalt  }
0x4a: {  	_ =	shalt  }
0x4b: {  	_ =	shalt  }
0x4c: {  	_ =	shalt  }
0x4d: {  	_ =	shalt  }
0x4e: {  	_ =	shalt  }
0x4f: {  	_ =	shalt  }
0x50: {  	_ =	shalt  }
0x51: {  	_ =	shalt  }
0x52: {  	_ =	shalt  }
0x53: {  	_ =	shalt  }
0x54: {  	_ =	shalt  }
0x55: {  	_ =	shalt  }
0x56: {  	_ =	shalt  }
0x57: {  	_ =	shalt  }
0x58: {  	_ =	shalt  }
0x59: {  	_ =	shalt  }
0x5a: {  	_ =	shalt  }
0x5b: {  	_ =	shalt  }
0x5c: {  	_ =	shalt  }
0x5d: {  	_ =	shalt  }
0x5e: {  	_ =	shalt  }
0x5f: {  	_ =	shalt  }
0x60: {  	_ =	shalt  }
0x61: {  	_ =	shalt  }
0x62: {  	_ =	shalt  }
0x63: {  	_ =	shalt  }
0x64: {  	_ =	shalt  }
0x65: {  	_ =	shalt  }
0x66: {  	_ =	shalt  }
0x67: {  	_ =	shalt  }
0x68: {  	_ =	shalt  }
0x69: {  	_ =	shalt  }
0x6a: {  	_ =	shalt  }
0x6b: {  	_ =	shalt  }
0x6c: {  	_ =	shalt  }
0x6d: {  	_ =	shalt  }
0x6e: {  	_ =	shalt  }
0x6f: {  	_ =	shalt  }
0x70: {  	_ =	shalt  }
0x71: {  	_ =	shalt  }
0x72: {  	_ =	shalt  }
0x73: {  	_ =	shalt  }
0x74: {  	_ =	shalt  }
0x75: {  	_ =	shalt  }
0x76: {  	_ =	shalt  }
0x77: {  	_ =	shalt  }
0x78: {  	_ =	shalt  }
0x79: {  	_ =	shalt  }
0x7a: {  	_ =	shalt  }
0x7b: {  	_ =	shalt  }
0x7c: {  	_ =	shalt  }
0x7d: {  	_ =	shalt  }
0x7e: {  	_ =	shalt  }
0x7f: {  	_ =	shalt  }
0x80: {  	_ =	shalt  }
0x81: {  	_ =	shalt  }
0x82: {  	_ =	shalt  }
0x83: {  	_ =	shalt  }
0x84: {  	_ =	shalt  }
0x85: {  	_ =	shalt  }
0x86: {  	_ =	shalt  }
0x87: {  	_ =	shalt  }
.Lfunc_end0:
.L_simem_size_0:
called_computation.2_lowered:
.L_overlay_start_0:
0x88: {  	s2 =	sld [smem:$0x3FD9]  }
0x89: {  	s3 =	sld [smem:$0x3FFE];
	_ =	sdelay $0x1  }
0x8a: {  	s1 =	srdreg.scid  }
0x8b: {  	s0 =	sand.u32 $0x1, s1  }
0x8c: {  	s17 =	sshll.u32 s0, $0xA;
	s2 =	sadd.s32 s3, s2  }
0x8d: {  	s2 =	sadd.s32 s2, s17  }
0x8e: {  	[smem:$0x3FC2] =	sst s2  }
0x8f: {  	_ = 	snop  }
0x90: {  	s2 =	sld [smem:$0x3FD0];
	(tm) =	ssettm $0x1  }
0x91: {  	s18 =	sld [smem:$0x3FFB];
	_ =	sdelay $0x3  }
0x92: {  	_ =	strace s18  }
0x93: {  	s3 =	sld [smem:$0x3FFC];
	_ =	sdelay $0x3  }
0x94: {  	_ =	strace s3  }
0x95: {  	s3 =	sld [smem:$0x3FFD];
	_ =	sdelay $0x3  }
0x96: {  	_ =	strace s3  }
0x97: {  	_ =	strace $0x8FFFFFFF  }
0x98: {  	s19 =	sld [smem:$0x3FDB];
	_ =	sdelay $0x1  }
0x99: {  	s4 =	simm.s32 $_scs_section_size  }
0x9a: {  	s5 =	simm.s32 $_size__tile_overlayer_lowered;
	s6 =	simm.s32 $_tile_overlayer_lowered  }
0x9b: {  	s22 =	simm.s32 $0x1BFF;
	s21 =	sshll.u32 s6, $0x1;
	s3 =	sadd.s32 s4, s19  }
0x9c: {  	s7 =	simm.s32 $0x0;
	s20 =	sshll.u32 s5, $0x1;
	s5 =	sadd.s32 s21, s3  }
0x9d: {  	[timem:s7], [sflag:s22] =	dma.local [hbm:s5], s20  }
0x9e: {  	_ =	swait.ge [sflag:s22], s20  }
0x9f: {  	s4 =	ssub.s32 $0x0, s20;
	[sflag:s22] =	ssyncset.done $0x0  }
0xa0: {  	[sflag:s22] =	ssyncadd.s32 s4;
	_ =	sdelay $0x1  }
0xa1: {  	s23 =	simm.s32 $0x1B8B  }
0xa2: {  	_ =	swait.ge [sflag:s23], $0x1  }
0xa3: {  	[sflag:s23] =	ssyncset.done $0x0  }
0xa4: {  	s25 =	simm.s32 $0x1B8E;
	s24 =	sld [smem:$0x3FFE];
	[sflag:s23] =	ssyncadd.s32 $0xFFFFFFFF  }
0xa5: {  	s26 =	simm.s32 $execute0_lowered;
	[smem:$0x3FD2] =	sst s25  }
0xa6: {  	s5 =	sshll.u32 s26, $0x1;
	_ =	strace $0x8000004C;
	[dreg:$0x1] =	wrdreg $0xFFFFFFFF  }
0xa7: {  	s28 =	simm.s32 $_size_execute0_lowered;
	s3 =	sadd.s32 s3, s5;
	[dreg:$0x0] =	wrdreg $0x0  }
0xa8: {  	s5 =	sshll.u32 s28, $0x1;
	[dreg:$0x2] =	wrdreg s3  }
0xa9: {  	[dreg:$0x3] =	wrdreg s5  }
0xaa: {  	[dreg:$0x4] =	wrdreg $0xC0  }
0xab: {  	_ =	task [dreg:s7], $0x5FFFF  }
0xac: {  	[dreg:$0x1] =	wrdreg $0xFFFFFFFF  }
0xad: {  	[dreg:$0x0] =	wrdreg $0x60  }
0xae: {  	[dreg:$0x2] =	wrdreg s2  }
0xaf: {  	[dreg:$0x3] =	wrdreg s24  }
0xb0: {  	[dreg:$0x4] =	wrdreg $0x13F000  }
0xb1: {  	[dreg:$0x5] =	wrdreg $0x9  }
0xb2: {  	_ =	task.clear_ibuf [dreg:s7], $0x6FFFF;
	_ =	strace $0x9000004C  }
0xb3: {  	s29 =	simm.s32 $0x9;
	_ =	strace $0x8000004E  }
0xb4: {  	_ =	swait.ge [sflag:s29], $0x1  }
0xb5: {  	[sflag:s29] =	ssyncadd.s32 $0xFFFFFFFF  }
0xb6: {  	_ =	strace $0x9000004E  }
0xb7: {  	_ =	sfence  }
0xb8: {  	s30 =	sld [smem:$0x0];
	_ =	sdelay $0x2  }
0xb9: {  	s31 =	sshll.u32 s1, $0xD;
	s1 =	sshrl.u32 s1, $0x2  }
0xba: {  	s3 =	sand.u32 $0x4000, s31;
	s1 =	sadd.s32 s1, s30  }
0xbb: {  	s0 =	sor.u32 s3, s0;
	s1 =	sshll.u32 s1, $0x11  }
0xbc: {  	s0 =	sor.u32 s1, s0  }
0xbd: {  	s0 =	sadd.s32 $0x8F2B, s0  }
0xbe: {  	[sflag:s0] =	ssyncadd.remote.s32 $0x1  }
0xbf: {  	_ =	sfence.sel $0xFFFF  }
0xc0: {  	[dreg:$0x0] =	wrdreg $0xFFFFFFFF;
	(pc) =	sbr.abs _section_cstart, $3  }
0xc1: {  	[dreg:$0x1] =	wrdreg $0xFFFFFFFF  }
0xc2: {  	_ =	task.clear_ibuf [dreg:s7], $0x2FFFF;
	_ =	strace $0x9FFFFFFF  }
0xc3: {  	(tm) =	ssettm $0x7FFFFFFF  }
tec
execute0_lowered:
.L_overlay_start_1:
0x0: {  	(tag) =	ssettag $0x1  }
0x1: {  	s0 =	rddreg [dreg:$0x0]  }
0x2: {  	s2 =	rddreg [dreg:$0x1]  }
0x3: {  	s1 =	srdreg.scid;
	s3 =	rddreg [dreg:$0x2]  }
0x4: {  	s11 =	stileid.u32;
	s5 =	simm.s32 $0x0;
	s19 =	simm.s32 $0x80  }
0x5: {  	s28 =	simm.s32 $0x8B00;
	s30 =	simm.s32 $0x9F00;
	s13 =	simm.s32 $0x11  }
0x6: {  	s16 =	simm.s32 $0x7;
	s17 =	simm.s32 $0x8;
	s18 =	simm.s32 $0x9  }
0x7: {  	s14 =	simm.s32 $0xA;
	s15 =	simm.s32 $0xC;
	s1 =	sand.u32 $0x1, s1  }
0x8: {  	[smem:$0x7FF] =	sst s5;
	s6 =	sadd.s32 $0x1C00, s2;
	s9 =	smul.u32 $0x62C0, s11  }
0x9: {  	s2 =	sadd.s32 $0x15600, s2;
	s24 =	sshll.u32 s11, $0x4;
	s10 =	sadd.s32 $0x5C940, s3  }
0xa: {  	s12 =	sadd.s32 $0xB928, s0;
	p0 =	seq.s32 s11, $0xF;
	s4 =	sshll.u32 s1, $0x4  }
0xb: {  	_ =	strace $0x8000004D;
	s7 =	ssub.s32 $0x2, s1;
	s1 =	smul.u32 $0x61A80, s1  }
0xc: {  	[dreg:$0x7] =	wrdreg s12;
	s12 =	simm.s32 $0x10;
	s4 =	sor.u32 s11, s4  }
0xd: {  	s8 =	sshrl.u32 s7, $0x1;
	s23 =	sshrl.u32 s9, $0x3;
	s22 =	smul.u32 $0x2700, s4  }
0xe: {  	s7 =	ssub.s32 s7, s8;
	s8 =	sadd.s32 s0, s23;
	s25 =	sadd.s32 s9, s1  }
0xf: {  	s1 =	sshrl.u32 s1, $0x3;
	p1 =	sgt.u32 s4, $0x3;
	s4 =	simm.s32 $0x12  }
0x10: {  	[dreg:$0x6] =	wrdreg s8;
	s26 =	sshrl.u32 s25, $0x3;
	s1 =	sadd.s32 s2, s1  }
0x11: {  	s31 =	smax.u32 s7, $0x1;
	s25 =	simm.s32 $0xB300;
	s7 =	simm.s32 $0x4  }
0x12: {  	s5 =	sshrl.u32 s22, $0x3;
	s2 =	sadd.s32 s2, s26;
	s1 =	sadd.s32 $0xB928, s1  }
0x13: {  	[dreg:$0xc] =	wrdreg s31;
	s26 =	sshrl.u32 @p0 s10, $0x3;
	s10 =	simm.s32 $0xE  }
0x14: {  	s22 =	simm.s32 $0x0;
	s5 =	sadd.s32 s6, s5;
	[dreg:$0xa] =	wrdreg s2  }
0x15: {  	s6 =	sadd.s32 s24, s6;
	[dreg:$0xb] =	wrdreg s1;
	s1 =	sshll.u32 @!p0 s11, $0x6  }
0x16: {  	s11 =	simm.s32 $0xF;
	s24 =	simm.s32 $0x13;
	[dreg:$0xd] =	wrdreg s26  }
0x17: {  	[dreg:$0x4] =	wrdreg s5;
	s5 =	sadd.s32 $0x9C40, s5;
	s8 =	sadd.s32 $0x9C00, s6  }
.Ltmp0:
0x18: {  	s6 =	sadd.s32 $0x13840, s6;
	[dreg:$0x5] =	wrdreg s5;
	(pc) =	sbr.rel .LBB2_1-.Ltmp0, $4  }
0x19: {  	s29 =	sor.u32 @!p0 $0x1C19, s1;
	s1 =	simm.s32 $0xB;
	[dreg:$0x8] =	wrdreg s8  }
0x1a: {  	s5 =	sadd.s32 s9, s3;
	[dreg:$0x9] =	wrdreg s6;
	s6 =	simm.s32 $0x3  }
0x1b: {  	s8 =	simm.s32 $0x5;
	[dreg:$0xe] =	wrdreg s29;
	s21 =	sshrl.u32 @!p0 s5, $0x3  }
0x1c: {  	s9 =	simm.s32 $0x6;
	s5 =	simm.s32 $0xD;
	[dreg:$0xf] =	wrdreg s21  }
.LBB2_6:
0x1d: {  	_ =	swait.ge [sflag:s5], $0x1400  }
0x1e: {  	[sflag:s5] =	ssyncset.done $0x0  }
0x1f: {  	[sflag:s5] =	ssyncadd.s32 $0xFFFFEC00  }
0x20: {  	_ =	swait.ge [sflag:s10], $0x1400  }
0x21: {  	[sflag:s10] =	ssyncset.done $0x0  }
0x22: {  	[sflag:s10] =	ssyncadd.s32 $0xFFFFEC00  }
0x23: {  	_ =	swait.ge [sflag:s11], $0x1400  }
0x24: {  	[sflag:s11] =	ssyncset.done $0x0  }
0x25: {  	[sflag:s11] =	ssyncadd.s32 $0xFFFFEC00  }
0x26: {  	_ =	swait.ge [sflag:s12], $0x1400  }
0x27: {  	[sflag:s12] =	ssyncset.done $0x0  }
0x28: {  	[sflag:s12] =	ssyncadd.s32 $0xFFFFEC00  }
0x29: {  	_ =	swait.ge [sflag:s13], $0x1400  }
0x2a: {  	[sflag:s13] =	ssyncset.done $0x0  }
0x2b: {  	[sflag:s13] =	ssyncadd.s32 $0xFFFFEC00  }
0x2c: {  	_ =	swait.ge [sflag:s4], $0x1400  }
0x2d: {  	[sflag:s4] =	ssyncset.done $0x0  }
0x2e: {  	[sflag:s4] =	ssyncadd.s32 $0xFFFFEC00  }
.LBB2_4:
0x2f: {  	[bflag:$0x0] =	sbarrier.arrive $0xFFFF  }
0x30: {  	s20 =	rddreg [dreg:$0xb]  }
0x31: {  	s2 =	simm.s32 @p0 $0x1FD9;
	s26 =	rddreg [dreg:$0xd]  }
0x32: {  	[hbm:s20], [sflag:s2] =	dma.local @p0 [spmem:s26], $0xA28  }
0x33: {  	s2 =	simm.s32 @p0 $0x19  }
0x34: {  	_ =	swait.ge @p0 [sflag:s2], $0xA28  }
0x35: {  	s29 =	rddreg [dreg:$0xe]  }
0x36: {  	[sflag:s2] =	ssyncset.done @p0 $0x0;
	s21 =	rddreg [dreg:$0xf]  }
0x37: {  	[sflag:s2] =	ssyncadd.s32 @p0 $0xFFFFF5D8;
	s2 =	rddreg [dreg:$0xa]  }
0x38: {  	[hbm:s2], [sflag:s29] =	dma.local @!p0 [spmem:s21], $0xC58  }
0x39: {  	s2 =	simm.s32 @!p0 $0x19  }
0x3a: {  	_ =	swait.ge @!p0 [sflag:s2], $0xC58  }
0x3b: {  	s22 =	rddreg [dreg:$0x10]  }
0x3c: {  	s31 =	rddreg [dreg:$0xc];
	s22 =	sadd.s32 $0x1, s22  }
0x3d: {  	p2 =	sne.s32 s22, s31  }
.Ltmp1:
0x3e: {  	_ = 	snop;
	(pc) =	sbr.rel @!p2 .LBB2_5-.Ltmp1, $3  }
0x3f: {  	_ =	sdelay $0x1  }
0x40: {  	s28 =	simm.s32 $0x8B00;
	[sflag:s2] =	ssyncset.done @!p0 $0x0  }
0x41: {  	s30 =	simm.s32 $0x9F00;
	s25 =	simm.s32 $0xB300;
	[sflag:s2] =	ssyncadd.s32 @!p0 $0xFFFFF3A8  }
.LBB2_1:
0x42: {  	[dreg:$0x10] =	wrdreg s22;
	s22 =	simm.s32 $0x0  }
0x43: {  	s2 =	rddreg [dreg:$0x4];
	s20 =	smov.u32 s21;
	s21 =	simm.s32 $0x19  }
0x44: {  	[tilespmem:s22], [sflag:$0x19] =	stream.linear.gather [hbm4b:s2+s22], $0x2700, $0x38;
	[tilespmem:$0x1A0A8] =	vst v63  }
0x45: {  	_ =	swait.ge [sflag:s21], $0x2700  }
0x46: {  	[sflag:s21] =	ssyncset.done $0x0  }
0x47: {  	s23 =	simm.s32 $0x2700;
	s31 =	rddreg [dreg:$0x5];
	[sflag:s21] =	ssyncadd.s32 $0xFFFFD900  }
0x48: {  	[tilespmem:s23], [sflag:$0x19] =	stream.linear.gather [hbm4b:s31+s22], $0x2700, $0x38;
	[tilespmem:$0x1A0A8] =	vst v63  }
0x49: {  	_ =	swait.ge [sflag:s21], $0x2700  }
0x4a: {  	[sflag:s21] =	ssyncset.done $0x0  }
0x4b: {  	s2 =	simm.s32 @p0 $0x1FD9;
	[sflag:s21] =	ssyncadd.s32 $0xFFFFD900;
	s21 =	rddreg [dreg:$0x7]  }
0x4c: {  	[spmem:s26], [sflag:s2] =	dma.local @p0 [hbm:s21], $0xA28  }
0x4d: {  	s2 =	simm.s32 @p0 $0x19  }
0x4e: {  	_ =	swait.ge @p0 [sflag:s2], $0xA28  }
0x4f: {  	[sflag:s2] =	ssyncset.done @p0 $0x0  }
0x50: {  	[sflag:s2] =	ssyncadd.s32 @p0 $0xFFFFF5D8;
	s2 =	rddreg [dreg:$0x6]  }
0x51: {  	[spmem:s20], [sflag:s29] =	dma.local @!p0 [hbm:s2], $0xC58  }
0x52: {  	s2 =	simm.s32 @!p0 $0x19  }
0x53: {  	_ =	swait.ge @!p0 [sflag:s2], $0xC58  }
0x54: {  	[sflag:s2] =	ssyncset.done @!p0 $0x0  }
0x55: {  	[sflag:s2] =	ssyncadd.s32 @!p0 $0xFFFFF3A8  }
0x56: {  	s20 =	simm.s32 @!p1 $0x4E00;
	[bflag:$0x0] =	sbarrier.arrive $0xFFFF  }
0x57: {  	s29 =	simm.s32 @!p1 $0x19;
	s2 =	simm.s32 @!p1 $0x0;
	s21 =	rddreg [dreg:$0x8]  }
0x58: {  	[tilespmem:s20], [sflag:$0x19] =	stream.linear.gather @!p1 [hbm4b:s21+s2], $0x80, $0x38;
	[tilespmem:$0x1A0A8] =	vst v63  }
0x59: {  	_ =	swait.ge @!p1 [sflag:s29], $0x80  }
0x5a: {  	[sflag:s29] =	ssyncset.done @!p1 $0x0  }
0x5b: {  	s31 =	simm.s32 @!p1 $0x4E80;
	s21 =	rddreg [dreg:$0x9];
	[sflag:s29] =	ssyncadd.s32 @!p1 $0xFFFFFF80  }
0x5c: {  	[tilespmem:s31], [sflag:$0x19] =	stream.linear.gather @!p1 [hbm4b:s21+s2], $0x80, $0x38;
	[tilespmem:$0x1A0A8] =	vst v63  }
0x5d: {  	_ =	swait.ge @!p1 [sflag:s29], $0x80  }
0x5e: {  	s26 =	simm.s32 @!p1 $0x4F00;
	[sflag:s29] =	ssyncset.done @!p1 $0x0  }
0x5f: {  	s21 =	simm.s32 @!p1 $0x80;
	s2 =	simm.s32 @!p1 $0x1;
	[sflag:s29] =	ssyncadd.s32 @!p1 $0xFFFFFF80  }
0x60: {  	[tilespmem:s26], [sflag:$0x1] =	stream.indirect.gather @!p1 [hbm4b:s0+s21], $0x28, s20, s21, $0xb8;
	[tilespmem:$0x1A0A8] =	vst v63  }
0x61: {  	_ =	swait.ge @!p1 [sflag:s2], $0x1400  }
0x62: {  	[sflag:s2] =	ssyncset.done @!p1 $0x0  }
0x63: {  	[sflag:s2] =	ssyncadd.s32 @!p1 $0xFFFFEC00  }
0x64: {  	[spmem:s3] =	stream.indirect.scatter.add.f32 @!p1 [tilespmem:s26], [sflag:$0x19], $0x28, s31, s21, $0xb8;
	[tilespmem:$0x1A0A8] =	vst v63  }
0x65: {  	_ =	swait.ge @!p1 [sflag:s29], $0x1400  }
0x66: {  	[sflag:s29] =	ssyncset.done @!p1 $0x0  }
0x67: {  	s23 =	simm.s32 $0x4F00;
	[sflag:s29] =	ssyncadd.s32 @!p1 $0xFFFFEC00  }
0x68: {  	[tilespmem:s23], [sflag:$0x1] =	stream.indirect.gather [hbm4b:s0+s19], $0x28, s22, s19, $0xb8;
	[tilespmem:$0x1A0A8] =	vst v63  }
0x69: {  	s21 =	simm.s32 $0x6300  }
0x6a: {  	[tilespmem:s21], [sflag:$0x2] =	stream.indirect.gather [hbm4b:s0+s19], $0x28, s19, s19, $0xb8;
	[tilespmem:$0x1A0A8] =	vst v63  }
0x6b: {  	s20 =	simm.s32 $0x100;
	s22 =	simm.s32 $0x7700  }
0x6c: {  	[tilespmem:s22], [sflag:$0x3] =	stream.indirect.gather [hbm4b:s0+s19], $0x28, s20, s19, $0xb8;
	[tilespmem:$0x1A0A8] =	vst v63  }
0x6d: {  	s26 =	simm.s32 $0x180  }
0x6e: {  	[tilespmem:s28], [sflag:$0x4] =	stream.indirect.gather [hbm4b:s0+s19], $0x28, s26, s19, $0xb8;
	[tilespmem:$0x1A0A8] =	vst v63  }
0x6f: {  	s31 =	simm.s32 $0x200  }
0x70: {  	[tilespmem:s30], [sflag:$0x5] =	stream.indirect.gather [hbm4b:s0+s19], $0x28, s31, s19, $0xb8;
	[tilespmem:$0x1A0A8] =	vst v63  }
0x71: {  	s20 =	simm.s32 $0x280  }
0x72: {  	[tilespmem:s25], [sflag:$0x6] =	stream.indirect.gather [hbm4b:s0+s19], $0x28, s20, s19, $0xb8;
	[tilespmem:$0x1A0A8] =	vst v63  }
0x73: {  	s22 =	simm.s32 $0x300;
	s25 =	simm.s32 $0xC700  }
0x74: {  	[tilespmem:s25], [sflag:$0x7] =	stream.indirect.gather [hbm4b:s0+s19], $0x28, s22, s19, $0xb8;
	[tilespmem:$0x1A0A8] =	vst v63  }
0x75: {  	s26 =	simm.s32 $0x380;
	s28 =	simm.s32 $0xDB00  }
0x76: {  	[tilespmem:s28], [sflag:$0x8] =	stream.indirect.gather [hbm4b:s0+s19], $0x28, s26, s19, $0xb8;
	[tilespmem:$0x1A0A8] =	vst v63  }
0x77: {  	s30 =	simm.s32 $0x400;
	s31 =	simm.s32 $0xEF00  }
0x78: {  	[tilespmem:s31], [sflag:$0x9] =	stream.indirect.gather [hbm4b:s0+s19], $0x28, s30, s19, $0xb8;
	[tilespmem:$0x1A0A8] =	vst v63  }
0x79: {  	s22 =	simm.s32 $0x480;
	s25 =	simm.s32 $0x10300  }
0x7a: {  	[tilespmem:s25], [sflag:$0xA] =	stream.indirect.gather [hbm4b:s0+s19], $0x28, s22, s19, $0xb8;
	[tilespmem:$0x1A0A8] =	vst v63  }
0x7b: {  	s2 =	simm.s32 $0x0;
	s26 =	simm.s32 $0x500;
	s28 =	simm.s32 $0x11700  }
0x7c: {  	[tilespmem:s28], [sflag:$0xB] =	stream.indirect.gather [hbm4b:s0+s19], $0x28, s26, s19, $0xb8;
	[tilespmem:$0x1A0A8] =	vst v63  }
0x7d: {  	s29 =	simm.s32 $0x0;
	s30 =	simm.s32 $0x580;
	s31 =	simm.s32 $0x12B00  }
0x7e: {  	[tilespmem:s31], [sflag:$0xC] =	stream.indirect.gather [hbm4b:s0+s19], $0x28, s30, s19, $0xb8;
	[tilespmem:$0x1A0A8] =	vst v63  }
.LBB2_2:
0x7f: {  	s20 =	simm.s32 $0x1  }
0x80: {  	_ =	swait.ge [sflag:s20], $0x1400  }
0x81: {  	s26 =	sshra.s32 s29, $0x2;
	[sflag:s20] =	ssyncset.done $0x0  }
0x82: {  	s22 =	simm.s32 $0x2;
	s25 =	sadd.s32 $0x2700, s26;
	[sflag:s20] =	ssyncadd.s32 $0xFFFFEC00  }
0x83: {  	[spmem:s3] =	stream.indirect.scatter.add.f32 [tilespmem:s23], [sflag:$0xD], $0x28, s25, s19, $0xb8;
	[tilespmem:$0x1A0A8] =	vst v63  }
0x84: {  	_ =	swait.ge [sflag:s22], $0x1400  }
0x85: {  	[sflag:s22] =	ssyncset.done $0x0  }
0x86: {  	s25 =	sadd.s32 $0x2780, s26;
	[sflag:s22] =	ssyncadd.s32 $0xFFFFEC00  }
0x87: {  	[spmem:s3] =	stream.indirect.scatter.add.f32 [tilespmem:s21], [sflag:$0xE], $0x28, s25, s19, $0xb8;
	[tilespmem:$0x1A0A8] =	vst v63  }
0x88: {  	_ =	swait.ge [sflag:s6], $0x1400  }
0x89: {  	[sflag:s6] =	ssyncset.done $0x0  }
0x8a: {  	s28 =	simm.s32 $0x7700;
	s22 =	sadd.s32 $0x2800, s26;
	[sflag:s6] =	ssyncadd.s32 $0xFFFFEC00  }
0x8b: {  	[spmem:s3] =	stream.indirect.scatter.add.f32 [tilespmem:s28], [sflag:$0xF], $0x28, s22, s19, $0xb8;
	[tilespmem:$0x1A0A8] =	vst v63  }
0x8c: {  	_ =	swait.ge [sflag:s7], $0x1400  }
0x8d: {  	[sflag:s7] =	ssyncset.done $0x0  }
0x8e: {  	s30 =	simm.s32 $0x8B00;
	s25 =	sadd.s32 $0x2880, s26;
	[sflag:s7] =	ssyncadd.s32 $0xFFFFEC00  }
0x8f: {  	[spmem:s3] =	stream.indirect.scatter.add.f32 [tilespmem:s30], [sflag:$0x10], $0x28, s25, s19, $0xb8;
	[tilespmem:$0x1A0A8] =	vst v63  }
0x90: {  	_ =	swait.ge [sflag:s8], $0x1400  }
0x91: {  	p2 =	seq.s32 s29, $0x9000;
	[sflag:s8] =	ssyncset.done $0x0  }
0x92: {  	s22 =	sadd.s32 $0x2900, s26;
	s25 =	simm.s32 $0x9F00;
	[sflag:s8] =	ssyncadd.s32 $0xFFFFEC00  }
0x93: {  	[spmem:s3] =	stream.indirect.scatter.add.f32 [tilespmem:s25], [sflag:$0x11], $0x28, s22, s19, $0xb8;
	[tilespmem:$0x1A0A8] =	vst v63  }
.Ltmp2:
0x94: {  	_ = 	snop;
	(pc) =	sbr.rel @p2 .LBB2_6-.Ltmp2, $4  }
0x95: {  	_ =	swait.ge [sflag:s9], $0x1400  }
0x96: {  	[sflag:s9] =	ssyncset.done $0x0  }
0x97: {  	s31 =	simm.s32 $0xB300;
	s22 =	sadd.s32 $0x2980, s26;
	[sflag:s9] =	ssyncadd.s32 $0xFFFFEC00  }
0x98: {  	[spmem:s3] =	stream.indirect.scatter.add.f32 [tilespmem:s31], [sflag:$0x12], $0x28, s22, s19, $0xb8;
	[tilespmem:$0x1A0A8] =	vst v63  }
0x99: {  	_ =	swait.ge [sflag:s16], $0x1400  }
0x9a: {  	[sflag:s16] =	ssyncset.done $0x0  }
0x9b: {  	s20 =	sadd.s32 $0x2A00, s26;
	s22 =	simm.s32 $0xC700;
	[sflag:s16] =	ssyncadd.s32 $0xFFFFEC00  }
0x9c: {  	[spmem:s3] =	stream.indirect.scatter.add.f32 [tilespmem:s22], [sflag:$0x13], $0x28, s20, s19, $0xb8;
	[tilespmem:$0x1A0A8] =	vst v63  }
0x9d: {  	_ =	swait.ge [sflag:s17], $0x1400  }
0x9e: {  	[sflag:s17] =	ssyncset.done $0x0  }
0x9f: {  	s20 =	sadd.s32 $0x2A80, s26;
	s22 =	simm.s32 $0xDB00;
	[sflag:s17] =	ssyncadd.s32 $0xFFFFEC00  }
0xa0: {  	[spmem:s3] =	stream.indirect.scatter.add.f32 [tilespmem:s22], [sflag:$0x14], $0x28, s20, s19, $0xb8;
	[tilespmem:$0x1A0A8] =	vst v63  }
0xa1: {  	_ =	swait.ge [sflag:s18], $0x1400  }
0xa2: {  	[sflag:s18] =	ssyncset.done $0x0  }
0xa3: {  	s20 =	sadd.s32 $0x2B00, s26;
	s22 =	simm.s32 $0xEF00;
	[sflag:s18] =	ssyncadd.s32 $0xFFFFEC00  }
0xa4: {  	[spmem:s3] =	stream.indirect.scatter.add.f32 [tilespmem:s22], [sflag:$0x15], $0x28, s20, s19, $0xb8;
	[tilespmem:$0x1A0A8] =	vst v63  }
0xa5: {  	_ =	swait.ge [sflag:s14], $0x1400  }
0xa6: {  	[sflag:s14] =	ssyncset.done $0x0  }
0xa7: {  	s20 =	sadd.s32 $0x2B80, s26;
	s22 =	simm.s32 $0x10300;
	[sflag:s14] =	ssyncadd.s32 $0xFFFFEC00  }
0xa8: {  	[spmem:s3] =	stream.indirect.scatter.add.f32 [tilespmem:s22], [sflag:$0x16], $0x28, s20, s19, $0xb8;
	[tilespmem:$0x1A0A8] =	vst v63  }
0xa9: {  	_ =	swait.ge [sflag:s1], $0x1400  }
0xaa: {  	[sflag:s1] =	ssyncset.done $0x0  }
0xab: {  	s20 =	sadd.s32 $0x2C00, s26;
	s22 =	simm.s32 $0x11700;
	[sflag:s1] =	ssyncadd.s32 $0xFFFFEC00  }
0xac: {  	[spmem:s3] =	stream.indirect.scatter.add.f32 [tilespmem:s22], [sflag:$0x17], $0x28, s20, s19, $0xb8;
	[tilespmem:$0x1A0A8] =	vst v63  }
0xad: {  	_ =	swait.ge [sflag:s15], $0x1400  }
0xae: {  	[sflag:s15] =	ssyncset.done $0x0  }
0xaf: {  	s20 =	sadd.s32 $0x2C80, s26;
	s22 =	simm.s32 $0x12B00;
	[sflag:s15] =	ssyncadd.s32 $0xFFFFEC00  }
0xb0: {  	[spmem:s3] =	stream.indirect.scatter.add.f32 [tilespmem:s22], [sflag:$0x18], $0x28, s20, s19, $0xb8;
	[tilespmem:$0x1A0A8] =	vst v63  }
0xb1: {  	_ =	swait.ge [sflag:s5], $0x1400  }
0xb2: {  	[sflag:s5] =	ssyncset.done $0x0  }
0xb3: {  	s22 =	sadd.s32 $0x600, s26;
	[sflag:s5] =	ssyncadd.s32 $0xFFFFEC00  }
0xb4: {  	[tilespmem:s23], [sflag:$0x1] =	stream.indirect.gather [hbm4b:s0+s19], $0x28, s22, s19, $0xb8;
	[tilespmem:$0x1A0A8] =	vst v63  }
0xb5: {  	_ =	swait.ge [sflag:s10], $0x1400  }
0xb6: {  	[sflag:s10] =	ssyncset.done $0x0  }
0xb7: {  	s23 =	sadd.s32 $0x680, s26;
	[sflag:s10] =	ssyncadd.s32 $0xFFFFEC00  }
0xb8: {  	[tilespmem:s21], [sflag:$0x2] =	stream.indirect.gather [hbm4b:s0+s19], $0x28, s23, s19, $0xb8;
	[tilespmem:$0x1A0A8] =	vst v63  }
0xb9: {  	_ =	swait.ge [sflag:s11], $0x1400  }
0xba: {  	[sflag:s11] =	ssyncset.done $0x0  }
0xbb: {  	s22 =	sadd.s32 $0x700, s26;
	[sflag:s11] =	ssyncadd.s32 $0xFFFFEC00  }
0xbc: {  	[tilespmem:s28], [sflag:$0x3] =	stream.indirect.gather [hbm4b:s0+s19], $0x28, s22, s19, $0xb8;
	[tilespmem:$0x1A0A8] =	vst v63  }
0xbd: {  	_ =	swait.ge [sflag:s12], $0x1400  }
0xbe: {  	[sflag:s12] =	ssyncset.done $0x0  }
0xbf: {  	s23 =	sadd.s32 $0x780, s26;
	[sflag:s12] =	ssyncadd.s32 $0xFFFFEC00  }
0xc0: {  	[tilespmem:s30], [sflag:$0x4] =	stream.indirect.gather [hbm4b:s0+s19], $0x28, s23, s19, $0xb8;
	[tilespmem:$0x1A0A8] =	vst v63  }
0xc1: {  	_ =	swait.ge [sflag:s13], $0x1400  }
0xc2: {  	[sflag:s13] =	ssyncset.done $0x0  }
0xc3: {  	s28 =	sadd.s32 $0x800, s26;
	[sflag:s13] =	ssyncadd.s32 $0xFFFFEC00  }
0xc4: {  	[tilespmem:s25], [sflag:$0x5] =	stream.indirect.gather [hbm4b:s0+s19], $0x28, s28, s19, $0xb8;
	[tilespmem:$0x1A0A8] =	vst v63  }
0xc5: {  	_ =	swait.ge [sflag:s4], $0x1400  }
0xc6: {  	[sflag:s4] =	ssyncset.done $0x0  }
0xc7: {  	s30 =	sadd.s32 $0x880, s26;
	[sflag:s4] =	ssyncadd.s32 $0xFFFFEC00  }
0xc8: {  	[tilespmem:s31], [sflag:$0x6] =	stream.indirect.gather [hbm4b:s0+s19], $0x28, s30, s19, $0xb8;
	[tilespmem:$0x1A0A8] =	vst v63  }
0xc9: {  	p2 =	slt.u32 s2, $0x5;
	_ =	swait.ge [sflag:s24], $0x1400  }
0xca: {  	s20 =	sshra.s32 @p2 s29, $0x2;
	s21 =	simm.s32 @p2 $0x80;
	[sflag:s24] =	ssyncset.done $0x0  }
0xcb: {  	s26 =	sadd.s32 @p2 $0x900, s20;
	s23 =	simm.s32 @p2 $0xC700;
	[sflag:s24] =	ssyncadd.s32 $0xFFFFEC00  }
0xcc: {  	[tilespmem:s23], [sflag:$0x7] =	stream.indirect.gather @p2 [hbm4b:s0+s21], $0x28, s26, s21, $0xb8;
	[tilespmem:$0x1A0A8] =	vst v63  }
0xcd: {  	s23 =	simm.s32 @p2 $0x14  }
0xce: {  	_ =	swait.ge @p2 [sflag:s23], $0x1400  }
0xcf: {  	[sflag:s23] =	ssyncset.done @p2 $0x0  }
0xd0: {  	s26 =	simm.s32 @p2 $0xDB00;
	[sflag:s23] =	ssyncadd.s32 @p2 $0xFFFFEC00;
	s23 =	sadd.s32 @p2 $0x980, s20  }
0xd1: {  	[tilespmem:s26], [sflag:$0x8] =	stream.indirect.gather @p2 [hbm4b:s0+s21], $0x28, s23, s21, $0xb8;
	[tilespmem:$0x1A0A8] =	vst v63  }
0xd2: {  	s23 =	simm.s32 @p2 $0x15  }
0xd3: {  	_ =	swait.ge @p2 [sflag:s23], $0x1400  }
0xd4: {  	[sflag:s23] =	ssyncset.done @p2 $0x0  }
0xd5: {  	s26 =	simm.s32 @p2 $0xEF00;
	[sflag:s23] =	ssyncadd.s32 @p2 $0xFFFFEC00;
	s23 =	sadd.s32 @p2 $0xA00, s20  }
0xd6: {  	[tilespmem:s26], [sflag:$0x9] =	stream.indirect.gather @p2 [hbm4b:s0+s21], $0x28, s23, s21, $0xb8;
	[tilespmem:$0x1A0A8] =	vst v63  }
0xd7: {  	s23 =	simm.s32 @p2 $0x16  }
0xd8: {  	_ =	swait.ge @p2 [sflag:s23], $0x1400  }
0xd9: {  	[sflag:s23] =	ssyncset.done @p2 $0x0  }
0xda: {  	s26 =	simm.s32 @p2 $0x10300;
	[sflag:s23] =	ssyncadd.s32 @p2 $0xFFFFEC00;
	s23 =	sadd.s32 @p2 $0xA80, s20  }
0xdb: {  	[tilespmem:s26], [sflag:$0xA] =	stream.indirect.gather @p2 [hbm4b:s0+s21], $0x28, s23, s21, $0xb8;
	[tilespmem:$0x1A0A8] =	vst v63  }
0xdc: {  	s23 =	simm.s32 @p2 $0x17  }
0xdd: {  	_ =	swait.ge @p2 [sflag:s23], $0x1400  }
0xde: {  	[sflag:s23] =	ssyncset.done @p2 $0x0  }
0xdf: {  	s26 =	simm.s32 @p2 $0x11700;
	[sflag:s23] =	ssyncadd.s32 @p2 $0xFFFFEC00;
	s23 =	sadd.s32 @p2 $0xB00, s20  }
0xe0: {  	[tilespmem:s26], [sflag:$0xB] =	stream.indirect.gather @p2 [hbm4b:s0+s21], $0x28, s23, s21, $0xb8;
	[tilespmem:$0x1A0A8] =	vst v63  }
0xe1: {  	s23 =	simm.s32 @p2 $0x18  }
0xe2: {  	_ =	swait.ge @p2 [sflag:s23], $0x1400  }
0xe3: {  	[sflag:s23] =	ssyncset.done @p2 $0x0  }
0xe4: {  	s20 =	sadd.s32 @p2 $0xB80, s20;
	[sflag:s23] =	ssyncadd.s32 @p2 $0xFFFFEC00;
	s23 =	simm.s32 @p2 $0x12B00  }
0xe5: {  	[tilespmem:s23], [sflag:$0xC] =	stream.indirect.gather @p2 [hbm4b:s0+s21], $0x28, s20, s21, $0xb8;
	[tilespmem:$0x1A0A8] =	vst v63  }
0xe6: {  	s20 =	simm.s32 @!p2 $0x14  }
0xe7: {  	_ =	swait.ge @!p2 [sflag:s20], $0x1400  }
0xe8: {  	[sflag:s20] =	ssyncset.done @!p2 $0x0  }
0xe9: {  	[sflag:s20] =	ssyncadd.s32 @!p2 $0xFFFFEC00;
	s20 =	simm.s32 @!p2 $0x15  }
0xea: {  	_ =	swait.ge @!p2 [sflag:s20], $0x1400  }
0xeb: {  	[sflag:s20] =	ssyncset.done @!p2 $0x0  }
0xec: {  	[sflag:s20] =	ssyncadd.s32 @!p2 $0xFFFFEC00;
	s20 =	simm.s32 @!p2 $0x16  }
0xed: {  	_ =	swait.ge @!p2 [sflag:s20], $0x1400  }
0xee: {  	[sflag:s20] =	ssyncset.done @!p2 $0x0  }
0xef: {  	[sflag:s20] =	ssyncadd.s32 @!p2 $0xFFFFEC00;
	s20 =	simm.s32 @!p2 $0x17  }
0xf0: {  	_ =	swait.ge @!p2 [sflag:s20], $0x1400  }
0xf1: {  	[sflag:s20] =	ssyncset.done @!p2 $0x0  }
0xf2: {  	[sflag:s20] =	ssyncadd.s32 @!p2 $0xFFFFEC00;
	s20 =	simm.s32 @!p2 $0x18  }
0xf3: {  	_ =	swait.ge @!p2 [sflag:s20], $0x1400  }
0xf4: {  	s29 =	sadd.s32 $0x1800, s29;
	[sflag:s20] =	ssyncset.done @!p2 $0x0  }
0xf5: {  	[sflag:s20] =	ssyncadd.s32 @!p2 $0xFFFFEC00;
	p2 =	sne.s32 s29, $0xA800  }
.Ltmp3:
0xf6: {  	_ = 	snop;
	(pc) =	sbr.rel @p2 .LBB2_2-.Ltmp3, $4  }
.Ltmp4:
0xf7: {  	_ = 	snop;
	(pc) =	sbr.rel @!p2 .LBB2_4-.Ltmp4, $4  }
0xf8: {  	_ = 	snop  }
0xf9: {  	_ = 	snop  }
0xfa: {  	s2 =	sadd.s32 $0x1, s2;
	s23 =	simm.s32 $0x4F00;
	s21 =	simm.s32 $0x6300  }
0xfb: {  	_ = 	snop  }
.LBB2_5:
0xfc: {  	_ =	sfence.sel $0x180000  }
0xfd: {  	[bflag:$0x0] =	sbarrier.arrive $0xFFFF  }
0xfe: {  	_ =	strace $0x9000004D  }
0xff: {  	s0 =	stileid.u32;
	[bflag:$0x2] =	sbarrier.arrive $0xFFFF  }
0x100: {  	p0 =	sne.s32 s0, $0x0;
	s0 =	rddreg [dreg:$0x3]  }
0x101: {  	s0 =	sadd.s32 @!p0 $0x100000, s0  }
0x102: {  	[sflag:s0] =	ssyncadd.tile.s32 @!p0 $0x1;
	_ =	shalt  }
.Lfunc_end2:
_tile_overlayer_lowered:
.L_overlay_start_2:
0x103: {  	(tag) =	ssettag $0x2  }
0x104: {  	s0 =	rddreg [dreg:$0x0];
	s2 =	stileid.u32  }
0x105: {  	s1 =	rddreg [dreg:$0x1];
	p0 =	sne.s32 s2, $0x0  }
0x106: {  	s3 =	rddreg [dreg:$0x2];
	[bflag:$0x3] =	sbarrier.arrive $0xFFFF;
	s2 =	simm.s32 @!p0 $0x1C19  }
0x107: {  	[timem:s3], [sflag:s2] =	dma.local @!p0 [hbm:s0], s1  }
0x108: {  	s0 =	simm.s32 @!p0 $0x19  }
0x109: {  	_ =	swait.ge @!p0 [sflag:s0], s1  }
0x10a: {  	s1 =	ssub.s32 @!p0 $0x0, s1;
	[sflag:s0] =	ssyncset.done @!p0 $0x0  }
0x10b: {  	[sflag:s0] =	ssyncadd.s32 @!p0 s1  }
0x10c: {  	[bflag:$0x3] =	sbarrier.arrive $0xFFFF  }
0x10d: {  	_ =	shalt  }

// kernel: kernel.8.cloned.1.call-start
scs
__scs_entry_jumppad:
0x0: {  	(pc) =	sbr.rel $0x88, $3  }
0x1: {  	(tag) =	ssettag $0x0;
	lr =	simm.s32 $0x1  }
0x2: {  	[smem:$0x3F9B] =	sst lr;
	_ =	strace $0xD0000000  }
0x3: {  	_ = 	snop  }
0x4: {  	_ = 	snop  }
0x5: {  	_ = 	snop  }
0x6: {  	_ = 	snop  }
0x7: {  	_ = 	snop  }
__scs_overlays_trampoline_lowered:
0x8: {  	[smem:$0x3FAA] =	sst s0  }
0x9: {  	[smem:$0x3FAB] =	sst s1  }
0xa: {  	[smem:$0x3FAC] =	sst s2  }
0xb: {  	[smem:$0x3FAD] =	sst s3  }
0xc: {  	[smem:$0x3FAE] =	sst s4  }
0xd: {  	[smem:$0x3FAF] =	sst s5  }
0xe: {  	[smem:$0x3FB0] =	sst s6  }
0xf: {  	[smem:$0x3FB1] =	sst s7  }
0x10: {  	[smem:$0x3FB2] =	sst s8  }
0x11: {  	[smem:$0x3FB3] =	sst s9;
	s0 =	simm.s32 @!p0 $0x0  }
0x12: {  	s1 =	sld [smem:$0x3F99];
	s0 =	simm.s32 @p0 $0x1  }
0x13: {  	[smem:$0x3FB4] =	sst s0;
	s0 =	simm.s32 @!p1 $0x0  }
0x14: {  	s2 =	sld [smem:$0x3F98];
	s0 =	simm.s32 @p1 $0x1  }
0x15: {  	[smem:$0x3FB5] =	sst s0;
	s0 =	simm.s32 @!p2 $0x0  }
0x16: {  	s3 =	sld [smem:$0x3FDB];
	s0 =	simm.s32 @p2 $0x1  }
0x17: {  	s4 =	simm.s32 $0x1BF5;
	[smem:$0x3FB7] =	sst s0  }
0x18: {  	s0 =	sld [smem:$0x3F9A];
	_ =	swait.ge [sflag:s4], $0x0  }
0x19: {  	s7 =	sld [smem:$0x3F9B]  }
0x1a: {  	s8 =	sadd.s32 $0xFFFFE003, lr  }
0x1b: {  	s9 =	sadd.s32 $0xFFFFFEF7, lr;
	s5 =	simm.s32 $0xFFFFFFFF;
	p2 =	slt.u32 s8, $0xFFFFF086  }
0x1c: {  	p1 =	slt.u32 s9, $0xF7A;
	s5 =	simm.s32 @!p2 $0x0  }
0x1d: {  	s5 =	simm.s32 @p1 $0x1;
	p0 =	seq.s32 s7, s2  }
0x1e: {  	s7 =	smul.u32 @!p0 $0xF7A, s2;
	p2 =	seq.s32 @!p0 s5, $0x0  }
0x1f: {  	s9 =	smul.u32 $0xF7A, s1;
	s8 =	simm.s32 @!p0 $0x1BF5;
	p2 =	por !p2, p0  }
0x20: {  	[sflag:s8] =	ssyncset.s32 @!p0 $0xFFFFF086;
	s6 =	sadd.s32 @!p0 s3, s7;
	s7 =	simm.s32 @!p0 $0x108  }
0x21: {  	s3 =	sadd.s32 s3, s9;
	s6 =	sadd.s32 @!p0 $0x88, s6;
	s7 =	simm.s32 @p2 $0x1082  }
0x22: {  	[simem:s7], [sflag:s8] =	dma.local @!p0 [hbm:s6], $0xF7A  }
0x23: {  	s9 =	sor.u32 $0xD0000000, s2;
	s6 =	simm.s32 $0x108;
	_ =	swait.ge @!p0 [sflag:s8], $0x0  }
0x24: {  	s3 =	sadd.s32 $0x88, s3;
	s6 =	simm.s32 @!p1 $0x1082;
	[sflag:s4] =	ssyncset.s32 $0xFFFFF086  }
0x25: {  	[simem:s6], [sflag:s4] =	dma.local [hbm:s3], $0xF7A  }
0x26: {  	[smem:$0x3F9B] =	sst s1;
	(tag) =	ssettag s2;
	_ =	strace s9  }
0x27: {  	s1 =	sld [smem:$0x3FAB]  }
0x28: {  	s2 =	sld [smem:$0x3FAC]  }
0x29: {  	s4 =	sld [smem:$0x3FAE]  }
0x2a: {  	p0 =	seq.s32 s5, $0x0;
	s5 =	sld [smem:$0x3FAF]  }
0x2b: {  	s6 =	sld [smem:$0x3FB0]  }
0x2c: {  	s7 =	sld [smem:$0x3FB1]  }
0x2d: {  	s3 =	simm.s32 $0x108;
	s8 =	sld [smem:$0x3FB2]  }
0x2e: {  	s3 =	simm.s32 @!p0 $0x1082;
	s9 =	sld [smem:$0x3FB3]  }
0x2f: {  	lr =	sadd.s32 s0, s3;
	s0 =	sld [smem:$0x3FAA]  }
0x30: {  	s3 =	sld [smem:$0x3FAD]  }
0x31: {  	[smem:$0x3FB6] =	sst s10  }
0x32: {  	s10 =	sld [smem:$0x3FB4];
	_ =	sdelay $0x3  }
0x33: {  	p0 =	seq.s32 s10, $0x1;
	s10 =	sld [smem:$0x3FB6];
	_ =	sdelay $0x3  }
0x34: {  	[smem:$0x3FB6] =	sst s10  }
0x35: {  	s10 =	sld [smem:$0x3FB5];
	_ =	sdelay $0x3  }
0x36: {  	p1 =	seq.s32 s10, $0x1;
	s10 =	sld [smem:$0x3FB6];
	_ =	sdelay $0x3  }
0x37: {  	[smem:$0x3FB6] =	sst s10  }
0x38: {  	s10 =	sld [smem:$0x3FB7]  }
0x39: {  	_ = 	snop;
	(pc) =	sbr.ind lr, $3  }
0x3a: {  	_ = 	snop  }
0x3b: {  	_ = 	snop  }
0x3c: {  	p2 =	seq.s32 s10, $0x1;
	s10 =	sld [smem:$0x3FB6]  }
0x3d: {  	_ =	shalt  }
0x3e: {  	_ =	shalt  }
0x3f: {  	_ =	shalt  }
0x40: {  	_ =	shalt  }
0x41: {  	_ =	shalt  }
0x42: {  	_ =	shalt  }
0x43: {  	_ =	shalt  }
0x44: {  	_ =	shalt  }
0x45: {  	_ =	shalt  }
0x46: {  	_ =	shalt  }
0x47: {  	_ =	shalt  }
0x48: {  	_ =	shalt  }
0x49: {  	_ =	shalt  }
0x4a: {  	_ =	shalt  }
0x4b: {  	_ =	shalt  }
0x4c: {  	_ =	shalt  }
0x4d: {  	_ =	shalt  }
0x4e: {  	_ =	shalt  }
0x4f: {  	_ =	shalt  }
0x50: {  	_ =	shalt  }
0x51: {  	_ =	shalt  }
0x52: {  	_ =	shalt  }
0x53: {  	_ =	shalt  }
0x54: {  	_ =	shalt  }
0x55: {  	_ =	shalt  }
0x56: {  	_ =	shalt  }
0x57: {  	_ =	shalt  }
0x58: {  	_ =	shalt  }
0x59: {  	_ =	shalt  }
0x5a: {  	_ =	shalt  }
0x5b: {  	_ =	shalt  }
0x5c: {  	_ =	shalt  }
0x5d: {  	_ =	shalt  }
0x5e: {  	_ =	shalt  }
0x5f: {  	_ =	shalt  }
0x60: {  	_ =	shalt  }
0x61: {  	_ =	shalt  }
0x62: {  	_ =	shalt  }
0x63: {  	_ =	shalt  }
0x64: {  	_ =	shalt  }
0x65: {  	_ =	shalt  }
0x66: {  	_ =	shalt  }
0x67: {  	_ =	shalt  }
0x68: {  	_ =	shalt  }
0x69: {  	_ =	shalt  }
0x6a: {  	_ =	shalt  }
0x6b: {  	_ =	shalt  }
0x6c: {  	_ =	shalt  }
0x6d: {  	_ =	shalt  }
0x6e: {  	_ =	shalt  }
0x6f: {  	_ =	shalt  }
0x70: {  	_ =	shalt  }
0x71: {  	_ =	shalt  }
0x72: {  	_ =	shalt  }
0x73: {  	_ =	shalt  }
0x74: {  	_ =	shalt  }
0x75: {  	_ =	shalt  }
0x76: {  	_ =	shalt  }
0x77: {  	_ =	shalt  }
0x78: {  	_ =	shalt  }
0x79: {  	_ =	shalt  }
0x7a: {  	_ =	shalt  }
0x7b: {  	_ =	shalt  }
0x7c: {  	_ =	shalt  }
0x7d: {  	_ =	shalt  }
0x7e: {  	_ =	shalt  }
0x7f: {  	_ =	shalt  }
0x80: {  	_ =	shalt  }
0x81: {  	_ =	shalt  }
0x82: {  	_ =	shalt  }
0x83: {  	_ =	shalt  }
0x84: {  	_ =	shalt  }
0x85: {  	_ =	shalt  }
0x86: {  	_ =	shalt  }
0x87: {  	_ =	shalt  }
.Lfunc_end0:
.L_simem_size_0:
called_computation_lowered:
.L_overlay_start_0:
0x88: {  	s2 =	sld [smem:$0x3FD9]  }
0x89: {  	s3 =	sld [smem:$0x3FFE];
	_ =	sdelay $0x1  }
0x8a: {  	s1 =	srdreg.scid  }
0x8b: {  	s0 =	sand.u32 $0x1, s1  }
0x8c: {  	s17 =	sshll.u32 s0, $0xA;
	s2 =	sadd.s32 s3, s2  }
0x8d: {  	s2 =	sadd.s32 s2, s17  }
0x8e: {  	[smem:$0x3FC2] =	sst s2  }
0x8f: {  	_ = 	snop  }
0x90: {  	s2 =	sld [smem:$0x3FD0];
	(tm) =	ssettm $0x1  }
0x91: {  	s18 =	sld [smem:$0x3FFB];
	_ =	sdelay $0x3  }
0x92: {  	_ =	strace s18  }
0x93: {  	s3 =	sld [smem:$0x3FFC];
	_ =	sdelay $0x3  }
0x94: {  	_ =	strace s3  }
0x95: {  	s3 =	sld [smem:$0x3FFD];
	_ =	sdelay $0x3  }
0x96: {  	_ =	strace s3  }
0x97: {  	_ =	strace $0x8FFFFFFF  }
0x98: {  	s19 =	sld [smem:$0x3FDB];
	_ =	sdelay $0x1  }
0x99: {  	s4 =	simm.s32 $_scs_section_size  }
0x9a: {  	s5 =	simm.s32 $_size__tile_overlayer_lowered;
	s6 =	simm.s32 $_tile_overlayer_lowered  }
0x9b: {  	s22 =	simm.s32 $0x1BFF;
	s21 =	sshll.u32 s6, $0x1;
	s3 =	sadd.s32 s4, s19  }
0x9c: {  	s7 =	simm.s32 $0x0;
	s20 =	sshll.u32 s5, $0x1;
	s5 =	sadd.s32 s21, s3  }
0x9d: {  	[timem:s7], [sflag:s22] =	dma.local [hbm:s5], s20  }
0x9e: {  	_ =	swait.ge [sflag:s22], s20  }
0x9f: {  	s4 =	ssub.s32 $0x0, s20;
	[sflag:s22] =	ssyncset.done $0x0  }
0xa0: {  	[sflag:s22] =	ssyncadd.s32 s4;
	_ =	sdelay $0x1  }
0xa1: {  	s23 =	simm.s32 $0x1B8B  }
0xa2: {  	_ =	swait.ge [sflag:s23], $0x1  }
0xa3: {  	[sflag:s23] =	ssyncset.done $0x0  }
0xa4: {  	s25 =	simm.s32 $0x1B8E;
	s24 =	sld [smem:$0x3FFE];
	[sflag:s23] =	ssyncadd.s32 $0xFFFFFFFF  }
0xa5: {  	s26 =	simm.s32 $execute0_lowered;
	[smem:$0x3FD2] =	sst s25  }
0xa6: {  	s5 =	sshll.u32 s26, $0x1;
	_ =	strace $0x80000046;
	[dreg:$0x1] =	wrdreg $0xFFFFFFFF  }
0xa7: {  	s28 =	simm.s32 $_size_execute0_lowered;
	s3 =	sadd.s32 s3, s5;
	[dreg:$0x0] =	wrdreg $0x0  }
0xa8: {  	s5 =	sshll.u32 s28, $0x1;
	[dreg:$0x2] =	wrdreg s3  }
0xa9: {  	[dreg:$0x3] =	wrdreg s5  }
0xaa: {  	[dreg:$0x4] =	wrdreg $0xC0  }
0xab: {  	_ =	task [dreg:s7], $0x5FFFF  }
0xac: {  	[dreg:$0x1] =	wrdreg $0xFFFFFFFF  }
0xad: {  	[dreg:$0x0] =	wrdreg $0x60  }
0xae: {  	[dreg:$0x2] =	wrdreg s24  }
0xaf: {  	[dreg:$0x3] =	wrdreg s2  }
0xb0: {  	[dreg:$0x4] =	wrdreg $0x28000  }
0xb1: {  	[dreg:$0x5] =	wrdreg $0x9  }
0xb2: {  	_ =	task.clear_ibuf [dreg:s7], $0x6FFFF;
	_ =	strace $0x90000046  }
0xb3: {  	s29 =	simm.s32 $0x9;
	_ =	strace $0x80000048  }
0xb4: {  	_ =	swait.ge [sflag:s29], $0x1  }
0xb5: {  	[sflag:s29] =	ssyncadd.s32 $0xFFFFFFFF  }
0xb6: {  	_ =	strace $0x90000048  }
0xb7: {  	_ =	sfence  }
0xb8: {  	s30 =	sld [smem:$0x0];
	_ =	sdelay $0x2  }
0xb9: {  	s31 =	sshll.u32 s1, $0xD;
	s1 =	sshrl.u32 s1, $0x2  }
0xba: {  	s3 =	sand.u32 $0x4000, s31;
	s1 =	sadd.s32 s1, s30  }
0xbb: {  	s0 =	sor.u32 s3, s0;
	s1 =	sshll.u32 s1, $0x11  }
0xbc: {  	s0 =	sor.u32 s1, s0  }
0xbd: {  	s0 =	sadd.s32 $0x8F2B, s0  }
0xbe: {  	[sflag:s0] =	ssyncadd.remote.s32 $0x1  }
0xbf: {  	_ =	sfence.sel $0xFFFF  }
0xc0: {  	[dreg:$0x0] =	wrdreg $0xFFFFFFFF;
	(pc) =	sbr.abs _section_cstart, $3  }
0xc1: {  	[dreg:$0x1] =	wrdreg $0xFFFFFFFF  }
0xc2: {  	_ =	task.clear_ibuf [dreg:s7], $0x2FFFF;
	_ =	strace $0x9FFFFFFF  }
0xc3: {  	(tm) =	ssettm $0x7FFFFFFF  }
tec
execute0_lowered:
.L_overlay_start_1:
0x0: {  	(tag) =	ssettag $0x1  }
0x1: {  	s6 =	rddreg [dreg:$0x0]  }
0x2: {  	s9 =	rddreg [dreg:$0x1]  }
0x3: {  	s0 =	srdreg.scid;
	s2 =	rddreg [dreg:$0x2]  }
0x4: {  	s1 =	stileid.u32;
	s3 =	simm.s32 $0x0;
	s15 =	simm.s32 $0x80  }
0x5: {  	s16 =	simm.s32 $0x2780;
	s21 =	simm.s32 $0x1FC1;
	s22 =	simm.s32 $0x0  }
0x6: {  	s5 =	sand.u32 $0x1, s0;
	s0 =	rddreg [dreg:$0x3];
	s7 =	smul.u32 $0x278, s1  }
0x7: {  	[smem:$0x7FF] =	sst s3;
	s8 =	sadd.s32 $0x1C00, s6;
	s20 =	sadd.s32 $0x2508, s2  }
0x8: {  	s13 =	sshll.u32 s1, $0x4;
	p0 =	seq.s32 s1, $0xF;
	s18 =	sshll.u32 s1, $0x6  }
0x9: {  	s4 =	sshll.u32 s5, $0x4;
	_ =	strace $0x80000047;
	s11 =	ssub.s32 $0x2, s5  }
0xa: {  	s29 =	smul.u32 $0x2710, s5;
	s18 =	sor.u32 $0x1C01, s18;
	s17 =	sor.u32 s1, s4  }
0xb: {  	s10 =	sshrl.u32 s7, $0x3;
	s12 =	sshrl.u32 s11, $0x1;
	s19 =	sadd.s32 s7, s2  }
0xc: {  	s4 =	smul.u32 $0x2700, s17;
	s10 =	sadd.s32 s10, s6;
	s11 =	ssub.s32 s11, s12  }
0xd: {  	s6 =	sadd.s32 $0x15AA1, s6;
	s30 =	sadd.s32 $0x2508, s29;
	s12 =	sadd.s32 s7, s29  }
0xe: {  	s14 =	sshrl.u32 @!p0 s19, $0x3;
	p1 =	sgt.u32 s17, $0x3;
	s17 =	simm.s32 $0x2700  }
0xf: {  	s19 =	sshrl.u32 s19, $0x3;
	s5 =	sadd.s32 $0x15600, s10;
	s10 =	sshrl.u32 s30, $0x3  }
.Ltmp0:
0x10: {  	s31 =	sshrl.u32 s12, $0x3;
	s12 =	sshrl.u32 @p0 s20, $0x3;
	(pc) =	sbr.rel .LBB2_1-.Ltmp0, $4  }
0x11: {  	s20 =	sshrl.u32 s20, $0x3;
	s4 =	sshrl.u32 s4, $0x3;
	s7 =	sadd.s32 s9, s10  }
0x12: {  	s9 =	sadd.s32 s9, s31;
	s10 =	smax.u32 s11, $0x1;
	s11 =	simm.s32 $0x1  }
0x13: {  	s4 =	sadd.s32 s8, s4;
	s8 =	sadd.s32 s13, s8;
	s13 =	sshll.u32 @!p0 s1, $0x6  }
0x14: {  	v0 =	vimm.f32 $1.000000000e+00;
	s4 =	sadd.s32 $0x9C40, s4;
	s8 =	sadd.s32 $0x13840, s8;
	s13 =	sor.u32 @!p0 $0x1C01, s13  }
.LBB2_7:
0x15: {  	[hbm:s7], [sflag:s21] =	dma.local [spmem:s20], $0x41  }
0x16: {  	_ =	swait.ge [sflag:s11], $0x41  }
0x17: {  	[sflag:s11] =	ssyncset.done $0x0  }
0x18: {  	[sflag:s11] =	ssyncadd.s32 $0xFFFFFFBF  }
.LBB2_8:
0x19: {  	s22 =	sadd.s32 $0x1, s22  }
0x1a: {  	p2 =	sne.s32 s22, s10  }
.Ltmp1:
0x1b: {  	_ = 	snop;
	(pc) =	sbr.rel @!p2 .LBB2_9-.Ltmp1, $1  }
0x1c: {  	_ =	sdelay $0x3  }
.LBB2_1:
0x1d: {  	[tilespmem:s3], [sflag:$0x1] =	stream.linear.gather [hbm4b:s4+s3], $0x2700, $0x38;
	[tilespmem:$0x2A78] =	vst v63  }
0x1e: {  	_ =	swait.ge [sflag:s11], $0x2700  }
0x1f: {  	[sflag:s11] =	ssyncset.done $0x0  }
0x20: {  	s23 =	simm.s32 @p0 $0x1FC1;
	[sflag:s11] =	ssyncadd.s32 $0xFFFFD900  }
0x21: {  	[spmem:s12], [sflag:s23] =	dma.local @p0 [hbm:s6], $0x41  }
0x22: {  	s23 =	simm.s32 @p0 $0x1  }
0x23: {  	_ =	swait.ge @p0 [sflag:s23], $0x41  }
0x24: {  	[sflag:s23] =	ssyncset.done @p0 $0x0  }
0x25: {  	[sflag:s23] =	ssyncadd.s32 @p0 $0xFFFFFFBF;
	s23 =	simm.s32 @!p0 $0x1  }
0x26: {  	[spmem:s14], [sflag:s13] =	dma.local @!p0 [hbm:s5], $0x4F  }
0x27: {  	_ =	swait.ge @!p0 [sflag:s23], $0x4F  }
0x28: {  	[sflag:s23] =	ssyncset.done @!p0 $0x0  }
0x29: {  	[sflag:s23] =	ssyncadd.s32 @!p0 $0xFFFFFFB1  }
0x2a: {  	[tilespmem:$0x2780] =	vst v0  }
0x2b: {  	[tilespmem:$0x2790] =	vst v0  }
0x2c: {  	[tilespmem:$0x27A0] =	vst v0  }
0x2d: {  	[tilespmem:$0x27B0] =	vst v0  }
0x2e: {  	[tilespmem:$0x27C0] =	vst v0  }
0x2f: {  	[tilespmem:$0x27D0] =	vst v0  }
0x30: {  	[tilespmem:$0x27E0] =	vst v0  }
0x31: {  	[tilespmem:$0x27F0] =	vst v0  }
0x32: {  	s31 =	simm.s32 $0x0;
	[bflag:$0x0] =	sbarrier.arrive $0xFFFF  }
0x33: {  	[spmem:s2] =	stream.indirect.scatter.add.f32 [tilespmem:s16], [sflag:$0x1], $0x1, s31, s15, $0xb8;
	[tilespmem:$0x2A78] =	vst v63  }
0x34: {  	_ =	swait.ge [sflag:s11], $0x80  }
0x35: {  	s23 =	simm.s32 $0x200;
	[sflag:s11] =	ssyncset.done $0x0  }
.LBB2_2:
0x36: {  	s24 =	sshra.s32 s23, $0x2;
	[sflag:s11] =	ssyncadd.s32 $0xFFFFFF80;
	p2 =	sne.s32 s23, $0x9A00  }
0x37: {  	[spmem:s2] =	stream.indirect.scatter.add.f32 [tilespmem:s16], [sflag:$0x1], $0x1, s24, s15, $0xb8;
	[tilespmem:$0x2A78] =	vst v63  }
.Ltmp2:
0x38: {  	_ = 	snop;
	(pc) =	sbr.rel @p2 .LBB2_2-.Ltmp2, $4  }
0x39: {  	_ = 	snop  }
0x3a: {  	s23 =	sadd.s32 $0x200, s23  }
0x3b: {  	_ =	swait.ge [sflag:s11], $0x80  }
0x3c: {  	[sflag:s11] =	ssyncset.done $0x0  }
.Ltmp3:
0x3d: {  	(pc) =	sbr.rel @p1 .LBB2_5-.Ltmp3, $2  }
0x3e: {  	_ =	sdelay $0x2  }
0x3f: {  	[sflag:s11] =	ssyncadd.s32 $0xFFFFFF80  }
0x40: {  	[tilespmem:s17], [sflag:$0x1] =	stream.linear.gather [hbm4b:s8+s3], $0x80, $0x38;
	[tilespmem:$0x2A78] =	vst v63  }
0x41: {  	_ =	swait.ge [sflag:s11], $0x80  }
0x42: {  	[sflag:s11] =	ssyncset.done $0x0  }
0x43: {  	[sflag:s11] =	ssyncadd.s32 $0xFFFFFF80  }
0x44: {  	[spmem:s2] =	stream.indirect.scatter.add.f32 [tilespmem:s16], [sflag:$0x1], $0x1, s17, s15, $0xb8;
	[tilespmem:$0x2A78] =	vst v63  }
.Ltmp4:
0x45: {  	_ =	swait.ge [sflag:s11], $0x80;
	(pc) =	sbr.rel .LBB2_6-.Ltmp4, $3  }
0x46: {  	[sflag:s11] =	ssyncset.done $0x0  }
0x47: {  	[sflag:s11] =	ssyncadd.s32 $0xFFFFFF80  }
0x48: {  	[bflag:$0x0] =	sbarrier.arrive $0xFFFF;
	_ =	sdelay $0x1  }
.LBB2_5:
.Ltmp5:
0x49: {  	(pc) =	sbr.rel @p0 .LBB2_7-.Ltmp5, $2  }
0x4a: {  	_ =	sdelay $0x1  }
0x4b: {  	[bflag:$0x0] =	sbarrier.arrive $0xFFFF;
	_ =	sdelay $0x1  }
.LBB2_6:
.Ltmp6:
0x4c: {  	(pc) =	sbr.rel .LBB2_8-.Ltmp6, $4  }
0x4d: {  	[hbm:s9], [sflag:s18] =	dma.local [spmem:s19], $0x4F  }
0x4e: {  	_ =	swait.ge [sflag:s11], $0x4F  }
0x4f: {  	[sflag:s11] =	ssyncset.done $0x0  }
0x50: {  	[sflag:s11] =	ssyncadd.s32 $0xFFFFFFB1  }
.LBB2_9:
0x51: {  	_ =	sfence.sel $0x180000  }
0x52: {  	[bflag:$0x0] =	sbarrier.arrive $0xFFFF  }
0x53: {  	p0 =	sne.s32 s1, $0x0;
	_ =	strace $0x90000047  }
0x54: {  	s0 =	sadd.s32 @!p0 $0x100000, s0;
	[bflag:$0x2] =	sbarrier.arrive $0xFFFF  }
0x55: {  	[sflag:s0] =	ssyncadd.tile.s32 @!p0 $0x1;
	_ =	shalt  }
.Lfunc_end2:
_tile_overlayer_lowered:
.L_overlay_start_2:
0x56: {  	(tag) =	ssettag $0x2  }
0x57: {  	s0 =	rddreg [dreg:$0x0];
	s2 =	stileid.u32  }
0x58: {  	s1 =	rddreg [dreg:$0x1];
	p0 =	sne.s32 s2, $0x0  }
0x59: {  	s3 =	rddreg [dreg:$0x2];
	[bflag:$0x3] =	sbarrier.arrive $0xFFFF;
	s2 =	simm.s32 @!p0 $0x1C01  }
0x5a: {  	[timem:s3], [sflag:s2] =	dma.local @!p0 [hbm:s0], s1  }
0x5b: {  	s0 =	simm.s32 @!p0 $0x1  }
0x5c: {  	_ =	swait.ge @!p0 [sflag:s0], s1  }
0x5d: {  	s1 =	ssub.s32 @!p0 $0x0, s1;
	[sflag:s0] =	ssyncset.done @!p0 $0x0  }
0x5e: {  	[sflag:s0] =	ssyncadd.s32 @!p0 s1  }
0x5f: {  	[bflag:$0x3] =	sbarrier.arrive $0xFFFF  }
0x60: {  	_ =	shalt  }

</sc_bundles>
